<compile_context>
chip_gen: v7x
topology: tpu7x:2x2x1
jax: 0.10.2.dev20260603
libtpu: 0.0.44.dev20260713+nightly
codegen_flags: <defaults>
</compile_context>

<pallas_src>
import functools

import jax
import jax.numpy as jnp
from jax import lax
from jax.experimental import pallas as pl
from jax.experimental.pallas import tpu as pltpu
from jax.experimental.pallas import tpu_sc as plsc

NC = 2
NS = 16
C = 128
BLK = 1024


def _round_up(a, b):
    return (a + b - 1) // b * b



def _make_deg_kernel(NP, K):
    mesh = plsc.VectorSubcoreMesh(
        core_axis_name="c", subcore_axis_name="s", num_cores=NC,
        num_subcores=NS)
    R = NP // NS

    @functools.partial(
        pl.kernel,
        out_type=jax.ShapeDtypeStruct((NC, NP, 1), jnp.float32),
        mesh=mesh,
        scratch_types=[
            pltpu.VMEM((K, C), jnp.int32),
            pltpu.VMEM((C, 1), jnp.float32),
            pltpu.VMEM_SHARED((NP, 1), jnp.float32),
        ],
        name="sg_deg",
    )
    def deg_kernel(dst3, ones_col, zeros_col, out, idx_v, ones_v, acc):
        cid = lax.axis_index("c")
        sid = lax.axis_index("s")
        w = cid * NS + sid
        for t in range(R // C):
            pltpu.sync_copy(zeros_col, acc.at[pl.ds(sid * R + t * C, C)])
        pltpu.sync_copy(ones_col, ones_v)
        pltpu.sync_copy(dst3.at[w], idx_v)
        plsc.subcore_barrier()

        def body(j, carry):
            pltpu.sync_copy(ones_v, acc.at[idx_v.at[j]], add=True)
            return carry

        lax.fori_loop(0, K, body, 0)
        plsc.subcore_barrier()
        pltpu.sync_copy(acc.at[pl.ds(sid * R, R)],
                        out.at[cid, pl.ds(sid * R, R)])

    return deg_kernel


def _make_prop_kernel(NP, K, F):
    mesh = plsc.VectorSubcoreMesh(
        core_axis_name="c", subcore_axis_name="s", num_cores=NC,
        num_subcores=NS)
    R = NP // NS

    @functools.partial(
        pl.kernel,
        out_type=jax.ShapeDtypeStruct((NC, NP, F), jnp.float32),
        mesh=mesh,
        scratch_types=[
            pltpu.VMEM((K, C), jnp.int32),
            pltpu.VMEM((K, C), jnp.int32),
            pltpu.VMEM((C, F), jnp.float32),
            pltpu.VMEM_SHARED((NP, F), jnp.float32),
            pltpu.SemaphoreType.DMA,
        ],
        name="sg_prop",
    )
    def prop_kernel(y_hbm, src3, dst3, zeros_rows, out, si_v, di_v, buf,
                    acc, sem):
        cid = lax.axis_index("c")
        sid = lax.axis_index("s")
        w = cid * NS + sid
        for t in range(R // C):
            pltpu.sync_copy(zeros_rows, acc.at[pl.ds(sid * R + t * C, C)])
        pltpu.sync_copy(src3.at[w], si_v)
        pltpu.sync_copy(dst3.at[w], di_v)
        plsc.subcore_barrier()

        def body(j, carry):
            pltpu.async_copy(y_hbm.at[si_v.at[j]], buf, sem).wait()
            pltpu.sync_copy(buf, acc.at[di_v.at[j]], add=True)
            return carry

        lax.fori_loop(0, K, body, 0)
        plsc.subcore_barrier()
        for t in range(R // C):
            pltpu.sync_copy(acc.at[pl.ds(sid * R + t * C, C)],
                            out.at[cid, pl.ds(sid * R + t * C, C)])

    return prop_kernel



def _relu(x):
    return jnp.maximum(x, 0.0)


def _lin0_body(deg_ref, x_ref, w_ref, b_ref, y_ref, dis_ref, dis2_ref):
    deg = deg_ref[0] + deg_ref[1]
    dis = jnp.where(deg > 0, lax.rsqrt(jnp.maximum(deg, 1e-12)), 0.0)
    h = _relu(jnp.dot(x_ref[...], w_ref[...],
                      preferred_element_type=jnp.float32) + b_ref[...])
    y_ref[...] = dis * h
    dis_ref[...] = dis
    dis2_ref[...] = dis * dis


def _comb_body(p_ref, dis2_ref, y_ref):
    y_ref[...] = dis2_ref[...] * (p_ref[0] + p_ref[1])


def _convlin_body(p_ref, dis_ref, w_ref, b_ref, y_ref):
    h = dis_ref[...] * (p_ref[0] + p_ref[1])
    x = _relu(jnp.dot(h, w_ref[...],
                      preferred_element_type=jnp.float32) + b_ref[...])
    y_ref[...] = dis_ref[...] * x


def _final_body(p_ref, dis_ref, wc_ref, bc_ref, w1_ref, b1_ref, w2_ref,
                b2_ref, w3_ref, b3_ref, o_ref):
    h = dis_ref[...] * (p_ref[0] + p_ref[1])
    x = _relu(jnp.dot(h, wc_ref[...],
                      preferred_element_type=jnp.float32) + bc_ref[...])
    x = _relu(jnp.dot(x, w1_ref[...],
                      preferred_element_type=jnp.float32) + b1_ref[...])
    x = _relu(jnp.dot(x, w2_ref[...],
                      preferred_element_type=jnp.float32) + b2_ref[...])
    o_ref[...] = _relu(jnp.dot(x, w3_ref[...],
                               preferred_element_type=jnp.float32)
                       + b3_ref[...])


def _col_spec(i_map=lambda i: (i, 0)):
    return pl.BlockSpec((BLK, 1), i_map)


def _full(shape):
    return pl.BlockSpec(shape, lambda i: tuple(0 for _ in shape))



def kernel(x_input, edge_index, batch, W0, b0, Wc1, bc1, Wc2, bc2, W1, b1,
           W2, b2, W3, b3):
    N, F = x_input.shape
    H = W0.shape[1]
    E = edge_index.shape[1]
    NP = _round_up(N, BLK)
    PADR = NP - N if NP > N else NP
    EL = E + N
    W = NC * NS
    K = _round_up(_round_up(EL, W * C) // (W * C), 2)
    EP = W * K * C

    idx_n = jnp.arange(N, dtype=jnp.int32)
    pad_i = jnp.arange(EP - EL, dtype=jnp.int32)
    src_p = jnp.concatenate([edge_index[0], idx_n, pad_i % N])
    dst_p = jnp.concatenate([edge_index[1], idx_n, N + pad_i % PADR])
    src3 = src_p.reshape(W, K, C)
    dst3 = dst_p.reshape(W, K, C)

    xp = jnp.pad(x_input, ((0, NP - N), (0, 0)))
    ones_col = jnp.ones((C, 1), jnp.float32)
    zeros_col = jnp.zeros((C, 1), jnp.float32)
    zeros_rows = jnp.zeros((C, F), jnp.float32)
    b0r, bc1r, bc2r, b1r, b2r = (v.reshape(1, H)
                                 for v in (b0, bc1, bc2, b1, b2))
    b3r = b3.reshape(1, 1)

    deg_k = _make_deg_kernel(NP, K)
    prop_k = _make_prop_kernel(NP, K, F)

    grid = (NP // BLK,)
    row_spec = pl.BlockSpec((BLK, F), lambda i: (i, 0))
    p_spec = pl.BlockSpec((NC, BLK, F), lambda i: (0, i, 0))

    deg_parts = deg_k(dst3, ones_col, zeros_col)

    lin0 = pl.pallas_call(
        _lin0_body,
        grid=grid,
        in_specs=[pl.BlockSpec((NC, BLK, 1), lambda i: (0, i, 0)),
                  row_spec, _full((F, H)), _full((1, H))],
        out_specs=[row_spec, _col_spec(), _col_spec()],
        out_shape=[jax.ShapeDtypeStruct((NP, H), jnp.float32),
                   jax.ShapeDtypeStruct((NP, 1), jnp.float32),
                   jax.ShapeDtypeStruct((NP, 1), jnp.float32)],
    )
    y, dis, dis2 = lin0(deg_parts, xp, W0, b0r)

    combine = pl.pallas_call(
        _comb_body,
        grid=grid,
        in_specs=[p_spec, _col_spec()],
        out_specs=row_spec,
        out_shape=jax.ShapeDtypeStruct((NP, H), jnp.float32),
    )
    convlin = pl.pallas_call(
        _convlin_body,
        grid=grid,
        in_specs=[p_spec, _col_spec(), _full((H, H)), _full((1, H))],
        out_specs=row_spec,
        out_shape=jax.ShapeDtypeStruct((NP, H), jnp.float32),
    )
    final = pl.pallas_call(
        _final_body,
        grid=grid,
        in_specs=[p_spec, _col_spec(), _full((H, H)), _full((1, H)),
                  _full((H, H)), _full((1, H)), _full((H, H)), _full((1, H)),
                  _full((H, 1)), _full((1, 1))],
        out_specs=_col_spec(),
        out_shape=jax.ShapeDtypeStruct((NP, 1), jnp.float32),
    )

    for r in range(2):
        parts = prop_k(y, src3, dst3, zeros_rows)
        y = combine(parts, dis2)
    parts = prop_k(y, src3, dst3, zeros_rows)
    y = convlin(parts, dis, Wc1, bc1r)
    for r in range(2):
        parts = prop_k(y, src3, dst3, zeros_rows)
        y = combine(parts, dis2)
    parts = prop_k(y, src3, dst3, zeros_rows)
    out = final(parts, dis, Wc2, bc2r, W1, b1r, W2, b2r, W3, b3r)
    return out[:N]

# --- scband reference (transcript-rebuilt; emitter-appended) ---
"""Pipeline reference for scband-sgconv-net-79611513798694 (READ-ONLY COPY).

The authoritative reference and input builder live on the scoring server;
editing this copy changes nothing except your own understanding.
"""

import jax, jax.numpy as jnp
import numpy as np


def _sg_prop(x, src, dst, norm, K):
    # SGConv propagation: x <- (D^-1/2 (A+I) D^-1/2)^K x
    for _ in range(K):
        x = jax.ops.segment_sum(x[src] * norm[:, None], dst, num_segments=x.shape[0])
    return x


def setup_inputs(seed: int = 0):
    key = jax.random.key(seed)
    ks = jax.random.split(key, 16)
    N, E, F, H = 10000, 320000, 128, 128
    s = 0.05
    inp = {}
    inp['x_input'] = jax.random.normal(ks[0], (N, F), dtype=jnp.float32)
    inp['edge_index'] = jax.random.randint(ks[1], (2, E), 0, N, dtype=jnp.int32)
    inp['batch'] = jnp.zeros((N,), dtype=jnp.int32)
    inp['W0'] = jax.random.normal(ks[2], (F, H), dtype=jnp.float32) * s
    inp['b0'] = jnp.zeros((H,), dtype=jnp.float32)
    inp['Wc1'] = jax.random.normal(ks[3], (H, H), dtype=jnp.float32) * s
    inp['bc1'] = jnp.zeros((H,), dtype=jnp.float32)
    inp['Wc2'] = jax.random.normal(ks[4], (H, H), dtype=jnp.float32) * s
    inp['bc2'] = jnp.zeros((H,), dtype=jnp.float32)
    inp['W1'] = jax.random.normal(ks[5], (H, H), dtype=jnp.float32) * s
    inp['b1'] = jnp.zeros((H,), dtype=jnp.float32)
    inp['W2'] = jax.random.normal(ks[6], (H, H), dtype=jnp.float32) * s
    inp['b2'] = jnp.zeros((H,), dtype=jnp.float32)
    inp['W3'] = jax.random.normal(ks[7], (H, 1), dtype=jnp.float32) * s
    inp['b3'] = jnp.zeros((1,), dtype=jnp.float32)
    return inp


def reference(x_input, edge_index, batch, W0, b0, Wc1, bc1, Wc2, bc2, W1, b1, W2, b2, W3, b3):
    N = x_input.shape[0]
    src, dst = edge_index[0], edge_index[1]
    loop = jnp.arange(N, dtype=src.dtype)
    src_l = jnp.concatenate([src, loop])
    dst_l = jnp.concatenate([dst, loop])
    deg = jax.ops.segment_sum(jnp.ones(src_l.shape[0], dtype=jnp.float32), dst_l, num_segments=N)
    dis = jnp.where(deg > 0, jax.lax.rsqrt(jnp.maximum(deg, 1e-12)), 0.0)
    norm = dis[src_l] * dis[dst_l]
    # lin0
    x = jax.nn.relu(x_input @ W0 + b0)
    # conv1: S^K x then linear, then outer relu
    h = _sg_prop(x, src_l, dst_l, norm, 3)
    x = jax.nn.relu(h @ Wc1 + bc1)
    # conv2
    h = _sg_prop(x, src_l, dst_l, norm, 3)
    x = jax.nn.relu(h @ Wc2 + bc2)
    # lin1, lin2, lin3
    x = jax.nn.relu(x @ W1 + b1)
    x = jax.nn.relu(x @ W2 + b2)
    x = x @ W3 + b3
    return jax.nn.relu(x)

if __name__ == "__main__":
    import jax
    _d = setup_inputs()
    print(jax.jit(kernel)(*tuple(_d.values())))

</pallas_src>

<mosaic_0001>
#map = affine_map<(d0, d1) -> (0, 0)>
#map1 = affine_map<(d0, d1) -> (0, 0, 0)>
module attributes {stable_mosaic.version = 14 : i64} {
  func.func @sg_prop(%arg0: i32, %arg1: i32, %arg2: memref<10240x128xf32, #tpu.memory_space<hbm>>, %arg3: memref<32x82x128xi32, #tpu.memory_space<hbm>>, %arg4: memref<32x82x128xi32, #tpu.memory_space<hbm>>, %arg5: memref<128x128xf32, #tpu.memory_space<hbm>>, %arg6: memref<2x10240x128xf32, #tpu.memory_space<hbm>>, %arg7: memref<82x128xi32, #tpu.memory_space<vmem>>, %arg8: memref<82x128xi32, #tpu.memory_space<vmem>>, %arg9: memref<128x128xf32, #tpu.memory_space<vmem>>, %arg10: memref<10240x128xf32, #tpu.memory_space<vmem_shared>>, %arg11: memref<!tpu.dma_semaphore, #tpu.memory_space<semaphore_mem>>) attributes {dimension_semantics = [#tpu.dimension_semantics<core_parallel>, #tpu.dimension_semantics<subcore_parallel>], iteration_bounds = array<i64: 2, 16>, scalar_prefetch = 0 : i64, scratch_operands = 5 : i64, tpu.core_type = #tpu.core_type<sc_vector_subcore>, window_params = [{transform_indices = #map}, {transform_indices = #map1}, {transform_indices = #map1}, {transform_indices = #map}, {transform_indices = #map1}]} {
    %mul3A = arith.constant 16 : i32
    %mul3A_0 = arith.muli %arg0, %mul3A : i32
    %add3A = arith.addi %mul3A_0, %arg1 : i32
    %mul3A_1 = arith.constant 640 : i32
    %mul3A_2 = arith.muli %arg1, %mul3A_1 : i32
    %add3A_3 = arith.constant 0 : i32
    %add3A_4 = arith.addi %mul3A_2, %add3A_3 : i32
    "tpu.region"() ({
      %run_scoped3A = tpu.sem_alloc : memref<!tpu.dma_semaphore, #tpu.memory_space<semaphore_mem>>
      %dma_start3A = arith.constant 0 : i32
      %dma_start3A_67 = tpu.memref_slice %arg10[%add3A_4, %dma_start3A] : memref<10240x128xf32, #tpu.memory_space<vmem_shared>> -> memref<128x128xf32, #tpu.memory_space<vmem_shared>>
      tpu.enqueue_dma source(%arg5 : memref<128x128xf32, #tpu.memory_space<hbm>>) target(%dma_start3A_67 : memref<128x128xf32, #tpu.memory_space<vmem_shared>>) target_semaphore(%run_scoped3A : memref<!tpu.dma_semaphore, #tpu.memory_space<semaphore_mem>>)
      %dma_wait3A = arith.constant 0 : i32
      %dma_wait3A_68 = tpu.memref_slice %arg10[%add3A_4, %dma_wait3A] : memref<10240x128xf32, #tpu.memory_space<vmem_shared>> -> memref<128x128xf32, #tpu.memory_space<vmem_shared>>
      tpu.wait_dma2 semaphore(%run_scoped3A : memref<!tpu.dma_semaphore, #tpu.memory_space<semaphore_mem>>) src(%arg5 : memref<128x128xf32, #tpu.memory_space<hbm>>) dst(%dma_wait3A_68 : memref<128x128xf32, #tpu.memory_space<vmem_shared>>)
      tpu.yield
    }) : () -> ()
    %mul3A_5 = arith.constant 640 : i32
    %mul3A_6 = arith.muli %arg1, %mul3A_5 : i32
    %add3A_7 = arith.constant 128 : i32
    %add3A_8 = arith.addi %mul3A_6, %add3A_7 : i32
    "tpu.region"() ({
      %run_scoped3A = tpu.sem_alloc : memref<!tpu.dma_semaphore, #tpu.memory_space<semaphore_mem>>
      %dma_start3A = arith.constant 0 : i32
      %dma_start3A_67 = tpu.memref_slice %arg10[%add3A_8, %dma_start3A] : memref<10240x128xf32, #tpu.memory_space<vmem_shared>> -> memref<128x128xf32, #tpu.memory_space<vmem_shared>>
      tpu.enqueue_dma source(%arg5 : memref<128x128xf32, #tpu.memory_space<hbm>>) target(%dma_start3A_67 : memref<128x128xf32, #tpu.memory_space<vmem_shared>>) target_semaphore(%run_scoped3A : memref<!tpu.dma_semaphore, #tpu.memory_space<semaphore_mem>>)
      %dma_wait3A = arith.constant 0 : i32
      %dma_wait3A_68 = tpu.memref_slice %arg10[%add3A_8, %dma_wait3A] : memref<10240x128xf32, #tpu.memory_space<vmem_shared>> -> memref<128x128xf32, #tpu.memory_space<vmem_shared>>
      tpu.wait_dma2 semaphore(%run_scoped3A : memref<!tpu.dma_semaphore, #tpu.memory_space<semaphore_mem>>) src(%arg5 : memref<128x128xf32, #tpu.memory_space<hbm>>) dst(%dma_wait3A_68 : memref<128x128xf32, #tpu.memory_space<vmem_shared>>)
      tpu.yield
    }) : () -> ()
    %mul3A_9 = arith.constant 640 : i32
    %mul3A_10 = arith.muli %arg1, %mul3A_9 : i32
    %add3A_11 = arith.constant 256 : i32
    %add3A_12 = arith.addi %mul3A_10, %add3A_11 : i32
    "tpu.region"() ({
      %run_scoped3A = tpu.sem_alloc : memref<!tpu.dma_semaphore, #tpu.memory_space<semaphore_mem>>
      %dma_start3A = arith.constant 0 : i32
      %dma_start3A_67 = tpu.memref_slice %arg10[%add3A_12, %dma_start3A] : memref<10240x128xf32, #tpu.memory_space<vmem_shared>> -> memref<128x128xf32, #tpu.memory_space<vmem_shared>>
      tpu.enqueue_dma source(%arg5 : memref<128x128xf32, #tpu.memory_space<hbm>>) target(%dma_start3A_67 : memref<128x128xf32, #tpu.memory_space<vmem_shared>>) target_semaphore(%run_scoped3A : memref<!tpu.dma_semaphore, #tpu.memory_space<semaphore_mem>>)
      %dma_wait3A = arith.constant 0 : i32
      %dma_wait3A_68 = tpu.memref_slice %arg10[%add3A_12, %dma_wait3A] : memref<10240x128xf32, #tpu.memory_space<vmem_shared>> -> memref<128x128xf32, #tpu.memory_space<vmem_shared>>
      tpu.wait_dma2 semaphore(%run_scoped3A : memref<!tpu.dma_semaphore, #tpu.memory_space<semaphore_mem>>) src(%arg5 : memref<128x128xf32, #tpu.memory_space<hbm>>) dst(%dma_wait3A_68 : memref<128x128xf32, #tpu.memory_space<vmem_shared>>)
      tpu.yield
    }) : () -> ()
    %mul3A_13 = arith.constant 640 : i32
    %mul3A_14 = arith.muli %arg1, %mul3A_13 : i32
    %add3A_15 = arith.constant 384 : i32
    %add3A_16 = arith.addi %mul3A_14, %add3A_15 : i32
    "tpu.region"() ({
      %run_scoped3A = tpu.sem_alloc : memref<!tpu.dma_semaphore, #tpu.memory_space<semaphore_mem>>
      %dma_start3A = arith.constant 0 : i32
      %dma_start3A_67 = tpu.memref_slice %arg10[%add3A_16, %dma_start3A] : memref<10240x128xf32, #tpu.memory_space<vmem_shared>> -> memref<128x128xf32, #tpu.memory_space<vmem_shared>>
      tpu.enqueue_dma source(%arg5 : memref<128x128xf32, #tpu.memory_space<hbm>>) target(%dma_start3A_67 : memref<128x128xf32, #tpu.memory_space<vmem_shared>>) target_semaphore(%run_scoped3A : memref<!tpu.dma_semaphore, #tpu.memory_space<semaphore_mem>>)
      %dma_wait3A = arith.constant 0 : i32
      %dma_wait3A_68 = tpu.memref_slice %arg10[%add3A_16, %dma_wait3A] : memref<10240x128xf32, #tpu.memory_space<vmem_shared>> -> memref<128x128xf32, #tpu.memory_space<vmem_shared>>
      tpu.wait_dma2 semaphore(%run_scoped3A : memref<!tpu.dma_semaphore, #tpu.memory_space<semaphore_mem>>) src(%arg5 : memref<128x128xf32, #tpu.memory_space<hbm>>) dst(%dma_wait3A_68 : memref<128x128xf32, #tpu.memory_space<vmem_shared>>)
      tpu.yield
    }) : () -> ()
    %mul3A_17 = arith.constant 640 : i32
    %mul3A_18 = arith.muli %arg1, %mul3A_17 : i32
    %add3A_19 = arith.constant 512 : i32
    %add3A_20 = arith.addi %mul3A_18, %add3A_19 : i32
    "tpu.region"() ({
      %run_scoped3A = tpu.sem_alloc : memref<!tpu.dma_semaphore, #tpu.memory_space<semaphore_mem>>
      %dma_start3A = arith.constant 0 : i32
      %dma_start3A_67 = tpu.memref_slice %arg10[%add3A_20, %dma_start3A] : memref<10240x128xf32, #tpu.memory_space<vmem_shared>> -> memref<128x128xf32, #tpu.memory_space<vmem_shared>>
      tpu.enqueue_dma source(%arg5 : memref<128x128xf32, #tpu.memory_space<hbm>>) target(%dma_start3A_67 : memref<128x128xf32, #tpu.memory_space<vmem_shared>>) target_semaphore(%run_scoped3A : memref<!tpu.dma_semaphore, #tpu.memory_space<semaphore_mem>>)
      %dma_wait3A = arith.constant 0 : i32
      %dma_wait3A_68 = tpu.memref_slice %arg10[%add3A_20, %dma_wait3A] : memref<10240x128xf32, #tpu.memory_space<vmem_shared>> -> memref<128x128xf32, #tpu.memory_space<vmem_shared>>
      tpu.wait_dma2 semaphore(%run_scoped3A : memref<!tpu.dma_semaphore, #tpu.memory_space<semaphore_mem>>) src(%arg5 : memref<128x128xf32, #tpu.memory_space<hbm>>) dst(%dma_wait3A_68 : memref<128x128xf32, #tpu.memory_space<vmem_shared>>)
      tpu.yield
    }) : () -> ()
    "tpu.region"() ({
      %run_scoped3A = tpu.sem_alloc : memref<!tpu.dma_semaphore, #tpu.memory_space<semaphore_mem>>
      %dma_start3A = arith.constant 0 : i32
      %dma_start3A_67 = arith.constant 0 : i32
      %dma_start3A_68 = tpu.memref_slice %arg3[%add3A, %dma_start3A, %dma_start3A_67] : memref<32x82x128xi32, #tpu.memory_space<hbm>> -> memref<1x82x128xi32, #tpu.memory_space<hbm>>
      %dma_start3A_69 = tpu.memref_squeeze %dma_start3A_68 : memref<1x82x128xi32, #tpu.memory_space<hbm>> -> memref<82x128xi32, #tpu.memory_space<hbm>>
      %dma_start3A_70 = arith.constant 0 : i32
      %dma_start3A_71 = arith.constant 0 : i32
      %dma_start3A_72 = tpu.memref_slice %arg3[%add3A, %dma_start3A_70, %dma_start3A_71] : memref<32x82x128xi32, #tpu.memory_space<hbm>> -> memref<1x82x128xi32, #tpu.memory_space<hbm>>
      %dma_start3A_73 = tpu.memref_squeeze %dma_start3A_72 : memref<1x82x128xi32, #tpu.memory_space<hbm>> -> memref<82x128xi32, #tpu.memory_space<hbm>>
      tpu.enqueue_dma source(%dma_start3A_73 : memref<82x128xi32, #tpu.memory_space<hbm>>) target(%arg7 : memref<82x128xi32, #tpu.memory_space<vmem>>) target_semaphore(%run_scoped3A : memref<!tpu.dma_semaphore, #tpu.memory_space<semaphore_mem>>)
      %dma_wait3A = arith.constant 0 : i32
      %dma_wait3A_74 = arith.constant 0 : i32
      %dma_wait3A_75 = tpu.memref_slice %arg3[%add3A, %dma_wait3A, %dma_wait3A_74] : memref<32x82x128xi32, #tpu.memory_space<hbm>> -> memref<1x82x128xi32, #tpu.memory_space<hbm>>
      %dma_wait3A_76 = tpu.memref_squeeze %dma_wait3A_75 : memref<1x82x128xi32, #tpu.memory_space<hbm>> -> memref<82x128xi32, #tpu.memory_space<hbm>>
      %dma_wait3A_77 = arith.constant 0 : i32
      %dma_wait3A_78 = arith.constant 0 : i32
      %dma_wait3A_79 = tpu.memref_slice %arg3[%add3A, %dma_wait3A_77, %dma_wait3A_78] : memref<32x82x128xi32, #tpu.memory_space<hbm>> -> memref<1x82x128xi32, #tpu.memory_space<hbm>>
      %dma_wait3A_80 = tpu.memref_squeeze %dma_wait3A_79 : memref<1x82x128xi32, #tpu.memory_space<hbm>> -> memref<82x128xi32, #tpu.memory_space<hbm>>
      tpu.wait_dma2 semaphore(%run_scoped3A : memref<!tpu.dma_semaphore, #tpu.memory_space<semaphore_mem>>) src(%dma_wait3A_80 : memref<82x128xi32, #tpu.memory_space<hbm>>) dst(%arg7 : memref<82x128xi32, #tpu.memory_space<vmem>>)
      tpu.yield
    }) : () -> ()
    "tpu.region"() ({
      %run_scoped3A = tpu.sem_alloc : memref<!tpu.dma_semaphore, #tpu.memory_space<semaphore_mem>>
      %dma_start3A = arith.constant 0 : i32
      %dma_start3A_67 = arith.constant 0 : i32
      %dma_start3A_68 = tpu.memref_slice %arg4[%add3A, %dma_start3A, %dma_start3A_67] : memref<32x82x128xi32, #tpu.memory_space<hbm>> -> memref<1x82x128xi32, #tpu.memory_space<hbm>>
      %dma_start3A_69 = tpu.memref_squeeze %dma_start3A_68 : memref<1x82x128xi32, #tpu.memory_space<hbm>> -> memref<82x128xi32, #tpu.memory_space<hbm>>
      %dma_start3A_70 = arith.constant 0 : i32
      %dma_start3A_71 = arith.constant 0 : i32
      %dma_start3A_72 = tpu.memref_slice %arg4[%add3A, %dma_start3A_70, %dma_start3A_71] : memref<32x82x128xi32, #tpu.memory_space<hbm>> -> memref<1x82x128xi32, #tpu.memory_space<hbm>>
      %dma_start3A_73 = tpu.memref_squeeze %dma_start3A_72 : memref<1x82x128xi32, #tpu.memory_space<hbm>> -> memref<82x128xi32, #tpu.memory_space<hbm>>
      tpu.enqueue_dma source(%dma_start3A_73 : memref<82x128xi32, #tpu.memory_space<hbm>>) target(%arg8 : memref<82x128xi32, #tpu.memory_space<vmem>>) target_semaphore(%run_scoped3A : memref<!tpu.dma_semaphore, #tpu.memory_space<semaphore_mem>>)
      %dma_wait3A = arith.constant 0 : i32
      %dma_wait3A_74 = arith.constant 0 : i32
      %dma_wait3A_75 = tpu.memref_slice %arg4[%add3A, %dma_wait3A, %dma_wait3A_74] : memref<32x82x128xi32, #tpu.memory_space<hbm>> -> memref<1x82x128xi32, #tpu.memory_space<hbm>>
      %dma_wait3A_76 = tpu.memref_squeeze %dma_wait3A_75 : memref<1x82x128xi32, #tpu.memory_space<hbm>> -> memref<82x128xi32, #tpu.memory_space<hbm>>
      %dma_wait3A_77 = arith.constant 0 : i32
      %dma_wait3A_78 = arith.constant 0 : i32
      %dma_wait3A_79 = tpu.memref_slice %arg4[%add3A, %dma_wait3A_77, %dma_wait3A_78] : memref<32x82x128xi32, #tpu.memory_space<hbm>> -> memref<1x82x128xi32, #tpu.memory_space<hbm>>
      %dma_wait3A_80 = tpu.memref_squeeze %dma_wait3A_79 : memref<1x82x128xi32, #tpu.memory_space<hbm>> -> memref<82x128xi32, #tpu.memory_space<hbm>>
      tpu.wait_dma2 semaphore(%run_scoped3A : memref<!tpu.dma_semaphore, #tpu.memory_space<semaphore_mem>>) src(%dma_wait3A_80 : memref<82x128xi32, #tpu.memory_space<hbm>>) dst(%arg8 : memref<82x128xi32, #tpu.memory_space<vmem>>)
      tpu.yield
    }) : () -> ()
    %barrier3A = arith.constant 0 : index
    tpu.barrier barrier_id(%barrier3A)
    %scan3A = arith.constant 0 : i32
    %scan3A_21 = arith.constant 0 : i32
    %scan3A_22 = arith.constant 82 : i32
    %scan3A_23 = arith.addi %scan3A_21, %scan3A_22 : i32
    %scan3A_24 = arith.constant 1 : i32
    scf.for %scan3A_67 = %scan3A_21 to %scan3A_23 step %scan3A_24  : i32 {
      %dma_start3A = arith.constant 0 : i32
      %dma_start3A_68 = tpu.memref_slice %arg7[%scan3A_67, %dma_start3A] : memref<82x128xi32, #tpu.memory_space<vmem>> -> memref<1x128xi32, #tpu.memory_space<vmem>>
      %dma_start3A_69 = tpu.memref_squeeze %dma_start3A_68 : memref<1x128xi32, #tpu.memory_space<vmem>> -> memref<128xi32, #tpu.memory_space<vmem>>
      %dma_start3A_70 = arith.constant 0 : i32
      %dma_start3A_71 = arith.constant 0 : i32
      %dma_start3A_72 = tpu.memref_slice %arg2[%dma_start3A_70, %dma_start3A_71] : memref<10240x128xf32, #tpu.memory_space<hbm>> -> memref<10240x128xf32, #tpu.memory_space<hbm>>
      tpu.enqueue_indirect_dma source(%dma_start3A_72 : memref<10240x128xf32, #tpu.memory_space<hbm>>) target(%arg9 : memref<128x128xf32, #tpu.memory_space<vmem>>) offsets(%dma_start3A_69 : memref<128xi32, #tpu.memory_space<vmem>>) semaphore(%arg11 : memref<!tpu.dma_semaphore, #tpu.memory_space<semaphore_mem>>)
      %dma_wait3A = arith.constant 0 : i32
      %dma_wait3A_73 = tpu.memref_slice %arg7[%scan3A_67, %dma_wait3A] : memref<82x128xi32, #tpu.memory_space<vmem>> -> memref<1x128xi32, #tpu.memory_space<vmem>>
      %dma_wait3A_74 = tpu.memref_squeeze %dma_wait3A_73 : memref<1x128xi32, #tpu.memory_space<vmem>> -> memref<128xi32, #tpu.memory_space<vmem>>
      %dma_wait3A_75 = arith.constant 0 : i32
      %dma_wait3A_76 = arith.constant 0 : i32
      %dma_wait3A_77 = tpu.memref_slice %arg2[%dma_wait3A_75, %dma_wait3A_76] : memref<10240x128xf32, #tpu.memory_space<hbm>> -> memref<10240x128xf32, #tpu.memory_space<hbm>>
      tpu.wait_indirect_dma semaphore(%arg11 : memref<!tpu.dma_semaphore, #tpu.memory_space<semaphore_mem>>) src(%dma_wait3A_77 : memref<10240x128xf32, #tpu.memory_space<hbm>>) dst(%arg9 : memref<128x128xf32, #tpu.memory_space<vmem>>)
      "tpu.region"() ({
        %run_scoped3A = tpu.sem_alloc : memref<!tpu.dma_semaphore, #tpu.memory_space<semaphore_mem>>
        %dma_start3A_78 = arith.constant 0 : i32
        %dma_start3A_79 = tpu.memref_slice %arg8[%scan3A_67, %dma_start3A_78] : memref<82x128xi32, #tpu.memory_space<vmem>> -> memref<1x128xi32, #tpu.memory_space<vmem>>
        %dma_start3A_80 = tpu.memref_squeeze %dma_start3A_79 : memref<1x128xi32, #tpu.memory_space<vmem>> -> memref<128xi32, #tpu.memory_space<vmem>>
        %dma_start3A_81 = arith.constant 0 : i32
        %dma_start3A_82 = arith.constant 0 : i32
        %dma_start3A_83 = tpu.memref_slice %arg10[%dma_start3A_81, %dma_start3A_82] : memref<10240x128xf32, #tpu.memory_space<vmem_shared>> -> memref<10240x128xf32, #tpu.memory_space<vmem_shared>>
        tpu.enqueue_indirect_dma source(%arg9 : memref<128x128xf32, #tpu.memory_space<vmem>>) target(%dma_start3A_83 : memref<10240x128xf32, #tpu.memory_space<vmem_shared>>) offsets(%dma_start3A_80 : memref<128xi32, #tpu.memory_space<vmem>>) semaphore(%run_scoped3A : memref<!tpu.dma_semaphore, #tpu.memory_space<semaphore_mem>>) {add = true}
        %dma_wait3A_84 = arith.constant 0 : i32
        %dma_wait3A_85 = tpu.memref_slice %arg8[%scan3A_67, %dma_wait3A_84] : memref<82x128xi32, #tpu.memory_space<vmem>> -> memref<1x128xi32, #tpu.memory_space<vmem>>
        %dma_wait3A_86 = tpu.memref_squeeze %dma_wait3A_85 : memref<1x128xi32, #tpu.memory_space<vmem>> -> memref<128xi32, #tpu.memory_space<vmem>>
        %dma_wait3A_87 = arith.constant 0 : i32
        %dma_wait3A_88 = arith.constant 0 : i32
        %dma_wait3A_89 = tpu.memref_slice %arg10[%dma_wait3A_87, %dma_wait3A_88] : memref<10240x128xf32, #tpu.memory_space<vmem_shared>> -> memref<10240x128xf32, #tpu.memory_space<vmem_shared>>
        tpu.wait_indirect_dma semaphore(%run_scoped3A : memref<!tpu.dma_semaphore, #tpu.memory_space<semaphore_mem>>) src(%arg9 : memref<128x128xf32, #tpu.memory_space<vmem>>) dst(%dma_wait3A_89 : memref<10240x128xf32, #tpu.memory_space<vmem_shared>>)
        tpu.yield
      }) : () -> ()
    }
    %scan3A_25 = arith.constant 82 : i32
    %barrier3A_26 = arith.constant 0 : index
    tpu.barrier barrier_id(%barrier3A_26)
    %mul3A_27 = arith.constant 640 : i32
    %mul3A_28 = arith.muli %arg1, %mul3A_27 : i32
    %add3A_29 = arith.constant 0 : i32
    %add3A_30 = arith.addi %mul3A_28, %add3A_29 : i32
    %mul3A_31 = arith.constant 640 : i32
    %mul3A_32 = arith.muli %arg1, %mul3A_31 : i32
    %add3A_33 = arith.constant 0 : i32
    %add3A_34 = arith.addi %mul3A_32, %add3A_33 : i32
    "tpu.region"() ({
      %run_scoped3A = tpu.sem_alloc : memref<!tpu.dma_semaphore, #tpu.memory_space<semaphore_mem>>
      %dma_start3A = arith.constant 0 : i32
      %dma_start3A_67 = tpu.memref_slice %arg6[%arg0, %add3A_34, %dma_start3A] : memref<2x10240x128xf32, #tpu.memory_space<hbm>> -> memref<1x128x128xf32, #tpu.memory_space<hbm>>
      %dma_start3A_68 = tpu.memref_squeeze %dma_start3A_67 : memref<1x128x128xf32, #tpu.memory_space<hbm>> -> memref<128x128xf32, #tpu.memory_space<hbm>>
      %dma_start3A_69 = arith.constant 0 : i32
      %dma_start3A_70 = tpu.memref_slice %arg10[%add3A_30, %dma_start3A_69] : memref<10240x128xf32, #tpu.memory_space<vmem_shared>> -> memref<128x128xf32, #tpu.memory_space<vmem_shared>>
      tpu.enqueue_dma source(%dma_start3A_70 : memref<128x128xf32, #tpu.memory_space<vmem_shared>>) target(%dma_start3A_68 : memref<128x128xf32, #tpu.memory_space<hbm>>) target_semaphore(%run_scoped3A : memref<!tpu.dma_semaphore, #tpu.memory_space<semaphore_mem>>)
      %dma_wait3A = arith.constant 0 : i32
      %dma_wait3A_71 = tpu.memref_slice %arg6[%arg0, %add3A_34, %dma_wait3A] : memref<2x10240x128xf32, #tpu.memory_space<hbm>> -> memref<1x128x128xf32, #tpu.memory_space<hbm>>
      %dma_wait3A_72 = tpu.memref_squeeze %dma_wait3A_71 : memref<1x128x128xf32, #tpu.memory_space<hbm>> -> memref<128x128xf32, #tpu.memory_space<hbm>>
      %dma_wait3A_73 = arith.constant 0 : i32
      %dma_wait3A_74 = tpu.memref_slice %arg10[%add3A_30, %dma_wait3A_73] : memref<10240x128xf32, #tpu.memory_space<vmem_shared>> -> memref<128x128xf32, #tpu.memory_space<vmem_shared>>
      tpu.wait_dma2 semaphore(%run_scoped3A : memref<!tpu.dma_semaphore, #tpu.memory_space<semaphore_mem>>) src(%dma_wait3A_74 : memref<128x128xf32, #tpu.memory_space<vmem_shared>>) dst(%dma_wait3A_72 : memref<128x128xf32, #tpu.memory_space<hbm>>)
      tpu.yield
    }) : () -> ()
    %mul3A_35 = arith.constant 640 : i32
    %mul3A_36 = arith.muli %arg1, %mul3A_35 : i32
    %add3A_37 = arith.constant 128 : i32
    %add3A_38 = arith.addi %mul3A_36, %add3A_37 : i32
    %mul3A_39 = arith.constant 640 : i32
    %mul3A_40 = arith.muli %arg1, %mul3A_39 : i32
    %add3A_41 = arith.constant 128 : i32
    %add3A_42 = arith.addi %mul3A_40, %add3A_41 : i32
    "tpu.region"() ({
      %run_scoped3A = tpu.sem_alloc : memref<!tpu.dma_semaphore, #tpu.memory_space<semaphore_mem>>
      %dma_start3A = arith.constant 0 : i32
      %dma_start3A_67 = tpu.memref_slice %arg6[%arg0, %add3A_42, %dma_start3A] : memref<2x10240x128xf32, #tpu.memory_space<hbm>> -> memref<1x128x128xf32, #tpu.memory_space<hbm>>
      %dma_start3A_68 = tpu.memref_squeeze %dma_start3A_67 : memref<1x128x128xf32, #tpu.memory_space<hbm>> -> memref<128x128xf32, #tpu.memory_space<hbm>>
      %dma_start3A_69 = arith.constant 0 : i32
      %dma_start3A_70 = tpu.memref_slice %arg10[%add3A_38, %dma_start3A_69] : memref<10240x128xf32, #tpu.memory_space<vmem_shared>> -> memref<128x128xf32, #tpu.memory_space<vmem_shared>>
      tpu.enqueue_dma source(%dma_start3A_70 : memref<128x128xf32, #tpu.memory_space<vmem_shared>>) target(%dma_start3A_68 : memref<128x128xf32, #tpu.memory_space<hbm>>) target_semaphore(%run_scoped3A : memref<!tpu.dma_semaphore, #tpu.memory_space<semaphore_mem>>)
      %dma_wait3A = arith.constant 0 : i32
      %dma_wait3A_71 = tpu.memref_slice %arg6[%arg0, %add3A_42, %dma_wait3A] : memref<2x10240x128xf32, #tpu.memory_space<hbm>> -> memref<1x128x128xf32, #tpu.memory_space<hbm>>
      %dma_wait3A_72 = tpu.memref_squeeze %dma_wait3A_71 : memref<1x128x128xf32, #tpu.memory_space<hbm>> -> memref<128x128xf32, #tpu.memory_space<hbm>>
      %dma_wait3A_73 = arith.constant 0 : i32
      %dma_wait3A_74 = tpu.memref_slice %arg10[%add3A_38, %dma_wait3A_73] : memref<10240x128xf32, #tpu.memory_space<vmem_shared>> -> memref<128x128xf32, #tpu.memory_space<vmem_shared>>
      tpu.wait_dma2 semaphore(%run_scoped3A : memref<!tpu.dma_semaphore, #tpu.memory_space<semaphore_mem>>) src(%dma_wait3A_74 : memref<128x128xf32, #tpu.memory_space<vmem_shared>>) dst(%dma_wait3A_72 : memref<128x128xf32, #tpu.memory_space<hbm>>)
      tpu.yield
    }) : () -> ()
    %mul3A_43 = arith.constant 640 : i32
    %mul3A_44 = arith.muli %arg1, %mul3A_43 : i32
    %add3A_45 = arith.constant 256 : i32
    %add3A_46 = arith.addi %mul3A_44, %add3A_45 : i32
    %mul3A_47 = arith.constant 640 : i32
    %mul3A_48 = arith.muli %arg1, %mul3A_47 : i32
    %add3A_49 = arith.constant 256 : i32
    %add3A_50 = arith.addi %mul3A_48, %add3A_49 : i32
    "tpu.region"() ({
      %run_scoped3A = tpu.sem_alloc : memref<!tpu.dma_semaphore, #tpu.memory_space<semaphore_mem>>
      %dma_start3A = arith.constant 0 : i32
      %dma_start3A_67 = tpu.memref_slice %arg6[%arg0, %add3A_50, %dma_start3A] : memref<2x10240x128xf32, #tpu.memory_space<hbm>> -> memref<1x128x128xf32, #tpu.memory_space<hbm>>
      %dma_start3A_68 = tpu.memref_squeeze %dma_start3A_67 : memref<1x128x128xf32, #tpu.memory_space<hbm>> -> memref<128x128xf32, #tpu.memory_space<hbm>>
      %dma_start3A_69 = arith.constant 0 : i32
      %dma_start3A_70 = tpu.memref_slice %arg10[%add3A_46, %dma_start3A_69] : memref<10240x128xf32, #tpu.memory_space<vmem_shared>> -> memref<128x128xf32, #tpu.memory_space<vmem_shared>>
      tpu.enqueue_dma source(%dma_start3A_70 : memref<128x128xf32, #tpu.memory_space<vmem_shared>>) target(%dma_start3A_68 : memref<128x128xf32, #tpu.memory_space<hbm>>) target_semaphore(%run_scoped3A : memref<!tpu.dma_semaphore, #tpu.memory_space<semaphore_mem>>)
      %dma_wait3A = arith.constant 0 : i32
      %dma_wait3A_71 = tpu.memref_slice %arg6[%arg0, %add3A_50, %dma_wait3A] : memref<2x10240x128xf32, #tpu.memory_space<hbm>> -> memref<1x128x128xf32, #tpu.memory_space<hbm>>
      %dma_wait3A_72 = tpu.memref_squeeze %dma_wait3A_71 : memref<1x128x128xf32, #tpu.memory_space<hbm>> -> memref<128x128xf32, #tpu.memory_space<hbm>>
      %dma_wait3A_73 = arith.constant 0 : i32
      %dma_wait3A_74 = tpu.memref_slice %arg10[%add3A_46, %dma_wait3A_73] : memref<10240x128xf32, #tpu.memory_space<vmem_shared>> -> memref<128x128xf32, #tpu.memory_space<vmem_shared>>
      tpu.wait_dma2 semaphore(%run_scoped3A : memref<!tpu.dma_semaphore, #tpu.memory_space<semaphore_mem>>) src(%dma_wait3A_74 : memref<128x128xf32, #tpu.memory_space<vmem_shared>>) dst(%dma_wait3A_72 : memref<128x128xf32, #tpu.memory_space<hbm>>)
      tpu.yield
    }) : () -> ()
    %mul3A_51 = arith.constant 640 : i32
    %mul3A_52 = arith.muli %arg1, %mul3A_51 : i32
    %add3A_53 = arith.constant 384 : i32
    %add3A_54 = arith.addi %mul3A_52, %add3A_53 : i32
    %mul3A_55 = arith.constant 640 : i32
    %mul3A_56 = arith.muli %arg1, %mul3A_55 : i32
    %add3A_57 = arith.constant 384 : i32
    %add3A_58 = arith.addi %mul3A_56, %add3A_57 : i32
    "tpu.region"() ({
      %run_scoped3A = tpu.sem_alloc : memref<!tpu.dma_semaphore, #tpu.memory_space<semaphore_mem>>
      %dma_start3A = arith.constant 0 : i32
      %dma_start3A_67 = tpu.memref_slice %arg6[%arg0, %add3A_58, %dma_start3A] : memref<2x10240x128xf32, #tpu.memory_space<hbm>> -> memref<1x128x128xf32, #tpu.memory_space<hbm>>
      %dma_start3A_68 = tpu.memref_squeeze %dma_start3A_67 : memref<1x128x128xf32, #tpu.memory_space<hbm>> -> memref<128x128xf32, #tpu.memory_space<hbm>>
      %dma_start3A_69 = arith.constant 0 : i32
      %dma_start3A_70 = tpu.memref_slice %arg10[%add3A_54, %dma_start3A_69] : memref<10240x128xf32, #tpu.memory_space<vmem_shared>> -> memref<128x128xf32, #tpu.memory_space<vmem_shared>>
      tpu.enqueue_dma source(%dma_start3A_70 : memref<128x128xf32, #tpu.memory_space<vmem_shared>>) target(%dma_start3A_68 : memref<128x128xf32, #tpu.memory_space<hbm>>) target_semaphore(%run_scoped3A : memref<!tpu.dma_semaphore, #tpu.memory_space<semaphore_mem>>)
      %dma_wait3A = arith.constant 0 : i32
      %dma_wait3A_71 = tpu.memref_slice %arg6[%arg0, %add3A_58, %dma_wait3A] : memref<2x10240x128xf32, #tpu.memory_space<hbm>> -> memref<1x128x128xf32, #tpu.memory_space<hbm>>
      %dma_wait3A_72 = tpu.memref_squeeze %dma_wait3A_71 : memref<1x128x128xf32, #tpu.memory_space<hbm>> -> memref<128x128xf32, #tpu.memory_space<hbm>>
      %dma_wait3A_73 = arith.constant 0 : i32
      %dma_wait3A_74 = tpu.memref_slice %arg10[%add3A_54, %dma_wait3A_73] : memref<10240x128xf32, #tpu.memory_space<vmem_shared>> -> memref<128x128xf32, #tpu.memory_space<vmem_shared>>
      tpu.wait_dma2 semaphore(%run_scoped3A : memref<!tpu.dma_semaphore, #tpu.memory_space<semaphore_mem>>) src(%dma_wait3A_74 : memref<128x128xf32, #tpu.memory_space<vmem_shared>>) dst(%dma_wait3A_72 : memref<128x128xf32, #tpu.memory_space<hbm>>)
      tpu.yield
    }) : () -> ()
    %mul3A_59 = arith.constant 640 : i32
    %mul3A_60 = arith.muli %arg1, %mul3A_59 : i32
    %add3A_61 = arith.constant 512 : i32
    %add3A_62 = arith.addi %mul3A_60, %add3A_61 : i32
    %mul3A_63 = arith.constant 640 : i32
    %mul3A_64 = arith.muli %arg1, %mul3A_63 : i32
    %add3A_65 = arith.constant 512 : i32
    %add3A_66 = arith.addi %mul3A_64, %add3A_65 : i32
    "tpu.region"() ({
      %run_scoped3A = tpu.sem_alloc : memref<!tpu.dma_semaphore, #tpu.memory_space<semaphore_mem>>
      %dma_start3A = arith.constant 0 : i32
      %dma_start3A_67 = tpu.memref_slice %arg6[%arg0, %add3A_66, %dma_start3A] : memref<2x10240x128xf32, #tpu.memory_space<hbm>> -> memref<1x128x128xf32, #tpu.memory_space<hbm>>
      %dma_start3A_68 = tpu.memref_squeeze %dma_start3A_67 : memref<1x128x128xf32, #tpu.memory_space<hbm>> -> memref<128x128xf32, #tpu.memory_space<hbm>>
      %dma_start3A_69 = arith.constant 0 : i32
      %dma_start3A_70 = tpu.memref_slice %arg10[%add3A_62, %dma_start3A_69] : memref<10240x128xf32, #tpu.memory_space<vmem_shared>> -> memref<128x128xf32, #tpu.memory_space<vmem_shared>>
      tpu.enqueue_dma source(%dma_start3A_70 : memref<128x128xf32, #tpu.memory_space<vmem_shared>>) target(%dma_start3A_68 : memref<128x128xf32, #tpu.memory_space<hbm>>) target_semaphore(%run_scoped3A : memref<!tpu.dma_semaphore, #tpu.memory_space<semaphore_mem>>)
      %dma_wait3A = arith.constant 0 : i32
      %dma_wait3A_71 = tpu.memref_slice %arg6[%arg0, %add3A_66, %dma_wait3A] : memref<2x10240x128xf32, #tpu.memory_space<hbm>> -> memref<1x128x128xf32, #tpu.memory_space<hbm>>
      %dma_wait3A_72 = tpu.memref_squeeze %dma_wait3A_71 : memref<1x128x128xf32, #tpu.memory_space<hbm>> -> memref<128x128xf32, #tpu.memory_space<hbm>>
      %dma_wait3A_73 = arith.constant 0 : i32
      %dma_wait3A_74 = tpu.memref_slice %arg10[%add3A_62, %dma_wait3A_73] : memref<10240x128xf32, #tpu.memory_space<vmem_shared>> -> memref<128x128xf32, #tpu.memory_space<vmem_shared>>
      tpu.wait_dma2 semaphore(%run_scoped3A : memref<!tpu.dma_semaphore, #tpu.memory_space<semaphore_mem>>) src(%dma_wait3A_74 : memref<128x128xf32, #tpu.memory_space<vmem_shared>>) dst(%dma_wait3A_72 : memref<128x128xf32, #tpu.memory_space<hbm>>)
      tpu.yield
    }) : () -> ()
    return
  }
}

#map = affine_map<(d0, d1) -> (0, 0, 0)>
#map1 = affine_map<(d0, d1) -> (0, 0)>
module attributes {stable_mosaic.version = 14 : i64} {
  func.func @sg_deg(%arg0: i32, %arg1: i32, %arg2: memref<32x82x128xi32, #tpu.memory_space<hbm>>, %arg3: memref<128x1xf32, #tpu.memory_space<hbm>>, %arg4: memref<128x1xf32, #tpu.memory_space<hbm>>, %arg5: memref<2x10240x1xf32, #tpu.memory_space<hbm>>, %arg6: memref<82x128xi32, #tpu.memory_space<vmem>>, %arg7: memref<128x1xf32, #tpu.memory_space<vmem>>, %arg8: memref<10240x1xf32, #tpu.memory_space<vmem_shared>>) attributes {dimension_semantics = [#tpu.dimension_semantics<core_parallel>, #tpu.dimension_semantics<subcore_parallel>], iteration_bounds = array<i64: 2, 16>, scalar_prefetch = 0 : i64, scratch_operands = 3 : i64, tpu.core_type = #tpu.core_type<sc_vector_subcore>, window_params = [{transform_indices = #map}, {transform_indices = #map1}, {transform_indices = #map1}, {transform_indices = #map}]} {
    %mul3A = arith.constant 16 : i32
    %mul3A_0 = arith.muli %arg0, %mul3A : i32
    %add3A = arith.addi %mul3A_0, %arg1 : i32
    %mul3A_1 = arith.constant 640 : i32
    %mul3A_2 = arith.muli %arg1, %mul3A_1 : i32
    %add3A_3 = arith.constant 0 : i32
    %add3A_4 = arith.addi %mul3A_2, %add3A_3 : i32
    "tpu.region"() ({
      %run_scoped3A = tpu.sem_alloc : memref<!tpu.dma_semaphore, #tpu.memory_space<semaphore_mem>>
      %dma_start3A = arith.constant 0 : i32
      %dma_start3A_31 = tpu.memref_slice %arg8[%add3A_4, %dma_start3A] : memref<10240x1xf32, #tpu.memory_space<vmem_shared>> -> memref<128x1xf32, #tpu.memory_space<vmem_shared>>
      tpu.enqueue_dma source(%arg4 : memref<128x1xf32, #tpu.memory_space<hbm>>) target(%dma_start3A_31 : memref<128x1xf32, #tpu.memory_space<vmem_shared>>) target_semaphore(%run_scoped3A : memref<!tpu.dma_semaphore, #tpu.memory_space<semaphore_mem>>)
      %dma_wait3A = arith.constant 0 : i32
      %dma_wait3A_32 = tpu.memref_slice %arg8[%add3A_4, %dma_wait3A] : memref<10240x1xf32, #tpu.memory_space<vmem_shared>> -> memref<128x1xf32, #tpu.memory_space<vmem_shared>>
      tpu.wait_dma2 semaphore(%run_scoped3A : memref<!tpu.dma_semaphore, #tpu.memory_space<semaphore_mem>>) src(%arg4 : memref<128x1xf32, #tpu.memory_space<hbm>>) dst(%dma_wait3A_32 : memref<128x1xf32, #tpu.memory_space<vmem_shared>>)
      tpu.yield
    }) : () -> ()
    %mul3A_5 = arith.constant 640 : i32
    %mul3A_6 = arith.muli %arg1, %mul3A_5 : i32
    %add3A_7 = arith.constant 128 : i32
    %add3A_8 = arith.addi %mul3A_6, %add3A_7 : i32
    "tpu.region"() ({
      %run_scoped3A = tpu.sem_alloc : memref<!tpu.dma_semaphore, #tpu.memory_space<semaphore_mem>>
      %dma_start3A = arith.constant 0 : i32
      %dma_start3A_31 = tpu.memref_slice %arg8[%add3A_8, %dma_start3A] : memref<10240x1xf32, #tpu.memory_space<vmem_shared>> -> memref<128x1xf32, #tpu.memory_space<vmem_shared>>
      tpu.enqueue_dma source(%arg4 : memref<128x1xf32, #tpu.memory_space<hbm>>) target(%dma_start3A_31 : memref<128x1xf32, #tpu.memory_space<vmem_shared>>) target_semaphore(%run_scoped3A : memref<!tpu.dma_semaphore, #tpu.memory_space<semaphore_mem>>)
      %dma_wait3A = arith.constant 0 : i32
      %dma_wait3A_32 = tpu.memref_slice %arg8[%add3A_8, %dma_wait3A] : memref<10240x1xf32, #tpu.memory_space<vmem_shared>> -> memref<128x1xf32, #tpu.memory_space<vmem_shared>>
      tpu.wait_dma2 semaphore(%run_scoped3A : memref<!tpu.dma_semaphore, #tpu.memory_space<semaphore_mem>>) src(%arg4 : memref<128x1xf32, #tpu.memory_space<hbm>>) dst(%dma_wait3A_32 : memref<128x1xf32, #tpu.memory_space<vmem_shared>>)
      tpu.yield
    }) : () -> ()
    %mul3A_9 = arith.constant 640 : i32
    %mul3A_10 = arith.muli %arg1, %mul3A_9 : i32
    %add3A_11 = arith.constant 256 : i32
    %add3A_12 = arith.addi %mul3A_10, %add3A_11 : i32
    "tpu.region"() ({
      %run_scoped3A = tpu.sem_alloc : memref<!tpu.dma_semaphore, #tpu.memory_space<semaphore_mem>>
      %dma_start3A = arith.constant 0 : i32
      %dma_start3A_31 = tpu.memref_slice %arg8[%add3A_12, %dma_start3A] : memref<10240x1xf32, #tpu.memory_space<vmem_shared>> -> memref<128x1xf32, #tpu.memory_space<vmem_shared>>
      tpu.enqueue_dma source(%arg4 : memref<128x1xf32, #tpu.memory_space<hbm>>) target(%dma_start3A_31 : memref<128x1xf32, #tpu.memory_space<vmem_shared>>) target_semaphore(%run_scoped3A : memref<!tpu.dma_semaphore, #tpu.memory_space<semaphore_mem>>)
      %dma_wait3A = arith.constant 0 : i32
      %dma_wait3A_32 = tpu.memref_slice %arg8[%add3A_12, %dma_wait3A] : memref<10240x1xf32, #tpu.memory_space<vmem_shared>> -> memref<128x1xf32, #tpu.memory_space<vmem_shared>>
      tpu.wait_dma2 semaphore(%run_scoped3A : memref<!tpu.dma_semaphore, #tpu.memory_space<semaphore_mem>>) src(%arg4 : memref<128x1xf32, #tpu.memory_space<hbm>>) dst(%dma_wait3A_32 : memref<128x1xf32, #tpu.memory_space<vmem_shared>>)
      tpu.yield
    }) : () -> ()
    %mul3A_13 = arith.constant 640 : i32
    %mul3A_14 = arith.muli %arg1, %mul3A_13 : i32
    %add3A_15 = arith.constant 384 : i32
    %add3A_16 = arith.addi %mul3A_14, %add3A_15 : i32
    "tpu.region"() ({
      %run_scoped3A = tpu.sem_alloc : memref<!tpu.dma_semaphore, #tpu.memory_space<semaphore_mem>>
      %dma_start3A = arith.constant 0 : i32
      %dma_start3A_31 = tpu.memref_slice %arg8[%add3A_16, %dma_start3A] : memref<10240x1xf32, #tpu.memory_space<vmem_shared>> -> memref<128x1xf32, #tpu.memory_space<vmem_shared>>
      tpu.enqueue_dma source(%arg4 : memref<128x1xf32, #tpu.memory_space<hbm>>) target(%dma_start3A_31 : memref<128x1xf32, #tpu.memory_space<vmem_shared>>) target_semaphore(%run_scoped3A : memref<!tpu.dma_semaphore, #tpu.memory_space<semaphore_mem>>)
      %dma_wait3A = arith.constant 0 : i32
      %dma_wait3A_32 = tpu.memref_slice %arg8[%add3A_16, %dma_wait3A] : memref<10240x1xf32, #tpu.memory_space<vmem_shared>> -> memref<128x1xf32, #tpu.memory_space<vmem_shared>>
      tpu.wait_dma2 semaphore(%run_scoped3A : memref<!tpu.dma_semaphore, #tpu.memory_space<semaphore_mem>>) src(%arg4 : memref<128x1xf32, #tpu.memory_space<hbm>>) dst(%dma_wait3A_32 : memref<128x1xf32, #tpu.memory_space<vmem_shared>>)
      tpu.yield
    }) : () -> ()
    %mul3A_17 = arith.constant 640 : i32
    %mul3A_18 = arith.muli %arg1, %mul3A_17 : i32
    %add3A_19 = arith.constant 512 : i32
    %add3A_20 = arith.addi %mul3A_18, %add3A_19 : i32
    "tpu.region"() ({
      %run_scoped3A = tpu.sem_alloc : memref<!tpu.dma_semaphore, #tpu.memory_space<semaphore_mem>>
      %dma_start3A = arith.constant 0 : i32
      %dma_start3A_31 = tpu.memref_slice %arg8[%add3A_20, %dma_start3A] : memref<10240x1xf32, #tpu.memory_space<vmem_shared>> -> memref<128x1xf32, #tpu.memory_space<vmem_shared>>
      tpu.enqueue_dma source(%arg4 : memref<128x1xf32, #tpu.memory_space<hbm>>) target(%dma_start3A_31 : memref<128x1xf32, #tpu.memory_space<vmem_shared>>) target_semaphore(%run_scoped3A : memref<!tpu.dma_semaphore, #tpu.memory_space<semaphore_mem>>)
      %dma_wait3A = arith.constant 0 : i32
      %dma_wait3A_32 = tpu.memref_slice %arg8[%add3A_20, %dma_wait3A] : memref<10240x1xf32, #tpu.memory_space<vmem_shared>> -> memref<128x1xf32, #tpu.memory_space<vmem_shared>>
      tpu.wait_dma2 semaphore(%run_scoped3A : memref<!tpu.dma_semaphore, #tpu.memory_space<semaphore_mem>>) src(%arg4 : memref<128x1xf32, #tpu.memory_space<hbm>>) dst(%dma_wait3A_32 : memref<128x1xf32, #tpu.memory_space<vmem_shared>>)
      tpu.yield
    }) : () -> ()
    "tpu.region"() ({
      %run_scoped3A = tpu.sem_alloc : memref<!tpu.dma_semaphore, #tpu.memory_space<semaphore_mem>>
      tpu.enqueue_dma source(%arg3 : memref<128x1xf32, #tpu.memory_space<hbm>>) target(%arg7 : memref<128x1xf32, #tpu.memory_space<vmem>>) target_semaphore(%run_scoped3A : memref<!tpu.dma_semaphore, #tpu.memory_space<semaphore_mem>>)
      tpu.wait_dma2 semaphore(%run_scoped3A : memref<!tpu.dma_semaphore, #tpu.memory_space<semaphore_mem>>) src(%arg3 : memref<128x1xf32, #tpu.memory_space<hbm>>) dst(%arg7 : memref<128x1xf32, #tpu.memory_space<vmem>>)
      tpu.yield
    }) : () -> ()
    "tpu.region"() ({
      %run_scoped3A = tpu.sem_alloc : memref<!tpu.dma_semaphore, #tpu.memory_space<semaphore_mem>>
      %dma_start3A = arith.constant 0 : i32
      %dma_start3A_31 = arith.constant 0 : i32
      %dma_start3A_32 = tpu.memref_slice %arg2[%add3A, %dma_start3A, %dma_start3A_31] : memref<32x82x128xi32, #tpu.memory_space<hbm>> -> memref<1x82x128xi32, #tpu.memory_space<hbm>>
      %dma_start3A_33 = tpu.memref_squeeze %dma_start3A_32 : memref<1x82x128xi32, #tpu.memory_space<hbm>> -> memref<82x128xi32, #tpu.memory_space<hbm>>
      %dma_start3A_34 = arith.constant 0 : i32
      %dma_start3A_35 = arith.constant 0 : i32
      %dma_start3A_36 = tpu.memref_slice %arg2[%add3A, %dma_start3A_34, %dma_start3A_35] : memref<32x82x128xi32, #tpu.memory_space<hbm>> -> memref<1x82x128xi32, #tpu.memory_space<hbm>>
      %dma_start3A_37 = tpu.memref_squeeze %dma_start3A_36 : memref<1x82x128xi32, #tpu.memory_space<hbm>> -> memref<82x128xi32, #tpu.memory_space<hbm>>
      tpu.enqueue_dma source(%dma_start3A_37 : memref<82x128xi32, #tpu.memory_space<hbm>>) target(%arg6 : memref<82x128xi32, #tpu.memory_space<vmem>>) target_semaphore(%run_scoped3A : memref<!tpu.dma_semaphore, #tpu.memory_space<semaphore_mem>>)
      %dma_wait3A = arith.constant 0 : i32
      %dma_wait3A_38 = arith.constant 0 : i32
      %dma_wait3A_39 = tpu.memref_slice %arg2[%add3A, %dma_wait3A, %dma_wait3A_38] : memref<32x82x128xi32, #tpu.memory_space<hbm>> -> memref<1x82x128xi32, #tpu.memory_space<hbm>>
      %dma_wait3A_40 = tpu.memref_squeeze %dma_wait3A_39 : memref<1x82x128xi32, #tpu.memory_space<hbm>> -> memref<82x128xi32, #tpu.memory_space<hbm>>
      %dma_wait3A_41 = arith.constant 0 : i32
      %dma_wait3A_42 = arith.constant 0 : i32
      %dma_wait3A_43 = tpu.memref_slice %arg2[%add3A, %dma_wait3A_41, %dma_wait3A_42] : memref<32x82x128xi32, #tpu.memory_space<hbm>> -> memref<1x82x128xi32, #tpu.memory_space<hbm>>
      %dma_wait3A_44 = tpu.memref_squeeze %dma_wait3A_43 : memref<1x82x128xi32, #tpu.memory_space<hbm>> -> memref<82x128xi32, #tpu.memory_space<hbm>>
      tpu.wait_dma2 semaphore(%run_scoped3A : memref<!tpu.dma_semaphore, #tpu.memory_space<semaphore_mem>>) src(%dma_wait3A_44 : memref<82x128xi32, #tpu.memory_space<hbm>>) dst(%arg6 : memref<82x128xi32, #tpu.memory_space<vmem>>)
      tpu.yield
    }) : () -> ()
    %barrier3A = arith.constant 0 : index
    tpu.barrier barrier_id(%barrier3A)
    %scan3A = arith.constant 0 : i32
    %scan3A_21 = arith.constant 0 : i32
    %scan3A_22 = arith.constant 82 : i32
    %scan3A_23 = arith.addi %scan3A_21, %scan3A_22 : i32
    %scan3A_24 = arith.constant 1 : i32
    scf.for %scan3A_31 = %scan3A_21 to %scan3A_23 step %scan3A_24  : i32 {
      "tpu.region"() ({
        %run_scoped3A = tpu.sem_alloc : memref<!tpu.dma_semaphore, #tpu.memory_space<semaphore_mem>>
        %dma_start3A = arith.constant 0 : i32
        %dma_start3A_32 = tpu.memref_slice %arg6[%scan3A_31, %dma_start3A] : memref<82x128xi32, #tpu.memory_space<vmem>> -> memref<1x128xi32, #tpu.memory_space<vmem>>
        %dma_start3A_33 = tpu.memref_squeeze %dma_start3A_32 : memref<1x128xi32, #tpu.memory_space<vmem>> -> memref<128xi32, #tpu.memory_space<vmem>>
        %dma_start3A_34 = arith.constant 0 : i32
        %dma_start3A_35 = arith.constant 0 : i32
        %dma_start3A_36 = tpu.memref_slice %arg8[%dma_start3A_34, %dma_start3A_35] : memref<10240x1xf32, #tpu.memory_space<vmem_shared>> -> memref<10240x1xf32, #tpu.memory_space<vmem_shared>>
        tpu.enqueue_indirect_dma source(%arg7 : memref<128x1xf32, #tpu.memory_space<vmem>>) target(%dma_start3A_36 : memref<10240x1xf32, #tpu.memory_space<vmem_shared>>) offsets(%dma_start3A_33 : memref<128xi32, #tpu.memory_space<vmem>>) semaphore(%run_scoped3A : memref<!tpu.dma_semaphore, #tpu.memory_space<semaphore_mem>>) {add = true}
        %dma_wait3A = arith.constant 0 : i32
        %dma_wait3A_37 = tpu.memref_slice %arg6[%scan3A_31, %dma_wait3A] : memref<82x128xi32, #tpu.memory_space<vmem>> -> memref<1x128xi32, #tpu.memory_space<vmem>>
        %dma_wait3A_38 = tpu.memref_squeeze %dma_wait3A_37 : memref<1x128xi32, #tpu.memory_space<vmem>> -> memref<128xi32, #tpu.memory_space<vmem>>
        %dma_wait3A_39 = arith.constant 0 : i32
        %dma_wait3A_40 = arith.constant 0 : i32
        %dma_wait3A_41 = tpu.memref_slice %arg8[%dma_wait3A_39, %dma_wait3A_40] : memref<10240x1xf32, #tpu.memory_space<vmem_shared>> -> memref<10240x1xf32, #tpu.memory_space<vmem_shared>>
        tpu.wait_indirect_dma semaphore(%run_scoped3A : memref<!tpu.dma_semaphore, #tpu.memory_space<semaphore_mem>>) src(%arg7 : memref<128x1xf32, #tpu.memory_space<vmem>>) dst(%dma_wait3A_41 : memref<10240x1xf32, #tpu.memory_space<vmem_shared>>)
        tpu.yield
      }) : () -> ()
    }
    %scan3A_25 = arith.constant 82 : i32
    %barrier3A_26 = arith.constant 0 : index
    tpu.barrier barrier_id(%barrier3A_26)
    %mul3A_27 = arith.constant 640 : i32
    %mul3A_28 = arith.muli %arg1, %mul3A_27 : i32
    %mul3A_29 = arith.constant 640 : i32
    %mul3A_30 = arith.muli %arg1, %mul3A_29 : i32
    "tpu.region"() ({
      %run_scoped3A = tpu.sem_alloc : memref<!tpu.dma_semaphore, #tpu.memory_space<semaphore_mem>>
      %dma_start3A = arith.constant 0 : i32
      %dma_start3A_31 = tpu.memref_slice %arg5[%arg0, %mul3A_30, %dma_start3A] : memref<2x10240x1xf32, #tpu.memory_space<hbm>> -> memref<1x640x1xf32, #tpu.memory_space<hbm>>
      %dma_start3A_32 = tpu.memref_squeeze %dma_start3A_31 : memref<1x640x1xf32, #tpu.memory_space<hbm>> -> memref<640x1xf32, #tpu.memory_space<hbm>>
      %dma_start3A_33 = arith.constant 0 : i32
      %dma_start3A_34 = tpu.memref_slice %arg8[%mul3A_28, %dma_start3A_33] : memref<10240x1xf32, #tpu.memory_space<vmem_shared>> -> memref<640x1xf32, #tpu.memory_space<vmem_shared>>
      tpu.enqueue_dma source(%dma_start3A_34 : memref<640x1xf32, #tpu.memory_space<vmem_shared>>) target(%dma_start3A_32 : memref<640x1xf32, #tpu.memory_space<hbm>>) target_semaphore(%run_scoped3A : memref<!tpu.dma_semaphore, #tpu.memory_space<semaphore_mem>>)
      %dma_wait3A = arith.constant 0 : i32
      %dma_wait3A_35 = tpu.memref_slice %arg5[%arg0, %mul3A_30, %dma_wait3A] : memref<2x10240x1xf32, #tpu.memory_space<hbm>> -> memref<1x640x1xf32, #tpu.memory_space<hbm>>
      %dma_wait3A_36 = tpu.memref_squeeze %dma_wait3A_35 : memref<1x640x1xf32, #tpu.memory_space<hbm>> -> memref<640x1xf32, #tpu.memory_space<hbm>>
      %dma_wait3A_37 = arith.constant 0 : i32
      %dma_wait3A_38 = tpu.memref_slice %arg8[%mul3A_28, %dma_wait3A_37] : memref<10240x1xf32, #tpu.memory_space<vmem_shared>> -> memref<640x1xf32, #tpu.memory_space<vmem_shared>>
      tpu.wait_dma2 semaphore(%run_scoped3A : memref<!tpu.dma_semaphore, #tpu.memory_space<semaphore_mem>>) src(%dma_wait3A_38 : memref<640x1xf32, #tpu.memory_space<vmem_shared>>) dst(%dma_wait3A_36 : memref<640x1xf32, #tpu.memory_space<hbm>>)
      tpu.yield
    }) : () -> ()
    return
  }
}

#map = affine_map<(d0, d1) -> (0, 0)>
#map1 = affine_map<(d0, d1) -> (0, 0, 0)>
module attributes {stable_mosaic.version = 14 : i64} {
  func.func @sg_prop(%arg0: i32, %arg1: i32, %arg2: memref<10240x128xf32, #tpu.memory_space<hbm>>, %arg3: memref<32x82x128xi32, #tpu.memory_space<hbm>>, %arg4: memref<32x82x128xi32, #tpu.memory_space<hbm>>, %arg5: memref<128x128xf32, #tpu.memory_space<hbm>>, %arg6: memref<2x10240x128xf32, #tpu.memory_space<hbm>>, %arg7: memref<82x128xi32, #tpu.memory_space<vmem>>, %arg8: memref<82x128xi32, #tpu.memory_space<vmem>>, %arg9: memref<128x128xf32, #tpu.memory_space<vmem>>, %arg10: memref<10240x128xf32, #tpu.memory_space<vmem_shared>>, %arg11: memref<!tpu.dma_semaphore, #tpu.memory_space<semaphore_mem>>) attributes {dimension_semantics = [#tpu.dimension_semantics<core_parallel>, #tpu.dimension_semantics<subcore_parallel>], iteration_bounds = array<i64: 2, 16>, scalar_prefetch = 0 : i64, scratch_operands = 5 : i64, tpu.core_type = #tpu.core_type<sc_vector_subcore>, window_params = [{transform_indices = #map}, {transform_indices = #map1}, {transform_indices = #map1}, {transform_indices = #map}, {transform_indices = #map1}]} {
    %mul3A = arith.constant 16 : i32
    %mul3A_0 = arith.muli %arg0, %mul3A : i32
    %add3A = arith.addi %mul3A_0, %arg1 : i32
    %mul3A_1 = arith.constant 640 : i32
    %mul3A_2 = arith.muli %arg1, %mul3A_1 : i32
    %add3A_3 = arith.constant 0 : i32
    %add3A_4 = arith.addi %mul3A_2, %add3A_3 : i32
    "tpu.region"() ({
      %run_scoped3A = tpu.sem_alloc : memref<!tpu.dma_semaphore, #tpu.memory_space<semaphore_mem>>
      %dma_start3A = arith.constant 0 : i32
      %dma_start3A_67 = tpu.memref_slice %arg10[%add3A_4, %dma_start3A] : memref<10240x128xf32, #tpu.memory_space<vmem_shared>> -> memref<128x128xf32, #tpu.memory_space<vmem_shared>>
      tpu.enqueue_dma source(%arg5 : memref<128x128xf32, #tpu.memory_space<hbm>>) target(%dma_start3A_67 : memref<128x128xf32, #tpu.memory_space<vmem_shared>>) target_semaphore(%run_scoped3A : memref<!tpu.dma_semaphore, #tpu.memory_space<semaphore_mem>>)
      %dma_wait3A = arith.constant 0 : i32
      %dma_wait3A_68 = tpu.memref_slice %arg10[%add3A_4, %dma_wait3A] : memref<10240x128xf32, #tpu.memory_space<vmem_shared>> -> memref<128x128xf32, #tpu.memory_space<vmem_shared>>
      tpu.wait_dma2 semaphore(%run_scoped3A : memref<!tpu.dma_semaphore, #tpu.memory_space<semaphore_mem>>) src(%arg5 : memref<128x128xf32, #tpu.memory_space<hbm>>) dst(%dma_wait3A_68 : memref<128x128xf32, #tpu.memory_space<vmem_shared>>)
      tpu.yield
    }) : () -> ()
    %mul3A_5 = arith.constant 640 : i32
    %mul3A_6 = arith.muli %arg1, %mul3A_5 : i32
    %add3A_7 = arith.constant 128 : i32
    %add3A_8 = arith.addi %mul3A_6, %add3A_7 : i32
    "tpu.region"() ({
      %run_scoped3A = tpu.sem_alloc : memref<!tpu.dma_semaphore, #tpu.memory_space<semaphore_mem>>
      %dma_start3A = arith.constant 0 : i32
      %dma_start3A_67 = tpu.memref_slice %arg10[%add3A_8, %dma_start3A] : memref<10240x128xf32, #tpu.memory_space<vmem_shared>> -> memref<128x128xf32, #tpu.memory_space<vmem_shared>>
      tpu.enqueue_dma source(%arg5 : memref<128x128xf32, #tpu.memory_space<hbm>>) target(%dma_start3A_67 : memref<128x128xf32, #tpu.memory_space<vmem_shared>>) target_semaphore(%run_scoped3A : memref<!tpu.dma_semaphore, #tpu.memory_space<semaphore_mem>>)
      %dma_wait3A = arith.constant 0 : i32
      %dma_wait3A_68 = tpu.memref_slice %arg10[%add3A_8, %dma_wait3A] : memref<10240x128xf32, #tpu.memory_space<vmem_shared>> -> memref<128x128xf32, #tpu.memory_space<vmem_shared>>
      tpu.wait_dma2 semaphore(%run_scoped3A : memref<!tpu.dma_semaphore, #tpu.memory_space<semaphore_mem>>) src(%arg5 : memref<128x128xf32, #tpu.memory_space<hbm>>) dst(%dma_wait3A_68 : memref<128x128xf32, #tpu.memory_space<vmem_shared>>)
      tpu.yield
    }) : () -> ()
    %mul3A_9 = arith.constant 640 : i32
    %mul3A_10 = arith.muli %arg1, %mul3A_9 : i32
    %add3A_11 = arith.constant 256 : i32
    %add3A_12 = arith.addi %mul3A_10, %add3A_11 : i32
    "tpu.region"() ({
      %run_scoped3A = tpu.sem_alloc : memref<!tpu.dma_semaphore, #tpu.memory_space<semaphore_mem>>
      %dma_start3A = arith.constant 0 : i32
      %dma_start3A_67 = tpu.memref_slice %arg10[%add3A_12, %dma_start3A] : memref<10240x128xf32, #tpu.memory_space<vmem_shared>> -> memref<128x128xf32, #tpu.memory_space<vmem_shared>>
      tpu.enqueue_dma source(%arg5 : memref<128x128xf32, #tpu.memory_space<hbm>>) target(%dma_start3A_67 : memref<128x128xf32, #tpu.memory_space<vmem_shared>>) target_semaphore(%run_scoped3A : memref<!tpu.dma_semaphore, #tpu.memory_space<semaphore_mem>>)
      %dma_wait3A = arith.constant 0 : i32
      %dma_wait3A_68 = tpu.memref_slice %arg10[%add3A_12, %dma_wait3A] : memref<10240x128xf32, #tpu.memory_space<vmem_shared>> -> memref<128x128xf32, #tpu.memory_space<vmem_shared>>
      tpu.wait_dma2 semaphore(%run_scoped3A : memref<!tpu.dma_semaphore, #tpu.memory_space<semaphore_mem>>) src(%arg5 : memref<128x128xf32, #tpu.memory_space<hbm>>) dst(%dma_wait3A_68 : memref<128x128xf32, #tpu.memory_space<vmem_shared>>)
      tpu.yield
    }) : () -> ()
    %mul3A_13 = arith.constant 640 : i32
    %mul3A_14 = arith.muli %arg1, %mul3A_13 : i32
    %add3A_15 = arith.constant 384 : i32
    %add3A_16 = arith.addi %mul3A_14, %add3A_15 : i32
    "tpu.region"() ({
      %run_scoped3A = tpu.sem_alloc : memref<!tpu.dma_semaphore, #tpu.memory_space<semaphore_mem>>
      %dma_start3A = arith.constant 0 : i32
      %dma_start3A_67 = tpu.memref_slice %arg10[%add3A_16, %dma_start3A] : memref<10240x128xf32, #tpu.memory_space<vmem_shared>> -> memref<128x128xf32, #tpu.memory_space<vmem_shared>>
      tpu.enqueue_dma source(%arg5 : memref<128x128xf32, #tpu.memory_space<hbm>>) target(%dma_start3A_67 : memref<128x128xf32, #tpu.memory_space<vmem_shared>>) target_semaphore(%run_scoped3A : memref<!tpu.dma_semaphore, #tpu.memory_space<semaphore_mem>>)
      %dma_wait3A = arith.constant 0 : i32
      %dma_wait3A_68 = tpu.memref_slice %arg10[%add3A_16, %dma_wait3A] : memref<10240x128xf32, #tpu.memory_space<vmem_shared>> -> memref<128x128xf32, #tpu.memory_space<vmem_shared>>
      tpu.wait_dma2 semaphore(%run_scoped3A : memref<!tpu.dma_semaphore, #tpu.memory_space<semaphore_mem>>) src(%arg5 : memref<128x128xf32, #tpu.memory_space<hbm>>) dst(%dma_wait3A_68 : memref<128x128xf32, #tpu.memory_space<vmem_shared>>)
      tpu.yield
    }) : () -> ()
    %mul3A_17 = arith.constant 640 : i32
    %mul3A_18 = arith.muli %arg1, %mul3A_17 : i32
    %add3A_19 = arith.constant 512 : i32
    %add3A_20 = arith.addi %mul3A_18, %add3A_19 : i32
    "tpu.region"() ({
      %run_scoped3A = tpu.sem_alloc : memref<!tpu.dma_semaphore, #tpu.memory_space<semaphore_mem>>
      %dma_start3A = arith.constant 0 : i32
      %dma_start3A_67 = tpu.memref_slice %arg10[%add3A_20, %dma_start3A] : memref<10240x128xf32, #tpu.memory_space<vmem_shared>> -> memref<128x128xf32, #tpu.memory_space<vmem_shared>>
      tpu.enqueue_dma source(%arg5 : memref<128x128xf32, #tpu.memory_space<hbm>>) target(%dma_start3A_67 : memref<128x128xf32, #tpu.memory_space<vmem_shared>>) target_semaphore(%run_scoped3A : memref<!tpu.dma_semaphore, #tpu.memory_space<semaphore_mem>>)
      %dma_wait3A = arith.constant 0 : i32
      %dma_wait3A_68 = tpu.memref_slice %arg10[%add3A_20, %dma_wait3A] : memref<10240x128xf32, #tpu.memory_space<vmem_shared>> -> memref<128x128xf32, #tpu.memory_space<vmem_shared>>
      tpu.wait_dma2 semaphore(%run_scoped3A : memref<!tpu.dma_semaphore, #tpu.memory_space<semaphore_mem>>) src(%arg5 : memref<128x128xf32, #tpu.memory_space<hbm>>) dst(%dma_wait3A_68 : memref<128x128xf32, #tpu.memory_space<vmem_shared>>)
      tpu.yield
    }) : () -> ()
    "tpu.region"() ({
      %run_scoped3A = tpu.sem_alloc : memref<!tpu.dma_semaphore, #tpu.memory_space<semaphore_mem>>
      %dma_start3A = arith.constant 0 : i32
      %dma_start3A_67 = arith.constant 0 : i32
      %dma_start3A_68 = tpu.memref_slice %arg3[%add3A, %dma_start3A, %dma_start3A_67] : memref<32x82x128xi32, #tpu.memory_space<hbm>> -> memref<1x82x128xi32, #tpu.memory_space<hbm>>
      %dma_start3A_69 = tpu.memref_squeeze %dma_start3A_68 : memref<1x82x128xi32, #tpu.memory_space<hbm>> -> memref<82x128xi32, #tpu.memory_space<hbm>>
      %dma_start3A_70 = arith.constant 0 : i32
      %dma_start3A_71 = arith.constant 0 : i32
      %dma_start3A_72 = tpu.memref_slice %arg3[%add3A, %dma_start3A_70, %dma_start3A_71] : memref<32x82x128xi32, #tpu.memory_space<hbm>> -> memref<1x82x128xi32, #tpu.memory_space<hbm>>
      %dma_start3A_73 = tpu.memref_squeeze %dma_start3A_72 : memref<1x82x128xi32, #tpu.memory_space<hbm>> -> memref<82x128xi32, #tpu.memory_space<hbm>>
      tpu.enqueue_dma source(%dma_start3A_73 : memref<82x128xi32, #tpu.memory_space<hbm>>) target(%arg7 : memref<82x128xi32, #tpu.memory_space<vmem>>) target_semaphore(%run_scoped3A : memref<!tpu.dma_semaphore, #tpu.memory_space<semaphore_mem>>)
      %dma_wait3A = arith.constant 0 : i32
      %dma_wait3A_74 = arith.constant 0 : i32
      %dma_wait3A_75 = tpu.memref_slice %arg3[%add3A, %dma_wait3A, %dma_wait3A_74] : memref<32x82x128xi32, #tpu.memory_space<hbm>> -> memref<1x82x128xi32, #tpu.memory_space<hbm>>
      %dma_wait3A_76 = tpu.memref_squeeze %dma_wait3A_75 : memref<1x82x128xi32, #tpu.memory_space<hbm>> -> memref<82x128xi32, #tpu.memory_space<hbm>>
      %dma_wait3A_77 = arith.constant 0 : i32
      %dma_wait3A_78 = arith.constant 0 : i32
      %dma_wait3A_79 = tpu.memref_slice %arg3[%add3A, %dma_wait3A_77, %dma_wait3A_78] : memref<32x82x128xi32, #tpu.memory_space<hbm>> -> memref<1x82x128xi32, #tpu.memory_space<hbm>>
      %dma_wait3A_80 = tpu.memref_squeeze %dma_wait3A_79 : memref<1x82x128xi32, #tpu.memory_space<hbm>> -> memref<82x128xi32, #tpu.memory_space<hbm>>
      tpu.wait_dma2 semaphore(%run_scoped3A : memref<!tpu.dma_semaphore, #tpu.memory_space<semaphore_mem>>) src(%dma_wait3A_80 : memref<82x128xi32, #tpu.memory_space<hbm>>) dst(%arg7 : memref<82x128xi32, #tpu.memory_space<vmem>>)
      tpu.yield
    }) : () -> ()
    "tpu.region"() ({
      %run_scoped3A = tpu.sem_alloc : memref<!tpu.dma_semaphore, #tpu.memory_space<semaphore_mem>>
      %dma_start3A = arith.constant 0 : i32
      %dma_start3A_67 = arith.constant 0 : i32
      %dma_start3A_68 = tpu.memref_slice %arg4[%add3A, %dma_start3A, %dma_start3A_67] : memref<32x82x128xi32, #tpu.memory_space<hbm>> -> memref<1x82x128xi32, #tpu.memory_space<hbm>>
      %dma_start3A_69 = tpu.memref_squeeze %dma_start3A_68 : memref<1x82x128xi32, #tpu.memory_space<hbm>> -> memref<82x128xi32, #tpu.memory_space<hbm>>
      %dma_start3A_70 = arith.constant 0 : i32
      %dma_start3A_71 = arith.constant 0 : i32
      %dma_start3A_72 = tpu.memref_slice %arg4[%add3A, %dma_start3A_70, %dma_start3A_71] : memref<32x82x128xi32, #tpu.memory_space<hbm>> -> memref<1x82x128xi32, #tpu.memory_space<hbm>>
      %dma_start3A_73 = tpu.memref_squeeze %dma_start3A_72 : memref<1x82x128xi32, #tpu.memory_space<hbm>> -> memref<82x128xi32, #tpu.memory_space<hbm>>
      tpu.enqueue_dma source(%dma_start3A_73 : memref<82x128xi32, #tpu.memory_space<hbm>>) target(%arg8 : memref<82x128xi32, #tpu.memory_space<vmem>>) target_semaphore(%run_scoped3A : memref<!tpu.dma_semaphore, #tpu.memory_space<semaphore_mem>>)
      %dma_wait3A = arith.constant 0 : i32
      %dma_wait3A_74 = arith.constant 0 : i32
      %dma_wait3A_75 = tpu.memref_slice %arg4[%add3A, %dma_wait3A, %dma_wait3A_74] : memref<32x82x128xi32, #tpu.memory_space<hbm>> -> memref<1x82x128xi32, #tpu.memory_space<hbm>>
      %dma_wait3A_76 = tpu.memref_squeeze %dma_wait3A_75 : memref<1x82x128xi32, #tpu.memory_space<hbm>> -> memref<82x128xi32, #tpu.memory_space<hbm>>
      %dma_wait3A_77 = arith.constant 0 : i32
      %dma_wait3A_78 = arith.constant 0 : i32
      %dma_wait3A_79 = tpu.memref_slice %arg4[%add3A, %dma_wait3A_77, %dma_wait3A_78] : memref<32x82x128xi32, #tpu.memory_space<hbm>> -> memref<1x82x128xi32, #tpu.memory_space<hbm>>
      %dma_wait3A_80 = tpu.memref_squeeze %dma_wait3A_79 : memref<1x82x128xi32, #tpu.memory_space<hbm>> -> memref<82x128xi32, #tpu.memory_space<hbm>>
      tpu.wait_dma2 semaphore(%run_scoped3A : memref<!tpu.dma_semaphore, #tpu.memory_space<semaphore_mem>>) src(%dma_wait3A_80 : memref<82x128xi32, #tpu.memory_space<hbm>>) dst(%arg8 : memref<82x128xi32, #tpu.memory_space<vmem>>)
      tpu.yield
    }) : () -> ()
    %barrier3A = arith.constant 0 : index
    tpu.barrier barrier_id(%barrier3A)
    %scan3A = arith.constant 0 : i32
    %scan3A_21 = arith.constant 0 : i32
    %scan3A_22 = arith.constant 82 : i32
    %scan3A_23 = arith.addi %scan3A_21, %scan3A_22 : i32
    %scan3A_24 = arith.constant 1 : i32
    scf.for %scan3A_67 = %scan3A_21 to %scan3A_23 step %scan3A_24  : i32 {
      %dma_start3A = arith.constant 0 : i32
      %dma_start3A_68 = tpu.memref_slice %arg7[%scan3A_67, %dma_start3A] : memref<82x128xi32, #tpu.memory_space<vmem>> -> memref<1x128xi32, #tpu.memory_space<vmem>>
      %dma_start3A_69 = tpu.memref_squeeze %dma_start3A_68 : memref<1x128xi32, #tpu.memory_space<vmem>> -> memref<128xi32, #tpu.memory_space<vmem>>
      %dma_start3A_70 = arith.constant 0 : i32
      %dma_start3A_71 = arith.constant 0 : i32
      %dma_start3A_72 = tpu.memref_slice %arg2[%dma_start3A_70, %dma_start3A_71] : memref<10240x128xf32, #tpu.memory_space<hbm>> -> memref<10240x128xf32, #tpu.memory_space<hbm>>
      tpu.enqueue_indirect_dma source(%dma_start3A_72 : memref<10240x128xf32, #tpu.memory_space<hbm>>) target(%arg9 : memref<128x128xf32, #tpu.memory_space<vmem>>) offsets(%dma_start3A_69 : memref<128xi32, #tpu.memory_space<vmem>>) semaphore(%arg11 : memref<!tpu.dma_semaphore, #tpu.memory_space<semaphore_mem>>)
      %dma_wait3A = arith.constant 0 : i32
      %dma_wait3A_73 = tpu.memref_slice %arg7[%scan3A_67, %dma_wait3A] : memref<82x128xi32, #tpu.memory_space<vmem>> -> memref<1x128xi32, #tpu.memory_space<vmem>>
      %dma_wait3A_74 = tpu.memref_squeeze %dma_wait3A_73 : memref<1x128xi32, #tpu.memory_space<vmem>> -> memref<128xi32, #tpu.memory_space<vmem>>
      %dma_wait3A_75 = arith.constant 0 : i32
      %dma_wait3A_76 = arith.constant 0 : i32
      %dma_wait3A_77 = tpu.memref_slice %arg2[%dma_wait3A_75, %dma_wait3A_76] : memref<10240x128xf32, #tpu.memory_space<hbm>> -> memref<10240x128xf32, #tpu.memory_space<hbm>>
      tpu.wait_indirect_dma semaphore(%arg11 : memref<!tpu.dma_semaphore, #tpu.memory_space<semaphore_mem>>) src(%dma_wait3A_77 : memref<10240x128xf32, #tpu.memory_space<hbm>>) dst(%arg9 : memref<128x128xf32, #tpu.memory_space<vmem>>)
      "tpu.region"() ({
        %run_scoped3A = tpu.sem_alloc : memref<!tpu.dma_semaphore, #tpu.memory_space<semaphore_mem>>
        %dma_start3A_78 = arith.constant 0 : i32
        %dma_start3A_79 = tpu.memref_slice %arg8[%scan3A_67, %dma_start3A_78] : memref<82x128xi32, #tpu.memory_space<vmem>> -> memref<1x128xi32, #tpu.memory_space<vmem>>
        %dma_start3A_80 = tpu.memref_squeeze %dma_start3A_79 : memref<1x128xi32, #tpu.memory_space<vmem>> -> memref<128xi32, #tpu.memory_space<vmem>>
        %dma_start3A_81 = arith.constant 0 : i32
        %dma_start3A_82 = arith.constant 0 : i32
        %dma_start3A_83 = tpu.memref_slice %arg10[%dma_start3A_81, %dma_start3A_82] : memref<10240x128xf32, #tpu.memory_space<vmem_shared>> -> memref<10240x128xf32, #tpu.memory_space<vmem_shared>>
        tpu.enqueue_indirect_dma source(%arg9 : memref<128x128xf32, #tpu.memory_space<vmem>>) target(%dma_start3A_83 : memref<10240x128xf32, #tpu.memory_space<vmem_shared>>) offsets(%dma_start3A_80 : memref<128xi32, #tpu.memory_space<vmem>>) semaphore(%run_scoped3A : memref<!tpu.dma_semaphore, #tpu.memory_space<semaphore_mem>>) {add = true}
        %dma_wait3A_84 = arith.constant 0 : i32
        %dma_wait3A_85 = tpu.memref_slice %arg8[%scan3A_67, %dma_wait3A_84] : memref<82x128xi32, #tpu.memory_space<vmem>> -> memref<1x128xi32, #tpu.memory_space<vmem>>
        %dma_wait3A_86 = tpu.memref_squeeze %dma_wait3A_85 : memref<1x128xi32, #tpu.memory_space<vmem>> -> memref<128xi32, #tpu.memory_space<vmem>>
        %dma_wait3A_87 = arith.constant 0 : i32
        %dma_wait3A_88 = arith.constant 0 : i32
        %dma_wait3A_89 = tpu.memref_slice %arg10[%dma_wait3A_87, %dma_wait3A_88] : memref<10240x128xf32, #tpu.memory_space<vmem_shared>> -> memref<10240x128xf32, #tpu.memory_space<vmem_shared>>
        tpu.wait_indirect_dma semaphore(%run_scoped3A : memref<!tpu.dma_semaphore, #tpu.memory_space<semaphore_mem>>) src(%arg9 : memref<128x128xf32, #tpu.memory_space<vmem>>) dst(%dma_wait3A_89 : memref<10240x128xf32, #tpu.memory_space<vmem_shared>>)
        tpu.yield
      }) : () -> ()
    }
    %scan3A_25 = arith.constant 82 : i32
    %barrier3A_26 = arith.constant 0 : index
    tpu.barrier barrier_id(%barrier3A_26)
    %mul3A_27 = arith.constant 640 : i32
    %mul3A_28 = arith.muli %arg1, %mul3A_27 : i32
    %add3A_29 = arith.constant 0 : i32
    %add3A_30 = arith.addi %mul3A_28, %add3A_29 : i32
    %mul3A_31 = arith.constant 640 : i32
    %mul3A_32 = arith.muli %arg1, %mul3A_31 : i32
    %add3A_33 = arith.constant 0 : i32
    %add3A_34 = arith.addi %mul3A_32, %add3A_33 : i32
    "tpu.region"() ({
      %run_scoped3A = tpu.sem_alloc : memref<!tpu.dma_semaphore, #tpu.memory_space<semaphore_mem>>
      %dma_start3A = arith.constant 0 : i32
      %dma_start3A_67 = tpu.memref_slice %arg6[%arg0, %add3A_34, %dma_start3A] : memref<2x10240x128xf32, #tpu.memory_space<hbm>> -> memref<1x128x128xf32, #tpu.memory_space<hbm>>
      %dma_start3A_68 = tpu.memref_squeeze %dma_start3A_67 : memref<1x128x128xf32, #tpu.memory_space<hbm>> -> memref<128x128xf32, #tpu.memory_space<hbm>>
      %dma_start3A_69 = arith.constant 0 : i32
      %dma_start3A_70 = tpu.memref_slice %arg10[%add3A_30, %dma_start3A_69] : memref<10240x128xf32, #tpu.memory_space<vmem_shared>> -> memref<128x128xf32, #tpu.memory_space<vmem_shared>>
      tpu.enqueue_dma source(%dma_start3A_70 : memref<128x128xf32, #tpu.memory_space<vmem_shared>>) target(%dma_start3A_68 : memref<128x128xf32, #tpu.memory_space<hbm>>) target_semaphore(%run_scoped3A : memref<!tpu.dma_semaphore, #tpu.memory_space<semaphore_mem>>)
      %dma_wait3A = arith.constant 0 : i32
      %dma_wait3A_71 = tpu.memref_slice %arg6[%arg0, %add3A_34, %dma_wait3A] : memref<2x10240x128xf32, #tpu.memory_space<hbm>> -> memref<1x128x128xf32, #tpu.memory_space<hbm>>
      %dma_wait3A_72 = tpu.memref_squeeze %dma_wait3A_71 : memref<1x128x128xf32, #tpu.memory_space<hbm>> -> memref<128x128xf32, #tpu.memory_space<hbm>>
      %dma_wait3A_73 = arith.constant 0 : i32
      %dma_wait3A_74 = tpu.memref_slice %arg10[%add3A_30, %dma_wait3A_73] : memref<10240x128xf32, #tpu.memory_space<vmem_shared>> -> memref<128x128xf32, #tpu.memory_space<vmem_shared>>
      tpu.wait_dma2 semaphore(%run_scoped3A : memref<!tpu.dma_semaphore, #tpu.memory_space<semaphore_mem>>) src(%dma_wait3A_74 : memref<128x128xf32, #tpu.memory_space<vmem_shared>>) dst(%dma_wait3A_72 : memref<128x128xf32, #tpu.memory_space<hbm>>)
      tpu.yield
    }) : () -> ()
    %mul3A_35 = arith.constant 640 : i32
    %mul3A_36 = arith.muli %arg1, %mul3A_35 : i32
    %add3A_37 = arith.constant 128 : i32
    %add3A_38 = arith.addi %mul3A_36, %add3A_37 : i32
    %mul3A_39 = arith.constant 640 : i32
    %mul3A_40 = arith.muli %arg1, %mul3A_39 : i32
    %add3A_41 = arith.constant 128 : i32
    %add3A_42 = arith.addi %mul3A_40, %add3A_41 : i32
    "tpu.region"() ({
      %run_scoped3A = tpu.sem_alloc : memref<!tpu.dma_semaphore, #tpu.memory_space<semaphore_mem>>
      %dma_start3A = arith.constant 0 : i32
      %dma_start3A_67 = tpu.memref_slice %arg6[%arg0, %add3A_42, %dma_start3A] : memref<2x10240x128xf32, #tpu.memory_space<hbm>> -> memref<1x128x128xf32, #tpu.memory_space<hbm>>
      %dma_start3A_68 = tpu.memref_squeeze %dma_start3A_67 : memref<1x128x128xf32, #tpu.memory_space<hbm>> -> memref<128x128xf32, #tpu.memory_space<hbm>>
      %dma_start3A_69 = arith.constant 0 : i32
      %dma_start3A_70 = tpu.memref_slice %arg10[%add3A_38, %dma_start3A_69] : memref<10240x128xf32, #tpu.memory_space<vmem_shared>> -> memref<128x128xf32, #tpu.memory_space<vmem_shared>>
      tpu.enqueue_dma source(%dma_start3A_70 : memref<128x128xf32, #tpu.memory_space<vmem_shared>>) target(%dma_start3A_68 : memref<128x128xf32, #tpu.memory_space<hbm>>) target_semaphore(%run_scoped3A : memref<!tpu.dma_semaphore, #tpu.memory_space<semaphore_mem>>)
      %dma_wait3A = arith.constant 0 : i32
      %dma_wait3A_71 = tpu.memref_slice %arg6[%arg0, %add3A_42, %dma_wait3A] : memref<2x10240x128xf32, #tpu.memory_space<hbm>> -> memref<1x128x128xf32, #tpu.memory_space<hbm>>
      %dma_wait3A_72 = tpu.memref_squeeze %dma_wait3A_71 : memref<1x128x128xf32, #tpu.memory_space<hbm>> -> memref<128x128xf32, #tpu.memory_space<hbm>>
      %dma_wait3A_73 = arith.constant 0 : i32
      %dma_wait3A_74 = tpu.memref_slice %arg10[%add3A_38, %dma_wait3A_73] : memref<10240x128xf32, #tpu.memory_space<vmem_shared>> -> memref<128x128xf32, #tpu.memory_space<vmem_shared>>
      tpu.wait_dma2 semaphore(%run_scoped3A : memref<!tpu.dma_semaphore, #tpu.memory_space<semaphore_mem>>) src(%dma_wait3A_74 : memref<128x128xf32, #tpu.memory_space<vmem_shared>>) dst(%dma_wait3A_72 : memref<128x128xf32, #tpu.memory_space<hbm>>)
      tpu.yield
    }) : () -> ()
    %mul3A_43 = arith.constant 640 : i32
    %mul3A_44 = arith.muli %arg1, %mul3A_43 : i32
    %add3A_45 = arith.constant 256 : i32
    %add3A_46 = arith.addi %mul3A_44, %add3A_45 : i32
    %mul3A_47 = arith.constant 640 : i32
    %mul3A_48 = arith.muli %arg1, %mul3A_47 : i32
    %add3A_49 = arith.constant 256 : i32
    %add3A_50 = arith.addi %mul3A_48, %add3A_49 : i32
    "tpu.region"() ({
      %run_scoped3A = tpu.sem_alloc : memref<!tpu.dma_semaphore, #tpu.memory_space<semaphore_mem>>
      %dma_start3A = arith.constant 0 : i32
      %dma_start3A_67 = tpu.memref_slice %arg6[%arg0, %add3A_50, %dma_start3A] : memref<2x10240x128xf32, #tpu.memory_space<hbm>> -> memref<1x128x128xf32, #tpu.memory_space<hbm>>
      %dma_start3A_68 = tpu.memref_squeeze %dma_start3A_67 : memref<1x128x128xf32, #tpu.memory_space<hbm>> -> memref<128x128xf32, #tpu.memory_space<hbm>>
      %dma_start3A_69 = arith.constant 0 : i32
      %dma_start3A_70 = tpu.memref_slice %arg10[%add3A_46, %dma_start3A_69] : memref<10240x128xf32, #tpu.memory_space<vmem_shared>> -> memref<128x128xf32, #tpu.memory_space<vmem_shared>>
      tpu.enqueue_dma source(%dma_start3A_70 : memref<128x128xf32, #tpu.memory_space<vmem_shared>>) target(%dma_start3A_68 : memref<128x128xf32, #tpu.memory_space<hbm>>) target_semaphore(%run_scoped3A : memref<!tpu.dma_semaphore, #tpu.memory_space<semaphore_mem>>)
      %dma_wait3A = arith.constant 0 : i32
      %dma_wait3A_71 = tpu.memref_slice %arg6[%arg0, %add3A_50, %dma_wait3A] : memref<2x10240x128xf32, #tpu.memory_space<hbm>> -> memref<1x128x128xf32, #tpu.memory_space<hbm>>
      %dma_wait3A_72 = tpu.memref_squeeze %dma_wait3A_71 : memref<1x128x128xf32, #tpu.memory_space<hbm>> -> memref<128x128xf32, #tpu.memory_space<hbm>>
      %dma_wait3A_73 = arith.constant 0 : i32
      %dma_wait3A_74 = tpu.memref_slice %arg10[%add3A_46, %dma_wait3A_73] : memref<10240x128xf32, #tpu.memory_space<vmem_shared>> -> memref<128x128xf32, #tpu.memory_space<vmem_shared>>
      tpu.wait_dma2 semaphore(%run_scoped3A : memref<!tpu.dma_semaphore, #tpu.memory_space<semaphore_mem>>) src(%dma_wait3A_74 : memref<128x128xf32, #tpu.memory_space<vmem_shared>>) dst(%dma_wait3A_72 : memref<128x128xf32, #tpu.memory_space<hbm>>)
      tpu.yield
    }) : () -> ()
    %mul3A_51 = arith.constant 640 : i32
    %mul3A_52 = arith.muli %arg1, %mul3A_51 : i32
    %add3A_53 = arith.constant 384 : i32
    %add3A_54 = arith.addi %mul3A_52, %add3A_53 : i32
    %mul3A_55 = arith.constant 640 : i32
    %mul3A_56 = arith.muli %arg1, %mul3A_55 : i32
    %add3A_57 = arith.constant 384 : i32
    %add3A_58 = arith.addi %mul3A_56, %add3A_57 : i32
    "tpu.region"() ({
      %run_scoped3A = tpu.sem_alloc : memref<!tpu.dma_semaphore, #tpu.memory_space<semaphore_mem>>
      %dma_start3A = arith.constant 0 : i32
      %dma_start3A_67 = tpu.memref_slice %arg6[%arg0, %add3A_58, %dma_start3A] : memref<2x10240x128xf32, #tpu.memory_space<hbm>> -> memref<1x128x128xf32, #tpu.memory_space<hbm>>
      %dma_start3A_68 = tpu.memref_squeeze %dma_start3A_67 : memref<1x128x128xf32, #tpu.memory_space<hbm>> -> memref<128x128xf32, #tpu.memory_space<hbm>>
      %dma_start3A_69 = arith.constant 0 : i32
      %dma_start3A_70 = tpu.memref_slice %arg10[%add3A_54, %dma_start3A_69] : memref<10240x128xf32, #tpu.memory_space<vmem_shared>> -> memref<128x128xf32, #tpu.memory_space<vmem_shared>>
      tpu.enqueue_dma source(%dma_start3A_70 : memref<128x128xf32, #tpu.memory_space<vmem_shared>>) target(%dma_start3A_68 : memref<128x128xf32, #tpu.memory_space<hbm>>) target_semaphore(%run_scoped3A : memref<!tpu.dma_semaphore, #tpu.memory_space<semaphore_mem>>)
      %dma_wait3A = arith.constant 0 : i32
      %dma_wait3A_71 = tpu.memref_slice %arg6[%arg0, %add3A_58, %dma_wait3A] : memref<2x10240x128xf32, #tpu.memory_space<hbm>> -> memref<1x128x128xf32, #tpu.memory_space<hbm>>
      %dma_wait3A_72 = tpu.memref_squeeze %dma_wait3A_71 : memref<1x128x128xf32, #tpu.memory_space<hbm>> -> memref<128x128xf32, #tpu.memory_space<hbm>>
      %dma_wait3A_73 = arith.constant 0 : i32
      %dma_wait3A_74 = tpu.memref_slice %arg10[%add3A_54, %dma_wait3A_73] : memref<10240x128xf32, #tpu.memory_space<vmem_shared>> -> memref<128x128xf32, #tpu.memory_space<vmem_shared>>
      tpu.wait_dma2 semaphore(%run_scoped3A : memref<!tpu.dma_semaphore, #tpu.memory_space<semaphore_mem>>) src(%dma_wait3A_74 : memref<128x128xf32, #tpu.memory_space<vmem_shared>>) dst(%dma_wait3A_72 : memref<128x128xf32, #tpu.memory_space<hbm>>)
      tpu.yield
    }) : () -> ()
    %mul3A_59 = arith.constant 640 : i32
    %mul3A_60 = arith.muli %arg1, %mul3A_59 : i32
    %add3A_61 = arith.constant 512 : i32
    %add3A_62 = arith.addi %mul3A_60, %add3A_61 : i32
    %mul3A_63 = arith.constant 640 : i32
    %mul3A_64 = arith.muli %arg1, %mul3A_63 : i32
    %add3A_65 = arith.constant 512 : i32
    %add3A_66 = arith.addi %mul3A_64, %add3A_65 : i32
    "tpu.region"() ({
      %run_scoped3A = tpu.sem_alloc : memref<!tpu.dma_semaphore, #tpu.memory_space<semaphore_mem>>
      %dma_start3A = arith.constant 0 : i32
      %dma_start3A_67 = tpu.memref_slice %arg6[%arg0, %add3A_66, %dma_start3A] : memref<2x10240x128xf32, #tpu.memory_space<hbm>> -> memref<1x128x128xf32, #tpu.memory_space<hbm>>
      %dma_start3A_68 = tpu.memref_squeeze %dma_start3A_67 : memref<1x128x128xf32, #tpu.memory_space<hbm>> -> memref<128x128xf32, #tpu.memory_space<hbm>>
      %dma_start3A_69 = arith.constant 0 : i32
      %dma_start3A_70 = tpu.memref_slice %arg10[%add3A_62, %dma_start3A_69] : memref<10240x128xf32, #tpu.memory_space<vmem_shared>> -> memref<128x128xf32, #tpu.memory_space<vmem_shared>>
      tpu.enqueue_dma source(%dma_start3A_70 : memref<128x128xf32, #tpu.memory_space<vmem_shared>>) target(%dma_start3A_68 : memref<128x128xf32, #tpu.memory_space<hbm>>) target_semaphore(%run_scoped3A : memref<!tpu.dma_semaphore, #tpu.memory_space<semaphore_mem>>)
      %dma_wait3A = arith.constant 0 : i32
      %dma_wait3A_71 = tpu.memref_slice %arg6[%arg0, %add3A_66, %dma_wait3A] : memref<2x10240x128xf32, #tpu.memory_space<hbm>> -> memref<1x128x128xf32, #tpu.memory_space<hbm>>
      %dma_wait3A_72 = tpu.memref_squeeze %dma_wait3A_71 : memref<1x128x128xf32, #tpu.memory_space<hbm>> -> memref<128x128xf32, #tpu.memory_space<hbm>>
      %dma_wait3A_73 = arith.constant 0 : i32
      %dma_wait3A_74 = tpu.memref_slice %arg10[%add3A_62, %dma_wait3A_73] : memref<10240x128xf32, #tpu.memory_space<vmem_shared>> -> memref<128x128xf32, #tpu.memory_space<vmem_shared>>
      tpu.wait_dma2 semaphore(%run_scoped3A : memref<!tpu.dma_semaphore, #tpu.memory_space<semaphore_mem>>) src(%dma_wait3A_74 : memref<128x128xf32, #tpu.memory_space<vmem_shared>>) dst(%dma_wait3A_72 : memref<128x128xf32, #tpu.memory_space<hbm>>)
      tpu.yield
    }) : () -> ()
    return
  }
}

#map = affine_map<(d0, d1) -> (0, 0)>
#map1 = affine_map<(d0, d1) -> (0, 0, 0)>
module attributes {stable_mosaic.version = 14 : i64} {
  func.func @sg_prop(%arg0: i32, %arg1: i32, %arg2: memref<10240x128xf32, #tpu.memory_space<hbm>>, %arg3: memref<32x82x128xi32, #tpu.memory_space<hbm>>, %arg4: memref<32x82x128xi32, #tpu.memory_space<hbm>>, %arg5: memref<128x128xf32, #tpu.memory_space<hbm>>, %arg6: memref<2x10240x128xf32, #tpu.memory_space<hbm>>, %arg7: memref<82x128xi32, #tpu.memory_space<vmem>>, %arg8: memref<82x128xi32, #tpu.memory_space<vmem>>, %arg9: memref<128x128xf32, #tpu.memory_space<vmem>>, %arg10: memref<10240x128xf32, #tpu.memory_space<vmem_shared>>, %arg11: memref<!tpu.dma_semaphore, #tpu.memory_space<semaphore_mem>>) attributes {dimension_semantics = [#tpu.dimension_semantics<core_parallel>, #tpu.dimension_semantics<subcore_parallel>], iteration_bounds = array<i64: 2, 16>, scalar_prefetch = 0 : i64, scratch_operands = 5 : i64, tpu.core_type = #tpu.core_type<sc_vector_subcore>, window_params = [{transform_indices = #map}, {transform_indices = #map1}, {transform_indices = #map1}, {transform_indices = #map}, {transform_indices = #map1}]} {
    %mul3A = arith.constant 16 : i32
    %mul3A_0 = arith.muli %arg0, %mul3A : i32
    %add3A = arith.addi %mul3A_0, %arg1 : i32
    %mul3A_1 = arith.constant 640 : i32
    %mul3A_2 = arith.muli %arg1, %mul3A_1 : i32
    %add3A_3 = arith.constant 0 : i32
    %add3A_4 = arith.addi %mul3A_2, %add3A_3 : i32
    "tpu.region"() ({
      %run_scoped3A = tpu.sem_alloc : memref<!tpu.dma_semaphore, #tpu.memory_space<semaphore_mem>>
      %dma_start3A = arith.constant 0 : i32
      %dma_start3A_67 = tpu.memref_slice %arg10[%add3A_4, %dma_start3A] : memref<10240x128xf32, #tpu.memory_space<vmem_shared>> -> memref<128x128xf32, #tpu.memory_space<vmem_shared>>
      tpu.enqueue_dma source(%arg5 : memref<128x128xf32, #tpu.memory_space<hbm>>) target(%dma_start3A_67 : memref<128x128xf32, #tpu.memory_space<vmem_shared>>) target_semaphore(%run_scoped3A : memref<!tpu.dma_semaphore, #tpu.memory_space<semaphore_mem>>)
      %dma_wait3A = arith.constant 0 : i32
      %dma_wait3A_68 = tpu.memref_slice %arg10[%add3A_4, %dma_wait3A] : memref<10240x128xf32, #tpu.memory_space<vmem_shared>> -> memref<128x128xf32, #tpu.memory_space<vmem_shared>>
      tpu.wait_dma2 semaphore(%run_scoped3A : memref<!tpu.dma_semaphore, #tpu.memory_space<semaphore_mem>>) src(%arg5 : memref<128x128xf32, #tpu.memory_space<hbm>>) dst(%dma_wait3A_68 : memref<128x128xf32, #tpu.memory_space<vmem_shared>>)
      tpu.yield
    }) : () -> ()
    %mul3A_5 = arith.constant 640 : i32
    %mul3A_6 = arith.muli %arg1, %mul3A_5 : i32
    %add3A_7 = arith.constant 128 : i32
    %add3A_8 = arith.addi %mul3A_6, %add3A_7 : i32
    "tpu.region"() ({
      %run_scoped3A = tpu.sem_alloc : memref<!tpu.dma_semaphore, #tpu.memory_space<semaphore_mem>>
      %dma_start3A = arith.constant 0 : i32
      %dma_start3A_67 = tpu.memref_slice %arg10[%add3A_8, %dma_start3A] : memref<10240x128xf32, #tpu.memory_space<vmem_shared>> -> memref<128x128xf32, #tpu.memory_space<vmem_shared>>
      tpu.enqueue_dma source(%arg5 : memref<128x128xf32, #tpu.memory_space<hbm>>) target(%dma_start3A_67 : memref<128x128xf32, #tpu.memory_space<vmem_shared>>) target_semaphore(%run_scoped3A : memref<!tpu.dma_semaphore, #tpu.memory_space<semaphore_mem>>)
      %dma_wait3A = arith.constant 0 : i32
      %dma_wait3A_68 = tpu.memref_slice %arg10[%add3A_8, %dma_wait3A] : memref<10240x128xf32, #tpu.memory_space<vmem_shared>> -> memref<128x128xf32, #tpu.memory_space<vmem_shared>>
      tpu.wait_dma2 semaphore(%run_scoped3A : memref<!tpu.dma_semaphore, #tpu.memory_space<semaphore_mem>>) src(%arg5 : memref<128x128xf32, #tpu.memory_space<hbm>>) dst(%dma_wait3A_68 : memref<128x128xf32, #tpu.memory_space<vmem_shared>>)
      tpu.yield
    }) : () -> ()
    %mul3A_9 = arith.constant 640 : i32
    %mul3A_10 = arith.muli %arg1, %mul3A_9 : i32
    %add3A_11 = arith.constant 256 : i32
    %add3A_12 = arith.addi %mul3A_10, %add3A_11 : i32
    "tpu.region"() ({
      %run_scoped3A = tpu.sem_alloc : memref<!tpu.dma_semaphore, #tpu.memory_space<semaphore_mem>>
      %dma_start3A = arith.constant 0 : i32
      %dma_start3A_67 = tpu.memref_slice %arg10[%add3A_12, %dma_start3A] : memref<10240x128xf32, #tpu.memory_space<vmem_shared>> -> memref<128x128xf32, #tpu.memory_space<vmem_shared>>
      tpu.enqueue_dma source(%arg5 : memref<128x128xf32, #tpu.memory_space<hbm>>) target(%dma_start3A_67 : memref<128x128xf32, #tpu.memory_space<vmem_shared>>) target_semaphore(%run_scoped3A : memref<!tpu.dma_semaphore, #tpu.memory_space<semaphore_mem>>)
      %dma_wait3A = arith.constant 0 : i32
      %dma_wait3A_68 = tpu.memref_slice %arg10[%add3A_12, %dma_wait3A] : memref<10240x128xf32, #tpu.memory_space<vmem_shared>> -> memref<128x128xf32, #tpu.memory_space<vmem_shared>>
      tpu.wait_dma2 semaphore(%run_scoped3A : memref<!tpu.dma_semaphore, #tpu.memory_space<semaphore_mem>>) src(%arg5 : memref<128x128xf32, #tpu.memory_space<hbm>>) dst(%dma_wait3A_68 : memref<128x128xf32, #tpu.memory_space<vmem_shared>>)
      tpu.yield
    }) : () -> ()
    %mul3A_13 = arith.constant 640 : i32
    %mul3A_14 = arith.muli %arg1, %mul3A_13 : i32
    %add3A_15 = arith.constant 384 : i32
    %add3A_16 = arith.addi %mul3A_14, %add3A_15 : i32
    "tpu.region"() ({
      %run_scoped3A = tpu.sem_alloc : memref<!tpu.dma_semaphore, #tpu.memory_space<semaphore_mem>>
      %dma_start3A = arith.constant 0 : i32
      %dma_start3A_67 = tpu.memref_slice %arg10[%add3A_16, %dma_start3A] : memref<10240x128xf32, #tpu.memory_space<vmem_shared>> -> memref<128x128xf32, #tpu.memory_space<vmem_shared>>
      tpu.enqueue_dma source(%arg5 : memref<128x128xf32, #tpu.memory_space<hbm>>) target(%dma_start3A_67 : memref<128x128xf32, #tpu.memory_space<vmem_shared>>) target_semaphore(%run_scoped3A : memref<!tpu.dma_semaphore, #tpu.memory_space<semaphore_mem>>)
      %dma_wait3A = arith.constant 0 : i32
      %dma_wait3A_68 = tpu.memref_slice %arg10[%add3A_16, %dma_wait3A] : memref<10240x128xf32, #tpu.memory_space<vmem_shared>> -> memref<128x128xf32, #tpu.memory_space<vmem_shared>>
      tpu.wait_dma2 semaphore(%run_scoped3A : memref<!tpu.dma_semaphore, #tpu.memory_space<semaphore_mem>>) src(%arg5 : memref<128x128xf32, #tpu.memory_space<hbm>>) dst(%dma_wait3A_68 : memref<128x128xf32, #tpu.memory_space<vmem_shared>>)
      tpu.yield
    }) : () -> ()
    %mul3A_17 = arith.constant 640 : i32
    %mul3A_18 = arith.muli %arg1, %mul3A_17 : i32
    %add3A_19 = arith.constant 512 : i32
    %add3A_20 = arith.addi %mul3A_18, %add3A_19 : i32
    "tpu.region"() ({
      %run_scoped3A = tpu.sem_alloc : memref<!tpu.dma_semaphore, #tpu.memory_space<semaphore_mem>>
      %dma_start3A = arith.constant 0 : i32
      %dma_start3A_67 = tpu.memref_slice %arg10[%add3A_20, %dma_start3A] : memref<10240x128xf32, #tpu.memory_space<vmem_shared>> -> memref<128x128xf32, #tpu.memory_space<vmem_shared>>
      tpu.enqueue_dma source(%arg5 : memref<128x128xf32, #tpu.memory_space<hbm>>) target(%dma_start3A_67 : memref<128x128xf32, #tpu.memory_space<vmem_shared>>) target_semaphore(%run_scoped3A : memref<!tpu.dma_semaphore, #tpu.memory_space<semaphore_mem>>)
      %dma_wait3A = arith.constant 0 : i32
      %dma_wait3A_68 = tpu.memref_slice %arg10[%add3A_20, %dma_wait3A] : memref<10240x128xf32, #tpu.memory_space<vmem_shared>> -> memref<128x128xf32, #tpu.memory_space<vmem_shared>>
      tpu.wait_dma2 semaphore(%run_scoped3A : memref<!tpu.dma_semaphore, #tpu.memory_space<semaphore_mem>>) src(%arg5 : memref<128x128xf32, #tpu.memory_space<hbm>>) dst(%dma_wait3A_68 : memref<128x128xf32, #tpu.memory_space<vmem_shared>>)
      tpu.yield
    }) : () -> ()
    "tpu.region"() ({
      %run_scoped3A = tpu.sem_alloc : memref<!tpu.dma_semaphore, #tpu.memory_space<semaphore_mem>>
      %dma_start3A = arith.constant 0 : i32
      %dma_start3A_67 = arith.constant 0 : i32
      %dma_start3A_68 = tpu.memref_slice %arg3[%add3A, %dma_start3A, %dma_start3A_67] : memref<32x82x128xi32, #tpu.memory_space<hbm>> -> memref<1x82x128xi32, #tpu.memory_space<hbm>>
      %dma_start3A_69 = tpu.memref_squeeze %dma_start3A_68 : memref<1x82x128xi32, #tpu.memory_space<hbm>> -> memref<82x128xi32, #tpu.memory_space<hbm>>
      %dma_start3A_70 = arith.constant 0 : i32
      %dma_start3A_71 = arith.constant 0 : i32
      %dma_start3A_72 = tpu.memref_slice %arg3[%add3A, %dma_start3A_70, %dma_start3A_71] : memref<32x82x128xi32, #tpu.memory_space<hbm>> -> memref<1x82x128xi32, #tpu.memory_space<hbm>>
      %dma_start3A_73 = tpu.memref_squeeze %dma_start3A_72 : memref<1x82x128xi32, #tpu.memory_space<hbm>> -> memref<82x128xi32, #tpu.memory_space<hbm>>
      tpu.enqueue_dma source(%dma_start3A_73 : memref<82x128xi32, #tpu.memory_space<hbm>>) target(%arg7 : memref<82x128xi32, #tpu.memory_space<vmem>>) target_semaphore(%run_scoped3A : memref<!tpu.dma_semaphore, #tpu.memory_space<semaphore_mem>>)
      %dma_wait3A = arith.constant 0 : i32
      %dma_wait3A_74 = arith.constant 0 : i32
      %dma_wait3A_75 = tpu.memref_slice %arg3[%add3A, %dma_wait3A, %dma_wait3A_74] : memref<32x82x128xi32, #tpu.memory_space<hbm>> -> memref<1x82x128xi32, #tpu.memory_space<hbm>>
      %dma_wait3A_76 = tpu.memref_squeeze %dma_wait3A_75 : memref<1x82x128xi32, #tpu.memory_space<hbm>> -> memref<82x128xi32, #tpu.memory_space<hbm>>
      %dma_wait3A_77 = arith.constant 0 : i32
      %dma_wait3A_78 = arith.constant 0 : i32
      %dma_wait3A_79 = tpu.memref_slice %arg3[%add3A, %dma_wait3A_77, %dma_wait3A_78] : memref<32x82x128xi32, #tpu.memory_space<hbm>> -> memref<1x82x128xi32, #tpu.memory_space<hbm>>
      %dma_wait3A_80 = tpu.memref_squeeze %dma_wait3A_79 : memref<1x82x128xi32, #tpu.memory_space<hbm>> -> memref<82x128xi32, #tpu.memory_space<hbm>>
      tpu.wait_dma2 semaphore(%run_scoped3A : memref<!tpu.dma_semaphore, #tpu.memory_space<semaphore_mem>>) src(%dma_wait3A_80 : memref<82x128xi32, #tpu.memory_space<hbm>>) dst(%arg7 : memref<82x128xi32, #tpu.memory_space<vmem>>)
      tpu.yield
    }) : () -> ()
    "tpu.region"() ({
      %run_scoped3A = tpu.sem_alloc : memref<!tpu.dma_semaphore, #tpu.memory_space<semaphore_mem>>
      %dma_start3A = arith.constant 0 : i32
      %dma_start3A_67 = arith.constant 0 : i32
      %dma_start3A_68 = tpu.memref_slice %arg4[%add3A, %dma_start3A, %dma_start3A_67] : memref<32x82x128xi32, #tpu.memory_space<hbm>> -> memref<1x82x128xi32, #tpu.memory_space<hbm>>
      %dma_start3A_69 = tpu.memref_squeeze %dma_start3A_68 : memref<1x82x128xi32, #tpu.memory_space<hbm>> -> memref<82x128xi32, #tpu.memory_space<hbm>>
      %dma_start3A_70 = arith.constant 0 : i32
      %dma_start3A_71 = arith.constant 0 : i32
      %dma_start3A_72 = tpu.memref_slice %arg4[%add3A, %dma_start3A_70, %dma_start3A_71] : memref<32x82x128xi32, #tpu.memory_space<hbm>> -> memref<1x82x128xi32, #tpu.memory_space<hbm>>
      %dma_start3A_73 = tpu.memref_squeeze %dma_start3A_72 : memref<1x82x128xi32, #tpu.memory_space<hbm>> -> memref<82x128xi32, #tpu.memory_space<hbm>>
      tpu.enqueue_dma source(%dma_start3A_73 : memref<82x128xi32, #tpu.memory_space<hbm>>) target(%arg8 : memref<82x128xi32, #tpu.memory_space<vmem>>) target_semaphore(%run_scoped3A : memref<!tpu.dma_semaphore, #tpu.memory_space<semaphore_mem>>)
      %dma_wait3A = arith.constant 0 : i32
      %dma_wait3A_74 = arith.constant 0 : i32
      %dma_wait3A_75 = tpu.memref_slice %arg4[%add3A, %dma_wait3A, %dma_wait3A_74] : memref<32x82x128xi32, #tpu.memory_space<hbm>> -> memref<1x82x128xi32, #tpu.memory_space<hbm>>
      %dma_wait3A_76 = tpu.memref_squeeze %dma_wait3A_75 : memref<1x82x128xi32, #tpu.memory_space<hbm>> -> memref<82x128xi32, #tpu.memory_space<hbm>>
      %dma_wait3A_77 = arith.constant 0 : i32
      %dma_wait3A_78 = arith.constant 0 : i32
      %dma_wait3A_79 = tpu.memref_slice %arg4[%add3A, %dma_wait3A_77, %dma_wait3A_78] : memref<32x82x128xi32, #tpu.memory_space<hbm>> -> memref<1x82x128xi32, #tpu.memory_space<hbm>>
      %dma_wait3A_80 = tpu.memref_squeeze %dma_wait3A_79 : memref<1x82x128xi32, #tpu.memory_space<hbm>> -> memref<82x128xi32, #tpu.memory_space<hbm>>
      tpu.wait_dma2 semaphore(%run_scoped3A : memref<!tpu.dma_semaphore, #tpu.memory_space<semaphore_mem>>) src(%dma_wait3A_80 : memref<82x128xi32, #tpu.memory_space<hbm>>) dst(%arg8 : memref<82x128xi32, #tpu.memory_space<vmem>>)
      tpu.yield
    }) : () -> ()
    %barrier3A = arith.constant 0 : index
    tpu.barrier barrier_id(%barrier3A)
    %scan3A = arith.constant 0 : i32
    %scan3A_21 = arith.constant 0 : i32
    %scan3A_22 = arith.constant 82 : i32
    %scan3A_23 = arith.addi %scan3A_21, %scan3A_22 : i32
    %scan3A_24 = arith.constant 1 : i32
    scf.for %scan3A_67 = %scan3A_21 to %scan3A_23 step %scan3A_24  : i32 {
      %dma_start3A = arith.constant 0 : i32
      %dma_start3A_68 = tpu.memref_slice %arg7[%scan3A_67, %dma_start3A] : memref<82x128xi32, #tpu.memory_space<vmem>> -> memref<1x128xi32, #tpu.memory_space<vmem>>
      %dma_start3A_69 = tpu.memref_squeeze %dma_start3A_68 : memref<1x128xi32, #tpu.memory_space<vmem>> -> memref<128xi32, #tpu.memory_space<vmem>>
      %dma_start3A_70 = arith.constant 0 : i32
      %dma_start3A_71 = arith.constant 0 : i32
      %dma_start3A_72 = tpu.memref_slice %arg2[%dma_start3A_70, %dma_start3A_71] : memref<10240x128xf32, #tpu.memory_space<hbm>> -> memref<10240x128xf32, #tpu.memory_space<hbm>>
      tpu.enqueue_indirect_dma source(%dma_start3A_72 : memref<10240x128xf32, #tpu.memory_space<hbm>>) target(%arg9 : memref<128x128xf32, #tpu.memory_space<vmem>>) offsets(%dma_start3A_69 : memref<128xi32, #tpu.memory_space<vmem>>) semaphore(%arg11 : memref<!tpu.dma_semaphore, #tpu.memory_space<semaphore_mem>>)
      %dma_wait3A = arith.constant 0 : i32
      %dma_wait3A_73 = tpu.memref_slice %arg7[%scan3A_67, %dma_wait3A] : memref<82x128xi32, #tpu.memory_space<vmem>> -> memref<1x128xi32, #tpu.memory_space<vmem>>
      %dma_wait3A_74 = tpu.memref_squeeze %dma_wait3A_73 : memref<1x128xi32, #tpu.memory_space<vmem>> -> memref<128xi32, #tpu.memory_space<vmem>>
      %dma_wait3A_75 = arith.constant 0 : i32
      %dma_wait3A_76 = arith.constant 0 : i32
      %dma_wait3A_77 = tpu.memref_slice %arg2[%dma_wait3A_75, %dma_wait3A_76] : memref<10240x128xf32, #tpu.memory_space<hbm>> -> memref<10240x128xf32, #tpu.memory_space<hbm>>
      tpu.wait_indirect_dma semaphore(%arg11 : memref<!tpu.dma_semaphore, #tpu.memory_space<semaphore_mem>>) src(%dma_wait3A_77 : memref<10240x128xf32, #tpu.memory_space<hbm>>) dst(%arg9 : memref<128x128xf32, #tpu.memory_space<vmem>>)
      "tpu.region"() ({
        %run_scoped3A = tpu.sem_alloc : memref<!tpu.dma_semaphore, #tpu.memory_space<semaphore_mem>>
        %dma_start3A_78 = arith.constant 0 : i32
        %dma_start3A_79 = tpu.memref_slice %arg8[%scan3A_67, %dma_start3A_78] : memref<82x128xi32, #tpu.memory_space<vmem>> -> memref<1x128xi32, #tpu.memory_space<vmem>>
        %dma_start3A_80 = tpu.memref_squeeze %dma_start3A_79 : memref<1x128xi32, #tpu.memory_space<vmem>> -> memref<128xi32, #tpu.memory_space<vmem>>
        %dma_start3A_81 = arith.constant 0 : i32
        %dma_start3A_82 = arith.constant 0 : i32
        %dma_start3A_83 = tpu.memref_slice %arg10[%dma_start3A_81, %dma_start3A_82] : memref<10240x128xf32, #tpu.memory_space<vmem_shared>> -> memref<10240x128xf32, #tpu.memory_space<vmem_shared>>
        tpu.enqueue_indirect_dma source(%arg9 : memref<128x128xf32, #tpu.memory_space<vmem>>) target(%dma_start3A_83 : memref<10240x128xf32, #tpu.memory_space<vmem_shared>>) offsets(%dma_start3A_80 : memref<128xi32, #tpu.memory_space<vmem>>) semaphore(%run_scoped3A : memref<!tpu.dma_semaphore, #tpu.memory_space<semaphore_mem>>) {add = true}
        %dma_wait3A_84 = arith.constant 0 : i32
        %dma_wait3A_85 = tpu.memref_slice %arg8[%scan3A_67, %dma_wait3A_84] : memref<82x128xi32, #tpu.memory_space<vmem>> -> memref<1x128xi32, #tpu.memory_space<vmem>>
        %dma_wait3A_86 = tpu.memref_squeeze %dma_wait3A_85 : memref<1x128xi32, #tpu.memory_space<vmem>> -> memref<128xi32, #tpu.memory_space<vmem>>
        %dma_wait3A_87 = arith.constant 0 : i32
        %dma_wait3A_88 = arith.constant 0 : i32
        %dma_wait3A_89 = tpu.memref_slice %arg10[%dma_wait3A_87, %dma_wait3A_88] : memref<10240x128xf32, #tpu.memory_space<vmem_shared>> -> memref<10240x128xf32, #tpu.memory_space<vmem_shared>>
        tpu.wait_indirect_dma semaphore(%run_scoped3A : memref<!tpu.dma_semaphore, #tpu.memory_space<semaphore_mem>>) src(%arg9 : memref<128x128xf32, #tpu.memory_space<vmem>>) dst(%dma_wait3A_89 : memref<10240x128xf32, #tpu.memory_space<vmem_shared>>)
        tpu.yield
      }) : () -> ()
    }
    %scan3A_25 = arith.constant 82 : i32
    %barrier3A_26 = arith.constant 0 : index
    tpu.barrier barrier_id(%barrier3A_26)
    %mul3A_27 = arith.constant 640 : i32
    %mul3A_28 = arith.muli %arg1, %mul3A_27 : i32
    %add3A_29 = arith.constant 0 : i32
    %add3A_30 = arith.addi %mul3A_28, %add3A_29 : i32
    %mul3A_31 = arith.constant 640 : i32
    %mul3A_32 = arith.muli %arg1, %mul3A_31 : i32
    %add3A_33 = arith.constant 0 : i32
    %add3A_34 = arith.addi %mul3A_32, %add3A_33 : i32
    "tpu.region"() ({
      %run_scoped3A = tpu.sem_alloc : memref<!tpu.dma_semaphore, #tpu.memory_space<semaphore_mem>>
      %dma_start3A = arith.constant 0 : i32
      %dma_start3A_67 = tpu.memref_slice %arg6[%arg0, %add3A_34, %dma_start3A] : memref<2x10240x128xf32, #tpu.memory_space<hbm>> -> memref<1x128x128xf32, #tpu.memory_space<hbm>>
      %dma_start3A_68 = tpu.memref_squeeze %dma_start3A_67 : memref<1x128x128xf32, #tpu.memory_space<hbm>> -> memref<128x128xf32, #tpu.memory_space<hbm>>
      %dma_start3A_69 = arith.constant 0 : i32
      %dma_start3A_70 = tpu.memref_slice %arg10[%add3A_30, %dma_start3A_69] : memref<10240x128xf32, #tpu.memory_space<vmem_shared>> -> memref<128x128xf32, #tpu.memory_space<vmem_shared>>
      tpu.enqueue_dma source(%dma_start3A_70 : memref<128x128xf32, #tpu.memory_space<vmem_shared>>) target(%dma_start3A_68 : memref<128x128xf32, #tpu.memory_space<hbm>>) target_semaphore(%run_scoped3A : memref<!tpu.dma_semaphore, #tpu.memory_space<semaphore_mem>>)
      %dma_wait3A = arith.constant 0 : i32
      %dma_wait3A_71 = tpu.memref_slice %arg6[%arg0, %add3A_34, %dma_wait3A] : memref<2x10240x128xf32, #tpu.memory_space<hbm>> -> memref<1x128x128xf32, #tpu.memory_space<hbm>>
      %dma_wait3A_72 = tpu.memref_squeeze %dma_wait3A_71 : memref<1x128x128xf32, #tpu.memory_space<hbm>> -> memref<128x128xf32, #tpu.memory_space<hbm>>
      %dma_wait3A_73 = arith.constant 0 : i32
      %dma_wait3A_74 = tpu.memref_slice %arg10[%add3A_30, %dma_wait3A_73] : memref<10240x128xf32, #tpu.memory_space<vmem_shared>> -> memref<128x128xf32, #tpu.memory_space<vmem_shared>>
      tpu.wait_dma2 semaphore(%run_scoped3A : memref<!tpu.dma_semaphore, #tpu.memory_space<semaphore_mem>>) src(%dma_wait3A_74 : memref<128x128xf32, #tpu.memory_space<vmem_shared>>) dst(%dma_wait3A_72 : memref<128x128xf32, #tpu.memory_space<hbm>>)
      tpu.yield
    }) : () -> ()
    %mul3A_35 = arith.constant 640 : i32
    %mul3A_36 = arith.muli %arg1, %mul3A_35 : i32
    %add3A_37 = arith.constant 128 : i32
    %add3A_38 = arith.addi %mul3A_36, %add3A_37 : i32
    %mul3A_39 = arith.constant 640 : i32
    %mul3A_40 = arith.muli %arg1, %mul3A_39 : i32
    %add3A_41 = arith.constant 128 : i32
    %add3A_42 = arith.addi %mul3A_40, %add3A_41 : i32
    "tpu.region"() ({
      %run_scoped3A = tpu.sem_alloc : memref<!tpu.dma_semaphore, #tpu.memory_space<semaphore_mem>>
      %dma_start3A = arith.constant 0 : i32
      %dma_start3A_67 = tpu.memref_slice %arg6[%arg0, %add3A_42, %dma_start3A] : memref<2x10240x128xf32, #tpu.memory_space<hbm>> -> memref<1x128x128xf32, #tpu.memory_space<hbm>>
      %dma_start3A_68 = tpu.memref_squeeze %dma_start3A_67 : memref<1x128x128xf32, #tpu.memory_space<hbm>> -> memref<128x128xf32, #tpu.memory_space<hbm>>
      %dma_start3A_69 = arith.constant 0 : i32
      %dma_start3A_70 = tpu.memref_slice %arg10[%add3A_38, %dma_start3A_69] : memref<10240x128xf32, #tpu.memory_space<vmem_shared>> -> memref<128x128xf32, #tpu.memory_space<vmem_shared>>
      tpu.enqueue_dma source(%dma_start3A_70 : memref<128x128xf32, #tpu.memory_space<vmem_shared>>) target(%dma_start3A_68 : memref<128x128xf32, #tpu.memory_space<hbm>>) target_semaphore(%run_scoped3A : memref<!tpu.dma_semaphore, #tpu.memory_space<semaphore_mem>>)
      %dma_wait3A = arith.constant 0 : i32
      %dma_wait3A_71 = tpu.memref_slice %arg6[%arg0, %add3A_42, %dma_wait3A] : memref<2x10240x128xf32, #tpu.memory_space<hbm>> -> memref<1x128x128xf32, #tpu.memory_space<hbm>>
      %dma_wait3A_72 = tpu.memref_squeeze %dma_wait3A_71 : memref<1x128x128xf32, #tpu.memory_space<hbm>> -> memref<128x128xf32, #tpu.memory_space<hbm>>
      %dma_wait3A_73 = arith.constant 0 : i32
      %dma_wait3A_74 = tpu.memref_slice %arg10[%add3A_38, %dma_wait3A_73] : memref<10240x128xf32, #tpu.memory_space<vmem_shared>> -> memref<128x128xf32, #tpu.memory_space<vmem_shared>>
      tpu.wait_dma2 semaphore(%run_scoped3A : memref<!tpu.dma_semaphore, #tpu.memory_space<semaphore_mem>>) src(%dma_wait3A_74 : memref<128x128xf32, #tpu.memory_space<vmem_shared>>) dst(%dma_wait3A_72 : memref<128x128xf32, #tpu.memory_space<hbm>>)
      tpu.yield
    }) : () -> ()
    %mul3A_43 = arith.constant 640 : i32
    %mul3A_44 = arith.muli %arg1, %mul3A_43 : i32
    %add3A_45 = arith.constant 256 : i32
    %add3A_46 = arith.addi %mul3A_44, %add3A_45 : i32
    %mul3A_47 = arith.constant 640 : i32
    %mul3A_48 = arith.muli %arg1, %mul3A_47 : i32
    %add3A_49 = arith.constant 256 : i32
    %add3A_50 = arith.addi %mul3A_48, %add3A_49 : i32
    "tpu.region"() ({
      %run_scoped3A = tpu.sem_alloc : memref<!tpu.dma_semaphore, #tpu.memory_space<semaphore_mem>>
      %dma_start3A = arith.constant 0 : i32
      %dma_start3A_67 = tpu.memref_slice %arg6[%arg0, %add3A_50, %dma_start3A] : memref<2x10240x128xf32, #tpu.memory_space<hbm>> -> memref<1x128x128xf32, #tpu.memory_space<hbm>>
      %dma_start3A_68 = tpu.memref_squeeze %dma_start3A_67 : memref<1x128x128xf32, #tpu.memory_space<hbm>> -> memref<128x128xf32, #tpu.memory_space<hbm>>
      %dma_start3A_69 = arith.constant 0 : i32
      %dma_start3A_70 = tpu.memref_slice %arg10[%add3A_46, %dma_start3A_69] : memref<10240x128xf32, #tpu.memory_space<vmem_shared>> -> memref<128x128xf32, #tpu.memory_space<vmem_shared>>
      tpu.enqueue_dma source(%dma_start3A_70 : memref<128x128xf32, #tpu.memory_space<vmem_shared>>) target(%dma_start3A_68 : memref<128x128xf32, #tpu.memory_space<hbm>>) target_semaphore(%run_scoped3A : memref<!tpu.dma_semaphore, #tpu.memory_space<semaphore_mem>>)
      %dma_wait3A = arith.constant 0 : i32
      %dma_wait3A_71 = tpu.memref_slice %arg6[%arg0, %add3A_50, %dma_wait3A] : memref<2x10240x128xf32, #tpu.memory_space<hbm>> -> memref<1x128x128xf32, #tpu.memory_space<hbm>>
      %dma_wait3A_72 = tpu.memref_squeeze %dma_wait3A_71 : memref<1x128x128xf32, #tpu.memory_space<hbm>> -> memref<128x128xf32, #tpu.memory_space<hbm>>
      %dma_wait3A_73 = arith.constant 0 : i32
      %dma_wait3A_74 = tpu.memref_slice %arg10[%add3A_46, %dma_wait3A_73] : memref<10240x128xf32, #tpu.memory_space<vmem_shared>> -> memref<128x128xf32, #tpu.memory_space<vmem_shared>>
      tpu.wait_dma2 semaphore(%run_scoped3A : memref<!tpu.dma_semaphore, #tpu.memory_space<semaphore_mem>>) src(%dma_wait3A_74 : memref<128x128xf32, #tpu.memory_space<vmem_shared>>) dst(%dma_wait3A_72 : memref<128x128xf32, #tpu.memory_space<hbm>>)
      tpu.yield
    }) : () -> ()
    %mul3A_51 = arith.constant 640 : i32
    %mul3A_52 = arith.muli %arg1, %mul3A_51 : i32
    %add3A_53 = arith.constant 384 : i32
    %add3A_54 = arith.addi %mul3A_52, %add3A_53 : i32
    %mul3A_55 = arith.constant 640 : i32
    %mul3A_56 = arith.muli %arg1, %mul3A_55 : i32
    %add3A_57 = arith.constant 384 : i32
    %add3A_58 = arith.addi %mul3A_56, %add3A_57 : i32
    "tpu.region"() ({
      %run_scoped3A = tpu.sem_alloc : memref<!tpu.dma_semaphore, #tpu.memory_space<semaphore_mem>>
      %dma_start3A = arith.constant 0 : i32
      %dma_start3A_67 = tpu.memref_slice %arg6[%arg0, %add3A_58, %dma_start3A] : memref<2x10240x128xf32, #tpu.memory_space<hbm>> -> memref<1x128x128xf32, #tpu.memory_space<hbm>>
      %dma_start3A_68 = tpu.memref_squeeze %dma_start3A_67 : memref<1x128x128xf32, #tpu.memory_space<hbm>> -> memref<128x128xf32, #tpu.memory_space<hbm>>
      %dma_start3A_69 = arith.constant 0 : i32
      %dma_start3A_70 = tpu.memref_slice %arg10[%add3A_54, %dma_start3A_69] : memref<10240x128xf32, #tpu.memory_space<vmem_shared>> -> memref<128x128xf32, #tpu.memory_space<vmem_shared>>
      tpu.enqueue_dma source(%dma_start3A_70 : memref<128x128xf32, #tpu.memory_space<vmem_shared>>) target(%dma_start3A_68 : memref<128x128xf32, #tpu.memory_space<hbm>>) target_semaphore(%run_scoped3A : memref<!tpu.dma_semaphore, #tpu.memory_space<semaphore_mem>>)
      %dma_wait3A = arith.constant 0 : i32
      %dma_wait3A_71 = tpu.memref_slice %arg6[%arg0, %add3A_58, %dma_wait3A] : memref<2x10240x128xf32, #tpu.memory_space<hbm>> -> memref<1x128x128xf32, #tpu.memory_space<hbm>>
      %dma_wait3A_72 = tpu.memref_squeeze %dma_wait3A_71 : memref<1x128x128xf32, #tpu.memory_space<hbm>> -> memref<128x128xf32, #tpu.memory_space<hbm>>
      %dma_wait3A_73 = arith.constant 0 : i32
      %dma_wait3A_74 = tpu.memref_slice %arg10[%add3A_54, %dma_wait3A_73] : memref<10240x128xf32, #tpu.memory_space<vmem_shared>> -> memref<128x128xf32, #tpu.memory_space<vmem_shared>>
      tpu.wait_dma2 semaphore(%run_scoped3A : memref<!tpu.dma_semaphore, #tpu.memory_space<semaphore_mem>>) src(%dma_wait3A_74 : memref<128x128xf32, #tpu.memory_space<vmem_shared>>) dst(%dma_wait3A_72 : memref<128x128xf32, #tpu.memory_space<hbm>>)
      tpu.yield
    }) : () -> ()
    %mul3A_59 = arith.constant 640 : i32
    %mul3A_60 = arith.muli %arg1, %mul3A_59 : i32
    %add3A_61 = arith.constant 512 : i32
    %add3A_62 = arith.addi %mul3A_60, %add3A_61 : i32
    %mul3A_63 = arith.constant 640 : i32
    %mul3A_64 = arith.muli %arg1, %mul3A_63 : i32
    %add3A_65 = arith.constant 512 : i32
    %add3A_66 = arith.addi %mul3A_64, %add3A_65 : i32
    "tpu.region"() ({
      %run_scoped3A = tpu.sem_alloc : memref<!tpu.dma_semaphore, #tpu.memory_space<semaphore_mem>>
      %dma_start3A = arith.constant 0 : i32
      %dma_start3A_67 = tpu.memref_slice %arg6[%arg0, %add3A_66, %dma_start3A] : memref<2x10240x128xf32, #tpu.memory_space<hbm>> -> memref<1x128x128xf32, #tpu.memory_space<hbm>>
      %dma_start3A_68 = tpu.memref_squeeze %dma_start3A_67 : memref<1x128x128xf32, #tpu.memory_space<hbm>> -> memref<128x128xf32, #tpu.memory_space<hbm>>
      %dma_start3A_69 = arith.constant 0 : i32
      %dma_start3A_70 = tpu.memref_slice %arg10[%add3A_62, %dma_start3A_69] : memref<10240x128xf32, #tpu.memory_space<vmem_shared>> -> memref<128x128xf32, #tpu.memory_space<vmem_shared>>
      tpu.enqueue_dma source(%dma_start3A_70 : memref<128x128xf32, #tpu.memory_space<vmem_shared>>) target(%dma_start3A_68 : memref<128x128xf32, #tpu.memory_space<hbm>>) target_semaphore(%run_scoped3A : memref<!tpu.dma_semaphore, #tpu.memory_space<semaphore_mem>>)
      %dma_wait3A = arith.constant 0 : i32
      %dma_wait3A_71 = tpu.memref_slice %arg6[%arg0, %add3A_66, %dma_wait3A] : memref<2x10240x128xf32, #tpu.memory_space<hbm>> -> memref<1x128x128xf32, #tpu.memory_space<hbm>>
      %dma_wait3A_72 = tpu.memref_squeeze %dma_wait3A_71 : memref<1x128x128xf32, #tpu.memory_space<hbm>> -> memref<128x128xf32, #tpu.memory_space<hbm>>
      %dma_wait3A_73 = arith.constant 0 : i32
      %dma_wait3A_74 = tpu.memref_slice %arg10[%add3A_62, %dma_wait3A_73] : memref<10240x128xf32, #tpu.memory_space<vmem_shared>> -> memref<128x128xf32, #tpu.memory_space<vmem_shared>>
      tpu.wait_dma2 semaphore(%run_scoped3A : memref<!tpu.dma_semaphore, #tpu.memory_space<semaphore_mem>>) src(%dma_wait3A_74 : memref<128x128xf32, #tpu.memory_space<vmem_shared>>) dst(%dma_wait3A_72 : memref<128x128xf32, #tpu.memory_space<hbm>>)
      tpu.yield
    }) : () -> ()
    return
  }
}

#map = affine_map<(d0, d1) -> (0, 0)>
#map1 = affine_map<(d0, d1) -> (0, 0, 0)>
module attributes {stable_mosaic.version = 14 : i64} {
  func.func @sg_prop(%arg0: i32, %arg1: i32, %arg2: memref<10240x128xf32, #tpu.memory_space<hbm>>, %arg3: memref<32x82x128xi32, #tpu.memory_space<hbm>>, %arg4: memref<32x82x128xi32, #tpu.memory_space<hbm>>, %arg5: memref<128x128xf32, #tpu.memory_space<hbm>>, %arg6: memref<2x10240x128xf32, #tpu.memory_space<hbm>>, %arg7: memref<82x128xi32, #tpu.memory_space<vmem>>, %arg8: memref<82x128xi32, #tpu.memory_space<vmem>>, %arg9: memref<128x128xf32, #tpu.memory_space<vmem>>, %arg10: memref<10240x128xf32, #tpu.memory_space<vmem_shared>>, %arg11: memref<!tpu.dma_semaphore, #tpu.memory_space<semaphore_mem>>) attributes {dimension_semantics = [#tpu.dimension_semantics<core_parallel>, #tpu.dimension_semantics<subcore_parallel>], iteration_bounds = array<i64: 2, 16>, scalar_prefetch = 0 : i64, scratch_operands = 5 : i64, tpu.core_type = #tpu.core_type<sc_vector_subcore>, window_params = [{transform_indices = #map}, {transform_indices = #map1}, {transform_indices = #map1}, {transform_indices = #map}, {transform_indices = #map1}]} {
    %mul3A = arith.constant 16 : i32
    %mul3A_0 = arith.muli %arg0, %mul3A : i32
    %add3A = arith.addi %mul3A_0, %arg1 : i32
    %mul3A_1 = arith.constant 640 : i32
    %mul3A_2 = arith.muli %arg1, %mul3A_1 : i32
    %add3A_3 = arith.constant 0 : i32
    %add3A_4 = arith.addi %mul3A_2, %add3A_3 : i32
    "tpu.region"() ({
      %run_scoped3A = tpu.sem_alloc : memref<!tpu.dma_semaphore, #tpu.memory_space<semaphore_mem>>
      %dma_start3A = arith.constant 0 : i32
      %dma_start3A_67 = tpu.memref_slice %arg10[%add3A_4, %dma_start3A] : memref<10240x128xf32, #tpu.memory_space<vmem_shared>> -> memref<128x128xf32, #tpu.memory_space<vmem_shared>>
      tpu.enqueue_dma source(%arg5 : memref<128x128xf32, #tpu.memory_space<hbm>>) target(%dma_start3A_67 : memref<128x128xf32, #tpu.memory_space<vmem_shared>>) target_semaphore(%run_scoped3A : memref<!tpu.dma_semaphore, #tpu.memory_space<semaphore_mem>>)
      %dma_wait3A = arith.constant 0 : i32
      %dma_wait3A_68 = tpu.memref_slice %arg10[%add3A_4, %dma_wait3A] : memref<10240x128xf32, #tpu.memory_space<vmem_shared>> -> memref<128x128xf32, #tpu.memory_space<vmem_shared>>
      tpu.wait_dma2 semaphore(%run_scoped3A : memref<!tpu.dma_semaphore, #tpu.memory_space<semaphore_mem>>) src(%arg5 : memref<128x128xf32, #tpu.memory_space<hbm>>) dst(%dma_wait3A_68 : memref<128x128xf32, #tpu.memory_space<vmem_shared>>)
      tpu.yield
    }) : () -> ()
    %mul3A_5 = arith.constant 640 : i32
    %mul3A_6 = arith.muli %arg1, %mul3A_5 : i32
    %add3A_7 = arith.constant 128 : i32
    %add3A_8 = arith.addi %mul3A_6, %add3A_7 : i32
    "tpu.region"() ({
      %run_scoped3A = tpu.sem_alloc : memref<!tpu.dma_semaphore, #tpu.memory_space<semaphore_mem>>
      %dma_start3A = arith.constant 0 : i32
      %dma_start3A_67 = tpu.memref_slice %arg10[%add3A_8, %dma_start3A] : memref<10240x128xf32, #tpu.memory_space<vmem_shared>> -> memref<128x128xf32, #tpu.memory_space<vmem_shared>>
      tpu.enqueue_dma source(%arg5 : memref<128x128xf32, #tpu.memory_space<hbm>>) target(%dma_start3A_67 : memref<128x128xf32, #tpu.memory_space<vmem_shared>>) target_semaphore(%run_scoped3A : memref<!tpu.dma_semaphore, #tpu.memory_space<semaphore_mem>>)
      %dma_wait3A = arith.constant 0 : i32
      %dma_wait3A_68 = tpu.memref_slice %arg10[%add3A_8, %dma_wait3A] : memref<10240x128xf32, #tpu.memory_space<vmem_shared>> -> memref<128x128xf32, #tpu.memory_space<vmem_shared>>
      tpu.wait_dma2 semaphore(%run_scoped3A : memref<!tpu.dma_semaphore, #tpu.memory_space<semaphore_mem>>) src(%arg5 : memref<128x128xf32, #tpu.memory_space<hbm>>) dst(%dma_wait3A_68 : memref<128x128xf32, #tpu.memory_space<vmem_shared>>)
      tpu.yield
    }) : () -> ()
    %mul3A_9 = arith.constant 640 : i32
    %mul3A_10 = arith.muli %arg1, %mul3A_9 : i32
    %add3A_11 = arith.constant 256 : i32
    %add3A_12 = arith.addi %mul3A_10, %add3A_11 : i32
    "tpu.region"() ({
      %run_scoped3A = tpu.sem_alloc : memref<!tpu.dma_semaphore, #tpu.memory_space<semaphore_mem>>
      %dma_start3A = arith.constant 0 : i32
      %dma_start3A_67 = tpu.memref_slice %arg10[%add3A_12, %dma_start3A] : memref<10240x128xf32, #tpu.memory_space<vmem_shared>> -> memref<128x128xf32, #tpu.memory_space<vmem_shared>>
      tpu.enqueue_dma source(%arg5 : memref<128x128xf32, #tpu.memory_space<hbm>>) target(%dma_start3A_67 : memref<128x128xf32, #tpu.memory_space<vmem_shared>>) target_semaphore(%run_scoped3A : memref<!tpu.dma_semaphore, #tpu.memory_space<semaphore_mem>>)
      %dma_wait3A = arith.constant 0 : i32
      %dma_wait3A_68 = tpu.memref_slice %arg10[%add3A_12, %dma_wait3A] : memref<10240x128xf32, #tpu.memory_space<vmem_shared>> -> memref<128x128xf32, #tpu.memory_space<vmem_shared>>
      tpu.wait_dma2 semaphore(%run_scoped3A : memref<!tpu.dma_semaphore, #tpu.memory_space<semaphore_mem>>) src(%arg5 : memref<128x128xf32, #tpu.memory_space<hbm>>) dst(%dma_wait3A_68 : memref<128x128xf32, #tpu.memory_space<vmem_shared>>)
      tpu.yield
    }) : () -> ()
    %mul3A_13 = arith.constant 640 : i32
    %mul3A_14 = arith.muli %arg1, %mul3A_13 : i32
    %add3A_15 = arith.constant 384 : i32
    %add3A_16 = arith.addi %mul3A_14, %add3A_15 : i32
    "tpu.region"() ({
      %run_scoped3A = tpu.sem_alloc : memref<!tpu.dma_semaphore, #tpu.memory_space<semaphore_mem>>
      %dma_start3A = arith.constant 0 : i32
      %dma_start3A_67 = tpu.memref_slice %arg10[%add3A_16, %dma_start3A] : memref<10240x128xf32, #tpu.memory_space<vmem_shared>> -> memref<128x128xf32, #tpu.memory_space<vmem_shared>>
      tpu.enqueue_dma source(%arg5 : memref<128x128xf32, #tpu.memory_space<hbm>>) target(%dma_start3A_67 : memref<128x128xf32, #tpu.memory_space<vmem_shared>>) target_semaphore(%run_scoped3A : memref<!tpu.dma_semaphore, #tpu.memory_space<semaphore_mem>>)
      %dma_wait3A = arith.constant 0 : i32
      %dma_wait3A_68 = tpu.memref_slice %arg10[%add3A_16, %dma_wait3A] : memref<10240x128xf32, #tpu.memory_space<vmem_shared>> -> memref<128x128xf32, #tpu.memory_space<vmem_shared>>
      tpu.wait_dma2 semaphore(%run_scoped3A : memref<!tpu.dma_semaphore, #tpu.memory_space<semaphore_mem>>) src(%arg5 : memref<128x128xf32, #tpu.memory_space<hbm>>) dst(%dma_wait3A_68 : memref<128x128xf32, #tpu.memory_space<vmem_shared>>)
      tpu.yield
    }) : () -> ()
    %mul3A_17 = arith.constant 640 : i32
    %mul3A_18 = arith.muli %arg1, %mul3A_17 : i32
    %add3A_19 = arith.constant 512 : i32
    %add3A_20 = arith.addi %mul3A_18, %add3A_19 : i32
    "tpu.region"() ({
      %run_scoped3A = tpu.sem_alloc : memref<!tpu.dma_semaphore, #tpu.memory_space<semaphore_mem>>
      %dma_start3A = arith.constant 0 : i32
      %dma_start3A_67 = tpu.memref_slice %arg10[%add3A_20, %dma_start3A] : memref<10240x128xf32, #tpu.memory_space<vmem_shared>> -> memref<128x128xf32, #tpu.memory_space<vmem_shared>>
      tpu.enqueue_dma source(%arg5 : memref<128x128xf32, #tpu.memory_space<hbm>>) target(%dma_start3A_67 : memref<128x128xf32, #tpu.memory_space<vmem_shared>>) target_semaphore(%run_scoped3A : memref<!tpu.dma_semaphore, #tpu.memory_space<semaphore_mem>>)
      %dma_wait3A = arith.constant 0 : i32
      %dma_wait3A_68 = tpu.memref_slice %arg10[%add3A_20, %dma_wait3A] : memref<10240x128xf32, #tpu.memory_space<vmem_shared>> -> memref<128x128xf32, #tpu.memory_space<vmem_shared>>
      tpu.wait_dma2 semaphore(%run_scoped3A : memref<!tpu.dma_semaphore, #tpu.memory_space<semaphore_mem>>) src(%arg5 : memref<128x128xf32, #tpu.memory_space<hbm>>) dst(%dma_wait3A_68 : memref<128x128xf32, #tpu.memory_space<vmem_shared>>)
      tpu.yield
    }) : () -> ()
    "tpu.region"() ({
      %run_scoped3A = tpu.sem_alloc : memref<!tpu.dma_semaphore, #tpu.memory_space<semaphore_mem>>
      %dma_start3A = arith.constant 0 : i32
      %dma_start3A_67 = arith.constant 0 : i32
      %dma_start3A_68 = tpu.memref_slice %arg3[%add3A, %dma_start3A, %dma_start3A_67] : memref<32x82x128xi32, #tpu.memory_space<hbm>> -> memref<1x82x128xi32, #tpu.memory_space<hbm>>
      %dma_start3A_69 = tpu.memref_squeeze %dma_start3A_68 : memref<1x82x128xi32, #tpu.memory_space<hbm>> -> memref<82x128xi32, #tpu.memory_space<hbm>>
      %dma_start3A_70 = arith.constant 0 : i32
      %dma_start3A_71 = arith.constant 0 : i32
      %dma_start3A_72 = tpu.memref_slice %arg3[%add3A, %dma_start3A_70, %dma_start3A_71] : memref<32x82x128xi32, #tpu.memory_space<hbm>> -> memref<1x82x128xi32, #tpu.memory_space<hbm>>
      %dma_start3A_73 = tpu.memref_squeeze %dma_start3A_72 : memref<1x82x128xi32, #tpu.memory_space<hbm>> -> memref<82x128xi32, #tpu.memory_space<hbm>>
      tpu.enqueue_dma source(%dma_start3A_73 : memref<82x128xi32, #tpu.memory_space<hbm>>) target(%arg7 : memref<82x128xi32, #tpu.memory_space<vmem>>) target_semaphore(%run_scoped3A : memref<!tpu.dma_semaphore, #tpu.memory_space<semaphore_mem>>)
      %dma_wait3A = arith.constant 0 : i32
      %dma_wait3A_74 = arith.constant 0 : i32
      %dma_wait3A_75 = tpu.memref_slice %arg3[%add3A, %dma_wait3A, %dma_wait3A_74] : memref<32x82x128xi32, #tpu.memory_space<hbm>> -> memref<1x82x128xi32, #tpu.memory_space<hbm>>
      %dma_wait3A_76 = tpu.memref_squeeze %dma_wait3A_75 : memref<1x82x128xi32, #tpu.memory_space<hbm>> -> memref<82x128xi32, #tpu.memory_space<hbm>>
      %dma_wait3A_77 = arith.constant 0 : i32
      %dma_wait3A_78 = arith.constant 0 : i32
      %dma_wait3A_79 = tpu.memref_slice %arg3[%add3A, %dma_wait3A_77, %dma_wait3A_78] : memref<32x82x128xi32, #tpu.memory_space<hbm>> -> memref<1x82x128xi32, #tpu.memory_space<hbm>>
      %dma_wait3A_80 = tpu.memref_squeeze %dma_wait3A_79 : memref<1x82x128xi32, #tpu.memory_space<hbm>> -> memref<82x128xi32, #tpu.memory_space<hbm>>
      tpu.wait_dma2 semaphore(%run_scoped3A : memref<!tpu.dma_semaphore, #tpu.memory_space<semaphore_mem>>) src(%dma_wait3A_80 : memref<82x128xi32, #tpu.memory_space<hbm>>) dst(%arg7 : memref<82x128xi32, #tpu.memory_space<vmem>>)
      tpu.yield
    }) : () -> ()
    "tpu.region"() ({
      %run_scoped3A = tpu.sem_alloc : memref<!tpu.dma_semaphore, #tpu.memory_space<semaphore_mem>>
      %dma_start3A = arith.constant 0 : i32
      %dma_start3A_67 = arith.constant 0 : i32
      %dma_start3A_68 = tpu.memref_slice %arg4[%add3A, %dma_start3A, %dma_start3A_67] : memref<32x82x128xi32, #tpu.memory_space<hbm>> -> memref<1x82x128xi32, #tpu.memory_space<hbm>>
      %dma_start3A_69 = tpu.memref_squeeze %dma_start3A_68 : memref<1x82x128xi32, #tpu.memory_space<hbm>> -> memref<82x128xi32, #tpu.memory_space<hbm>>
      %dma_start3A_70 = arith.constant 0 : i32
      %dma_start3A_71 = arith.constant 0 : i32
      %dma_start3A_72 = tpu.memref_slice %arg4[%add3A, %dma_start3A_70, %dma_start3A_71] : memref<32x82x128xi32, #tpu.memory_space<hbm>> -> memref<1x82x128xi32, #tpu.memory_space<hbm>>
      %dma_start3A_73 = tpu.memref_squeeze %dma_start3A_72 : memref<1x82x128xi32, #tpu.memory_space<hbm>> -> memref<82x128xi32, #tpu.memory_space<hbm>>
      tpu.enqueue_dma source(%dma_start3A_73 : memref<82x128xi32, #tpu.memory_space<hbm>>) target(%arg8 : memref<82x128xi32, #tpu.memory_space<vmem>>) target_semaphore(%run_scoped3A : memref<!tpu.dma_semaphore, #tpu.memory_space<semaphore_mem>>)
      %dma_wait3A = arith.constant 0 : i32
      %dma_wait3A_74 = arith.constant 0 : i32
      %dma_wait3A_75 = tpu.memref_slice %arg4[%add3A, %dma_wait3A, %dma_wait3A_74] : memref<32x82x128xi32, #tpu.memory_space<hbm>> -> memref<1x82x128xi32, #tpu.memory_space<hbm>>
      %dma_wait3A_76 = tpu.memref_squeeze %dma_wait3A_75 : memref<1x82x128xi32, #tpu.memory_space<hbm>> -> memref<82x128xi32, #tpu.memory_space<hbm>>
      %dma_wait3A_77 = arith.constant 0 : i32
      %dma_wait3A_78 = arith.constant 0 : i32
      %dma_wait3A_79 = tpu.memref_slice %arg4[%add3A, %dma_wait3A_77, %dma_wait3A_78] : memref<32x82x128xi32, #tpu.memory_space<hbm>> -> memref<1x82x128xi32, #tpu.memory_space<hbm>>
      %dma_wait3A_80 = tpu.memref_squeeze %dma_wait3A_79 : memref<1x82x128xi32, #tpu.memory_space<hbm>> -> memref<82x128xi32, #tpu.memory_space<hbm>>
      tpu.wait_dma2 semaphore(%run_scoped3A : memref<!tpu.dma_semaphore, #tpu.memory_space<semaphore_mem>>) src(%dma_wait3A_80 : memref<82x128xi32, #tpu.memory_space<hbm>>) dst(%arg8 : memref<82x128xi32, #tpu.memory_space<vmem>>)
      tpu.yield
    }) : () -> ()
    %barrier3A = arith.constant 0 : index
    tpu.barrier barrier_id(%barrier3A)
    %scan3A = arith.constant 0 : i32
    %scan3A_21 = arith.constant 0 : i32
    %scan3A_22 = arith.constant 82 : i32
    %scan3A_23 = arith.addi %scan3A_21, %scan3A_22 : i32
    %scan3A_24 = arith.constant 1 : i32
    scf.for %scan3A_67 = %scan3A_21 to %scan3A_23 step %scan3A_24  : i32 {
      %dma_start3A = arith.constant 0 : i32
      %dma_start3A_68 = tpu.memref_slice %arg7[%scan3A_67, %dma_start3A] : memref<82x128xi32, #tpu.memory_space<vmem>> -> memref<1x128xi32, #tpu.memory_space<vmem>>
      %dma_start3A_69 = tpu.memref_squeeze %dma_start3A_68 : memref<1x128xi32, #tpu.memory_space<vmem>> -> memref<128xi32, #tpu.memory_space<vmem>>
      %dma_start3A_70 = arith.constant 0 : i32
      %dma_start3A_71 = arith.constant 0 : i32
      %dma_start3A_72 = tpu.memref_slice %arg2[%dma_start3A_70, %dma_start3A_71] : memref<10240x128xf32, #tpu.memory_space<hbm>> -> memref<10240x128xf32, #tpu.memory_space<hbm>>
      tpu.enqueue_indirect_dma source(%dma_start3A_72 : memref<10240x128xf32, #tpu.memory_space<hbm>>) target(%arg9 : memref<128x128xf32, #tpu.memory_space<vmem>>) offsets(%dma_start3A_69 : memref<128xi32, #tpu.memory_space<vmem>>) semaphore(%arg11 : memref<!tpu.dma_semaphore, #tpu.memory_space<semaphore_mem>>)
      %dma_wait3A = arith.constant 0 : i32
      %dma_wait3A_73 = tpu.memref_slice %arg7[%scan3A_67, %dma_wait3A] : memref<82x128xi32, #tpu.memory_space<vmem>> -> memref<1x128xi32, #tpu.memory_space<vmem>>
      %dma_wait3A_74 = tpu.memref_squeeze %dma_wait3A_73 : memref<1x128xi32, #tpu.memory_space<vmem>> -> memref<128xi32, #tpu.memory_space<vmem>>
      %dma_wait3A_75 = arith.constant 0 : i32
      %dma_wait3A_76 = arith.constant 0 : i32
      %dma_wait3A_77 = tpu.memref_slice %arg2[%dma_wait3A_75, %dma_wait3A_76] : memref<10240x128xf32, #tpu.memory_space<hbm>> -> memref<10240x128xf32, #tpu.memory_space<hbm>>
      tpu.wait_indirect_dma semaphore(%arg11 : memref<!tpu.dma_semaphore, #tpu.memory_space<semaphore_mem>>) src(%dma_wait3A_77 : memref<10240x128xf32, #tpu.memory_space<hbm>>) dst(%arg9 : memref<128x128xf32, #tpu.memory_space<vmem>>)
      "tpu.region"() ({
        %run_scoped3A = tpu.sem_alloc : memref<!tpu.dma_semaphore, #tpu.memory_space<semaphore_mem>>
        %dma_start3A_78 = arith.constant 0 : i32
        %dma_start3A_79 = tpu.memref_slice %arg8[%scan3A_67, %dma_start3A_78] : memref<82x128xi32, #tpu.memory_space<vmem>> -> memref<1x128xi32, #tpu.memory_space<vmem>>
        %dma_start3A_80 = tpu.memref_squeeze %dma_start3A_79 : memref<1x128xi32, #tpu.memory_space<vmem>> -> memref<128xi32, #tpu.memory_space<vmem>>
        %dma_start3A_81 = arith.constant 0 : i32
        %dma_start3A_82 = arith.constant 0 : i32
        %dma_start3A_83 = tpu.memref_slice %arg10[%dma_start3A_81, %dma_start3A_82] : memref<10240x128xf32, #tpu.memory_space<vmem_shared>> -> memref<10240x128xf32, #tpu.memory_space<vmem_shared>>
        tpu.enqueue_indirect_dma source(%arg9 : memref<128x128xf32, #tpu.memory_space<vmem>>) target(%dma_start3A_83 : memref<10240x128xf32, #tpu.memory_space<vmem_shared>>) offsets(%dma_start3A_80 : memref<128xi32, #tpu.memory_space<vmem>>) semaphore(%run_scoped3A : memref<!tpu.dma_semaphore, #tpu.memory_space<semaphore_mem>>) {add = true}
        %dma_wait3A_84 = arith.constant 0 : i32
        %dma_wait3A_85 = tpu.memref_slice %arg8[%scan3A_67, %dma_wait3A_84] : memref<82x128xi32, #tpu.memory_space<vmem>> -> memref<1x128xi32, #tpu.memory_space<vmem>>
        %dma_wait3A_86 = tpu.memref_squeeze %dma_wait3A_85 : memref<1x128xi32, #tpu.memory_space<vmem>> -> memref<128xi32, #tpu.memory_space<vmem>>
        %dma_wait3A_87 = arith.constant 0 : i32
        %dma_wait3A_88 = arith.constant 0 : i32
        %dma_wait3A_89 = tpu.memref_slice %arg10[%dma_wait3A_87, %dma_wait3A_88] : memref<10240x128xf32, #tpu.memory_space<vmem_shared>> -> memref<10240x128xf32, #tpu.memory_space<vmem_shared>>
        tpu.wait_indirect_dma semaphore(%run_scoped3A : memref<!tpu.dma_semaphore, #tpu.memory_space<semaphore_mem>>) src(%arg9 : memref<128x128xf32, #tpu.memory_space<vmem>>) dst(%dma_wait3A_89 : memref<10240x128xf32, #tpu.memory_space<vmem_shared>>)
        tpu.yield
      }) : () -> ()
    }
    %scan3A_25 = arith.constant 82 : i32
    %barrier3A_26 = arith.constant 0 : index
    tpu.barrier barrier_id(%barrier3A_26)
    %mul3A_27 = arith.constant 640 : i32
    %mul3A_28 = arith.muli %arg1, %mul3A_27 : i32
    %add3A_29 = arith.constant 0 : i32
    %add3A_30 = arith.addi %mul3A_28, %add3A_29 : i32
    %mul3A_31 = arith.constant 640 : i32
    %mul3A_32 = arith.muli %arg1, %mul3A_31 : i32
    %add3A_33 = arith.constant 0 : i32
    %add3A_34 = arith.addi %mul3A_32, %add3A_33 : i32
    "tpu.region"() ({
      %run_scoped3A = tpu.sem_alloc : memref<!tpu.dma_semaphore, #tpu.memory_space<semaphore_mem>>
      %dma_start3A = arith.constant 0 : i32
      %dma_start3A_67 = tpu.memref_slice %arg6[%arg0, %add3A_34, %dma_start3A] : memref<2x10240x128xf32, #tpu.memory_space<hbm>> -> memref<1x128x128xf32, #tpu.memory_space<hbm>>
      %dma_start3A_68 = tpu.memref_squeeze %dma_start3A_67 : memref<1x128x128xf32, #tpu.memory_space<hbm>> -> memref<128x128xf32, #tpu.memory_space<hbm>>
      %dma_start3A_69 = arith.constant 0 : i32
      %dma_start3A_70 = tpu.memref_slice %arg10[%add3A_30, %dma_start3A_69] : memref<10240x128xf32, #tpu.memory_space<vmem_shared>> -> memref<128x128xf32, #tpu.memory_space<vmem_shared>>
      tpu.enqueue_dma source(%dma_start3A_70 : memref<128x128xf32, #tpu.memory_space<vmem_shared>>) target(%dma_start3A_68 : memref<128x128xf32, #tpu.memory_space<hbm>>) target_semaphore(%run_scoped3A : memref<!tpu.dma_semaphore, #tpu.memory_space<semaphore_mem>>)
      %dma_wait3A = arith.constant 0 : i32
      %dma_wait3A_71 = tpu.memref_slice %arg6[%arg0, %add3A_34, %dma_wait3A] : memref<2x10240x128xf32, #tpu.memory_space<hbm>> -> memref<1x128x128xf32, #tpu.memory_space<hbm>>
      %dma_wait3A_72 = tpu.memref_squeeze %dma_wait3A_71 : memref<1x128x128xf32, #tpu.memory_space<hbm>> -> memref<128x128xf32, #tpu.memory_space<hbm>>
      %dma_wait3A_73 = arith.constant 0 : i32
      %dma_wait3A_74 = tpu.memref_slice %arg10[%add3A_30, %dma_wait3A_73] : memref<10240x128xf32, #tpu.memory_space<vmem_shared>> -> memref<128x128xf32, #tpu.memory_space<vmem_shared>>
      tpu.wait_dma2 semaphore(%run_scoped3A : memref<!tpu.dma_semaphore, #tpu.memory_space<semaphore_mem>>) src(%dma_wait3A_74 : memref<128x128xf32, #tpu.memory_space<vmem_shared>>) dst(%dma_wait3A_72 : memref<128x128xf32, #tpu.memory_space<hbm>>)
      tpu.yield
    }) : () -> ()
    %mul3A_35 = arith.constant 640 : i32
    %mul3A_36 = arith.muli %arg1, %mul3A_35 : i32
    %add3A_37 = arith.constant 128 : i32
    %add3A_38 = arith.addi %mul3A_36, %add3A_37 : i32
    %mul3A_39 = arith.constant 640 : i32
    %mul3A_40 = arith.muli %arg1, %mul3A_39 : i32
    %add3A_41 = arith.constant 128 : i32
    %add3A_42 = arith.addi %mul3A_40, %add3A_41 : i32
    "tpu.region"() ({
      %run_scoped3A = tpu.sem_alloc : memref<!tpu.dma_semaphore, #tpu.memory_space<semaphore_mem>>
      %dma_start3A = arith.constant 0 : i32
      %dma_start3A_67 = tpu.memref_slice %arg6[%arg0, %add3A_42, %dma_start3A] : memref<2x10240x128xf32, #tpu.memory_space<hbm>> -> memref<1x128x128xf32, #tpu.memory_space<hbm>>
      %dma_start3A_68 = tpu.memref_squeeze %dma_start3A_67 : memref<1x128x128xf32, #tpu.memory_space<hbm>> -> memref<128x128xf32, #tpu.memory_space<hbm>>
      %dma_start3A_69 = arith.constant 0 : i32
      %dma_start3A_70 = tpu.memref_slice %arg10[%add3A_38, %dma_start3A_69] : memref<10240x128xf32, #tpu.memory_space<vmem_shared>> -> memref<128x128xf32, #tpu.memory_space<vmem_shared>>
      tpu.enqueue_dma source(%dma_start3A_70 : memref<128x128xf32, #tpu.memory_space<vmem_shared>>) target(%dma_start3A_68 : memref<128x128xf32, #tpu.memory_space<hbm>>) target_semaphore(%run_scoped3A : memref<!tpu.dma_semaphore, #tpu.memory_space<semaphore_mem>>)
      %dma_wait3A = arith.constant 0 : i32
      %dma_wait3A_71 = tpu.memref_slice %arg6[%arg0, %add3A_42, %dma_wait3A] : memref<2x10240x128xf32, #tpu.memory_space<hbm>> -> memref<1x128x128xf32, #tpu.memory_space<hbm>>
      %dma_wait3A_72 = tpu.memref_squeeze %dma_wait3A_71 : memref<1x128x128xf32, #tpu.memory_space<hbm>> -> memref<128x128xf32, #tpu.memory_space<hbm>>
      %dma_wait3A_73 = arith.constant 0 : i32
      %dma_wait3A_74 = tpu.memref_slice %arg10[%add3A_38, %dma_wait3A_73] : memref<10240x128xf32, #tpu.memory_space<vmem_shared>> -> memref<128x128xf32, #tpu.memory_space<vmem_shared>>
      tpu.wait_dma2 semaphore(%run_scoped3A : memref<!tpu.dma_semaphore, #tpu.memory_space<semaphore_mem>>) src(%dma_wait3A_74 : memref<128x128xf32, #tpu.memory_space<vmem_shared>>) dst(%dma_wait3A_72 : memref<128x128xf32, #tpu.memory_space<hbm>>)
      tpu.yield
    }) : () -> ()
    %mul3A_43 = arith.constant 640 : i32
    %mul3A_44 = arith.muli %arg1, %mul3A_43 : i32
    %add3A_45 = arith.constant 256 : i32
    %add3A_46 = arith.addi %mul3A_44, %add3A_45 : i32
    %mul3A_47 = arith.constant 640 : i32
    %mul3A_48 = arith.muli %arg1, %mul3A_47 : i32
    %add3A_49 = arith.constant 256 : i32
    %add3A_50 = arith.addi %mul3A_48, %add3A_49 : i32
    "tpu.region"() ({
      %run_scoped3A = tpu.sem_alloc : memref<!tpu.dma_semaphore, #tpu.memory_space<semaphore_mem>>
      %dma_start3A = arith.constant 0 : i32
      %dma_start3A_67 = tpu.memref_slice %arg6[%arg0, %add3A_50, %dma_start3A] : memref<2x10240x128xf32, #tpu.memory_space<hbm>> -> memref<1x128x128xf32, #tpu.memory_space<hbm>>
      %dma_start3A_68 = tpu.memref_squeeze %dma_start3A_67 : memref<1x128x128xf32, #tpu.memory_space<hbm>> -> memref<128x128xf32, #tpu.memory_space<hbm>>
      %dma_start3A_69 = arith.constant 0 : i32
      %dma_start3A_70 = tpu.memref_slice %arg10[%add3A_46, %dma_start3A_69] : memref<10240x128xf32, #tpu.memory_space<vmem_shared>> -> memref<128x128xf32, #tpu.memory_space<vmem_shared>>
      tpu.enqueue_dma source(%dma_start3A_70 : memref<128x128xf32, #tpu.memory_space<vmem_shared>>) target(%dma_start3A_68 : memref<128x128xf32, #tpu.memory_space<hbm>>) target_semaphore(%run_scoped3A : memref<!tpu.dma_semaphore, #tpu.memory_space<semaphore_mem>>)
      %dma_wait3A = arith.constant 0 : i32
      %dma_wait3A_71 = tpu.memref_slice %arg6[%arg0, %add3A_50, %dma_wait3A] : memref<2x10240x128xf32, #tpu.memory_space<hbm>> -> memref<1x128x128xf32, #tpu.memory_space<hbm>>
      %dma_wait3A_72 = tpu.memref_squeeze %dma_wait3A_71 : memref<1x128x128xf32, #tpu.memory_space<hbm>> -> memref<128x128xf32, #tpu.memory_space<hbm>>
      %dma_wait3A_73 = arith.constant 0 : i32
      %dma_wait3A_74 = tpu.memref_slice %arg10[%add3A_46, %dma_wait3A_73] : memref<10240x128xf32, #tpu.memory_space<vmem_shared>> -> memref<128x128xf32, #tpu.memory_space<vmem_shared>>
      tpu.wait_dma2 semaphore(%run_scoped3A : memref<!tpu.dma_semaphore, #tpu.memory_space<semaphore_mem>>) src(%dma_wait3A_74 : memref<128x128xf32, #tpu.memory_space<vmem_shared>>) dst(%dma_wait3A_72 : memref<128x128xf32, #tpu.memory_space<hbm>>)
      tpu.yield
    }) : () -> ()
    %mul3A_51 = arith.constant 640 : i32
    %mul3A_52 = arith.muli %arg1, %mul3A_51 : i32
    %add3A_53 = arith.constant 384 : i32
    %add3A_54 = arith.addi %mul3A_52, %add3A_53 : i32
    %mul3A_55 = arith.constant 640 : i32
    %mul3A_56 = arith.muli %arg1, %mul3A_55 : i32
    %add3A_57 = arith.constant 384 : i32
    %add3A_58 = arith.addi %mul3A_56, %add3A_57 : i32
    "tpu.region"() ({
      %run_scoped3A = tpu.sem_alloc : memref<!tpu.dma_semaphore, #tpu.memory_space<semaphore_mem>>
      %dma_start3A = arith.constant 0 : i32
      %dma_start3A_67 = tpu.memref_slice %arg6[%arg0, %add3A_58, %dma_start3A] : memref<2x10240x128xf32, #tpu.memory_space<hbm>> -> memref<1x128x128xf32, #tpu.memory_space<hbm>>
      %dma_start3A_68 = tpu.memref_squeeze %dma_start3A_67 : memref<1x128x128xf32, #tpu.memory_space<hbm>> -> memref<128x128xf32, #tpu.memory_space<hbm>>
      %dma_start3A_69 = arith.constant 0 : i32
      %dma_start3A_70 = tpu.memref_slice %arg10[%add3A_54, %dma_start3A_69] : memref<10240x128xf32, #tpu.memory_space<vmem_shared>> -> memref<128x128xf32, #tpu.memory_space<vmem_shared>>
      tpu.enqueue_dma source(%dma_start3A_70 : memref<128x128xf32, #tpu.memory_space<vmem_shared>>) target(%dma_start3A_68 : memref<128x128xf32, #tpu.memory_space<hbm>>) target_semaphore(%run_scoped3A : memref<!tpu.dma_semaphore, #tpu.memory_space<semaphore_mem>>)
      %dma_wait3A = arith.constant 0 : i32
      %dma_wait3A_71 = tpu.memref_slice %arg6[%arg0, %add3A_58, %dma_wait3A] : memref<2x10240x128xf32, #tpu.memory_space<hbm>> -> memref<1x128x128xf32, #tpu.memory_space<hbm>>
      %dma_wait3A_72 = tpu.memref_squeeze %dma_wait3A_71 : memref<1x128x128xf32, #tpu.memory_space<hbm>> -> memref<128x128xf32, #tpu.memory_space<hbm>>
      %dma_wait3A_73 = arith.constant 0 : i32
      %dma_wait3A_74 = tpu.memref_slice %arg10[%add3A_54, %dma_wait3A_73] : memref<10240x128xf32, #tpu.memory_space<vmem_shared>> -> memref<128x128xf32, #tpu.memory_space<vmem_shared>>
      tpu.wait_dma2 semaphore(%run_scoped3A : memref<!tpu.dma_semaphore, #tpu.memory_space<semaphore_mem>>) src(%dma_wait3A_74 : memref<128x128xf32, #tpu.memory_space<vmem_shared>>) dst(%dma_wait3A_72 : memref<128x128xf32, #tpu.memory_space<hbm>>)
      tpu.yield
    }) : () -> ()
    %mul3A_59 = arith.constant 640 : i32
    %mul3A_60 = arith.muli %arg1, %mul3A_59 : i32
    %add3A_61 = arith.constant 512 : i32
    %add3A_62 = arith.addi %mul3A_60, %add3A_61 : i32
    %mul3A_63 = arith.constant 640 : i32
    %mul3A_64 = arith.muli %arg1, %mul3A_63 : i32
    %add3A_65 = arith.constant 512 : i32
    %add3A_66 = arith.addi %mul3A_64, %add3A_65 : i32
    "tpu.region"() ({
      %run_scoped3A = tpu.sem_alloc : memref<!tpu.dma_semaphore, #tpu.memory_space<semaphore_mem>>
      %dma_start3A = arith.constant 0 : i32
      %dma_start3A_67 = tpu.memref_slice %arg6[%arg0, %add3A_66, %dma_start3A] : memref<2x10240x128xf32, #tpu.memory_space<hbm>> -> memref<1x128x128xf32, #tpu.memory_space<hbm>>
      %dma_start3A_68 = tpu.memref_squeeze %dma_start3A_67 : memref<1x128x128xf32, #tpu.memory_space<hbm>> -> memref<128x128xf32, #tpu.memory_space<hbm>>
      %dma_start3A_69 = arith.constant 0 : i32
      %dma_start3A_70 = tpu.memref_slice %arg10[%add3A_62, %dma_start3A_69] : memref<10240x128xf32, #tpu.memory_space<vmem_shared>> -> memref<128x128xf32, #tpu.memory_space<vmem_shared>>
      tpu.enqueue_dma source(%dma_start3A_70 : memref<128x128xf32, #tpu.memory_space<vmem_shared>>) target(%dma_start3A_68 : memref<128x128xf32, #tpu.memory_space<hbm>>) target_semaphore(%run_scoped3A : memref<!tpu.dma_semaphore, #tpu.memory_space<semaphore_mem>>)
      %dma_wait3A = arith.constant 0 : i32
      %dma_wait3A_71 = tpu.memref_slice %arg6[%arg0, %add3A_66, %dma_wait3A] : memref<2x10240x128xf32, #tpu.memory_space<hbm>> -> memref<1x128x128xf32, #tpu.memory_space<hbm>>
      %dma_wait3A_72 = tpu.memref_squeeze %dma_wait3A_71 : memref<1x128x128xf32, #tpu.memory_space<hbm>> -> memref<128x128xf32, #tpu.memory_space<hbm>>
      %dma_wait3A_73 = arith.constant 0 : i32
      %dma_wait3A_74 = tpu.memref_slice %arg10[%add3A_62, %dma_wait3A_73] : memref<10240x128xf32, #tpu.memory_space<vmem_shared>> -> memref<128x128xf32, #tpu.memory_space<vmem_shared>>
      tpu.wait_dma2 semaphore(%run_scoped3A : memref<!tpu.dma_semaphore, #tpu.memory_space<semaphore_mem>>) src(%dma_wait3A_74 : memref<128x128xf32, #tpu.memory_space<vmem_shared>>) dst(%dma_wait3A_72 : memref<128x128xf32, #tpu.memory_space<hbm>>)
      tpu.yield
    }) : () -> ()
    return
  }
}

#map = affine_map<(d0, d1) -> (0, 0)>
#map1 = affine_map<(d0, d1) -> (0, 0, 0)>
module attributes {stable_mosaic.version = 14 : i64} {
  func.func @sg_prop(%arg0: i32, %arg1: i32, %arg2: memref<10240x128xf32, #tpu.memory_space<hbm>>, %arg3: memref<32x82x128xi32, #tpu.memory_space<hbm>>, %arg4: memref<32x82x128xi32, #tpu.memory_space<hbm>>, %arg5: memref<128x128xf32, #tpu.memory_space<hbm>>, %arg6: memref<2x10240x128xf32, #tpu.memory_space<hbm>>, %arg7: memref<82x128xi32, #tpu.memory_space<vmem>>, %arg8: memref<82x128xi32, #tpu.memory_space<vmem>>, %arg9: memref<128x128xf32, #tpu.memory_space<vmem>>, %arg10: memref<10240x128xf32, #tpu.memory_space<vmem_shared>>, %arg11: memref<!tpu.dma_semaphore, #tpu.memory_space<semaphore_mem>>) attributes {dimension_semantics = [#tpu.dimension_semantics<core_parallel>, #tpu.dimension_semantics<subcore_parallel>], iteration_bounds = array<i64: 2, 16>, scalar_prefetch = 0 : i64, scratch_operands = 5 : i64, tpu.core_type = #tpu.core_type<sc_vector_subcore>, window_params = [{transform_indices = #map}, {transform_indices = #map1}, {transform_indices = #map1}, {transform_indices = #map}, {transform_indices = #map1}]} {
    %mul3A = arith.constant 16 : i32
    %mul3A_0 = arith.muli %arg0, %mul3A : i32
    %add3A = arith.addi %mul3A_0, %arg1 : i32
    %mul3A_1 = arith.constant 640 : i32
    %mul3A_2 = arith.muli %arg1, %mul3A_1 : i32
    %add3A_3 = arith.constant 0 : i32
    %add3A_4 = arith.addi %mul3A_2, %add3A_3 : i32
    "tpu.region"() ({
      %run_scoped3A = tpu.sem_alloc : memref<!tpu.dma_semaphore, #tpu.memory_space<semaphore_mem>>
      %dma_start3A = arith.constant 0 : i32
      %dma_start3A_67 = tpu.memref_slice %arg10[%add3A_4, %dma_start3A] : memref<10240x128xf32, #tpu.memory_space<vmem_shared>> -> memref<128x128xf32, #tpu.memory_space<vmem_shared>>
      tpu.enqueue_dma source(%arg5 : memref<128x128xf32, #tpu.memory_space<hbm>>) target(%dma_start3A_67 : memref<128x128xf32, #tpu.memory_space<vmem_shared>>) target_semaphore(%run_scoped3A : memref<!tpu.dma_semaphore, #tpu.memory_space<semaphore_mem>>)
      %dma_wait3A = arith.constant 0 : i32
      %dma_wait3A_68 = tpu.memref_slice %arg10[%add3A_4, %dma_wait3A] : memref<10240x128xf32, #tpu.memory_space<vmem_shared>> -> memref<128x128xf32, #tpu.memory_space<vmem_shared>>
      tpu.wait_dma2 semaphore(%run_scoped3A : memref<!tpu.dma_semaphore, #tpu.memory_space<semaphore_mem>>) src(%arg5 : memref<128x128xf32, #tpu.memory_space<hbm>>) dst(%dma_wait3A_68 : memref<128x128xf32, #tpu.memory_space<vmem_shared>>)
      tpu.yield
    }) : () -> ()
    %mul3A_5 = arith.constant 640 : i32
    %mul3A_6 = arith.muli %arg1, %mul3A_5 : i32
    %add3A_7 = arith.constant 128 : i32
    %add3A_8 = arith.addi %mul3A_6, %add3A_7 : i32
    "tpu.region"() ({
      %run_scoped3A = tpu.sem_alloc : memref<!tpu.dma_semaphore, #tpu.memory_space<semaphore_mem>>
      %dma_start3A = arith.constant 0 : i32
      %dma_start3A_67 = tpu.memref_slice %arg10[%add3A_8, %dma_start3A] : memref<10240x128xf32, #tpu.memory_space<vmem_shared>> -> memref<128x128xf32, #tpu.memory_space<vmem_shared>>
      tpu.enqueue_dma source(%arg5 : memref<128x128xf32, #tpu.memory_space<hbm>>) target(%dma_start3A_67 : memref<128x128xf32, #tpu.memory_space<vmem_shared>>) target_semaphore(%run_scoped3A : memref<!tpu.dma_semaphore, #tpu.memory_space<semaphore_mem>>)
      %dma_wait3A = arith.constant 0 : i32
      %dma_wait3A_68 = tpu.memref_slice %arg10[%add3A_8, %dma_wait3A] : memref<10240x128xf32, #tpu.memory_space<vmem_shared>> -> memref<128x128xf32, #tpu.memory_space<vmem_shared>>
      tpu.wait_dma2 semaphore(%run_scoped3A : memref<!tpu.dma_semaphore, #tpu.memory_space<semaphore_mem>>) src(%arg5 : memref<128x128xf32, #tpu.memory_space<hbm>>) dst(%dma_wait3A_68 : memref<128x128xf32, #tpu.memory_space<vmem_shared>>)
      tpu.yield
    }) : () -> ()
    %mul3A_9 = arith.constant 640 : i32
    %mul3A_10 = arith.muli %arg1, %mul3A_9 : i32
    %add3A_11 = arith.constant 256 : i32
    %add3A_12 = arith.addi %mul3A_10, %add3A_11 : i32
    "tpu.region"() ({
      %run_scoped3A = tpu.sem_alloc : memref<!tpu.dma_semaphore, #tpu.memory_space<semaphore_mem>>
      %dma_start3A = arith.constant 0 : i32
      %dma_start3A_67 = tpu.memref_slice %arg10[%add3A_12, %dma_start3A] : memref<10240x128xf32, #tpu.memory_space<vmem_shared>> -> memref<128x128xf32, #tpu.memory_space<vmem_shared>>
      tpu.enqueue_dma source(%arg5 : memref<128x128xf32, #tpu.memory_space<hbm>>) target(%dma_start3A_67 : memref<128x128xf32, #tpu.memory_space<vmem_shared>>) target_semaphore(%run_scoped3A : memref<!tpu.dma_semaphore, #tpu.memory_space<semaphore_mem>>)
      %dma_wait3A = arith.constant 0 : i32
      %dma_wait3A_68 = tpu.memref_slice %arg10[%add3A_12, %dma_wait3A] : memref<10240x128xf32, #tpu.memory_space<vmem_shared>> -> memref<128x128xf32, #tpu.memory_space<vmem_shared>>
      tpu.wait_dma2 semaphore(%run_scoped3A : memref<!tpu.dma_semaphore, #tpu.memory_space<semaphore_mem>>) src(%arg5 : memref<128x128xf32, #tpu.memory_space<hbm>>) dst(%dma_wait3A_68 : memref<128x128xf32, #tpu.memory_space<vmem_shared>>)
      tpu.yield
    }) : () -> ()
    %mul3A_13 = arith.constant 640 : i32
    %mul3A_14 = arith.muli %arg1, %mul3A_13 : i32
    %add3A_15 = arith.constant 384 : i32
    %add3A_16 = arith.addi %mul3A_14, %add3A_15 : i32
    "tpu.region"() ({
      %run_scoped3A = tpu.sem_alloc : memref<!tpu.dma_semaphore, #tpu.memory_space<semaphore_mem>>
      %dma_start3A = arith.constant 0 : i32
      %dma_start3A_67 = tpu.memref_slice %arg10[%add3A_16, %dma_start3A] : memref<10240x128xf32, #tpu.memory_space<vmem_shared>> -> memref<128x128xf32, #tpu.memory_space<vmem_shared>>
      tpu.enqueue_dma source(%arg5 : memref<128x128xf32, #tpu.memory_space<hbm>>) target(%dma_start3A_67 : memref<128x128xf32, #tpu.memory_space<vmem_shared>>) target_semaphore(%run_scoped3A : memref<!tpu.dma_semaphore, #tpu.memory_space<semaphore_mem>>)
      %dma_wait3A = arith.constant 0 : i32
      %dma_wait3A_68 = tpu.memref_slice %arg10[%add3A_16, %dma_wait3A] : memref<10240x128xf32, #tpu.memory_space<vmem_shared>> -> memref<128x128xf32, #tpu.memory_space<vmem_shared>>
      tpu.wait_dma2 semaphore(%run_scoped3A : memref<!tpu.dma_semaphore, #tpu.memory_space<semaphore_mem>>) src(%arg5 : memref<128x128xf32, #tpu.memory_space<hbm>>) dst(%dma_wait3A_68 : memref<128x128xf32, #tpu.memory_space<vmem_shared>>)
      tpu.yield
    }) : () -> ()
    %mul3A_17 = arith.constant 640 : i32
    %mul3A_18 = arith.muli %arg1, %mul3A_17 : i32
    %add3A_19 = arith.constant 512 : i32
    %add3A_20 = arith.addi %mul3A_18, %add3A_19 : i32
    "tpu.region"() ({
      %run_scoped3A = tpu.sem_alloc : memref<!tpu.dma_semaphore, #tpu.memory_space<semaphore_mem>>
      %dma_start3A = arith.constant 0 : i32
      %dma_start3A_67 = tpu.memref_slice %arg10[%add3A_20, %dma_start3A] : memref<10240x128xf32, #tpu.memory_space<vmem_shared>> -> memref<128x128xf32, #tpu.memory_space<vmem_shared>>
      tpu.enqueue_dma source(%arg5 : memref<128x128xf32, #tpu.memory_space<hbm>>) target(%dma_start3A_67 : memref<128x128xf32, #tpu.memory_space<vmem_shared>>) target_semaphore(%run_scoped3A : memref<!tpu.dma_semaphore, #tpu.memory_space<semaphore_mem>>)
      %dma_wait3A = arith.constant 0 : i32
      %dma_wait3A_68 = tpu.memref_slice %arg10[%add3A_20, %dma_wait3A] : memref<10240x128xf32, #tpu.memory_space<vmem_shared>> -> memref<128x128xf32, #tpu.memory_space<vmem_shared>>
      tpu.wait_dma2 semaphore(%run_scoped3A : memref<!tpu.dma_semaphore, #tpu.memory_space<semaphore_mem>>) src(%arg5 : memref<128x128xf32, #tpu.memory_space<hbm>>) dst(%dma_wait3A_68 : memref<128x128xf32, #tpu.memory_space<vmem_shared>>)
      tpu.yield
    }) : () -> ()
    "tpu.region"() ({
      %run_scoped3A = tpu.sem_alloc : memref<!tpu.dma_semaphore, #tpu.memory_space<semaphore_mem>>
      %dma_start3A = arith.constant 0 : i32
      %dma_start3A_67 = arith.constant 0 : i32
      %dma_start3A_68 = tpu.memref_slice %arg3[%add3A, %dma_start3A, %dma_start3A_67] : memref<32x82x128xi32, #tpu.memory_space<hbm>> -> memref<1x82x128xi32, #tpu.memory_space<hbm>>
      %dma_start3A_69 = tpu.memref_squeeze %dma_start3A_68 : memref<1x82x128xi32, #tpu.memory_space<hbm>> -> memref<82x128xi32, #tpu.memory_space<hbm>>
      %dma_start3A_70 = arith.constant 0 : i32
      %dma_start3A_71 = arith.constant 0 : i32
      %dma_start3A_72 = tpu.memref_slice %arg3[%add3A, %dma_start3A_70, %dma_start3A_71] : memref<32x82x128xi32, #tpu.memory_space<hbm>> -> memref<1x82x128xi32, #tpu.memory_space<hbm>>
      %dma_start3A_73 = tpu.memref_squeeze %dma_start3A_72 : memref<1x82x128xi32, #tpu.memory_space<hbm>> -> memref<82x128xi32, #tpu.memory_space<hbm>>
      tpu.enqueue_dma source(%dma_start3A_73 : memref<82x128xi32, #tpu.memory_space<hbm>>) target(%arg7 : memref<82x128xi32, #tpu.memory_space<vmem>>) target_semaphore(%run_scoped3A : memref<!tpu.dma_semaphore, #tpu.memory_space<semaphore_mem>>)
      %dma_wait3A = arith.constant 0 : i32
      %dma_wait3A_74 = arith.constant 0 : i32
      %dma_wait3A_75 = tpu.memref_slice %arg3[%add3A, %dma_wait3A, %dma_wait3A_74] : memref<32x82x128xi32, #tpu.memory_space<hbm>> -> memref<1x82x128xi32, #tpu.memory_space<hbm>>
      %dma_wait3A_76 = tpu.memref_squeeze %dma_wait3A_75 : memref<1x82x128xi32, #tpu.memory_space<hbm>> -> memref<82x128xi32, #tpu.memory_space<hbm>>
      %dma_wait3A_77 = arith.constant 0 : i32
      %dma_wait3A_78 = arith.constant 0 : i32
      %dma_wait3A_79 = tpu.memref_slice %arg3[%add3A, %dma_wait3A_77, %dma_wait3A_78] : memref<32x82x128xi32, #tpu.memory_space<hbm>> -> memref<1x82x128xi32, #tpu.memory_space<hbm>>
      %dma_wait3A_80 = tpu.memref_squeeze %dma_wait3A_79 : memref<1x82x128xi32, #tpu.memory_space<hbm>> -> memref<82x128xi32, #tpu.memory_space<hbm>>
      tpu.wait_dma2 semaphore(%run_scoped3A : memref<!tpu.dma_semaphore, #tpu.memory_space<semaphore_mem>>) src(%dma_wait3A_80 : memref<82x128xi32, #tpu.memory_space<hbm>>) dst(%arg7 : memref<82x128xi32, #tpu.memory_space<vmem>>)
      tpu.yield
    }) : () -> ()
    "tpu.region"() ({
      %run_scoped3A = tpu.sem_alloc : memref<!tpu.dma_semaphore, #tpu.memory_space<semaphore_mem>>
      %dma_start3A = arith.constant 0 : i32
      %dma_start3A_67 = arith.constant 0 : i32
      %dma_start3A_68 = tpu.memref_slice %arg4[%add3A, %dma_start3A, %dma_start3A_67] : memref<32x82x128xi32, #tpu.memory_space<hbm>> -> memref<1x82x128xi32, #tpu.memory_space<hbm>>
      %dma_start3A_69 = tpu.memref_squeeze %dma_start3A_68 : memref<1x82x128xi32, #tpu.memory_space<hbm>> -> memref<82x128xi32, #tpu.memory_space<hbm>>
      %dma_start3A_70 = arith.constant 0 : i32
      %dma_start3A_71 = arith.constant 0 : i32
      %dma_start3A_72 = tpu.memref_slice %arg4[%add3A, %dma_start3A_70, %dma_start3A_71] : memref<32x82x128xi32, #tpu.memory_space<hbm>> -> memref<1x82x128xi32, #tpu.memory_space<hbm>>
      %dma_start3A_73 = tpu.memref_squeeze %dma_start3A_72 : memref<1x82x128xi32, #tpu.memory_space<hbm>> -> memref<82x128xi32, #tpu.memory_space<hbm>>
      tpu.enqueue_dma source(%dma_start3A_73 : memref<82x128xi32, #tpu.memory_space<hbm>>) target(%arg8 : memref<82x128xi32, #tpu.memory_space<vmem>>) target_semaphore(%run_scoped3A : memref<!tpu.dma_semaphore, #tpu.memory_space<semaphore_mem>>)
      %dma_wait3A = arith.constant 0 : i32
      %dma_wait3A_74 = arith.constant 0 : i32
      %dma_wait3A_75 = tpu.memref_slice %arg4[%add3A, %dma_wait3A, %dma_wait3A_74] : memref<32x82x128xi32, #tpu.memory_space<hbm>> -> memref<1x82x128xi32, #tpu.memory_space<hbm>>
      %dma_wait3A_76 = tpu.memref_squeeze %dma_wait3A_75 : memref<1x82x128xi32, #tpu.memory_space<hbm>> -> memref<82x128xi32, #tpu.memory_space<hbm>>
      %dma_wait3A_77 = arith.constant 0 : i32
      %dma_wait3A_78 = arith.constant 0 : i32
      %dma_wait3A_79 = tpu.memref_slice %arg4[%add3A, %dma_wait3A_77, %dma_wait3A_78] : memref<32x82x128xi32, #tpu.memory_space<hbm>> -> memref<1x82x128xi32, #tpu.memory_space<hbm>>
      %dma_wait3A_80 = tpu.memref_squeeze %dma_wait3A_79 : memref<1x82x128xi32, #tpu.memory_space<hbm>> -> memref<82x128xi32, #tpu.memory_space<hbm>>
      tpu.wait_dma2 semaphore(%run_scoped3A : memref<!tpu.dma_semaphore, #tpu.memory_space<semaphore_mem>>) src(%dma_wait3A_80 : memref<82x128xi32, #tpu.memory_space<hbm>>) dst(%arg8 : memref<82x128xi32, #tpu.memory_space<vmem>>)
      tpu.yield
    }) : () -> ()
    %barrier3A = arith.constant 0 : index
    tpu.barrier barrier_id(%barrier3A)
    %scan3A = arith.constant 0 : i32
    %scan3A_21 = arith.constant 0 : i32
    %scan3A_22 = arith.constant 82 : i32
    %scan3A_23 = arith.addi %scan3A_21, %scan3A_22 : i32
    %scan3A_24 = arith.constant 1 : i32
    scf.for %scan3A_67 = %scan3A_21 to %scan3A_23 step %scan3A_24  : i32 {
      %dma_start3A = arith.constant 0 : i32
      %dma_start3A_68 = tpu.memref_slice %arg7[%scan3A_67, %dma_start3A] : memref<82x128xi32, #tpu.memory_space<vmem>> -> memref<1x128xi32, #tpu.memory_space<vmem>>
      %dma_start3A_69 = tpu.memref_squeeze %dma_start3A_68 : memref<1x128xi32, #tpu.memory_space<vmem>> -> memref<128xi32, #tpu.memory_space<vmem>>
      %dma_start3A_70 = arith.constant 0 : i32
      %dma_start3A_71 = arith.constant 0 : i32
      %dma_start3A_72 = tpu.memref_slice %arg2[%dma_start3A_70, %dma_start3A_71] : memref<10240x128xf32, #tpu.memory_space<hbm>> -> memref<10240x128xf32, #tpu.memory_space<hbm>>
      tpu.enqueue_indirect_dma source(%dma_start3A_72 : memref<10240x128xf32, #tpu.memory_space<hbm>>) target(%arg9 : memref<128x128xf32, #tpu.memory_space<vmem>>) offsets(%dma_start3A_69 : memref<128xi32, #tpu.memory_space<vmem>>) semaphore(%arg11 : memref<!tpu.dma_semaphore, #tpu.memory_space<semaphore_mem>>)
      %dma_wait3A = arith.constant 0 : i32
      %dma_wait3A_73 = tpu.memref_slice %arg7[%scan3A_67, %dma_wait3A] : memref<82x128xi32, #tpu.memory_space<vmem>> -> memref<1x128xi32, #tpu.memory_space<vmem>>
      %dma_wait3A_74 = tpu.memref_squeeze %dma_wait3A_73 : memref<1x128xi32, #tpu.memory_space<vmem>> -> memref<128xi32, #tpu.memory_space<vmem>>
      %dma_wait3A_75 = arith.constant 0 : i32
      %dma_wait3A_76 = arith.constant 0 : i32
      %dma_wait3A_77 = tpu.memref_slice %arg2[%dma_wait3A_75, %dma_wait3A_76] : memref<10240x128xf32, #tpu.memory_space<hbm>> -> memref<10240x128xf32, #tpu.memory_space<hbm>>
      tpu.wait_indirect_dma semaphore(%arg11 : memref<!tpu.dma_semaphore, #tpu.memory_space<semaphore_mem>>) src(%dma_wait3A_77 : memref<10240x128xf32, #tpu.memory_space<hbm>>) dst(%arg9 : memref<128x128xf32, #tpu.memory_space<vmem>>)
      "tpu.region"() ({
        %run_scoped3A = tpu.sem_alloc : memref<!tpu.dma_semaphore, #tpu.memory_space<semaphore_mem>>
        %dma_start3A_78 = arith.constant 0 : i32
        %dma_start3A_79 = tpu.memref_slice %arg8[%scan3A_67, %dma_start3A_78] : memref<82x128xi32, #tpu.memory_space<vmem>> -> memref<1x128xi32, #tpu.memory_space<vmem>>
        %dma_start3A_80 = tpu.memref_squeeze %dma_start3A_79 : memref<1x128xi32, #tpu.memory_space<vmem>> -> memref<128xi32, #tpu.memory_space<vmem>>
        %dma_start3A_81 = arith.constant 0 : i32
        %dma_start3A_82 = arith.constant 0 : i32
        %dma_start3A_83 = tpu.memref_slice %arg10[%dma_start3A_81, %dma_start3A_82] : memref<10240x128xf32, #tpu.memory_space<vmem_shared>> -> memref<10240x128xf32, #tpu.memory_space<vmem_shared>>
        tpu.enqueue_indirect_dma source(%arg9 : memref<128x128xf32, #tpu.memory_space<vmem>>) target(%dma_start3A_83 : memref<10240x128xf32, #tpu.memory_space<vmem_shared>>) offsets(%dma_start3A_80 : memref<128xi32, #tpu.memory_space<vmem>>) semaphore(%run_scoped3A : memref<!tpu.dma_semaphore, #tpu.memory_space<semaphore_mem>>) {add = true}
        %dma_wait3A_84 = arith.constant 0 : i32
        %dma_wait3A_85 = tpu.memref_slice %arg8[%scan3A_67, %dma_wait3A_84] : memref<82x128xi32, #tpu.memory_space<vmem>> -> memref<1x128xi32, #tpu.memory_space<vmem>>
        %dma_wait3A_86 = tpu.memref_squeeze %dma_wait3A_85 : memref<1x128xi32, #tpu.memory_space<vmem>> -> memref<128xi32, #tpu.memory_space<vmem>>
        %dma_wait3A_87 = arith.constant 0 : i32
        %dma_wait3A_88 = arith.constant 0 : i32
        %dma_wait3A_89 = tpu.memref_slice %arg10[%dma_wait3A_87, %dma_wait3A_88] : memref<10240x128xf32, #tpu.memory_space<vmem_shared>> -> memref<10240x128xf32, #tpu.memory_space<vmem_shared>>
        tpu.wait_indirect_dma semaphore(%run_scoped3A : memref<!tpu.dma_semaphore, #tpu.memory_space<semaphore_mem>>) src(%arg9 : memref<128x128xf32, #tpu.memory_space<vmem>>) dst(%dma_wait3A_89 : memref<10240x128xf32, #tpu.memory_space<vmem_shared>>)
        tpu.yield
      }) : () -> ()
    }
    %scan3A_25 = arith.constant 82 : i32
    %barrier3A_26 = arith.constant 0 : index
    tpu.barrier barrier_id(%barrier3A_26)
    %mul3A_27 = arith.constant 640 : i32
    %mul3A_28 = arith.muli %arg1, %mul3A_27 : i32
    %add3A_29 = arith.constant 0 : i32
    %add3A_30 = arith.addi %mul3A_28, %add3A_29 : i32
    %mul3A_31 = arith.constant 640 : i32
    %mul3A_32 = arith.muli %arg1, %mul3A_31 : i32
    %add3A_33 = arith.constant 0 : i32
    %add3A_34 = arith.addi %mul3A_32, %add3A_33 : i32
    "tpu.region"() ({
      %run_scoped3A = tpu.sem_alloc : memref<!tpu.dma_semaphore, #tpu.memory_space<semaphore_mem>>
      %dma_start3A = arith.constant 0 : i32
      %dma_start3A_67 = tpu.memref_slice %arg6[%arg0, %add3A_34, %dma_start3A] : memref<2x10240x128xf32, #tpu.memory_space<hbm>> -> memref<1x128x128xf32, #tpu.memory_space<hbm>>
      %dma_start3A_68 = tpu.memref_squeeze %dma_start3A_67 : memref<1x128x128xf32, #tpu.memory_space<hbm>> -> memref<128x128xf32, #tpu.memory_space<hbm>>
      %dma_start3A_69 = arith.constant 0 : i32
      %dma_start3A_70 = tpu.memref_slice %arg10[%add3A_30, %dma_start3A_69] : memref<10240x128xf32, #tpu.memory_space<vmem_shared>> -> memref<128x128xf32, #tpu.memory_space<vmem_shared>>
      tpu.enqueue_dma source(%dma_start3A_70 : memref<128x128xf32, #tpu.memory_space<vmem_shared>>) target(%dma_start3A_68 : memref<128x128xf32, #tpu.memory_space<hbm>>) target_semaphore(%run_scoped3A : memref<!tpu.dma_semaphore, #tpu.memory_space<semaphore_mem>>)
      %dma_wait3A = arith.constant 0 : i32
      %dma_wait3A_71 = tpu.memref_slice %arg6[%arg0, %add3A_34, %dma_wait3A] : memref<2x10240x128xf32, #tpu.memory_space<hbm>> -> memref<1x128x128xf32, #tpu.memory_space<hbm>>
      %dma_wait3A_72 = tpu.memref_squeeze %dma_wait3A_71 : memref<1x128x128xf32, #tpu.memory_space<hbm>> -> memref<128x128xf32, #tpu.memory_space<hbm>>
      %dma_wait3A_73 = arith.constant 0 : i32
      %dma_wait3A_74 = tpu.memref_slice %arg10[%add3A_30, %dma_wait3A_73] : memref<10240x128xf32, #tpu.memory_space<vmem_shared>> -> memref<128x128xf32, #tpu.memory_space<vmem_shared>>
      tpu.wait_dma2 semaphore(%run_scoped3A : memref<!tpu.dma_semaphore, #tpu.memory_space<semaphore_mem>>) src(%dma_wait3A_74 : memref<128x128xf32, #tpu.memory_space<vmem_shared>>) dst(%dma_wait3A_72 : memref<128x128xf32, #tpu.memory_space<hbm>>)
      tpu.yield
    }) : () -> ()
    %mul3A_35 = arith.constant 640 : i32
    %mul3A_36 = arith.muli %arg1, %mul3A_35 : i32
    %add3A_37 = arith.constant 128 : i32
    %add3A_38 = arith.addi %mul3A_36, %add3A_37 : i32
    %mul3A_39 = arith.constant 640 : i32
    %mul3A_40 = arith.muli %arg1, %mul3A_39 : i32
    %add3A_41 = arith.constant 128 : i32
    %add3A_42 = arith.addi %mul3A_40, %add3A_41 : i32
    "tpu.region"() ({
      %run_scoped3A = tpu.sem_alloc : memref<!tpu.dma_semaphore, #tpu.memory_space<semaphore_mem>>
      %dma_start3A = arith.constant 0 : i32
      %dma_start3A_67 = tpu.memref_slice %arg6[%arg0, %add3A_42, %dma_start3A] : memref<2x10240x128xf32, #tpu.memory_space<hbm>> -> memref<1x128x128xf32, #tpu.memory_space<hbm>>
      %dma_start3A_68 = tpu.memref_squeeze %dma_start3A_67 : memref<1x128x128xf32, #tpu.memory_space<hbm>> -> memref<128x128xf32, #tpu.memory_space<hbm>>
      %dma_start3A_69 = arith.constant 0 : i32
      %dma_start3A_70 = tpu.memref_slice %arg10[%add3A_38, %dma_start3A_69] : memref<10240x128xf32, #tpu.memory_space<vmem_shared>> -> memref<128x128xf32, #tpu.memory_space<vmem_shared>>
      tpu.enqueue_dma source(%dma_start3A_70 : memref<128x128xf32, #tpu.memory_space<vmem_shared>>) target(%dma_start3A_68 : memref<128x128xf32, #tpu.memory_space<hbm>>) target_semaphore(%run_scoped3A : memref<!tpu.dma_semaphore, #tpu.memory_space<semaphore_mem>>)
      %dma_wait3A = arith.constant 0 : i32
      %dma_wait3A_71 = tpu.memref_slice %arg6[%arg0, %add3A_42, %dma_wait3A] : memref<2x10240x128xf32, #tpu.memory_space<hbm>> -> memref<1x128x128xf32, #tpu.memory_space<hbm>>
      %dma_wait3A_72 = tpu.memref_squeeze %dma_wait3A_71 : memref<1x128x128xf32, #tpu.memory_space<hbm>> -> memref<128x128xf32, #tpu.memory_space<hbm>>
      %dma_wait3A_73 = arith.constant 0 : i32
      %dma_wait3A_74 = tpu.memref_slice %arg10[%add3A_38, %dma_wait3A_73] : memref<10240x128xf32, #tpu.memory_space<vmem_shared>> -> memref<128x128xf32, #tpu.memory_space<vmem_shared>>
      tpu.wait_dma2 semaphore(%run_scoped3A : memref<!tpu.dma_semaphore, #tpu.memory_space<semaphore_mem>>) src(%dma_wait3A_74 : memref<128x128xf32, #tpu.memory_space<vmem_shared>>) dst(%dma_wait3A_72 : memref<128x128xf32, #tpu.memory_space<hbm>>)
      tpu.yield
    }) : () -> ()
    %mul3A_43 = arith.constant 640 : i32
    %mul3A_44 = arith.muli %arg1, %mul3A_43 : i32
    %add3A_45 = arith.constant 256 : i32
    %add3A_46 = arith.addi %mul3A_44, %add3A_45 : i32
    %mul3A_47 = arith.constant 640 : i32
    %mul3A_48 = arith.muli %arg1, %mul3A_47 : i32
    %add3A_49 = arith.constant 256 : i32
    %add3A_50 = arith.addi %mul3A_48, %add3A_49 : i32
    "tpu.region"() ({
      %run_scoped3A = tpu.sem_alloc : memref<!tpu.dma_semaphore, #tpu.memory_space<semaphore_mem>>
      %dma_start3A = arith.constant 0 : i32
      %dma_start3A_67 = tpu.memref_slice %arg6[%arg0, %add3A_50, %dma_start3A] : memref<2x10240x128xf32, #tpu.memory_space<hbm>> -> memref<1x128x128xf32, #tpu.memory_space<hbm>>
      %dma_start3A_68 = tpu.memref_squeeze %dma_start3A_67 : memref<1x128x128xf32, #tpu.memory_space<hbm>> -> memref<128x128xf32, #tpu.memory_space<hbm>>
      %dma_start3A_69 = arith.constant 0 : i32
      %dma_start3A_70 = tpu.memref_slice %arg10[%add3A_46, %dma_start3A_69] : memref<10240x128xf32, #tpu.memory_space<vmem_shared>> -> memref<128x128xf32, #tpu.memory_space<vmem_shared>>
      tpu.enqueue_dma source(%dma_start3A_70 : memref<128x128xf32, #tpu.memory_space<vmem_shared>>) target(%dma_start3A_68 : memref<128x128xf32, #tpu.memory_space<hbm>>) target_semaphore(%run_scoped3A : memref<!tpu.dma_semaphore, #tpu.memory_space<semaphore_mem>>)
      %dma_wait3A = arith.constant 0 : i32
      %dma_wait3A_71 = tpu.memref_slice %arg6[%arg0, %add3A_50, %dma_wait3A] : memref<2x10240x128xf32, #tpu.memory_space<hbm>> -> memref<1x128x128xf32, #tpu.memory_space<hbm>>
      %dma_wait3A_72 = tpu.memref_squeeze %dma_wait3A_71 : memref<1x128x128xf32, #tpu.memory_space<hbm>> -> memref<128x128xf32, #tpu.memory_space<hbm>>
      %dma_wait3A_73 = arith.constant 0 : i32
      %dma_wait3A_74 = tpu.memref_slice %arg10[%add3A_46, %dma_wait3A_73] : memref<10240x128xf32, #tpu.memory_space<vmem_shared>> -> memref<128x128xf32, #tpu.memory_space<vmem_shared>>
      tpu.wait_dma2 semaphore(%run_scoped3A : memref<!tpu.dma_semaphore, #tpu.memory_space<semaphore_mem>>) src(%dma_wait3A_74 : memref<128x128xf32, #tpu.memory_space<vmem_shared>>) dst(%dma_wait3A_72 : memref<128x128xf32, #tpu.memory_space<hbm>>)
      tpu.yield
    }) : () -> ()
    %mul3A_51 = arith.constant 640 : i32
    %mul3A_52 = arith.muli %arg1, %mul3A_51 : i32
    %add3A_53 = arith.constant 384 : i32
    %add3A_54 = arith.addi %mul3A_52, %add3A_53 : i32
    %mul3A_55 = arith.constant 640 : i32
    %mul3A_56 = arith.muli %arg1, %mul3A_55 : i32
    %add3A_57 = arith.constant 384 : i32
    %add3A_58 = arith.addi %mul3A_56, %add3A_57 : i32
    "tpu.region"() ({
      %run_scoped3A = tpu.sem_alloc : memref<!tpu.dma_semaphore, #tpu.memory_space<semaphore_mem>>
      %dma_start3A = arith.constant 0 : i32
      %dma_start3A_67 = tpu.memref_slice %arg6[%arg0, %add3A_58, %dma_start3A] : memref<2x10240x128xf32, #tpu.memory_space<hbm>> -> memref<1x128x128xf32, #tpu.memory_space<hbm>>
      %dma_start3A_68 = tpu.memref_squeeze %dma_start3A_67 : memref<1x128x128xf32, #tpu.memory_space<hbm>> -> memref<128x128xf32, #tpu.memory_space<hbm>>
      %dma_start3A_69 = arith.constant 0 : i32
      %dma_start3A_70 = tpu.memref_slice %arg10[%add3A_54, %dma_start3A_69] : memref<10240x128xf32, #tpu.memory_space<vmem_shared>> -> memref<128x128xf32, #tpu.memory_space<vmem_shared>>
      tpu.enqueue_dma source(%dma_start3A_70 : memref<128x128xf32, #tpu.memory_space<vmem_shared>>) target(%dma_start3A_68 : memref<128x128xf32, #tpu.memory_space<hbm>>) target_semaphore(%run_scoped3A : memref<!tpu.dma_semaphore, #tpu.memory_space<semaphore_mem>>)
      %dma_wait3A = arith.constant 0 : i32
      %dma_wait3A_71 = tpu.memref_slice %arg6[%arg0, %add3A_58, %dma_wait3A] : memref<2x10240x128xf32, #tpu.memory_space<hbm>> -> memref<1x128x128xf32, #tpu.memory_space<hbm>>
      %dma_wait3A_72 = tpu.memref_squeeze %dma_wait3A_71 : memref<1x128x128xf32, #tpu.memory_space<hbm>> -> memref<128x128xf32, #tpu.memory_space<hbm>>
      %dma_wait3A_73 = arith.constant 0 : i32
      %dma_wait3A_74 = tpu.memref_slice %arg10[%add3A_54, %dma_wait3A_73] : memref<10240x128xf32, #tpu.memory_space<vmem_shared>> -> memref<128x128xf32, #tpu.memory_space<vmem_shared>>
      tpu.wait_dma2 semaphore(%run_scoped3A : memref<!tpu.dma_semaphore, #tpu.memory_space<semaphore_mem>>) src(%dma_wait3A_74 : memref<128x128xf32, #tpu.memory_space<vmem_shared>>) dst(%dma_wait3A_72 : memref<128x128xf32, #tpu.memory_space<hbm>>)
      tpu.yield
    }) : () -> ()
    %mul3A_59 = arith.constant 640 : i32
    %mul3A_60 = arith.muli %arg1, %mul3A_59 : i32
    %add3A_61 = arith.constant 512 : i32
    %add3A_62 = arith.addi %mul3A_60, %add3A_61 : i32
    %mul3A_63 = arith.constant 640 : i32
    %mul3A_64 = arith.muli %arg1, %mul3A_63 : i32
    %add3A_65 = arith.constant 512 : i32
    %add3A_66 = arith.addi %mul3A_64, %add3A_65 : i32
    "tpu.region"() ({
      %run_scoped3A = tpu.sem_alloc : memref<!tpu.dma_semaphore, #tpu.memory_space<semaphore_mem>>
      %dma_start3A = arith.constant 0 : i32
      %dma_start3A_67 = tpu.memref_slice %arg6[%arg0, %add3A_66, %dma_start3A] : memref<2x10240x128xf32, #tpu.memory_space<hbm>> -> memref<1x128x128xf32, #tpu.memory_space<hbm>>
      %dma_start3A_68 = tpu.memref_squeeze %dma_start3A_67 : memref<1x128x128xf32, #tpu.memory_space<hbm>> -> memref<128x128xf32, #tpu.memory_space<hbm>>
      %dma_start3A_69 = arith.constant 0 : i32
      %dma_start3A_70 = tpu.memref_slice %arg10[%add3A_62, %dma_start3A_69] : memref<10240x128xf32, #tpu.memory_space<vmem_shared>> -> memref<128x128xf32, #tpu.memory_space<vmem_shared>>
      tpu.enqueue_dma source(%dma_start3A_70 : memref<128x128xf32, #tpu.memory_space<vmem_shared>>) target(%dma_start3A_68 : memref<128x128xf32, #tpu.memory_space<hbm>>) target_semaphore(%run_scoped3A : memref<!tpu.dma_semaphore, #tpu.memory_space<semaphore_mem>>)
      %dma_wait3A = arith.constant 0 : i32
      %dma_wait3A_71 = tpu.memref_slice %arg6[%arg0, %add3A_66, %dma_wait3A] : memref<2x10240x128xf32, #tpu.memory_space<hbm>> -> memref<1x128x128xf32, #tpu.memory_space<hbm>>
      %dma_wait3A_72 = tpu.memref_squeeze %dma_wait3A_71 : memref<1x128x128xf32, #tpu.memory_space<hbm>> -> memref<128x128xf32, #tpu.memory_space<hbm>>
      %dma_wait3A_73 = arith.constant 0 : i32
      %dma_wait3A_74 = tpu.memref_slice %arg10[%add3A_62, %dma_wait3A_73] : memref<10240x128xf32, #tpu.memory_space<vmem_shared>> -> memref<128x128xf32, #tpu.memory_space<vmem_shared>>
      tpu.wait_dma2 semaphore(%run_scoped3A : memref<!tpu.dma_semaphore, #tpu.memory_space<semaphore_mem>>) src(%dma_wait3A_74 : memref<128x128xf32, #tpu.memory_space<vmem_shared>>) dst(%dma_wait3A_72 : memref<128x128xf32, #tpu.memory_space<hbm>>)
      tpu.yield
    }) : () -> ()
    return
  }
}

#map = affine_map<(d0, d1) -> (0, 0)>
#map1 = affine_map<(d0, d1) -> (0, 0, 0)>
module attributes {stable_mosaic.version = 14 : i64} {
  func.func @sg_prop(%arg0: i32, %arg1: i32, %arg2: memref<10240x128xf32, #tpu.memory_space<hbm>>, %arg3: memref<32x82x128xi32, #tpu.memory_space<hbm>>, %arg4: memref<32x82x128xi32, #tpu.memory_space<hbm>>, %arg5: memref<128x128xf32, #tpu.memory_space<hbm>>, %arg6: memref<2x10240x128xf32, #tpu.memory_space<hbm>>, %arg7: memref<82x128xi32, #tpu.memory_space<vmem>>, %arg8: memref<82x128xi32, #tpu.memory_space<vmem>>, %arg9: memref<128x128xf32, #tpu.memory_space<vmem>>, %arg10: memref<10240x128xf32, #tpu.memory_space<vmem_shared>>, %arg11: memref<!tpu.dma_semaphore, #tpu.memory_space<semaphore_mem>>) attributes {dimension_semantics = [#tpu.dimension_semantics<core_parallel>, #tpu.dimension_semantics<subcore_parallel>], iteration_bounds = array<i64: 2, 16>, scalar_prefetch = 0 : i64, scratch_operands = 5 : i64, tpu.core_type = #tpu.core_type<sc_vector_subcore>, window_params = [{transform_indices = #map}, {transform_indices = #map1}, {transform_indices = #map1}, {transform_indices = #map}, {transform_indices = #map1}]} {
    %mul3A = arith.constant 16 : i32
    %mul3A_0 = arith.muli %arg0, %mul3A : i32
    %add3A = arith.addi %mul3A_0, %arg1 : i32
    %mul3A_1 = arith.constant 640 : i32
    %mul3A_2 = arith.muli %arg1, %mul3A_1 : i32
    %add3A_3 = arith.constant 0 : i32
    %add3A_4 = arith.addi %mul3A_2, %add3A_3 : i32
    "tpu.region"() ({
      %run_scoped3A = tpu.sem_alloc : memref<!tpu.dma_semaphore, #tpu.memory_space<semaphore_mem>>
      %dma_start3A = arith.constant 0 : i32
      %dma_start3A_67 = tpu.memref_slice %arg10[%add3A_4, %dma_start3A] : memref<10240x128xf32, #tpu.memory_space<vmem_shared>> -> memref<128x128xf32, #tpu.memory_space<vmem_shared>>
      tpu.enqueue_dma source(%arg5 : memref<128x128xf32, #tpu.memory_space<hbm>>) target(%dma_start3A_67 : memref<128x128xf32, #tpu.memory_space<vmem_shared>>) target_semaphore(%run_scoped3A : memref<!tpu.dma_semaphore, #tpu.memory_space<semaphore_mem>>)
      %dma_wait3A = arith.constant 0 : i32
      %dma_wait3A_68 = tpu.memref_slice %arg10[%add3A_4, %dma_wait3A] : memref<10240x128xf32, #tpu.memory_space<vmem_shared>> -> memref<128x128xf32, #tpu.memory_space<vmem_shared>>
      tpu.wait_dma2 semaphore(%run_scoped3A : memref<!tpu.dma_semaphore, #tpu.memory_space<semaphore_mem>>) src(%arg5 : memref<128x128xf32, #tpu.memory_space<hbm>>) dst(%dma_wait3A_68 : memref<128x128xf32, #tpu.memory_space<vmem_shared>>)
      tpu.yield
    }) : () -> ()
    %mul3A_5 = arith.constant 640 : i32
    %mul3A_6 = arith.muli %arg1, %mul3A_5 : i32
    %add3A_7 = arith.constant 128 : i32
    %add3A_8 = arith.addi %mul3A_6, %add3A_7 : i32
    "tpu.region"() ({
      %run_scoped3A = tpu.sem_alloc : memref<!tpu.dma_semaphore, #tpu.memory_space<semaphore_mem>>
      %dma_start3A = arith.constant 0 : i32
      %dma_start3A_67 = tpu.memref_slice %arg10[%add3A_8, %dma_start3A] : memref<10240x128xf32, #tpu.memory_space<vmem_shared>> -> memref<128x128xf32, #tpu.memory_space<vmem_shared>>
      tpu.enqueue_dma source(%arg5 : memref<128x128xf32, #tpu.memory_space<hbm>>) target(%dma_start3A_67 : memref<128x128xf32, #tpu.memory_space<vmem_shared>>) target_semaphore(%run_scoped3A : memref<!tpu.dma_semaphore, #tpu.memory_space<semaphore_mem>>)
      %dma_wait3A = arith.constant 0 : i32
      %dma_wait3A_68 = tpu.memref_slice %arg10[%add3A_8, %dma_wait3A] : memref<10240x128xf32, #tpu.memory_space<vmem_shared>> -> memref<128x128xf32, #tpu.memory_space<vmem_shared>>
      tpu.wait_dma2 semaphore(%run_scoped3A : memref<!tpu.dma_semaphore, #tpu.memory_space<semaphore_mem>>) src(%arg5 : memref<128x128xf32, #tpu.memory_space<hbm>>) dst(%dma_wait3A_68 : memref<128x128xf32, #tpu.memory_space<vmem_shared>>)
      tpu.yield
    }) : () -> ()
    %mul3A_9 = arith.constant 640 : i32
    %mul3A_10 = arith.muli %arg1, %mul3A_9 : i32
    %add3A_11 = arith.constant 256 : i32
    %add3A_12 = arith.addi %mul3A_10, %add3A_11 : i32
    "tpu.region"() ({
      %run_scoped3A = tpu.sem_alloc : memref<!tpu.dma_semaphore, #tpu.memory_space<semaphore_mem>>
      %dma_start3A = arith.constant 0 : i32
      %dma_start3A_67 = tpu.memref_slice %arg10[%add3A_12, %dma_start3A] : memref<10240x128xf32, #tpu.memory_space<vmem_shared>> -> memref<128x128xf32, #tpu.memory_space<vmem_shared>>
      tpu.enqueue_dma source(%arg5 : memref<128x128xf32, #tpu.memory_space<hbm>>) target(%dma_start3A_67 : memref<128x128xf32, #tpu.memory_space<vmem_shared>>) target_semaphore(%run_scoped3A : memref<!tpu.dma_semaphore, #tpu.memory_space<semaphore_mem>>)
      %dma_wait3A = arith.constant 0 : i32
      %dma_wait3A_68 = tpu.memref_slice %arg10[%add3A_12, %dma_wait3A] : memref<10240x128xf32, #tpu.memory_space<vmem_shared>> -> memref<128x128xf32, #tpu.memory_space<vmem_shared>>
      tpu.wait_dma2 semaphore(%run_scoped3A : memref<!tpu.dma_semaphore, #tpu.memory_space<semaphore_mem>>) src(%arg5 : memref<128x128xf32, #tpu.memory_space<hbm>>) dst(%dma_wait3A_68 : memref<128x128xf32, #tpu.memory_space<vmem_shared>>)
      tpu.yield
    }) : () -> ()
    %mul3A_13 = arith.constant 640 : i32
    %mul3A_14 = arith.muli %arg1, %mul3A_13 : i32
    %add3A_15 = arith.constant 384 : i32
    %add3A_16 = arith.addi %mul3A_14, %add3A_15 : i32
    "tpu.region"() ({
      %run_scoped3A = tpu.sem_alloc : memref<!tpu.dma_semaphore, #tpu.memory_space<semaphore_mem>>
      %dma_start3A = arith.constant 0 : i32
      %dma_start3A_67 = tpu.memref_slice %arg10[%add3A_16, %dma_start3A] : memref<10240x128xf32, #tpu.memory_space<vmem_shared>> -> memref<128x128xf32, #tpu.memory_space<vmem_shared>>
      tpu.enqueue_dma source(%arg5 : memref<128x128xf32, #tpu.memory_space<hbm>>) target(%dma_start3A_67 : memref<128x128xf32, #tpu.memory_space<vmem_shared>>) target_semaphore(%run_scoped3A : memref<!tpu.dma_semaphore, #tpu.memory_space<semaphore_mem>>)
      %dma_wait3A = arith.constant 0 : i32
      %dma_wait3A_68 = tpu.memref_slice %arg10[%add3A_16, %dma_wait3A] : memref<10240x128xf32, #tpu.memory_space<vmem_shared>> -> memref<128x128xf32, #tpu.memory_space<vmem_shared>>
      tpu.wait_dma2 semaphore(%run_scoped3A : memref<!tpu.dma_semaphore, #tpu.memory_space<semaphore_mem>>) src(%arg5 : memref<128x128xf32, #tpu.memory_space<hbm>>) dst(%dma_wait3A_68 : memref<128x128xf32, #tpu.memory_space<vmem_shared>>)
      tpu.yield
    }) : () -> ()
    %mul3A_17 = arith.constant 640 : i32
    %mul3A_18 = arith.muli %arg1, %mul3A_17 : i32
    %add3A_19 = arith.constant 512 : i32
    %add3A_20 = arith.addi %mul3A_18, %add3A_19 : i32
    "tpu.region"() ({
      %run_scoped3A = tpu.sem_alloc : memref<!tpu.dma_semaphore, #tpu.memory_space<semaphore_mem>>
      %dma_start3A = arith.constant 0 : i32
      %dma_start3A_67 = tpu.memref_slice %arg10[%add3A_20, %dma_start3A] : memref<10240x128xf32, #tpu.memory_space<vmem_shared>> -> memref<128x128xf32, #tpu.memory_space<vmem_shared>>
      tpu.enqueue_dma source(%arg5 : memref<128x128xf32, #tpu.memory_space<hbm>>) target(%dma_start3A_67 : memref<128x128xf32, #tpu.memory_space<vmem_shared>>) target_semaphore(%run_scoped3A : memref<!tpu.dma_semaphore, #tpu.memory_space<semaphore_mem>>)
      %dma_wait3A = arith.constant 0 : i32
      %dma_wait3A_68 = tpu.memref_slice %arg10[%add3A_20, %dma_wait3A] : memref<10240x128xf32, #tpu.memory_space<vmem_shared>> -> memref<128x128xf32, #tpu.memory_space<vmem_shared>>
      tpu.wait_dma2 semaphore(%run_scoped3A : memref<!tpu.dma_semaphore, #tpu.memory_space<semaphore_mem>>) src(%arg5 : memref<128x128xf32, #tpu.memory_space<hbm>>) dst(%dma_wait3A_68 : memref<128x128xf32, #tpu.memory_space<vmem_shared>>)
      tpu.yield
    }) : () -> ()
    "tpu.region"() ({
      %run_scoped3A = tpu.sem_alloc : memref<!tpu.dma_semaphore, #tpu.memory_space<semaphore_mem>>
      %dma_start3A = arith.constant 0 : i32
      %dma_start3A_67 = arith.constant 0 : i32
      %dma_start3A_68 = tpu.memref_slice %arg3[%add3A, %dma_start3A, %dma_start3A_67] : memref<32x82x128xi32, #tpu.memory_space<hbm>> -> memref<1x82x128xi32, #tpu.memory_space<hbm>>
      %dma_start3A_69 = tpu.memref_squeeze %dma_start3A_68 : memref<1x82x128xi32, #tpu.memory_space<hbm>> -> memref<82x128xi32, #tpu.memory_space<hbm>>
      %dma_start3A_70 = arith.constant 0 : i32
      %dma_start3A_71 = arith.constant 0 : i32
      %dma_start3A_72 = tpu.memref_slice %arg3[%add3A, %dma_start3A_70, %dma_start3A_71] : memref<32x82x128xi32, #tpu.memory_space<hbm>> -> memref<1x82x128xi32, #tpu.memory_space<hbm>>
      %dma_start3A_73 = tpu.memref_squeeze %dma_start3A_72 : memref<1x82x128xi32, #tpu.memory_space<hbm>> -> memref<82x128xi32, #tpu.memory_space<hbm>>
      tpu.enqueue_dma source(%dma_start3A_73 : memref<82x128xi32, #tpu.memory_space<hbm>>) target(%arg7 : memref<82x128xi32, #tpu.memory_space<vmem>>) target_semaphore(%run_scoped3A : memref<!tpu.dma_semaphore, #tpu.memory_space<semaphore_mem>>)
      %dma_wait3A = arith.constant 0 : i32
      %dma_wait3A_74 = arith.constant 0 : i32
      %dma_wait3A_75 = tpu.memref_slice %arg3[%add3A, %dma_wait3A, %dma_wait3A_74] : memref<32x82x128xi32, #tpu.memory_space<hbm>> -> memref<1x82x128xi32, #tpu.memory_space<hbm>>
      %dma_wait3A_76 = tpu.memref_squeeze %dma_wait3A_75 : memref<1x82x128xi32, #tpu.memory_space<hbm>> -> memref<82x128xi32, #tpu.memory_space<hbm>>
      %dma_wait3A_77 = arith.constant 0 : i32
      %dma_wait3A_78 = arith.constant 0 : i32
      %dma_wait3A_79 = tpu.memref_slice %arg3[%add3A, %dma_wait3A_77, %dma_wait3A_78] : memref<32x82x128xi32, #tpu.memory_space<hbm>> -> memref<1x82x128xi32, #tpu.memory_space<hbm>>
      %dma_wait3A_80 = tpu.memref_squeeze %dma_wait3A_79 : memref<1x82x128xi32, #tpu.memory_space<hbm>> -> memref<82x128xi32, #tpu.memory_space<hbm>>
      tpu.wait_dma2 semaphore(%run_scoped3A : memref<!tpu.dma_semaphore, #tpu.memory_space<semaphore_mem>>) src(%dma_wait3A_80 : memref<82x128xi32, #tpu.memory_space<hbm>>) dst(%arg7 : memref<82x128xi32, #tpu.memory_space<vmem>>)
      tpu.yield
    }) : () -> ()
    "tpu.region"() ({
      %run_scoped3A = tpu.sem_alloc : memref<!tpu.dma_semaphore, #tpu.memory_space<semaphore_mem>>
      %dma_start3A = arith.constant 0 : i32
      %dma_start3A_67 = arith.constant 0 : i32
      %dma_start3A_68 = tpu.memref_slice %arg4[%add3A, %dma_start3A, %dma_start3A_67] : memref<32x82x128xi32, #tpu.memory_space<hbm>> -> memref<1x82x128xi32, #tpu.memory_space<hbm>>
      %dma_start3A_69 = tpu.memref_squeeze %dma_start3A_68 : memref<1x82x128xi32, #tpu.memory_space<hbm>> -> memref<82x128xi32, #tpu.memory_space<hbm>>
      %dma_start3A_70 = arith.constant 0 : i32
      %dma_start3A_71 = arith.constant 0 : i32
      %dma_start3A_72 = tpu.memref_slice %arg4[%add3A, %dma_start3A_70, %dma_start3A_71] : memref<32x82x128xi32, #tpu.memory_space<hbm>> -> memref<1x82x128xi32, #tpu.memory_space<hbm>>
      %dma_start3A_73 = tpu.memref_squeeze %dma_start3A_72 : memref<1x82x128xi32, #tpu.memory_space<hbm>> -> memref<82x128xi32, #tpu.memory_space<hbm>>
      tpu.enqueue_dma source(%dma_start3A_73 : memref<82x128xi32, #tpu.memory_space<hbm>>) target(%arg8 : memref<82x128xi32, #tpu.memory_space<vmem>>) target_semaphore(%run_scoped3A : memref<!tpu.dma_semaphore, #tpu.memory_space<semaphore_mem>>)
      %dma_wait3A = arith.constant 0 : i32
      %dma_wait3A_74 = arith.constant 0 : i32
      %dma_wait3A_75 = tpu.memref_slice %arg4[%add3A, %dma_wait3A, %dma_wait3A_74] : memref<32x82x128xi32, #tpu.memory_space<hbm>> -> memref<1x82x128xi32, #tpu.memory_space<hbm>>
      %dma_wait3A_76 = tpu.memref_squeeze %dma_wait3A_75 : memref<1x82x128xi32, #tpu.memory_space<hbm>> -> memref<82x128xi32, #tpu.memory_space<hbm>>
      %dma_wait3A_77 = arith.constant 0 : i32
      %dma_wait3A_78 = arith.constant 0 : i32
      %dma_wait3A_79 = tpu.memref_slice %arg4[%add3A, %dma_wait3A_77, %dma_wait3A_78] : memref<32x82x128xi32, #tpu.memory_space<hbm>> -> memref<1x82x128xi32, #tpu.memory_space<hbm>>
      %dma_wait3A_80 = tpu.memref_squeeze %dma_wait3A_79 : memref<1x82x128xi32, #tpu.memory_space<hbm>> -> memref<82x128xi32, #tpu.memory_space<hbm>>
      tpu.wait_dma2 semaphore(%run_scoped3A : memref<!tpu.dma_semaphore, #tpu.memory_space<semaphore_mem>>) src(%dma_wait3A_80 : memref<82x128xi32, #tpu.memory_space<hbm>>) dst(%arg8 : memref<82x128xi32, #tpu.memory_space<vmem>>)
      tpu.yield
    }) : () -> ()
    %barrier3A = arith.constant 0 : index
    tpu.barrier barrier_id(%barrier3A)
    %scan3A = arith.constant 0 : i32
    %scan3A_21 = arith.constant 0 : i32
    %scan3A_22 = arith.constant 82 : i32
    %scan3A_23 = arith.addi %scan3A_21, %scan3A_22 : i32
    %scan3A_24 = arith.constant 1 : i32
    scf.for %scan3A_67 = %scan3A_21 to %scan3A_23 step %scan3A_24  : i32 {
      %dma_start3A = arith.constant 0 : i32
      %dma_start3A_68 = tpu.memref_slice %arg7[%scan3A_67, %dma_start3A] : memref<82x128xi32, #tpu.memory_space<vmem>> -> memref<1x128xi32, #tpu.memory_space<vmem>>
      %dma_start3A_69 = tpu.memref_squeeze %dma_start3A_68 : memref<1x128xi32, #tpu.memory_space<vmem>> -> memref<128xi32, #tpu.memory_space<vmem>>
      %dma_start3A_70 = arith.constant 0 : i32
      %dma_start3A_71 = arith.constant 0 : i32
      %dma_start3A_72 = tpu.memref_slice %arg2[%dma_start3A_70, %dma_start3A_71] : memref<10240x128xf32, #tpu.memory_space<hbm>> -> memref<10240x128xf32, #tpu.memory_space<hbm>>
      tpu.enqueue_indirect_dma source(%dma_start3A_72 : memref<10240x128xf32, #tpu.memory_space<hbm>>) target(%arg9 : memref<128x128xf32, #tpu.memory_space<vmem>>) offsets(%dma_start3A_69 : memref<128xi32, #tpu.memory_space<vmem>>) semaphore(%arg11 : memref<!tpu.dma_semaphore, #tpu.memory_space<semaphore_mem>>)
      %dma_wait3A = arith.constant 0 : i32
      %dma_wait3A_73 = tpu.memref_slice %arg7[%scan3A_67, %dma_wait3A] : memref<82x128xi32, #tpu.memory_space<vmem>> -> memref<1x128xi32, #tpu.memory_space<vmem>>
      %dma_wait3A_74 = tpu.memref_squeeze %dma_wait3A_73 : memref<1x128xi32, #tpu.memory_space<vmem>> -> memref<128xi32, #tpu.memory_space<vmem>>
      %dma_wait3A_75 = arith.constant 0 : i32
      %dma_wait3A_76 = arith.constant 0 : i32
      %dma_wait3A_77 = tpu.memref_slice %arg2[%dma_wait3A_75, %dma_wait3A_76] : memref<10240x128xf32, #tpu.memory_space<hbm>> -> memref<10240x128xf32, #tpu.memory_space<hbm>>
      tpu.wait_indirect_dma semaphore(%arg11 : memref<!tpu.dma_semaphore, #tpu.memory_space<semaphore_mem>>) src(%dma_wait3A_77 : memref<10240x128xf32, #tpu.memory_space<hbm>>) dst(%arg9 : memref<128x128xf32, #tpu.memory_space<vmem>>)
      "tpu.region"() ({
        %run_scoped3A = tpu.sem_alloc : memref<!tpu.dma_semaphore, #tpu.memory_space<semaphore_mem>>
        %dma_start3A_78 = arith.constant 0 : i32
        %dma_start3A_79 = tpu.memref_slice %arg8[%scan3A_67, %dma_start3A_78] : memref<82x128xi32, #tpu.memory_space<vmem>> -> memref<1x128xi32, #tpu.memory_space<vmem>>
        %dma_start3A_80 = tpu.memref_squeeze %dma_start3A_79 : memref<1x128xi32, #tpu.memory_space<vmem>> -> memref<128xi32, #tpu.memory_space<vmem>>
        %dma_start3A_81 = arith.constant 0 : i32
        %dma_start3A_82 = arith.constant 0 : i32
        %dma_start3A_83 = tpu.memref_slice %arg10[%dma_start3A_81, %dma_start3A_82] : memref<10240x128xf32, #tpu.memory_space<vmem_shared>> -> memref<10240x128xf32, #tpu.memory_space<vmem_shared>>
        tpu.enqueue_indirect_dma source(%arg9 : memref<128x128xf32, #tpu.memory_space<vmem>>) target(%dma_start3A_83 : memref<10240x128xf32, #tpu.memory_space<vmem_shared>>) offsets(%dma_start3A_80 : memref<128xi32, #tpu.memory_space<vmem>>) semaphore(%run_scoped3A : memref<!tpu.dma_semaphore, #tpu.memory_space<semaphore_mem>>) {add = true}
        %dma_wait3A_84 = arith.constant 0 : i32
        %dma_wait3A_85 = tpu.memref_slice %arg8[%scan3A_67, %dma_wait3A_84] : memref<82x128xi32, #tpu.memory_space<vmem>> -> memref<1x128xi32, #tpu.memory_space<vmem>>
        %dma_wait3A_86 = tpu.memref_squeeze %dma_wait3A_85 : memref<1x128xi32, #tpu.memory_space<vmem>> -> memref<128xi32, #tpu.memory_space<vmem>>
        %dma_wait3A_87 = arith.constant 0 : i32
        %dma_wait3A_88 = arith.constant 0 : i32
        %dma_wait3A_89 = tpu.memref_slice %arg10[%dma_wait3A_87, %dma_wait3A_88] : memref<10240x128xf32, #tpu.memory_space<vmem_shared>> -> memref<10240x128xf32, #tpu.memory_space<vmem_shared>>
        tpu.wait_indirect_dma semaphore(%run_scoped3A : memref<!tpu.dma_semaphore, #tpu.memory_space<semaphore_mem>>) src(%arg9 : memref<128x128xf32, #tpu.memory_space<vmem>>) dst(%dma_wait3A_89 : memref<10240x128xf32, #tpu.memory_space<vmem_shared>>)
        tpu.yield
      }) : () -> ()
    }
    %scan3A_25 = arith.constant 82 : i32
    %barrier3A_26 = arith.constant 0 : index
    tpu.barrier barrier_id(%barrier3A_26)
    %mul3A_27 = arith.constant 640 : i32
    %mul3A_28 = arith.muli %arg1, %mul3A_27 : i32
    %add3A_29 = arith.constant 0 : i32
    %add3A_30 = arith.addi %mul3A_28, %add3A_29 : i32
    %mul3A_31 = arith.constant 640 : i32
    %mul3A_32 = arith.muli %arg1, %mul3A_31 : i32
    %add3A_33 = arith.constant 0 : i32
    %add3A_34 = arith.addi %mul3A_32, %add3A_33 : i32
    "tpu.region"() ({
      %run_scoped3A = tpu.sem_alloc : memref<!tpu.dma_semaphore, #tpu.memory_space<semaphore_mem>>
      %dma_start3A = arith.constant 0 : i32
      %dma_start3A_67 = tpu.memref_slice %arg6[%arg0, %add3A_34, %dma_start3A] : memref<2x10240x128xf32, #tpu.memory_space<hbm>> -> memref<1x128x128xf32, #tpu.memory_space<hbm>>
      %dma_start3A_68 = tpu.memref_squeeze %dma_start3A_67 : memref<1x128x128xf32, #tpu.memory_space<hbm>> -> memref<128x128xf32, #tpu.memory_space<hbm>>
      %dma_start3A_69 = arith.constant 0 : i32
      %dma_start3A_70 = tpu.memref_slice %arg10[%add3A_30, %dma_start3A_69] : memref<10240x128xf32, #tpu.memory_space<vmem_shared>> -> memref<128x128xf32, #tpu.memory_space<vmem_shared>>
      tpu.enqueue_dma source(%dma_start3A_70 : memref<128x128xf32, #tpu.memory_space<vmem_shared>>) target(%dma_start3A_68 : memref<128x128xf32, #tpu.memory_space<hbm>>) target_semaphore(%run_scoped3A : memref<!tpu.dma_semaphore, #tpu.memory_space<semaphore_mem>>)
      %dma_wait3A = arith.constant 0 : i32
      %dma_wait3A_71 = tpu.memref_slice %arg6[%arg0, %add3A_34, %dma_wait3A] : memref<2x10240x128xf32, #tpu.memory_space<hbm>> -> memref<1x128x128xf32, #tpu.memory_space<hbm>>
      %dma_wait3A_72 = tpu.memref_squeeze %dma_wait3A_71 : memref<1x128x128xf32, #tpu.memory_space<hbm>> -> memref<128x128xf32, #tpu.memory_space<hbm>>
      %dma_wait3A_73 = arith.constant 0 : i32
      %dma_wait3A_74 = tpu.memref_slice %arg10[%add3A_30, %dma_wait3A_73] : memref<10240x128xf32, #tpu.memory_space<vmem_shared>> -> memref<128x128xf32, #tpu.memory_space<vmem_shared>>
      tpu.wait_dma2 semaphore(%run_scoped3A : memref<!tpu.dma_semaphore, #tpu.memory_space<semaphore_mem>>) src(%dma_wait3A_74 : memref<128x128xf32, #tpu.memory_space<vmem_shared>>) dst(%dma_wait3A_72 : memref<128x128xf32, #tpu.memory_space<hbm>>)
      tpu.yield
    }) : () -> ()
    %mul3A_35 = arith.constant 640 : i32
    %mul3A_36 = arith.muli %arg1, %mul3A_35 : i32
    %add3A_37 = arith.constant 128 : i32
    %add3A_38 = arith.addi %mul3A_36, %add3A_37 : i32
    %mul3A_39 = arith.constant 640 : i32
    %mul3A_40 = arith.muli %arg1, %mul3A_39 : i32
    %add3A_41 = arith.constant 128 : i32
    %add3A_42 = arith.addi %mul3A_40, %add3A_41 : i32
    "tpu.region"() ({
      %run_scoped3A = tpu.sem_alloc : memref<!tpu.dma_semaphore, #tpu.memory_space<semaphore_mem>>
      %dma_start3A = arith.constant 0 : i32
      %dma_start3A_67 = tpu.memref_slice %arg6[%arg0, %add3A_42, %dma_start3A] : memref<2x10240x128xf32, #tpu.memory_space<hbm>> -> memref<1x128x128xf32, #tpu.memory_space<hbm>>
      %dma_start3A_68 = tpu.memref_squeeze %dma_start3A_67 : memref<1x128x128xf32, #tpu.memory_space<hbm>> -> memref<128x128xf32, #tpu.memory_space<hbm>>
      %dma_start3A_69 = arith.constant 0 : i32
      %dma_start3A_70 = tpu.memref_slice %arg10[%add3A_38, %dma_start3A_69] : memref<10240x128xf32, #tpu.memory_space<vmem_shared>> -> memref<128x128xf32, #tpu.memory_space<vmem_shared>>
      tpu.enqueue_dma source(%dma_start3A_70 : memref<128x128xf32, #tpu.memory_space<vmem_shared>>) target(%dma_start3A_68 : memref<128x128xf32, #tpu.memory_space<hbm>>) target_semaphore(%run_scoped3A : memref<!tpu.dma_semaphore, #tpu.memory_space<semaphore_mem>>)
      %dma_wait3A = arith.constant 0 : i32
      %dma_wait3A_71 = tpu.memref_slice %arg6[%arg0, %add3A_42, %dma_wait3A] : memref<2x10240x128xf32, #tpu.memory_space<hbm>> -> memref<1x128x128xf32, #tpu.memory_space<hbm>>
      %dma_wait3A_72 = tpu.memref_squeeze %dma_wait3A_71 : memref<1x128x128xf32, #tpu.memory_space<hbm>> -> memref<128x128xf32, #tpu.memory_space<hbm>>
      %dma_wait3A_73 = arith.constant 0 : i32
      %dma_wait3A_74 = tpu.memref_slice %arg10[%add3A_38, %dma_wait3A_73] : memref<10240x128xf32, #tpu.memory_space<vmem_shared>> -> memref<128x128xf32, #tpu.memory_space<vmem_shared>>
      tpu.wait_dma2 semaphore(%run_scoped3A : memref<!tpu.dma_semaphore, #tpu.memory_space<semaphore_mem>>) src(%dma_wait3A_74 : memref<128x128xf32, #tpu.memory_space<vmem_shared>>) dst(%dma_wait3A_72 : memref<128x128xf32, #tpu.memory_space<hbm>>)
      tpu.yield
    }) : () -> ()
    %mul3A_43 = arith.constant 640 : i32
    %mul3A_44 = arith.muli %arg1, %mul3A_43 : i32
    %add3A_45 = arith.constant 256 : i32
    %add3A_46 = arith.addi %mul3A_44, %add3A_45 : i32
    %mul3A_47 = arith.constant 640 : i32
    %mul3A_48 = arith.muli %arg1, %mul3A_47 : i32
    %add3A_49 = arith.constant 256 : i32
    %add3A_50 = arith.addi %mul3A_48, %add3A_49 : i32
    "tpu.region"() ({
      %run_scoped3A = tpu.sem_alloc : memref<!tpu.dma_semaphore, #tpu.memory_space<semaphore_mem>>
      %dma_start3A = arith.constant 0 : i32
      %dma_start3A_67 = tpu.memref_slice %arg6[%arg0, %add3A_50, %dma_start3A] : memref<2x10240x128xf32, #tpu.memory_space<hbm>> -> memref<1x128x128xf32, #tpu.memory_space<hbm>>
      %dma_start3A_68 = tpu.memref_squeeze %dma_start3A_67 : memref<1x128x128xf32, #tpu.memory_space<hbm>> -> memref<128x128xf32, #tpu.memory_space<hbm>>
      %dma_start3A_69 = arith.constant 0 : i32
      %dma_start3A_70 = tpu.memref_slice %arg10[%add3A_46, %dma_start3A_69] : memref<10240x128xf32, #tpu.memory_space<vmem_shared>> -> memref<128x128xf32, #tpu.memory_space<vmem_shared>>
      tpu.enqueue_dma source(%dma_start3A_70 : memref<128x128xf32, #tpu.memory_space<vmem_shared>>) target(%dma_start3A_68 : memref<128x128xf32, #tpu.memory_space<hbm>>) target_semaphore(%run_scoped3A : memref<!tpu.dma_semaphore, #tpu.memory_space<semaphore_mem>>)
      %dma_wait3A = arith.constant 0 : i32
      %dma_wait3A_71 = tpu.memref_slice %arg6[%arg0, %add3A_50, %dma_wait3A] : memref<2x10240x128xf32, #tpu.memory_space<hbm>> -> memref<1x128x128xf32, #tpu.memory_space<hbm>>
      %dma_wait3A_72 = tpu.memref_squeeze %dma_wait3A_71 : memref<1x128x128xf32, #tpu.memory_space<hbm>> -> memref<128x128xf32, #tpu.memory_space<hbm>>
      %dma_wait3A_73 = arith.constant 0 : i32
      %dma_wait3A_74 = tpu.memref_slice %arg10[%add3A_46, %dma_wait3A_73] : memref<10240x128xf32, #tpu.memory_space<vmem_shared>> -> memref<128x128xf32, #tpu.memory_space<vmem_shared>>
      tpu.wait_dma2 semaphore(%run_scoped3A : memref<!tpu.dma_semaphore, #tpu.memory_space<semaphore_mem>>) src(%dma_wait3A_74 : memref<128x128xf32, #tpu.memory_space<vmem_shared>>) dst(%dma_wait3A_72 : memref<128x128xf32, #tpu.memory_space<hbm>>)
      tpu.yield
    }) : () -> ()
    %mul3A_51 = arith.constant 640 : i32
    %mul3A_52 = arith.muli %arg1, %mul3A_51 : i32
    %add3A_53 = arith.constant 384 : i32
    %add3A_54 = arith.addi %mul3A_52, %add3A_53 : i32
    %mul3A_55 = arith.constant 640 : i32
    %mul3A_56 = arith.muli %arg1, %mul3A_55 : i32
    %add3A_57 = arith.constant 384 : i32
    %add3A_58 = arith.addi %mul3A_56, %add3A_57 : i32
    "tpu.region"() ({
      %run_scoped3A = tpu.sem_alloc : memref<!tpu.dma_semaphore, #tpu.memory_space<semaphore_mem>>
      %dma_start3A = arith.constant 0 : i32
      %dma_start3A_67 = tpu.memref_slice %arg6[%arg0, %add3A_58, %dma_start3A] : memref<2x10240x128xf32, #tpu.memory_space<hbm>> -> memref<1x128x128xf32, #tpu.memory_space<hbm>>
      %dma_start3A_68 = tpu.memref_squeeze %dma_start3A_67 : memref<1x128x128xf32, #tpu.memory_space<hbm>> -> memref<128x128xf32, #tpu.memory_space<hbm>>
      %dma_start3A_69 = arith.constant 0 : i32
      %dma_start3A_70 = tpu.memref_slice %arg10[%add3A_54, %dma_start3A_69] : memref<10240x128xf32, #tpu.memory_space<vmem_shared>> -> memref<128x128xf32, #tpu.memory_space<vmem_shared>>
      tpu.enqueue_dma source(%dma_start3A_70 : memref<128x128xf32, #tpu.memory_space<vmem_shared>>) target(%dma_start3A_68 : memref<128x128xf32, #tpu.memory_space<hbm>>) target_semaphore(%run_scoped3A : memref<!tpu.dma_semaphore, #tpu.memory_space<semaphore_mem>>)
      %dma_wait3A = arith.constant 0 : i32
      %dma_wait3A_71 = tpu.memref_slice %arg6[%arg0, %add3A_58, %dma_wait3A] : memref<2x10240x128xf32, #tpu.memory_space<hbm>> -> memref<1x128x128xf32, #tpu.memory_space<hbm>>
      %dma_wait3A_72 = tpu.memref_squeeze %dma_wait3A_71 : memref<1x128x128xf32, #tpu.memory_space<hbm>> -> memref<128x128xf32, #tpu.memory_space<hbm>>
      %dma_wait3A_73 = arith.constant 0 : i32
      %dma_wait3A_74 = tpu.memref_slice %arg10[%add3A_54, %dma_wait3A_73] : memref<10240x128xf32, #tpu.memory_space<vmem_shared>> -> memref<128x128xf32, #tpu.memory_space<vmem_shared>>
      tpu.wait_dma2 semaphore(%run_scoped3A : memref<!tpu.dma_semaphore, #tpu.memory_space<semaphore_mem>>) src(%dma_wait3A_74 : memref<128x128xf32, #tpu.memory_space<vmem_shared>>) dst(%dma_wait3A_72 : memref<128x128xf32, #tpu.memory_space<hbm>>)
      tpu.yield
    }) : () -> ()
    %mul3A_59 = arith.constant 640 : i32
    %mul3A_60 = arith.muli %arg1, %mul3A_59 : i32
    %add3A_61 = arith.constant 512 : i32
    %add3A_62 = arith.addi %mul3A_60, %add3A_61 : i32
    %mul3A_63 = arith.constant 640 : i32
    %mul3A_64 = arith.muli %arg1, %mul3A_63 : i32
    %add3A_65 = arith.constant 512 : i32
    %add3A_66 = arith.addi %mul3A_64, %add3A_65 : i32
    "tpu.region"() ({
      %run_scoped3A = tpu.sem_alloc : memref<!tpu.dma_semaphore, #tpu.memory_space<semaphore_mem>>
      %dma_start3A = arith.constant 0 : i32
      %dma_start3A_67 = tpu.memref_slice %arg6[%arg0, %add3A_66, %dma_start3A] : memref<2x10240x128xf32, #tpu.memory_space<hbm>> -> memref<1x128x128xf32, #tpu.memory_space<hbm>>
      %dma_start3A_68 = tpu.memref_squeeze %dma_start3A_67 : memref<1x128x128xf32, #tpu.memory_space<hbm>> -> memref<128x128xf32, #tpu.memory_space<hbm>>
      %dma_start3A_69 = arith.constant 0 : i32
      %dma_start3A_70 = tpu.memref_slice %arg10[%add3A_62, %dma_start3A_69] : memref<10240x128xf32, #tpu.memory_space<vmem_shared>> -> memref<128x128xf32, #tpu.memory_space<vmem_shared>>
      tpu.enqueue_dma source(%dma_start3A_70 : memref<128x128xf32, #tpu.memory_space<vmem_shared>>) target(%dma_start3A_68 : memref<128x128xf32, #tpu.memory_space<hbm>>) target_semaphore(%run_scoped3A : memref<!tpu.dma_semaphore, #tpu.memory_space<semaphore_mem>>)
      %dma_wait3A = arith.constant 0 : i32
      %dma_wait3A_71 = tpu.memref_slice %arg6[%arg0, %add3A_66, %dma_wait3A] : memref<2x10240x128xf32, #tpu.memory_space<hbm>> -> memref<1x128x128xf32, #tpu.memory_space<hbm>>
      %dma_wait3A_72 = tpu.memref_squeeze %dma_wait3A_71 : memref<1x128x128xf32, #tpu.memory_space<hbm>> -> memref<128x128xf32, #tpu.memory_space<hbm>>
      %dma_wait3A_73 = arith.constant 0 : i32
      %dma_wait3A_74 = tpu.memref_slice %arg10[%add3A_62, %dma_wait3A_73] : memref<10240x128xf32, #tpu.memory_space<vmem_shared>> -> memref<128x128xf32, #tpu.memory_space<vmem_shared>>
      tpu.wait_dma2 semaphore(%run_scoped3A : memref<!tpu.dma_semaphore, #tpu.memory_space<semaphore_mem>>) src(%dma_wait3A_74 : memref<128x128xf32, #tpu.memory_space<vmem_shared>>) dst(%dma_wait3A_72 : memref<128x128xf32, #tpu.memory_space<hbm>>)
      tpu.yield
    }) : () -> ()
    return
  }
}

module attributes {stable_mosaic.version = 14 : i64} {
  func.func @_lin0_body(%arg0: i32, %arg1: memref<2x1024x1xf32, #tpu.memory_space<vmem>>, %arg2: memref<1024x128xf32, #tpu.memory_space<vmem>>, %arg3: memref<128x128xf32, #tpu.memory_space<vmem>>, %arg4: memref<1x128xf32, #tpu.memory_space<vmem>>, %arg5: memref<1024x128xf32, #tpu.memory_space<vmem>>, %arg6: memref<1024x1xf32, #tpu.memory_space<vmem>>, %arg7: memref<1024x1xf32, #tpu.memory_space<vmem>>) attributes {dimension_semantics = [#tpu.dimension_semantics<arbitrary>], iteration_bounds = array<i64: 10>, scalar_prefetch = 0 : i64, scratch_operands = 0 : i64, tpu.core_type = #tpu.core_type<tc>, window_params = [{transform_indices = @transform_0, window_bounds = array<i64: 2, 1024, 1>}, {transform_indices = @transform_1, window_bounds = array<i64: 1024, 128>}, {pipeline_mode = #tpu.pipeline_mode<synchronous>, transform_indices = @transform_2, window_bounds = array<i64: 128, 128>}, {pipeline_mode = #tpu.pipeline_mode<synchronous>, transform_indices = @transform_3, window_bounds = array<i64: 1, 128>}, {transform_indices = @transform_4, window_bounds = array<i64: 1024, 128>}, {transform_indices = @transform_5, window_bounds = array<i64: 1024, 1>}, {transform_indices = @transform_6, window_bounds = array<i64: 1024, 1>}]} {
    %get3A = arith.constant 0 : index
    %get3A_0 = arith.constant 0 : index
    %get3A_1 = arith.constant 0 : index
    %get3A_2 = vector.load %arg1[%get3A, %get3A_0, %get3A_1] : memref<2x1024x1xf32, #tpu.memory_space<vmem>>, vector<1x1024x1xf32>
    %get3A_3 = vector.shape_cast %get3A_2 : vector<1x1024x1xf32> to vector<1024x1xf32>
    %get3A_4 = arith.constant 1 : index
    %get3A_5 = arith.constant 0 : index
    %get3A_6 = arith.constant 0 : index
    %get3A_7 = vector.load %arg1[%get3A_4, %get3A_5, %get3A_6] : memref<2x1024x1xf32, #tpu.memory_space<vmem>>, vector<1x1024x1xf32>
    %get3A_8 = vector.shape_cast %get3A_7 : vector<1x1024x1xf32> to vector<1024x1xf32>
    %add3A = arith.addf %get3A_3, %get3A_8 : vector<1024x1xf32>
    %gt3A = arith.constant 0.000000e+00 : f32
    %gt3A_9 = vector.broadcast %gt3A : f32 to vector<1024x1xf32>
    %gt3A_10 = arith.cmpf ogt, %add3A, %gt3A_9 : vector<1024x1xf32>
    %max3A = arith.constant 9.99999996E-13 : f32
    %max3A_11 = vector.broadcast %max3A : f32 to vector<1024x1xf32>
    %max3A_12 = arith.maximumf %add3A, %max3A_11 : vector<1024x1xf32>
    %rsqrt3A = math.rsqrt %max3A_12 : vector<1024x1xf32>
    %jit3A = arith.constant 0.000000e+00 : f32
    %broadcast_in_dim3A = vector.broadcast %jit3A : f32 to vector<1024x1xf32>
    %select_n3A = arith.select %gt3A_10, %rsqrt3A, %broadcast_in_dim3A : vector<1024x1xi1>, vector<1024x1xf32>
    %get3A_13 = arith.constant 0 : index
    %get3A_14 = arith.constant 0 : index
    %get3A_15 = vector.load %arg2[%get3A_13, %get3A_14] : memref<1024x128xf32, #tpu.memory_space<vmem>>, vector<1024x128xf32>
    %get3A_16 = arith.constant 0 : index
    %get3A_17 = arith.constant 0 : index
    %get3A_18 = vector.load %arg3[%get3A_16, %get3A_17] : memref<128x128xf32, #tpu.memory_space<vmem>>, vector<128x128xf32>
    %dot_general3A = arith.constant dense<0.000000e+00> : vector<1024x128xf32>
    %dot_general3A_19 = tpu.matmul %get3A_15, %get3A_18, %dot_general3A {dimension_numbers = #tpu.dot_dimension_numbers<[1], [0], [0], [1], [0, 0, 1, 1], [], []>, transpose_lhs_hint = false} : vector<1024x128xf32>, vector<128x128xf32>, vector<1024x128xf32> -> vector<1024x128xf32>
    %get3A_20 = arith.constant 0 : index
    %get3A_21 = arith.constant 0 : index
    %get3A_22 = vector.load %arg4[%get3A_20, %get3A_21] : memref<1x128xf32, #tpu.memory_space<vmem>>, vector<1x128xf32>
    %add3A_23 = vector.broadcast %get3A_22 : vector<1x128xf32> to vector<1024x128xf32>
    %add3A_24 = arith.addf %dot_general3A_19, %add3A_23 : vector<1024x128xf32>
    %max3A_25 = arith.constant 0.000000e+00 : f32
    %max3A_26 = vector.broadcast %max3A_25 : f32 to vector<1024x128xf32>
    %max3A_27 = arith.maximumf %add3A_24, %max3A_26 : vector<1024x128xf32>
    %mul3A = vector.broadcast %select_n3A : vector<1024x1xf32> to vector<1024x128xf32>
    %mul3A_28 = arith.mulf %mul3A, %max3A_27 : vector<1024x128xf32>
    %swap3A = arith.constant 0 : index
    %swap3A_29 = arith.constant 0 : index
    %swap3A_30 = vector.load %arg5[%swap3A, %swap3A_29] : memref<1024x128xf32, #tpu.memory_space<vmem>>, vector<1024x128xf32>
    tpu.vector_store %arg5[%swap3A, %swap3A_29], %mul3A_28 {strides = array<i32>} : memref<1024x128xf32, #tpu.memory_space<vmem>>, vector<1024x128xf32>,
    %swap3A_31 = arith.constant 0 : index
    %swap3A_32 = arith.constant 0 : index
    %swap3A_33 = vector.load %arg6[%swap3A_31, %swap3A_32] : memref<1024x1xf32, #tpu.memory_space<vmem>>, vector<1024x1xf32>
    tpu.vector_store %arg6[%swap3A_31, %swap3A_32], %select_n3A {strides = array<i32>} : memref<1024x1xf32, #tpu.memory_space<vmem>>, vector<1024x1xf32>,
    %mul3A_34 = arith.mulf %select_n3A, %select_n3A : vector<1024x1xf32>
    %swap3A_35 = arith.constant 0 : index
    %swap3A_36 = arith.constant 0 : index
    %swap3A_37 = vector.load %arg7[%swap3A_35, %swap3A_36] : memref<1024x1xf32, #tpu.memory_space<vmem>>, vector<1024x1xf32>
    tpu.vector_store %arg7[%swap3A_35, %swap3A_36], %mul3A_34 {strides = array<i32>} : memref<1024x1xf32, #tpu.memory_space<vmem>>, vector<1024x1xf32>,
    return
  }
  func.func @transform_0(%arg0: i32) -> (i32, i32, i32) {
    %c0_i32 = arith.constant 0 : i32
    %c0_i32_0 = arith.constant 0 : i32
    %c0_i32_1 = arith.constant 0 : i32
    return %c0_i32, %arg0, %c0_i32_0 : i32, i32, i32
  }
  func.func @transform_1(%arg0: i32) -> (i32, i32) {
    %c0_i32 = arith.constant 0 : i32
    %c0_i32_0 = arith.constant 0 : i32
    return %arg0, %c0_i32 : i32, i32
  }
  func.func @transform_2(%arg0: i32) -> (i32, i32) {
    %c0_i32 = arith.constant 0 : i32
    %c0_i32_0 = arith.constant 0 : i32
    %c0_i32_1 = arith.constant 0 : i32
    return %c0_i32, %c0_i32_0 : i32, i32
  }
  func.func @transform_3(%arg0: i32) -> (i32, i32) {
    %c0_i32 = arith.constant 0 : i32
    %c0_i32_0 = arith.constant 0 : i32
    %c0_i32_1 = arith.constant 0 : i32
    return %c0_i32, %c0_i32_0 : i32, i32
  }
  func.func @transform_4(%arg0: i32) -> (i32, i32) {
    %c0_i32 = arith.constant 0 : i32
    %c0_i32_0 = arith.constant 0 : i32
    return %arg0, %c0_i32 : i32, i32
  }
  func.func @transform_5(%arg0: i32) -> (i32, i32) {
    %c0_i32 = arith.constant 0 : i32
    %c0_i32_0 = arith.constant 0 : i32
    return %arg0, %c0_i32 : i32, i32
  }
  func.func @transform_6(%arg0: i32) -> (i32, i32) {
    %c0_i32 = arith.constant 0 : i32
    %c0_i32_0 = arith.constant 0 : i32
    return %arg0, %c0_i32 : i32, i32
  }
}

module attributes {stable_mosaic.version = 14 : i64} {
  func.func @_comb_body(%arg0: i32, %arg1: memref<2x1024x128xf32, #tpu.memory_space<vmem>>, %arg2: memref<1024x1xf32, #tpu.memory_space<vmem>>, %arg3: memref<1024x128xf32, #tpu.memory_space<vmem>>) attributes {dimension_semantics = [#tpu.dimension_semantics<arbitrary>], iteration_bounds = array<i64: 10>, scalar_prefetch = 0 : i64, scratch_operands = 0 : i64, tpu.core_type = #tpu.core_type<tc>, window_params = [{transform_indices = @transform_0, window_bounds = array<i64: 2, 1024, 128>}, {transform_indices = @transform_1, window_bounds = array<i64: 1024, 1>}, {transform_indices = @transform_2, window_bounds = array<i64: 1024, 128>}]} {
    %get3A = arith.constant 0 : index
    %get3A_0 = arith.constant 0 : index
    %get3A_1 = vector.load %arg2[%get3A, %get3A_0] : memref<1024x1xf32, #tpu.memory_space<vmem>>, vector<1024x1xf32>
    %get3A_2 = arith.constant 0 : index
    %get3A_3 = arith.constant 0 : index
    %get3A_4 = arith.constant 0 : index
    %get3A_5 = vector.load %arg1[%get3A_2, %get3A_3, %get3A_4] : memref<2x1024x128xf32, #tpu.memory_space<vmem>>, vector<1x1024x128xf32>
    %get3A_6 = vector.shape_cast %get3A_5 : vector<1x1024x128xf32> to vector<1024x128xf32>
    %get3A_7 = arith.constant 1 : index
    %get3A_8 = arith.constant 0 : index
    %get3A_9 = arith.constant 0 : index
    %get3A_10 = vector.load %arg1[%get3A_7, %get3A_8, %get3A_9] : memref<2x1024x128xf32, #tpu.memory_space<vmem>>, vector<1x1024x128xf32>
    %get3A_11 = vector.shape_cast %get3A_10 : vector<1x1024x128xf32> to vector<1024x128xf32>
    %add3A = arith.addf %get3A_6, %get3A_11 : vector<1024x128xf32>
    %mul3A = vector.broadcast %get3A_1 : vector<1024x1xf32> to vector<1024x128xf32>
    %mul3A_12 = arith.mulf %mul3A, %add3A : vector<1024x128xf32>
    %swap3A = arith.constant 0 : index
    %swap3A_13 = arith.constant 0 : index
    %swap3A_14 = vector.load %arg3[%swap3A, %swap3A_13] : memref<1024x128xf32, #tpu.memory_space<vmem>>, vector<1024x128xf32>
    tpu.vector_store %arg3[%swap3A, %swap3A_13], %mul3A_12 {strides = array<i32>} : memref<1024x128xf32, #tpu.memory_space<vmem>>, vector<1024x128xf32>,
    return
  }
  func.func @transform_0(%arg0: i32) -> (i32, i32, i32) {
    %c0_i32 = arith.constant 0 : i32
    %c0_i32_0 = arith.constant 0 : i32
    %c0_i32_1 = arith.constant 0 : i32
    return %c0_i32, %arg0, %c0_i32_0 : i32, i32, i32
  }
  func.func @transform_1(%arg0: i32) -> (i32, i32) {
    %c0_i32 = arith.constant 0 : i32
    %c0_i32_0 = arith.constant 0 : i32
    return %arg0, %c0_i32 : i32, i32
  }
  func.func @transform_2(%arg0: i32) -> (i32, i32) {
    %c0_i32 = arith.constant 0 : i32
    %c0_i32_0 = arith.constant 0 : i32
    return %arg0, %c0_i32 : i32, i32
  }
}

module attributes {stable_mosaic.version = 14 : i64} {
  func.func @_convlin_body(%arg0: i32, %arg1: memref<2x1024x128xf32, #tpu.memory_space<vmem>>, %arg2: memref<1024x1xf32, #tpu.memory_space<vmem>>, %arg3: memref<128x128xf32, #tpu.memory_space<vmem>>, %arg4: memref<1x128xf32, #tpu.memory_space<vmem>>, %arg5: memref<1024x128xf32, #tpu.memory_space<vmem>>) attributes {dimension_semantics = [#tpu.dimension_semantics<arbitrary>], iteration_bounds = array<i64: 10>, scalar_prefetch = 0 : i64, scratch_operands = 0 : i64, tpu.core_type = #tpu.core_type<tc>, window_params = [{transform_indices = @transform_0, window_bounds = array<i64: 2, 1024, 128>}, {transform_indices = @transform_1, window_bounds = array<i64: 1024, 1>}, {pipeline_mode = #tpu.pipeline_mode<synchronous>, transform_indices = @transform_2, window_bounds = array<i64: 128, 128>}, {pipeline_mode = #tpu.pipeline_mode<synchronous>, transform_indices = @transform_3, window_bounds = array<i64: 1, 128>}, {transform_indices = @transform_4, window_bounds = array<i64: 1024, 128>}]} {
    %get3A = arith.constant 0 : index
    %get3A_0 = arith.constant 0 : index
    %get3A_1 = vector.load %arg2[%get3A, %get3A_0] : memref<1024x1xf32, #tpu.memory_space<vmem>>, vector<1024x1xf32>
    %get3A_2 = arith.constant 0 : index
    %get3A_3 = arith.constant 0 : index
    %get3A_4 = arith.constant 0 : index
    %get3A_5 = vector.load %arg1[%get3A_2, %get3A_3, %get3A_4] : memref<2x1024x128xf32, #tpu.memory_space<vmem>>, vector<1x1024x128xf32>
    %get3A_6 = vector.shape_cast %get3A_5 : vector<1x1024x128xf32> to vector<1024x128xf32>
    %get3A_7 = arith.constant 1 : index
    %get3A_8 = arith.constant 0 : index
    %get3A_9 = arith.constant 0 : index
    %get3A_10 = vector.load %arg1[%get3A_7, %get3A_8, %get3A_9] : memref<2x1024x128xf32, #tpu.memory_space<vmem>>, vector<1x1024x128xf32>
    %get3A_11 = vector.shape_cast %get3A_10 : vector<1x1024x128xf32> to vector<1024x128xf32>
    %add3A = arith.addf %get3A_6, %get3A_11 : vector<1024x128xf32>
    %mul3A = vector.broadcast %get3A_1 : vector<1024x1xf32> to vector<1024x128xf32>
    %mul3A_12 = arith.mulf %mul3A, %add3A : vector<1024x128xf32>
    %get3A_13 = arith.constant 0 : index
    %get3A_14 = arith.constant 0 : index
    %get3A_15 = vector.load %arg3[%get3A_13, %get3A_14] : memref<128x128xf32, #tpu.memory_space<vmem>>, vector<128x128xf32>
    %dot_general3A = arith.constant dense<0.000000e+00> : vector<1024x128xf32>
    %dot_general3A_16 = tpu.matmul %mul3A_12, %get3A_15, %dot_general3A {dimension_numbers = #tpu.dot_dimension_numbers<[1], [0], [0], [1], [0, 0, 1, 1], [], []>, transpose_lhs_hint = false} : vector<1024x128xf32>, vector<128x128xf32>, vector<1024x128xf32> -> vector<1024x128xf32>
    %get3A_17 = arith.constant 0 : index
    %get3A_18 = arith.constant 0 : index
    %get3A_19 = vector.load %arg4[%get3A_17, %get3A_18] : memref<1x128xf32, #tpu.memory_space<vmem>>, vector<1x128xf32>
    %add3A_20 = vector.broadcast %get3A_19 : vector<1x128xf32> to vector<1024x128xf32>
    %add3A_21 = arith.addf %dot_general3A_16, %add3A_20 : vector<1024x128xf32>
    %max3A = arith.constant 0.000000e+00 : f32
    %max3A_22 = vector.broadcast %max3A : f32 to vector<1024x128xf32>
    %max3A_23 = arith.maximumf %add3A_21, %max3A_22 : vector<1024x128xf32>
    %get3A_24 = arith.constant 0 : index
    %get3A_25 = arith.constant 0 : index
    %get3A_26 = vector.load %arg2[%get3A_24, %get3A_25] : memref<1024x1xf32, #tpu.memory_space<vmem>>, vector<1024x1xf32>
    %mul3A_27 = vector.broadcast %get3A_26 : vector<1024x1xf32> to vector<1024x128xf32>
    %mul3A_28 = arith.mulf %mul3A_27, %max3A_23 : vector<1024x128xf32>
    %swap3A = arith.constant 0 : index
    %swap3A_29 = arith.constant 0 : index
    %swap3A_30 = vector.load %arg5[%swap3A, %swap3A_29] : memref<1024x128xf32, #tpu.memory_space<vmem>>, vector<1024x128xf32>
    tpu.vector_store %arg5[%swap3A, %swap3A_29], %mul3A_28 {strides = array<i32>} : memref<1024x128xf32, #tpu.memory_space<vmem>>, vector<1024x128xf32>,
    return
  }
  func.func @transform_0(%arg0: i32) -> (i32, i32, i32) {
    %c0_i32 = arith.constant 0 : i32
    %c0_i32_0 = arith.constant 0 : i32
    %c0_i32_1 = arith.constant 0 : i32
    return %c0_i32, %arg0, %c0_i32_0 : i32, i32, i32
  }
  func.func @transform_1(%arg0: i32) -> (i32, i32) {
    %c0_i32 = arith.constant 0 : i32
    %c0_i32_0 = arith.constant 0 : i32
    return %arg0, %c0_i32 : i32, i32
  }
  func.func @transform_2(%arg0: i32) -> (i32, i32) {
    %c0_i32 = arith.constant 0 : i32
    %c0_i32_0 = arith.constant 0 : i32
    %c0_i32_1 = arith.constant 0 : i32
    return %c0_i32, %c0_i32_0 : i32, i32
  }
  func.func @transform_3(%arg0: i32) -> (i32, i32) {
    %c0_i32 = arith.constant 0 : i32
    %c0_i32_0 = arith.constant 0 : i32
    %c0_i32_1 = arith.constant 0 : i32
    return %c0_i32, %c0_i32_0 : i32, i32
  }
  func.func @transform_4(%arg0: i32) -> (i32, i32) {
    %c0_i32 = arith.constant 0 : i32
    %c0_i32_0 = arith.constant 0 : i32
    return %arg0, %c0_i32 : i32, i32
  }
}

module attributes {stable_mosaic.version = 14 : i64} {
  func.func @_final_body(%arg0: i32, %arg1: memref<2x1024x128xf32, #tpu.memory_space<vmem>>, %arg2: memref<1024x1xf32, #tpu.memory_space<vmem>>, %arg3: memref<128x128xf32, #tpu.memory_space<vmem>>, %arg4: memref<1x128xf32, #tpu.memory_space<vmem>>, %arg5: memref<128x128xf32, #tpu.memory_space<vmem>>, %arg6: memref<1x128xf32, #tpu.memory_space<vmem>>, %arg7: memref<128x128xf32, #tpu.memory_space<vmem>>, %arg8: memref<1x128xf32, #tpu.memory_space<vmem>>, %arg9: memref<128x1xf32, #tpu.memory_space<vmem>>, %arg10: memref<1x1xf32, #tpu.memory_space<vmem>>, %arg11: memref<1024x1xf32, #tpu.memory_space<vmem>>) attributes {dimension_semantics = [#tpu.dimension_semantics<arbitrary>], iteration_bounds = array<i64: 10>, scalar_prefetch = 0 : i64, scratch_operands = 0 : i64, tpu.core_type = #tpu.core_type<tc>, window_params = [{transform_indices = @transform_0, window_bounds = array<i64: 2, 1024, 128>}, {transform_indices = @transform_1, window_bounds = array<i64: 1024, 1>}, {pipeline_mode = #tpu.pipeline_mode<synchronous>, transform_indices = @transform_2, window_bounds = array<i64: 128, 128>}, {pipeline_mode = #tpu.pipeline_mode<synchronous>, transform_indices = @transform_3, window_bounds = array<i64: 1, 128>}, {pipeline_mode = #tpu.pipeline_mode<synchronous>, transform_indices = @transform_4, window_bounds = array<i64: 128, 128>}, {pipeline_mode = #tpu.pipeline_mode<synchronous>, transform_indices = @transform_5, window_bounds = array<i64: 1, 128>}, {pipeline_mode = #tpu.pipeline_mode<synchronous>, transform_indices = @transform_6, window_bounds = array<i64: 128, 128>}, {pipeline_mode = #tpu.pipeline_mode<synchronous>, transform_indices = @transform_7, window_bounds = array<i64: 1, 128>}, {pipeline_mode = #tpu.pipeline_mode<synchronous>, transform_indices = @transform_8, window_bounds = array<i64: 128, 1>}, {pipeline_mode = #tpu.pipeline_mode<synchronous>, transform_indices = @transform_9, window_bounds = array<i64: 1, 1>}, {transform_indices = @transform_10, window_bounds = array<i64: 1024, 1>}]} {
    %get3A = arith.constant 0 : index
    %get3A_0 = arith.constant 0 : index
    %get3A_1 = vector.load %arg2[%get3A, %get3A_0] : memref<1024x1xf32, #tpu.memory_space<vmem>>, vector<1024x1xf32>
    %get3A_2 = arith.constant 0 : index
    %get3A_3 = arith.constant 0 : index
    %get3A_4 = arith.constant 0 : index
    %get3A_5 = vector.load %arg1[%get3A_2, %get3A_3, %get3A_4] : memref<2x1024x128xf32, #tpu.memory_space<vmem>>, vector<1x1024x128xf32>
    %get3A_6 = vector.shape_cast %get3A_5 : vector<1x1024x128xf32> to vector<1024x128xf32>
    %get3A_7 = arith.constant 1 : index
    %get3A_8 = arith.constant 0 : index
    %get3A_9 = arith.constant 0 : index
    %get3A_10 = vector.load %arg1[%get3A_7, %get3A_8, %get3A_9] : memref<2x1024x128xf32, #tpu.memory_space<vmem>>, vector<1x1024x128xf32>
    %get3A_11 = vector.shape_cast %get3A_10 : vector<1x1024x128xf32> to vector<1024x128xf32>
    %add3A = arith.addf %get3A_6, %get3A_11 : vector<1024x128xf32>
    %mul3A = vector.broadcast %get3A_1 : vector<1024x1xf32> to vector<1024x128xf32>
    %mul3A_12 = arith.mulf %mul3A, %add3A : vector<1024x128xf32>
    %get3A_13 = arith.constant 0 : index
    %get3A_14 = arith.constant 0 : index
    %get3A_15 = vector.load %arg3[%get3A_13, %get3A_14] : memref<128x128xf32, #tpu.memory_space<vmem>>, vector<128x128xf32>
    %dot_general3A = arith.constant dense<0.000000e+00> : vector<1024x128xf32>
    %dot_general3A_16 = tpu.matmul %mul3A_12, %get3A_15, %dot_general3A {dimension_numbers = #tpu.dot_dimension_numbers<[1], [0], [0], [1], [0, 0, 1, 1], [], []>, transpose_lhs_hint = false} : vector<1024x128xf32>, vector<128x128xf32>, vector<1024x128xf32> -> vector<1024x128xf32>
    %get3A_17 = arith.constant 0 : index
    %get3A_18 = arith.constant 0 : index
    %get3A_19 = vector.load %arg4[%get3A_17, %get3A_18] : memref<1x128xf32, #tpu.memory_space<vmem>>, vector<1x128xf32>
    %add3A_20 = vector.broadcast %get3A_19 : vector<1x128xf32> to vector<1024x128xf32>
    %add3A_21 = arith.addf %dot_general3A_16, %add3A_20 : vector<1024x128xf32>
    %max3A = arith.constant 0.000000e+00 : f32
    %max3A_22 = vector.broadcast %max3A : f32 to vector<1024x128xf32>
    %max3A_23 = arith.maximumf %add3A_21, %max3A_22 : vector<1024x128xf32>
    %get3A_24 = arith.constant 0 : index
    %get3A_25 = arith.constant 0 : index
    %get3A_26 = vector.load %arg5[%get3A_24, %get3A_25] : memref<128x128xf32, #tpu.memory_space<vmem>>, vector<128x128xf32>
    %dot_general3A_27 = arith.constant dense<0.000000e+00> : vector<1024x128xf32>
    %dot_general3A_28 = tpu.matmul %max3A_23, %get3A_26, %dot_general3A_27 {dimension_numbers = #tpu.dot_dimension_numbers<[1], [0], [0], [1], [0, 0, 1, 1], [], []>, transpose_lhs_hint = false} : vector<1024x128xf32>, vector<128x128xf32>, vector<1024x128xf32> -> vector<1024x128xf32>
    %get3A_29 = arith.constant 0 : index
    %get3A_30 = arith.constant 0 : index
    %get3A_31 = vector.load %arg6[%get3A_29, %get3A_30] : memref<1x128xf32, #tpu.memory_space<vmem>>, vector<1x128xf32>
    %add3A_32 = vector.broadcast %get3A_31 : vector<1x128xf32> to vector<1024x128xf32>
    %add3A_33 = arith.addf %dot_general3A_28, %add3A_32 : vector<1024x128xf32>
    %max3A_34 = arith.constant 0.000000e+00 : f32
    %max3A_35 = vector.broadcast %max3A_34 : f32 to vector<1024x128xf32>
    %max3A_36 = arith.maximumf %add3A_33, %max3A_35 : vector<1024x128xf32>
    %get3A_37 = arith.constant 0 : index
    %get3A_38 = arith.constant 0 : index
    %get3A_39 = vector.load %arg7[%get3A_37, %get3A_38] : memref<128x128xf32, #tpu.memory_space<vmem>>, vector<128x128xf32>
    %dot_general3A_40 = arith.constant dense<0.000000e+00> : vector<1024x128xf32>
    %dot_general3A_41 = tpu.matmul %max3A_36, %get3A_39, %dot_general3A_40 {dimension_numbers = #tpu.dot_dimension_numbers<[1], [0], [0], [1], [0, 0, 1, 1], [], []>, transpose_lhs_hint = false} : vector<1024x128xf32>, vector<128x128xf32>, vector<1024x128xf32> -> vector<1024x128xf32>
    %get3A_42 = arith.constant 0 : index
    %get3A_43 = arith.constant 0 : index
    %get3A_44 = vector.load %arg8[%get3A_42, %get3A_43] : memref<1x128xf32, #tpu.memory_space<vmem>>, vector<1x128xf32>
    %add3A_45 = vector.broadcast %get3A_44 : vector<1x128xf32> to vector<1024x128xf32>
    %add3A_46 = arith.addf %dot_general3A_41, %add3A_45 : vector<1024x128xf32>
    %max3A_47 = arith.constant 0.000000e+00 : f32
    %max3A_48 = vector.broadcast %max3A_47 : f32 to vector<1024x128xf32>
    %max3A_49 = arith.maximumf %add3A_46, %max3A_48 : vector<1024x128xf32>
    %get3A_50 = arith.constant 0 : index
    %get3A_51 = arith.constant 0 : index
    %get3A_52 = vector.load %arg9[%get3A_50, %get3A_51] : memref<128x1xf32, #tpu.memory_space<vmem>>, vector<128x1xf32>
    %dot_general3A_53 = arith.constant dense<0.000000e+00> : vector<1024x1xf32>
    %dot_general3A_54 = tpu.matmul %max3A_49, %get3A_52, %dot_general3A_53 {dimension_numbers = #tpu.dot_dimension_numbers<[1], [0], [0], [1], [0, 0, 1, 1], [], []>, transpose_lhs_hint = false} : vector<1024x128xf32>, vector<128x1xf32>, vector<1024x1xf32> -> vector<1024x1xf32>
    %get3A_55 = arith.constant 0 : index
    %get3A_56 = arith.constant 0 : index
    %get3A_57 = vector.load %arg10[%get3A_55, %get3A_56] : memref<1x1xf32, #tpu.memory_space<vmem>>, vector<1x1xf32>
    %add3A_58 = vector.broadcast %get3A_57 : vector<1x1xf32> to vector<1024x1xf32>
    %add3A_59 = arith.addf %dot_general3A_54, %add3A_58 : vector<1024x1xf32>
    %max3A_60 = arith.constant 0.000000e+00 : f32
    %max3A_61 = vector.broadcast %max3A_60 : f32 to vector<1024x1xf32>
    %max3A_62 = arith.maximumf %add3A_59, %max3A_61 : vector<1024x1xf32>
    %swap3A = arith.constant 0 : index
    %swap3A_63 = arith.constant 0 : index
    %swap3A_64 = vector.load %arg11[%swap3A, %swap3A_63] : memref<1024x1xf32, #tpu.memory_space<vmem>>, vector<1024x1xf32>
    tpu.vector_store %arg11[%swap3A, %swap3A_63], %max3A_62 {strides = array<i32>} : memref<1024x1xf32, #tpu.memory_space<vmem>>, vector<1024x1xf32>,
    return
  }
  func.func @transform_0(%arg0: i32) -> (i32, i32, i32) {
    %c0_i32 = arith.constant 0 : i32
    %c0_i32_0 = arith.constant 0 : i32
    %c0_i32_1 = arith.constant 0 : i32
    return %c0_i32, %arg0, %c0_i32_0 : i32, i32, i32
  }
  func.func @transform_1(%arg0: i32) -> (i32, i32) {
    %c0_i32 = arith.constant 0 : i32
    %c0_i32_0 = arith.constant 0 : i32
    return %arg0, %c0_i32 : i32, i32
  }
  func.func @transform_2(%arg0: i32) -> (i32, i32) {
    %c0_i32 = arith.constant 0 : i32
    %c0_i32_0 = arith.constant 0 : i32
    %c0_i32_1 = arith.constant 0 : i32
    return %c0_i32, %c0_i32_0 : i32, i32
  }
  func.func @transform_3(%arg0: i32) -> (i32, i32) {
    %c0_i32 = arith.constant 0 : i32
    %c0_i32_0 = arith.constant 0 : i32
    %c0_i32_1 = arith.constant 0 : i32
    return %c0_i32, %c0_i32_0 : i32, i32
  }
  func.func @transform_4(%arg0: i32) -> (i32, i32) {
    %c0_i32 = arith.constant 0 : i32
    %c0_i32_0 = arith.constant 0 : i32
    %c0_i32_1 = arith.constant 0 : i32
    return %c0_i32, %c0_i32_0 : i32, i32
  }
  func.func @transform_5(%arg0: i32) -> (i32, i32) {
    %c0_i32 = arith.constant 0 : i32
    %c0_i32_0 = arith.constant 0 : i32
    %c0_i32_1 = arith.constant 0 : i32
    return %c0_i32, %c0_i32_0 : i32, i32
  }
  func.func @transform_6(%arg0: i32) -> (i32, i32) {
    %c0_i32 = arith.constant 0 : i32
    %c0_i32_0 = arith.constant 0 : i32
    %c0_i32_1 = arith.constant 0 : i32
    return %c0_i32, %c0_i32_0 : i32, i32
  }
  func.func @transform_7(%arg0: i32) -> (i32, i32) {
    %c0_i32 = arith.constant 0 : i32
    %c0_i32_0 = arith.constant 0 : i32
    %c0_i32_1 = arith.constant 0 : i32
    return %c0_i32, %c0_i32_0 : i32, i32
  }
  func.func @transform_8(%arg0: i32) -> (i32, i32) {
    %c0_i32 = arith.constant 0 : i32
    %c0_i32_0 = arith.constant 0 : i32
    %c0_i32_1 = arith.constant 0 : i32
    return %c0_i32, %c0_i32_0 : i32, i32
  }
  func.func @transform_9(%arg0: i32) -> (i32, i32) {
    %c0_i32 = arith.constant 0 : i32
    %c0_i32_0 = arith.constant 0 : i32
    %c0_i32_1 = arith.constant 0 : i32
    return %c0_i32, %c0_i32_0 : i32, i32
  }
  func.func @transform_10(%arg0: i32) -> (i32, i32) {
    %c0_i32 = arith.constant 0 : i32
    %c0_i32_0 = arith.constant 0 : i32
    return %arg0, %c0_i32 : i32, i32
  }
}

</mosaic_0001>

<sc_bundles>
// kernel: sg_deg.3.cloned.1.call-start
scs
__scs_entry_jumppad:
0x0: {  	(pc) =	sbr.rel $0x88, $3  }
0x1: {  	(tag) =	ssettag $0x0;
	lr =	simm.s32 $0x1  }
0x2: {  	[smem:$0x3F93] =	sst lr;
	_ =	strace $0xD0000000  }
0x3: {  	_ = 	snop  }
0x4: {  	_ = 	snop  }
0x5: {  	_ = 	snop  }
0x6: {  	_ = 	snop  }
0x7: {  	_ = 	snop  }
__scs_overlays_trampoline_lowered:
0x8: {  	[smem:$0x3FA2] =	sst s0  }
0x9: {  	[smem:$0x3FA3] =	sst s1  }
0xa: {  	[smem:$0x3FA4] =	sst s2  }
0xb: {  	[smem:$0x3FA5] =	sst s3  }
0xc: {  	[smem:$0x3FA6] =	sst s4  }
0xd: {  	[smem:$0x3FA7] =	sst s5  }
0xe: {  	[smem:$0x3FA8] =	sst s6  }
0xf: {  	[smem:$0x3FA9] =	sst s7  }
0x10: {  	[smem:$0x3FAA] =	sst s8  }
0x11: {  	[smem:$0x3FAB] =	sst s9;
	s0 =	simm.s32 @!p0 $0x0  }
0x12: {  	s1 =	sld [smem:$0x3F91];
	s0 =	simm.s32 @p0 $0x1  }
0x13: {  	[smem:$0x3FAC] =	sst s0;
	s0 =	simm.s32 @!p1 $0x0  }
0x14: {  	s2 =	sld [smem:$0x3F90];
	s0 =	simm.s32 @p1 $0x1  }
0x15: {  	[smem:$0x3FAD] =	sst s0;
	s0 =	simm.s32 @!p2 $0x0  }
0x16: {  	s3 =	sld [smem:$0x3FDB];
	s0 =	simm.s32 @p2 $0x1  }
0x17: {  	s4 =	simm.s32 $0x1BF5;
	[smem:$0x3FAF] =	sst s0  }
0x18: {  	s0 =	sld [smem:$0x3F92];
	_ =	swait.ge [sflag:s4], $0x0  }
0x19: {  	s7 =	sld [smem:$0x3F93]  }
0x1a: {  	s8 =	sadd.s32 $0xFFFFE003, lr  }
0x1b: {  	s9 =	sadd.s32 $0xFFFFFEF7, lr;
	s5 =	simm.s32 $0xFFFFFFFF;
	p2 =	slt.u32 s8, $0xFFFFF086  }
0x1c: {  	p1 =	slt.u32 s9, $0xF7A;
	s5 =	simm.s32 @!p2 $0x0  }
0x1d: {  	s5 =	simm.s32 @p1 $0x1;
	p0 =	seq.s32 s7, s2  }
0x1e: {  	s7 =	smul.u32 @!p0 $0xF7A, s2;
	p2 =	seq.s32 @!p0 s5, $0x0  }
0x1f: {  	s9 =	smul.u32 $0xF7A, s1;
	s8 =	simm.s32 @!p0 $0x1BF5;
	p2 =	por !p2, p0  }
0x20: {  	[sflag:s8] =	ssyncset.s32 @!p0 $0xFFFFF086;
	s6 =	sadd.s32 @!p0 s3, s7;
	s7 =	simm.s32 @!p0 $0x108  }
0x21: {  	s3 =	sadd.s32 s3, s9;
	s6 =	sadd.s32 @!p0 $0x88, s6;
	s7 =	simm.s32 @p2 $0x1082  }
0x22: {  	[simem:s7], [sflag:s8] =	dma.local @!p0 [hbm:s6], $0xF7A  }
0x23: {  	s9 =	sor.u32 $0xD0000000, s2;
	s6 =	simm.s32 $0x108;
	_ =	swait.ge @!p0 [sflag:s8], $0x0  }
0x24: {  	s3 =	sadd.s32 $0x88, s3;
	s6 =	simm.s32 @!p1 $0x1082;
	[sflag:s4] =	ssyncset.s32 $0xFFFFF086  }
0x25: {  	[simem:s6], [sflag:s4] =	dma.local [hbm:s3], $0xF7A  }
0x26: {  	[smem:$0x3F93] =	sst s1;
	(tag) =	ssettag s2;
	_ =	strace s9  }
0x27: {  	s1 =	sld [smem:$0x3FA3]  }
0x28: {  	s2 =	sld [smem:$0x3FA4]  }
0x29: {  	s4 =	sld [smem:$0x3FA6]  }
0x2a: {  	p0 =	seq.s32 s5, $0x0;
	s5 =	sld [smem:$0x3FA7]  }
0x2b: {  	s6 =	sld [smem:$0x3FA8]  }
0x2c: {  	s7 =	sld [smem:$0x3FA9]  }
0x2d: {  	s3 =	simm.s32 $0x108;
	s8 =	sld [smem:$0x3FAA]  }
0x2e: {  	s3 =	simm.s32 @!p0 $0x1082;
	s9 =	sld [smem:$0x3FAB]  }
0x2f: {  	lr =	sadd.s32 s0, s3;
	s0 =	sld [smem:$0x3FA2]  }
0x30: {  	s3 =	sld [smem:$0x3FA5]  }
0x31: {  	[smem:$0x3FAE] =	sst s10  }
0x32: {  	s10 =	sld [smem:$0x3FAC];
	_ =	sdelay $0x3  }
0x33: {  	p0 =	seq.s32 s10, $0x1;
	s10 =	sld [smem:$0x3FAE];
	_ =	sdelay $0x3  }
0x34: {  	[smem:$0x3FAE] =	sst s10  }
0x35: {  	s10 =	sld [smem:$0x3FAD];
	_ =	sdelay $0x3  }
0x36: {  	p1 =	seq.s32 s10, $0x1;
	s10 =	sld [smem:$0x3FAE];
	_ =	sdelay $0x3  }
0x37: {  	[smem:$0x3FAE] =	sst s10  }
0x38: {  	s10 =	sld [smem:$0x3FAF]  }
0x39: {  	_ = 	snop;
	(pc) =	sbr.ind lr, $3  }
0x3a: {  	_ = 	snop  }
0x3b: {  	_ = 	snop  }
0x3c: {  	p2 =	seq.s32 s10, $0x1;
	s10 =	sld [smem:$0x3FAE]  }
0x3d: {  	_ =	shalt  }
0x3e: {  	_ =	shalt  }
0x3f: {  	_ =	shalt  }
0x40: {  	_ =	shalt  }
0x41: {  	_ =	shalt  }
0x42: {  	_ =	shalt  }
0x43: {  	_ =	shalt  }
0x44: {  	_ =	shalt  }
0x45: {  	_ =	shalt  }
0x46: {  	_ =	shalt  }
0x47: {  	_ =	shalt  }
0x48: {  	_ =	shalt  }
0x49: {  	_ =	shalt  }
0x4a: {  	_ =	shalt  }
0x4b: {  	_ =	shalt  }
0x4c: {  	_ =	shalt  }
0x4d: {  	_ =	shalt  }
0x4e: {  	_ =	shalt  }
0x4f: {  	_ =	shalt  }
0x50: {  	_ =	shalt  }
0x51: {  	_ =	shalt  }
0x52: {  	_ =	shalt  }
0x53: {  	_ =	shalt  }
0x54: {  	_ =	shalt  }
0x55: {  	_ =	shalt  }
0x56: {  	_ =	shalt  }
0x57: {  	_ =	shalt  }
0x58: {  	_ =	shalt  }
0x59: {  	_ =	shalt  }
0x5a: {  	_ =	shalt  }
0x5b: {  	_ =	shalt  }
0x5c: {  	_ =	shalt  }
0x5d: {  	_ =	shalt  }
0x5e: {  	_ =	shalt  }
0x5f: {  	_ =	shalt  }
0x60: {  	_ =	shalt  }
0x61: {  	_ =	shalt  }
0x62: {  	_ =	shalt  }
0x63: {  	_ =	shalt  }
0x64: {  	_ =	shalt  }
0x65: {  	_ =	shalt  }
0x66: {  	_ =	shalt  }
0x67: {  	_ =	shalt  }
0x68: {  	_ =	shalt  }
0x69: {  	_ =	shalt  }
0x6a: {  	_ =	shalt  }
0x6b: {  	_ =	shalt  }
0x6c: {  	_ =	shalt  }
0x6d: {  	_ =	shalt  }
0x6e: {  	_ =	shalt  }
0x6f: {  	_ =	shalt  }
0x70: {  	_ =	shalt  }
0x71: {  	_ =	shalt  }
0x72: {  	_ =	shalt  }
0x73: {  	_ =	shalt  }
0x74: {  	_ =	shalt  }
0x75: {  	_ =	shalt  }
0x76: {  	_ =	shalt  }
0x77: {  	_ =	shalt  }
0x78: {  	_ =	shalt  }
0x79: {  	_ =	shalt  }
0x7a: {  	_ =	shalt  }
0x7b: {  	_ =	shalt  }
0x7c: {  	_ =	shalt  }
0x7d: {  	_ =	shalt  }
0x7e: {  	_ =	shalt  }
0x7f: {  	_ =	shalt  }
0x80: {  	_ =	shalt  }
0x81: {  	_ =	shalt  }
0x82: {  	_ =	shalt  }
0x83: {  	_ =	shalt  }
0x84: {  	_ =	shalt  }
0x85: {  	_ =	shalt  }
0x86: {  	_ =	shalt  }
0x87: {  	_ =	shalt  }
.Lfunc_end0:
.L_simem_size_0:
called_computation_lowered:
.L_overlay_start_0:
0x88: {  	s2 =	sld [smem:$0x3FD9]  }
0x89: {  	s3 =	sld [smem:$0x3FFE];
	_ =	sdelay $0x1  }
0x8a: {  	s1 =	srdreg.scid  }
0x8b: {  	s0 =	sand.u32 $0x1, s1  }
0x8c: {  	s16 =	sshll.u32 s0, $0xA;
	s2 =	sadd.s32 s3, s2  }
0x8d: {  	s2 =	sadd.s32 s2, s16  }
0x8e: {  	[smem:$0x3FBA] =	sst s2  }
0x8f: {  	_ = 	snop  }
0x90: {  	(tm) =	ssettm $0x1  }
0x91: {  	s17 =	sld [smem:$0x3FFB];
	_ =	sdelay $0x3  }
0x92: {  	_ =	strace s17  }
0x93: {  	s2 =	sld [smem:$0x3FFC];
	_ =	sdelay $0x3  }
0x94: {  	_ =	strace s2  }
0x95: {  	s2 =	sld [smem:$0x3FFD];
	_ =	sdelay $0x3  }
0x96: {  	_ =	strace s2  }
0x97: {  	_ =	strace $0x8FFFFFFF  }
0x98: {  	s18 =	sld [smem:$0x3FDB];
	_ =	sdelay $0x1  }
0x99: {  	s19 =	simm.s32 $_scs_section_size  }
0x9a: {  	s4 =	simm.s32 $_size__tile_overlayer_lowered;
	s5 =	simm.s32 $_tile_overlayer_lowered  }
0x9b: {  	s22 =	simm.s32 $0x1BFF;
	s21 =	sshll.u32 s5, $0x1;
	s2 =	sadd.s32 s19, s18  }
0x9c: {  	s6 =	simm.s32 $0x0;
	s20 =	sshll.u32 s4, $0x1;
	s4 =	sadd.s32 s21, s2  }
0x9d: {  	[timem:s6], [sflag:s22] =	dma.local [hbm:s4], s20  }
0x9e: {  	_ =	swait.ge [sflag:s22], s20  }
0x9f: {  	s3 =	ssub.s32 $0x0, s20;
	[sflag:s22] =	ssyncset.done $0x0  }
0xa0: {  	[sflag:s22] =	ssyncadd.s32 s3;
	_ =	sdelay $0x1  }
0xa1: {  	s23 =	simm.s32 $0x1B8B  }
0xa2: {  	_ =	swait.ge [sflag:s23], $0x1  }
0xa3: {  	[sflag:s23] =	ssyncset.done $0x0  }
0xa4: {  	s25 =	simm.s32 $0x1B8E;
	s24 =	sld [smem:$0x3FFE];
	[sflag:s23] =	ssyncadd.s32 $0xFFFFFFFF  }
0xa5: {  	s26 =	simm.s32 $execute0_lowered;
	[smem:$0x3FD2] =	sst s25  }
0xa6: {  	s4 =	sshll.u32 s26, $0x1;
	_ =	strace $0x80000046;
	[dreg:$0x1] =	wrdreg $0xFFFFFFFF  }
0xa7: {  	s28 =	simm.s32 $_size_execute0_lowered;
	s2 =	sadd.s32 s2, s4;
	[dreg:$0x0] =	wrdreg $0x0  }
0xa8: {  	s4 =	sshll.u32 s28, $0x1;
	[dreg:$0x2] =	wrdreg s2  }
0xa9: {  	[dreg:$0x3] =	wrdreg s4  }
0xaa: {  	[dreg:$0x4] =	wrdreg $0xC0  }
0xab: {  	_ =	task [dreg:s6], $0x5FFFF  }
0xac: {  	[dreg:$0x1] =	wrdreg $0xFFFFFFFF  }
0xad: {  	[dreg:$0x0] =	wrdreg $0x60  }
0xae: {  	[dreg:$0x2] =	wrdreg s24  }
0xaf: {  	[dreg:$0x3] =	wrdreg $0x6C000  }
0xb0: {  	[dreg:$0x4] =	wrdreg $0x9  }
0xb1: {  	_ =	task.clear_ibuf [dreg:s6], $0x5FFFF;
	_ =	strace $0x90000046  }
0xb2: {  	s29 =	simm.s32 $0x9;
	_ =	strace $0x80000048  }
0xb3: {  	_ =	swait.ge [sflag:s29], $0x1  }
0xb4: {  	[sflag:s29] =	ssyncadd.s32 $0xFFFFFFFF  }
0xb5: {  	_ =	strace $0x90000048  }
0xb6: {  	_ =	sfence  }
0xb7: {  	s30 =	sld [smem:$0x0];
	_ =	sdelay $0x2  }
0xb8: {  	s31 =	sshll.u32 s1, $0xD;
	s1 =	sshrl.u32 s1, $0x2  }
0xb9: {  	s3 =	sand.u32 $0x4000, s31;
	s1 =	sadd.s32 s1, s30  }
0xba: {  	s0 =	sor.u32 s3, s0;
	s1 =	sshll.u32 s1, $0x11  }
0xbb: {  	s0 =	sor.u32 s1, s0  }
0xbc: {  	s0 =	sadd.s32 $0x8F2B, s0  }
0xbd: {  	[sflag:s0] =	ssyncadd.remote.s32 $0x1  }
0xbe: {  	_ =	sfence.sel $0xFFFF  }
0xbf: {  	[dreg:$0x0] =	wrdreg $0xFFFFFFFF;
	(pc) =	sbr.abs _section_cstart, $3  }
0xc0: {  	[dreg:$0x1] =	wrdreg $0xFFFFFFFF  }
0xc1: {  	_ =	task.clear_ibuf [dreg:s6], $0x2FFFF;
	_ =	strace $0x9FFFFFFF  }
0xc2: {  	(tm) =	ssettm $0x7FFFFFFF  }
0xc3: {  	_ =	shalt  }
tec
execute0_lowered:
.L_overlay_start_1:
0x0: {  	(tag) =	ssettag $0x1  }
0x1: {  	s0 =	srdreg.scid;
	s7 =	rddreg [dreg:$0x0]  }
0x2: {  	s2 =	rddreg [dreg:$0x1];
	s3 =	simm.s32 $0x0;
	s6 =	sand.u32 $0x1, s0  }
0x3: {  	s16 =	simm.s32 $0x2C00;
	s0 =	stileid.u32;
	s5 =	smul.u32 $0x140000, s6  }
0x4: {  	s17 =	simm.s32 $0x80;
	s18 =	simm.s32 $0x0;
	s8 =	smul.u32 $0x14000, s0  }
0x5: {  	[smem:$0x7FF] =	sst s3;
	s1 =	sshll.u32 s6, $0x4;
	s10 =	smul.u32 $0x50000, s0  }
0x6: {  	s6 =	ssub.s32 $0x2, s6;
	s31 =	sshll.u32 s0, $0x6;
	s1 =	sor.u32 s0, s1  }
0x7: {  	s30 =	sshrl.u32 s6, $0x1;
	s4 =	smul.u32 $0x580, s1;
	s1 =	rddreg [dreg:$0x2]  }
0x8: {  	_ =	strace $0x80000047;
	s8 =	sadd.s32 s8, s5;
	s5 =	sadd.s32 $0xFC00, s7  }
0x9: {  	s29 =	sshrl.u32 s10, $0x2;
	s10 =	ssub.s32 s6, s30;
	s6 =	sor.u32 $0x1C01, s31  }
0xa: {  	s8 =	sshrl.u32 s8, $0x3;
	s11 =	sadd.s32 s29, s2;
	s9 =	sadd.s32 s4, s7  }
0xb: {  	s4 =	sadd.s32 $0x10400, s7;
	s8 =	sadd.s32 s8, s7;
	s12 =	sadd.s32 $0x4000, s11  }
0xc: {  	s13 =	sadd.s32 $0x8000, s11;
	s14 =	sadd.s32 $0xC000, s11;
	s15 =	sadd.s32 $0x10000, s11  }
0xd: {  	s7 =	sadd.s32 $0x4C00, s9;
	s8 =	sadd.s32 $0x10C00, s8;
	s9 =	smax.u32 s10, $0x1  }
0xe: {  	s10 =	sshrl.u32 s11, $0x3;
	s11 =	simm.s32 $0x1;
	s12 =	sshrl.u32 s12, $0x3  }
0xf: {  	s13 =	sshrl.u32 s13, $0x3;
	s14 =	sshrl.u32 s14, $0x3;
	s15 =	sshrl.u32 s15, $0x3  }
.LBB2_1:
0x10: {  	[spmem:s10], [sflag:s6] =	dma.local [hbm:s5], $0x800  }
0x11: {  	_ =	swait.ge [sflag:s11], $0x800  }
0x12: {  	[sflag:s11] =	ssyncset.done $0x0  }
0x13: {  	[sflag:s11] =	ssyncadd.s32 $0xFFFFF800  }
0x14: {  	[spmem:s12], [sflag:s6] =	dma.local [hbm:s5], $0x800  }
0x15: {  	_ =	swait.ge [sflag:s11], $0x800  }
0x16: {  	[sflag:s11] =	ssyncset.done $0x0  }
0x17: {  	[sflag:s11] =	ssyncadd.s32 $0xFFFFF800  }
0x18: {  	[spmem:s13], [sflag:s6] =	dma.local [hbm:s5], $0x800  }
0x19: {  	_ =	swait.ge [sflag:s11], $0x800  }
0x1a: {  	[sflag:s11] =	ssyncset.done $0x0  }
0x1b: {  	[sflag:s11] =	ssyncadd.s32 $0xFFFFF800  }
0x1c: {  	[spmem:s14], [sflag:s6] =	dma.local [hbm:s5], $0x800  }
0x1d: {  	_ =	swait.ge [sflag:s11], $0x800  }
0x1e: {  	[sflag:s11] =	ssyncset.done $0x0  }
0x1f: {  	[sflag:s11] =	ssyncadd.s32 $0xFFFFF800  }
0x20: {  	[spmem:s15], [sflag:s6] =	dma.local [hbm:s5], $0x800  }
0x21: {  	_ =	swait.ge [sflag:s11], $0x800  }
0x22: {  	[sflag:s11] =	ssyncset.done $0x0  }
0x23: {  	[sflag:s11] =	ssyncadd.s32 $0xFFFFF800  }
0x24: {  	[tilespmem:s16], [sflag:$0x1] =	stream.linear.gather [hbm4b:s4+s3], $0x4000, $0x38;
	[tilespmem:$0x6E80] =	vst v63  }
0x25: {  	_ =	swait.ge [sflag:s11], $0x4000  }
0x26: {  	[sflag:s11] =	ssyncset.done $0x0  }
0x27: {  	[sflag:s11] =	ssyncadd.s32 $0xFFFFC000  }
0x28: {  	[tilespmem:s3], [sflag:$0x1] =	stream.linear.gather [hbm4b:s7+s3], $0x2900, $0x38;
	[tilespmem:$0x6E80] =	vst v63  }
0x29: {  	_ =	swait.ge [sflag:s11], $0x2900  }
0x2a: {  	[sflag:s11] =	ssyncset.done $0x0  }
0x2b: {  	[sflag:s11] =	ssyncadd.s32 $0xFFFFD700  }
0x2c: {  	s19 =	simm.s32 $0x0;
	[bflag:$0x0] =	sbarrier.arrive $0xFFFF  }
0x2d: {  	[spmem:s2] =	stream.indirect.scatter.add.f32 [tilespmem:s16], [sflag:$0x1], $0x1, s19, s17, $0xb8;
	[tilespmem:$0x6E80] =	vst v63  }
0x2e: {  	_ =	swait.ge [sflag:s11], $0x80  }
0x2f: {  	s19 =	simm.s32 $0x200;
	[sflag:s11] =	ssyncset.done $0x0  }
.LBB2_2:
0x30: {  	s20 =	sshra.s32 s19, $0x2;
	[sflag:s11] =	ssyncadd.s32 $0xFFFFFF80;
	p0 =	sne.s32 s19, $0xA200  }
0x31: {  	[spmem:s2] =	stream.indirect.scatter.add.f32 [tilespmem:s16], [sflag:$0x1], $0x1, s20, s17, $0xb8;
	[tilespmem:$0x6E80] =	vst v63  }
.Ltmp0:
0x32: {  	_ = 	snop;
	(pc) =	sbr.rel @p0 .LBB2_2-.Ltmp0, $4  }
0x33: {  	_ = 	snop  }
0x34: {  	s19 =	sadd.s32 $0x200, s19  }
0x35: {  	_ =	swait.ge [sflag:s11], $0x80  }
0x36: {  	[sflag:s11] =	ssyncset.done $0x0  }
0x37: {  	s18 =	sadd.s32 $0x1, s18  }
0x38: {  	[sflag:s11] =	ssyncadd.s32 $0xFFFFFF80;
	p0 =	sne.s32 s18, s9  }
.Ltmp1:
0x39: {  	[bflag:$0x0] =	sbarrier.arrive $0xFFFF;
	(pc) =	sbr.rel @p0 .LBB2_1-.Ltmp1, $4  }
0x3a: {  	[hbm:s8], [sflag:s6] =	dma.local [spmem:s10], $0x2800  }
0x3b: {  	_ =	swait.ge [sflag:s11], $0x2800  }
0x3c: {  	[sflag:s11] =	ssyncset.done $0x0  }
0x3d: {  	[sflag:s11] =	ssyncadd.s32 $0xFFFFD800  }
0x3e: {  	_ =	sfence.sel $0x180000  }
0x3f: {  	[bflag:$0x0] =	sbarrier.arrive $0xFFFF  }
0x40: {  	p0 =	sne.s32 s0, $0x0;
	_ =	strace $0x90000047  }
0x41: {  	s0 =	sadd.s32 @!p0 $0x100000, s1;
	[bflag:$0x2] =	sbarrier.arrive $0xFFFF  }
0x42: {  	[sflag:s0] =	ssyncadd.tile.s32 @!p0 $0x1;
	_ =	shalt  }
.Lfunc_end2:
_tile_overlayer_lowered:
.L_overlay_start_2:
0x43: {  	(tag) =	ssettag $0x2  }
0x44: {  	s0 =	rddreg [dreg:$0x0];
	s2 =	stileid.u32  }
0x45: {  	s1 =	rddreg [dreg:$0x1];
	p0 =	sne.s32 s2, $0x0  }
0x46: {  	s3 =	rddreg [dreg:$0x2];
	[bflag:$0x3] =	sbarrier.arrive $0xFFFF;
	s2 =	simm.s32 @!p0 $0x1C01  }
0x47: {  	[timem:s3], [sflag:s2] =	dma.local @!p0 [hbm:s0], s1  }
0x48: {  	s0 =	simm.s32 @!p0 $0x1  }
0x49: {  	_ =	swait.ge @!p0 [sflag:s0], s1  }
0x4a: {  	s1 =	ssub.s32 @!p0 $0x0, s1;
	[sflag:s0] =	ssyncset.done @!p0 $0x0  }
0x4b: {  	[sflag:s0] =	ssyncadd.s32 @!p0 s1  }
0x4c: {  	[bflag:$0x3] =	sbarrier.arrive $0xFFFF  }
0x4d: {  	_ =	shalt  }

// kernel: sg_prop.11.cloned.1.call-start
scs
__scs_entry_jumppad:
0x0: {  	(pc) =	sbr.rel $0x88, $3  }
0x1: {  	(tag) =	ssettag $0x0;
	lr =	simm.s32 $0x1  }
0x2: {  	[smem:$0x3F93] =	sst lr;
	_ =	strace $0xD0000000  }
0x3: {  	_ = 	snop  }
0x4: {  	_ = 	snop  }
0x5: {  	_ = 	snop  }
0x6: {  	_ = 	snop  }
0x7: {  	_ = 	snop  }
__scs_overlays_trampoline_lowered:
0x8: {  	[smem:$0x3FA2] =	sst s0  }
0x9: {  	[smem:$0x3FA3] =	sst s1  }
0xa: {  	[smem:$0x3FA4] =	sst s2  }
0xb: {  	[smem:$0x3FA5] =	sst s3  }
0xc: {  	[smem:$0x3FA6] =	sst s4  }
0xd: {  	[smem:$0x3FA7] =	sst s5  }
0xe: {  	[smem:$0x3FA8] =	sst s6  }
0xf: {  	[smem:$0x3FA9] =	sst s7  }
0x10: {  	[smem:$0x3FAA] =	sst s8  }
0x11: {  	[smem:$0x3FAB] =	sst s9;
	s0 =	simm.s32 @!p0 $0x0  }
0x12: {  	s1 =	sld [smem:$0x3F91];
	s0 =	simm.s32 @p0 $0x1  }
0x13: {  	[smem:$0x3FAC] =	sst s0;
	s0 =	simm.s32 @!p1 $0x0  }
0x14: {  	s2 =	sld [smem:$0x3F90];
	s0 =	simm.s32 @p1 $0x1  }
0x15: {  	[smem:$0x3FAD] =	sst s0;
	s0 =	simm.s32 @!p2 $0x0  }
0x16: {  	s3 =	sld [smem:$0x3FDB];
	s0 =	simm.s32 @p2 $0x1  }
0x17: {  	s4 =	simm.s32 $0x1BF5;
	[smem:$0x3FAF] =	sst s0  }
0x18: {  	s0 =	sld [smem:$0x3F92];
	_ =	swait.ge [sflag:s4], $0x0  }
0x19: {  	s7 =	sld [smem:$0x3F93]  }
0x1a: {  	s8 =	sadd.s32 $0xFFFFE003, lr  }
0x1b: {  	s9 =	sadd.s32 $0xFFFFFEF7, lr;
	s5 =	simm.s32 $0xFFFFFFFF;
	p2 =	slt.u32 s8, $0xFFFFF086  }
0x1c: {  	p1 =	slt.u32 s9, $0xF7A;
	s5 =	simm.s32 @!p2 $0x0  }
0x1d: {  	s5 =	simm.s32 @p1 $0x1;
	p0 =	seq.s32 s7, s2  }
0x1e: {  	s7 =	smul.u32 @!p0 $0xF7A, s2;
	p2 =	seq.s32 @!p0 s5, $0x0  }
0x1f: {  	s9 =	smul.u32 $0xF7A, s1;
	s8 =	simm.s32 @!p0 $0x1BF5;
	p2 =	por !p2, p0  }
0x20: {  	[sflag:s8] =	ssyncset.s32 @!p0 $0xFFFFF086;
	s6 =	sadd.s32 @!p0 s3, s7;
	s7 =	simm.s32 @!p0 $0x108  }
0x21: {  	s3 =	sadd.s32 s3, s9;
	s6 =	sadd.s32 @!p0 $0x88, s6;
	s7 =	simm.s32 @p2 $0x1082  }
0x22: {  	[simem:s7], [sflag:s8] =	dma.local @!p0 [hbm:s6], $0xF7A  }
0x23: {  	s9 =	sor.u32 $0xD0000000, s2;
	s6 =	simm.s32 $0x108;
	_ =	swait.ge @!p0 [sflag:s8], $0x0  }
0x24: {  	s3 =	sadd.s32 $0x88, s3;
	s6 =	simm.s32 @!p1 $0x1082;
	[sflag:s4] =	ssyncset.s32 $0xFFFFF086  }
0x25: {  	[simem:s6], [sflag:s4] =	dma.local [hbm:s3], $0xF7A  }
0x26: {  	[smem:$0x3F93] =	sst s1;
	(tag) =	ssettag s2;
	_ =	strace s9  }
0x27: {  	s1 =	sld [smem:$0x3FA3]  }
0x28: {  	s2 =	sld [smem:$0x3FA4]  }
0x29: {  	s4 =	sld [smem:$0x3FA6]  }
0x2a: {  	p0 =	seq.s32 s5, $0x0;
	s5 =	sld [smem:$0x3FA7]  }
0x2b: {  	s6 =	sld [smem:$0x3FA8]  }
0x2c: {  	s7 =	sld [smem:$0x3FA9]  }
0x2d: {  	s3 =	simm.s32 $0x108;
	s8 =	sld [smem:$0x3FAA]  }
0x2e: {  	s3 =	simm.s32 @!p0 $0x1082;
	s9 =	sld [smem:$0x3FAB]  }
0x2f: {  	lr =	sadd.s32 s0, s3;
	s0 =	sld [smem:$0x3FA2]  }
0x30: {  	s3 =	sld [smem:$0x3FA5]  }
0x31: {  	[smem:$0x3FAE] =	sst s10  }
0x32: {  	s10 =	sld [smem:$0x3FAC];
	_ =	sdelay $0x3  }
0x33: {  	p0 =	seq.s32 s10, $0x1;
	s10 =	sld [smem:$0x3FAE];
	_ =	sdelay $0x3  }
0x34: {  	[smem:$0x3FAE] =	sst s10  }
0x35: {  	s10 =	sld [smem:$0x3FAD];
	_ =	sdelay $0x3  }
0x36: {  	p1 =	seq.s32 s10, $0x1;
	s10 =	sld [smem:$0x3FAE];
	_ =	sdelay $0x3  }
0x37: {  	[smem:$0x3FAE] =	sst s10  }
0x38: {  	s10 =	sld [smem:$0x3FAF]  }
0x39: {  	_ = 	snop;
	(pc) =	sbr.ind lr, $3  }
0x3a: {  	_ = 	snop  }
0x3b: {  	_ = 	snop  }
0x3c: {  	p2 =	seq.s32 s10, $0x1;
	s10 =	sld [smem:$0x3FAE]  }
0x3d: {  	_ =	shalt  }
0x3e: {  	_ =	shalt  }
0x3f: {  	_ =	shalt  }
0x40: {  	_ =	shalt  }
0x41: {  	_ =	shalt  }
0x42: {  	_ =	shalt  }
0x43: {  	_ =	shalt  }
0x44: {  	_ =	shalt  }
0x45: {  	_ =	shalt  }
0x46: {  	_ =	shalt  }
0x47: {  	_ =	shalt  }
0x48: {  	_ =	shalt  }
0x49: {  	_ =	shalt  }
0x4a: {  	_ =	shalt  }
0x4b: {  	_ =	shalt  }
0x4c: {  	_ =	shalt  }
0x4d: {  	_ =	shalt  }
0x4e: {  	_ =	shalt  }
0x4f: {  	_ =	shalt  }
0x50: {  	_ =	shalt  }
0x51: {  	_ =	shalt  }
0x52: {  	_ =	shalt  }
0x53: {  	_ =	shalt  }
0x54: {  	_ =	shalt  }
0x55: {  	_ =	shalt  }
0x56: {  	_ =	shalt  }
0x57: {  	_ =	shalt  }
0x58: {  	_ =	shalt  }
0x59: {  	_ =	shalt  }
0x5a: {  	_ =	shalt  }
0x5b: {  	_ =	shalt  }
0x5c: {  	_ =	shalt  }
0x5d: {  	_ =	shalt  }
0x5e: {  	_ =	shalt  }
0x5f: {  	_ =	shalt  }
0x60: {  	_ =	shalt  }
0x61: {  	_ =	shalt  }
0x62: {  	_ =	shalt  }
0x63: {  	_ =	shalt  }
0x64: {  	_ =	shalt  }
0x65: {  	_ =	shalt  }
0x66: {  	_ =	shalt  }
0x67: {  	_ =	shalt  }
0x68: {  	_ =	shalt  }
0x69: {  	_ =	shalt  }
0x6a: {  	_ =	shalt  }
0x6b: {  	_ =	shalt  }
0x6c: {  	_ =	shalt  }
0x6d: {  	_ =	shalt  }
0x6e: {  	_ =	shalt  }
0x6f: {  	_ =	shalt  }
0x70: {  	_ =	shalt  }
0x71: {  	_ =	shalt  }
0x72: {  	_ =	shalt  }
0x73: {  	_ =	shalt  }
0x74: {  	_ =	shalt  }
0x75: {  	_ =	shalt  }
0x76: {  	_ =	shalt  }
0x77: {  	_ =	shalt  }
0x78: {  	_ =	shalt  }
0x79: {  	_ =	shalt  }
0x7a: {  	_ =	shalt  }
0x7b: {  	_ =	shalt  }
0x7c: {  	_ =	shalt  }
0x7d: {  	_ =	shalt  }
0x7e: {  	_ =	shalt  }
0x7f: {  	_ =	shalt  }
0x80: {  	_ =	shalt  }
0x81: {  	_ =	shalt  }
0x82: {  	_ =	shalt  }
0x83: {  	_ =	shalt  }
0x84: {  	_ =	shalt  }
0x85: {  	_ =	shalt  }
0x86: {  	_ =	shalt  }
0x87: {  	_ =	shalt  }
.Lfunc_end0:
.L_simem_size_0:
called_computation.2_lowered:
.L_overlay_start_0:
0x88: {  	s2 =	sld [smem:$0x3FD9]  }
0x89: {  	s3 =	sld [smem:$0x3FFE];
	_ =	sdelay $0x1  }
0x8a: {  	s1 =	srdreg.scid  }
0x8b: {  	s0 =	sand.u32 $0x1, s1  }
0x8c: {  	s16 =	sshll.u32 s0, $0xA;
	s2 =	sadd.s32 s3, s2  }
0x8d: {  	s2 =	sadd.s32 s2, s16  }
0x8e: {  	[smem:$0x3FBA] =	sst s2  }
0x8f: {  	_ = 	snop  }
0x90: {  	(tm) =	ssettm $0x1  }
0x91: {  	s17 =	sld [smem:$0x3FFB];
	_ =	sdelay $0x3  }
0x92: {  	_ =	strace s17  }
0x93: {  	s2 =	sld [smem:$0x3FFC];
	_ =	sdelay $0x3  }
0x94: {  	_ =	strace s2  }
0x95: {  	s2 =	sld [smem:$0x3FFD];
	_ =	sdelay $0x3  }
0x96: {  	_ =	strace s2  }
0x97: {  	_ =	strace $0x8FFFFFFF  }
0x98: {  	s18 =	sld [smem:$0x3FDB];
	_ =	sdelay $0x1  }
0x99: {  	s19 =	simm.s32 $_scs_section_size  }
0x9a: {  	s4 =	simm.s32 $_size__tile_overlayer_lowered;
	s5 =	simm.s32 $_tile_overlayer_lowered  }
0x9b: {  	s22 =	simm.s32 $0x1BFF;
	s21 =	sshll.u32 s5, $0x1;
	s2 =	sadd.s32 s19, s18  }
0x9c: {  	s6 =	simm.s32 $0x0;
	s20 =	sshll.u32 s4, $0x1;
	s4 =	sadd.s32 s21, s2  }
0x9d: {  	[timem:s6], [sflag:s22] =	dma.local [hbm:s4], s20  }
0x9e: {  	_ =	swait.ge [sflag:s22], s20  }
0x9f: {  	s3 =	ssub.s32 $0x0, s20;
	[sflag:s22] =	ssyncset.done $0x0  }
0xa0: {  	[sflag:s22] =	ssyncadd.s32 s3;
	_ =	sdelay $0x1  }
0xa1: {  	s23 =	simm.s32 $0x1B8B  }
0xa2: {  	_ =	swait.ge [sflag:s23], $0x1  }
0xa3: {  	[sflag:s23] =	ssyncset.done $0x0  }
0xa4: {  	s25 =	simm.s32 $0x1B8E;
	s24 =	sld [smem:$0x3FFE];
	[sflag:s23] =	ssyncadd.s32 $0xFFFFFFFF  }
0xa5: {  	s26 =	simm.s32 $execute0_lowered;
	[smem:$0x3FD2] =	sst s25  }
0xa6: {  	s4 =	sshll.u32 s26, $0x1;
	_ =	strace $0x8000004C;
	[dreg:$0x1] =	wrdreg $0xFFFFFFFF  }
0xa7: {  	s28 =	simm.s32 $_size_execute0_lowered;
	s2 =	sadd.s32 s2, s4;
	[dreg:$0x0] =	wrdreg $0x0  }
0xa8: {  	s4 =	sshll.u32 s28, $0x1;
	[dreg:$0x2] =	wrdreg s2  }
0xa9: {  	[dreg:$0x3] =	wrdreg s4  }
0xaa: {  	[dreg:$0x4] =	wrdreg $0xC0  }
0xab: {  	_ =	task [dreg:s6], $0x5FFFF  }
0xac: {  	[dreg:$0x1] =	wrdreg $0xFFFFFFFF  }
0xad: {  	[dreg:$0x0] =	wrdreg $0x60  }
0xae: {  	[dreg:$0x2] =	wrdreg s24  }
0xaf: {  	[dreg:$0x3] =	wrdreg $0x98000  }
0xb0: {  	[dreg:$0x4] =	wrdreg $0x9  }
0xb1: {  	_ =	task.clear_ibuf [dreg:s6], $0x5FFFF;
	_ =	strace $0x9000004C  }
0xb2: {  	s29 =	simm.s32 $0x9;
	_ =	strace $0x8000004E  }
0xb3: {  	_ =	swait.ge [sflag:s29], $0x1  }
0xb4: {  	[sflag:s29] =	ssyncadd.s32 $0xFFFFFFFF  }
0xb5: {  	_ =	strace $0x9000004E  }
0xb6: {  	_ =	sfence  }
0xb7: {  	s30 =	sld [smem:$0x0];
	_ =	sdelay $0x2  }
0xb8: {  	s31 =	sshll.u32 s1, $0xD;
	s1 =	sshrl.u32 s1, $0x2  }
0xb9: {  	s3 =	sand.u32 $0x4000, s31;
	s1 =	sadd.s32 s1, s30  }
0xba: {  	s0 =	sor.u32 s3, s0;
	s1 =	sshll.u32 s1, $0x11  }
0xbb: {  	s0 =	sor.u32 s1, s0  }
0xbc: {  	s0 =	sadd.s32 $0x8F2B, s0  }
0xbd: {  	[sflag:s0] =	ssyncadd.remote.s32 $0x1  }
0xbe: {  	_ =	sfence.sel $0xFFFF  }
0xbf: {  	[dreg:$0x0] =	wrdreg $0xFFFFFFFF;
	(pc) =	sbr.abs _section_cstart, $3  }
0xc0: {  	[dreg:$0x1] =	wrdreg $0xFFFFFFFF  }
0xc1: {  	_ =	task.clear_ibuf [dreg:s6], $0x2FFFF;
	_ =	strace $0x9FFFFFFF  }
0xc2: {  	(tm) =	ssettm $0x7FFFFFFF  }
0xc3: {  	_ =	shalt  }
tec
execute0_lowered:
.L_overlay_start_1:
0x0: {  	(tag) =	ssettag $0x1  }
0x1: {  	s0 =	srdreg.scid;
	s1 =	rddreg [dreg:$0x0]  }
0x2: {  	s2 =	rddreg [dreg:$0x1];
	s3 =	stileid.u32;
	s5 =	simm.s32 $0x0  }
0x3: {  	s20 =	simm.s32 $0x2;
	s22 =	simm.s32 $0x80;
	s23 =	simm.s32 $0x5800  }
0x4: {  	s24 =	simm.s32 $0x1;
	s25 =	simm.s32 $0x0;
	s0 =	sand.u32 $0x1, s0  }
0x5: {  	[smem:$0x7FF] =	sst s5;
	s7 =	smul.u32 $0x50000, s3;
	s5 =	sadd.s32 $0x37C00, s1  }
0x6: {  	s14 =	smul.u32 $0x14000, s3;
	s31 =	sshll.u32 s3, $0x6;
	s4 =	sshll.u32 s0, $0x4  }
0x7: {  	_ =	strace $0x8000004D;
	s6 =	ssub.s32 $0x2, s0;
	s0 =	smul.u32 $0x140000, s0  }
0x8: {  	s4 =	sor.u32 s3, s4;
	s8 =	sshrl.u32 s6, $0x1;
	s30 =	sshrl.u32 s7, $0x2  }
0x9: {  	s15 =	sadd.s32 $0x4000, s14;
	s7 =	sor.u32 $0x1C02, s31;
	s16 =	sadd.s32 $0x8000, s14  }
0xa: {  	s17 =	sadd.s32 $0xC000, s14;
	s18 =	sadd.s32 $0x10000, s14;
	s29 =	smul.u32 $0x580, s4  }
0xb: {  	s4 =	sadd.s32 $0xFC00, s1;
	s19 =	ssub.s32 s6, s8;
	s6 =	sadd.s32 s30, s2  }
0xc: {  	s8 =	sadd.s32 s15, s2;
	s9 =	sadd.s32 s16, s2;
	s10 =	sadd.s32 s17, s2  }
0xd: {  	s11 =	sadd.s32 s18, s2;
	s14 =	sadd.s32 s14, s0;
	s15 =	sadd.s32 s0, s15  }
0xe: {  	s16 =	sadd.s32 s0, s16;
	s17 =	sadd.s32 s0, s17;
	s0 =	sadd.s32 s0, s18  }
0xf: {  	s14 =	sshrl.u32 s14, $0x3;
	s15 =	sshrl.u32 s15, $0x3;
	s16 =	sshrl.u32 s16, $0x3  }
0x10: {  	s17 =	sshrl.u32 s17, $0x3;
	s0 =	sshrl.u32 s0, $0x3;
	s13 =	sadd.s32 s29, s1  }
0x11: {  	s19 =	smax.u32 s19, $0x1;
	s1 =	sadd.s32 $0x6BC00, s1;
	s12 =	sadd.s32 $0x60C00, s13  }
0x12: {  	s13 =	sadd.s32 $0x4C00, s13;
	s14 =	sadd.s32 s1, s14;
	s15 =	sadd.s32 s1, s15  }
0x13: {  	s16 =	sadd.s32 s1, s16;
	s17 =	sadd.s32 s1, s17;
	s18 =	sadd.s32 s1, s0  }
.LBB2_1:
0x14: {  	s26 =	sshrl.u32 s6, $0x3  }
0x15: {  	[spmem:s26], [sflag:s7] =	dma.local [hbm:s5], $0x800  }
0x16: {  	_ =	swait.ge [sflag:s20], $0x800  }
0x17: {  	[sflag:s20] =	ssyncset.done $0x0  }
0x18: {  	s28 =	sshrl.u32 s8, $0x3;
	[sflag:s20] =	ssyncadd.s32 $0xFFFFF800  }
0x19: {  	[spmem:s28], [sflag:s7] =	dma.local [hbm:s5], $0x800  }
0x1a: {  	_ =	swait.ge [sflag:s20], $0x800  }
0x1b: {  	[sflag:s20] =	ssyncset.done $0x0  }
0x1c: {  	s29 =	sshrl.u32 s9, $0x3;
	[sflag:s20] =	ssyncadd.s32 $0xFFFFF800  }
0x1d: {  	[spmem:s29], [sflag:s7] =	dma.local [hbm:s5], $0x800  }
0x1e: {  	_ =	swait.ge [sflag:s20], $0x800  }
0x1f: {  	[sflag:s20] =	ssyncset.done $0x0  }
0x20: {  	s30 =	sshrl.u32 s10, $0x3;
	[sflag:s20] =	ssyncadd.s32 $0xFFFFF800  }
0x21: {  	[spmem:s30], [sflag:s7] =	dma.local [hbm:s5], $0x800  }
0x22: {  	_ =	swait.ge [sflag:s20], $0x800  }
0x23: {  	[sflag:s20] =	ssyncset.done $0x0  }
0x24: {  	s31 =	sshrl.u32 s11, $0x3;
	[sflag:s20] =	ssyncadd.s32 $0xFFFFF800  }
0x25: {  	[spmem:s31], [sflag:s7] =	dma.local [hbm:s5], $0x800  }
0x26: {  	_ =	swait.ge [sflag:s20], $0x800  }
0x27: {  	[sflag:s20] =	ssyncset.done $0x0  }
0x28: {  	s0 =	simm.s32 $0x0;
	[sflag:s20] =	ssyncadd.s32 $0xFFFFF800  }
0x29: {  	[tilespmem:s0], [sflag:$0x2] =	stream.linear.gather [hbm4b:s12+s0], $0x2900, $0x38;
	[tilespmem:$0x1D800] =	vst v63  }
0x2a: {  	_ =	swait.ge [sflag:s20], $0x2900  }
0x2b: {  	[sflag:s20] =	ssyncset.done $0x0  }
0x2c: {  	s1 =	simm.s32 $0x2C00;
	[sflag:s20] =	ssyncadd.s32 $0xFFFFD700  }
0x2d: {  	[tilespmem:s1], [sflag:$0x2] =	stream.linear.gather [hbm4b:s13+s0], $0x2900, $0x38;
	[tilespmem:$0x1D800] =	vst v63  }
0x2e: {  	_ =	swait.ge [sflag:s20], $0x2900  }
0x2f: {  	[sflag:s20] =	ssyncset.done $0x0  }
0x30: {  	[sflag:s20] =	ssyncadd.s32 $0xFFFFD700  }
0x31: {  	s3 =	simm.s32 $0x0;
	[bflag:$0x0] =	sbarrier.arrive $0xFFFF  }
0x32: {  	[tilespmem:s23], [sflag:$0x1] =	stream.indirect.gather [hbm4b:s4+s22], $0x80, s3, s22, $0xb8;
	[tilespmem:$0x1D800] =	vst v63  }
0x33: {  	_ =	swait.ge [sflag:s24], $0x4000  }
0x34: {  	[sflag:s24] =	ssyncset.done $0x0  }
0x35: {  	s21 =	simm.s32 $0x2C00;
	[sflag:s24] =	ssyncadd.s32 $0xFFFFC000  }
0x36: {  	[spmem:s2] =	stream.indirect.scatter.add.f32 [tilespmem:s23], [sflag:$0x2], $0x80, s21, s22, $0xb8;
	[tilespmem:$0x1D800] =	vst v63  }
0x37: {  	_ =	swait.ge [sflag:s20], $0x4000  }
0x38: {  	s0 =	simm.s32 $0x200;
	s1 =	simm.s32 $0x400;
	[sflag:s20] =	ssyncset.done $0x0  }
.LBB2_2:
0x39: {  	s21 =	sshra.s32 s0, $0x2  }
0x3a: {  	[sflag:s20] =	ssyncadd.s32 $0xFFFFC000;
	s0 =	smov.u32 s1;
	s3 =	sadd.s32 $0x200, s1  }
0x3b: {  	[tilespmem:s23], [sflag:$0x1] =	stream.indirect.gather [hbm4b:s4+s22], $0x80, s21, s22, $0xb8;
	[tilespmem:$0x1D800] =	vst v63  }
0x3c: {  	p0 =	sne.s32 s1, $0xA200;
	_ =	swait.ge [sflag:s24], $0x4000  }
.Ltmp0:
0x3d: {  	[sflag:s24] =	ssyncset.done $0x0;
	(pc) =	sbr.rel @p0 .LBB2_2-.Ltmp0, $4  }
0x3e: {  	s1 =	sadd.s32 $0x2C00, s21;
	[sflag:s24] =	ssyncadd.s32 $0xFFFFC000  }
0x3f: {  	[spmem:s2] =	stream.indirect.scatter.add.f32 [tilespmem:s23], [sflag:$0x2], $0x80, s1, s22, $0xb8;
	[tilespmem:$0x1D800] =	vst v63  }
0x40: {  	_ =	swait.ge [sflag:s20], $0x4000  }
0x41: {  	s1 =	smov.u32 s3;
	[sflag:s20] =	ssyncset.done $0x0  }
0x42: {  	s0 =	sshra.s32 s0, $0x2;
	[sflag:s20] =	ssyncadd.s32 $0xFFFFC000  }
0x43: {  	[tilespmem:s23], [sflag:$0x1] =	stream.indirect.gather [hbm4b:s4+s22], $0x80, s0, s22, $0xb8;
	[tilespmem:$0x1D800] =	vst v63  }
0x44: {  	_ =	swait.ge [sflag:s24], $0x4000  }
0x45: {  	[sflag:s24] =	ssyncset.done $0x0  }
0x46: {  	s0 =	sadd.s32 $0x2C00, s0;
	[sflag:s24] =	ssyncadd.s32 $0xFFFFC000  }
0x47: {  	[spmem:s2] =	stream.indirect.scatter.add.f32 [tilespmem:s23], [sflag:$0x2], $0x80, s0, s22, $0xb8;
	[tilespmem:$0x1D800] =	vst v63  }
0x48: {  	_ =	swait.ge [sflag:s20], $0x4000  }
0x49: {  	[sflag:s20] =	ssyncset.done $0x0  }
0x4a: {  	[sflag:s20] =	ssyncadd.s32 $0xFFFFC000  }
0x4b: {  	[bflag:$0x0] =	sbarrier.arrive $0xFFFF  }
0x4c: {  	[hbm:s14], [sflag:s7] =	dma.local [spmem:s26], $0x800  }
0x4d: {  	_ =	swait.ge [sflag:s20], $0x800  }
0x4e: {  	[sflag:s20] =	ssyncset.done $0x0  }
0x4f: {  	[sflag:s20] =	ssyncadd.s32 $0xFFFFF800  }
0x50: {  	[hbm:s15], [sflag:s7] =	dma.local [spmem:s28], $0x800  }
0x51: {  	_ =	swait.ge [sflag:s20], $0x800  }
0x52: {  	[sflag:s20] =	ssyncset.done $0x0  }
0x53: {  	[sflag:s20] =	ssyncadd.s32 $0xFFFFF800  }
0x54: {  	[hbm:s16], [sflag:s7] =	dma.local [spmem:s29], $0x800  }
0x55: {  	_ =	swait.ge [sflag:s20], $0x800  }
0x56: {  	[sflag:s20] =	ssyncset.done $0x0  }
0x57: {  	[sflag:s20] =	ssyncadd.s32 $0xFFFFF800  }
0x58: {  	[hbm:s17], [sflag:s7] =	dma.local [spmem:s30], $0x800  }
0x59: {  	s25 =	sadd.s32 $0x1, s25;
	_ =	swait.ge [sflag:s20], $0x800  }
0x5a: {  	p0 =	sne.s32 s25, s19;
	[sflag:s20] =	ssyncset.done $0x0  }
.Ltmp1:
0x5b: {  	[sflag:s20] =	ssyncadd.s32 $0xFFFFF800;
	(pc) =	sbr.rel @p0 .LBB2_1-.Ltmp1, $4  }
0x5c: {  	[hbm:s18], [sflag:s7] =	dma.local [spmem:s31], $0x800  }
0x5d: {  	_ =	swait.ge [sflag:s20], $0x800  }
0x5e: {  	[sflag:s20] =	ssyncset.done $0x0  }
0x5f: {  	[sflag:s20] =	ssyncadd.s32 $0xFFFFF800  }
0x60: {  	_ =	sfence.sel $0x180000  }
0x61: {  	[bflag:$0x0] =	sbarrier.arrive $0xFFFF  }
0x62: {  	_ =	strace $0x9000004D  }
0x63: {  	s0 =	stileid.u32;
	[bflag:$0x2] =	sbarrier.arrive $0xFFFF  }
0x64: {  	p0 =	sne.s32 s0, $0x0;
	s0 =	rddreg [dreg:$0x2]  }
0x65: {  	s0 =	sadd.s32 @!p0 $0x100000, s0  }
0x66: {  	[sflag:s0] =	ssyncadd.tile.s32 @!p0 $0x1;
	_ =	shalt  }
.Lfunc_end2:
_tile_overlayer_lowered:
.L_overlay_start_2:
0x67: {  	(tag) =	ssettag $0x2  }
0x68: {  	s0 =	rddreg [dreg:$0x0];
	s2 =	stileid.u32  }
0x69: {  	s1 =	rddreg [dreg:$0x1];
	p0 =	sne.s32 s2, $0x0  }
0x6a: {  	s3 =	rddreg [dreg:$0x2];
	[bflag:$0x3] =	sbarrier.arrive $0xFFFF;
	s2 =	simm.s32 @!p0 $0x1C02  }
0x6b: {  	[timem:s3], [sflag:s2] =	dma.local @!p0 [hbm:s0], s1  }
0x6c: {  	s0 =	simm.s32 @!p0 $0x2  }
0x6d: {  	_ =	swait.ge @!p0 [sflag:s0], s1  }
0x6e: {  	s1 =	ssub.s32 @!p0 $0x0, s1;
	[sflag:s0] =	ssyncset.done @!p0 $0x0  }
0x6f: {  	[sflag:s0] =	ssyncadd.s32 @!p0 s1  }
0x70: {  	[bflag:$0x3] =	sbarrier.arrive $0xFFFF  }
0x71: {  	_ =	shalt  }

// kernel: sg_prop.14.cloned.1.call-start
scs
__scs_entry_jumppad:
0x0: {  	(pc) =	sbr.rel $0x88, $3  }
0x1: {  	(tag) =	ssettag $0x0;
	lr =	simm.s32 $0x1  }
0x2: {  	[smem:$0x3F93] =	sst lr;
	_ =	strace $0xD0000000  }
0x3: {  	_ = 	snop  }
0x4: {  	_ = 	snop  }
0x5: {  	_ = 	snop  }
0x6: {  	_ = 	snop  }
0x7: {  	_ = 	snop  }
__scs_overlays_trampoline_lowered:
0x8: {  	[smem:$0x3FA2] =	sst s0  }
0x9: {  	[smem:$0x3FA3] =	sst s1  }
0xa: {  	[smem:$0x3FA4] =	sst s2  }
0xb: {  	[smem:$0x3FA5] =	sst s3  }
0xc: {  	[smem:$0x3FA6] =	sst s4  }
0xd: {  	[smem:$0x3FA7] =	sst s5  }
0xe: {  	[smem:$0x3FA8] =	sst s6  }
0xf: {  	[smem:$0x3FA9] =	sst s7  }
0x10: {  	[smem:$0x3FAA] =	sst s8  }
0x11: {  	[smem:$0x3FAB] =	sst s9;
	s0 =	simm.s32 @!p0 $0x0  }
0x12: {  	s1 =	sld [smem:$0x3F91];
	s0 =	simm.s32 @p0 $0x1  }
0x13: {  	[smem:$0x3FAC] =	sst s0;
	s0 =	simm.s32 @!p1 $0x0  }
0x14: {  	s2 =	sld [smem:$0x3F90];
	s0 =	simm.s32 @p1 $0x1  }
0x15: {  	[smem:$0x3FAD] =	sst s0;
	s0 =	simm.s32 @!p2 $0x0  }
0x16: {  	s3 =	sld [smem:$0x3FDB];
	s0 =	simm.s32 @p2 $0x1  }
0x17: {  	s4 =	simm.s32 $0x1BF5;
	[smem:$0x3FAF] =	sst s0  }
0x18: {  	s0 =	sld [smem:$0x3F92];
	_ =	swait.ge [sflag:s4], $0x0  }
0x19: {  	s7 =	sld [smem:$0x3F93]  }
0x1a: {  	s8 =	sadd.s32 $0xFFFFE003, lr  }
0x1b: {  	s9 =	sadd.s32 $0xFFFFFEF7, lr;
	s5 =	simm.s32 $0xFFFFFFFF;
	p2 =	slt.u32 s8, $0xFFFFF086  }
0x1c: {  	p1 =	slt.u32 s9, $0xF7A;
	s5 =	simm.s32 @!p2 $0x0  }
0x1d: {  	s5 =	simm.s32 @p1 $0x1;
	p0 =	seq.s32 s7, s2  }
0x1e: {  	s7 =	smul.u32 @!p0 $0xF7A, s2;
	p2 =	seq.s32 @!p0 s5, $0x0  }
0x1f: {  	s9 =	smul.u32 $0xF7A, s1;
	s8 =	simm.s32 @!p0 $0x1BF5;
	p2 =	por !p2, p0  }
0x20: {  	[sflag:s8] =	ssyncset.s32 @!p0 $0xFFFFF086;
	s6 =	sadd.s32 @!p0 s3, s7;
	s7 =	simm.s32 @!p0 $0x108  }
0x21: {  	s3 =	sadd.s32 s3, s9;
	s6 =	sadd.s32 @!p0 $0x88, s6;
	s7 =	simm.s32 @p2 $0x1082  }
0x22: {  	[simem:s7], [sflag:s8] =	dma.local @!p0 [hbm:s6], $0xF7A  }
0x23: {  	s9 =	sor.u32 $0xD0000000, s2;
	s6 =	simm.s32 $0x108;
	_ =	swait.ge @!p0 [sflag:s8], $0x0  }
0x24: {  	s3 =	sadd.s32 $0x88, s3;
	s6 =	simm.s32 @!p1 $0x1082;
	[sflag:s4] =	ssyncset.s32 $0xFFFFF086  }
0x25: {  	[simem:s6], [sflag:s4] =	dma.local [hbm:s3], $0xF7A  }
0x26: {  	[smem:$0x3F93] =	sst s1;
	(tag) =	ssettag s2;
	_ =	strace s9  }
0x27: {  	s1 =	sld [smem:$0x3FA3]  }
0x28: {  	s2 =	sld [smem:$0x3FA4]  }
0x29: {  	s4 =	sld [smem:$0x3FA6]  }
0x2a: {  	p0 =	seq.s32 s5, $0x0;
	s5 =	sld [smem:$0x3FA7]  }
0x2b: {  	s6 =	sld [smem:$0x3FA8]  }
0x2c: {  	s7 =	sld [smem:$0x3FA9]  }
0x2d: {  	s3 =	simm.s32 $0x108;
	s8 =	sld [smem:$0x3FAA]  }
0x2e: {  	s3 =	simm.s32 @!p0 $0x1082;
	s9 =	sld [smem:$0x3FAB]  }
0x2f: {  	lr =	sadd.s32 s0, s3;
	s0 =	sld [smem:$0x3FA2]  }
0x30: {  	s3 =	sld [smem:$0x3FA5]  }
0x31: {  	[smem:$0x3FAE] =	sst s10  }
0x32: {  	s10 =	sld [smem:$0x3FAC];
	_ =	sdelay $0x3  }
0x33: {  	p0 =	seq.s32 s10, $0x1;
	s10 =	sld [smem:$0x3FAE];
	_ =	sdelay $0x3  }
0x34: {  	[smem:$0x3FAE] =	sst s10  }
0x35: {  	s10 =	sld [smem:$0x3FAD];
	_ =	sdelay $0x3  }
0x36: {  	p1 =	seq.s32 s10, $0x1;
	s10 =	sld [smem:$0x3FAE];
	_ =	sdelay $0x3  }
0x37: {  	[smem:$0x3FAE] =	sst s10  }
0x38: {  	s10 =	sld [smem:$0x3FAF]  }
0x39: {  	_ = 	snop;
	(pc) =	sbr.ind lr, $3  }
0x3a: {  	_ = 	snop  }
0x3b: {  	_ = 	snop  }
0x3c: {  	p2 =	seq.s32 s10, $0x1;
	s10 =	sld [smem:$0x3FAE]  }
0x3d: {  	_ =	shalt  }
0x3e: {  	_ =	shalt  }
0x3f: {  	_ =	shalt  }
0x40: {  	_ =	shalt  }
0x41: {  	_ =	shalt  }
0x42: {  	_ =	shalt  }
0x43: {  	_ =	shalt  }
0x44: {  	_ =	shalt  }
0x45: {  	_ =	shalt  }
0x46: {  	_ =	shalt  }
0x47: {  	_ =	shalt  }
0x48: {  	_ =	shalt  }
0x49: {  	_ =	shalt  }
0x4a: {  	_ =	shalt  }
0x4b: {  	_ =	shalt  }
0x4c: {  	_ =	shalt  }
0x4d: {  	_ =	shalt  }
0x4e: {  	_ =	shalt  }
0x4f: {  	_ =	shalt  }
0x50: {  	_ =	shalt  }
0x51: {  	_ =	shalt  }
0x52: {  	_ =	shalt  }
0x53: {  	_ =	shalt  }
0x54: {  	_ =	shalt  }
0x55: {  	_ =	shalt  }
0x56: {  	_ =	shalt  }
0x57: {  	_ =	shalt  }
0x58: {  	_ =	shalt  }
0x59: {  	_ =	shalt  }
0x5a: {  	_ =	shalt  }
0x5b: {  	_ =	shalt  }
0x5c: {  	_ =	shalt  }
0x5d: {  	_ =	shalt  }
0x5e: {  	_ =	shalt  }
0x5f: {  	_ =	shalt  }
0x60: {  	_ =	shalt  }
0x61: {  	_ =	shalt  }
0x62: {  	_ =	shalt  }
0x63: {  	_ =	shalt  }
0x64: {  	_ =	shalt  }
0x65: {  	_ =	shalt  }
0x66: {  	_ =	shalt  }
0x67: {  	_ =	shalt  }
0x68: {  	_ =	shalt  }
0x69: {  	_ =	shalt  }
0x6a: {  	_ =	shalt  }
0x6b: {  	_ =	shalt  }
0x6c: {  	_ =	shalt  }
0x6d: {  	_ =	shalt  }
0x6e: {  	_ =	shalt  }
0x6f: {  	_ =	shalt  }
0x70: {  	_ =	shalt  }
0x71: {  	_ =	shalt  }
0x72: {  	_ =	shalt  }
0x73: {  	_ =	shalt  }
0x74: {  	_ =	shalt  }
0x75: {  	_ =	shalt  }
0x76: {  	_ =	shalt  }
0x77: {  	_ =	shalt  }
0x78: {  	_ =	shalt  }
0x79: {  	_ =	shalt  }
0x7a: {  	_ =	shalt  }
0x7b: {  	_ =	shalt  }
0x7c: {  	_ =	shalt  }
0x7d: {  	_ =	shalt  }
0x7e: {  	_ =	shalt  }
0x7f: {  	_ =	shalt  }
0x80: {  	_ =	shalt  }
0x81: {  	_ =	shalt  }
0x82: {  	_ =	shalt  }
0x83: {  	_ =	shalt  }
0x84: {  	_ =	shalt  }
0x85: {  	_ =	shalt  }
0x86: {  	_ =	shalt  }
0x87: {  	_ =	shalt  }
.Lfunc_end0:
.L_simem_size_0:
called_computation.3_lowered:
.L_overlay_start_0:
0x88: {  	s2 =	sld [smem:$0x3FD9]  }
0x89: {  	s3 =	sld [smem:$0x3FFE];
	_ =	sdelay $0x1  }
0x8a: {  	s1 =	srdreg.scid  }
0x8b: {  	s0 =	sand.u32 $0x1, s1  }
0x8c: {  	s16 =	sshll.u32 s0, $0xA;
	s2 =	sadd.s32 s3, s2  }
0x8d: {  	s2 =	sadd.s32 s2, s16  }
0x8e: {  	[smem:$0x3FBA] =	sst s2  }
0x8f: {  	_ = 	snop  }
0x90: {  	(tm) =	ssettm $0x1  }
0x91: {  	s17 =	sld [smem:$0x3FFB];
	_ =	sdelay $0x3  }
0x92: {  	_ =	strace s17  }
0x93: {  	s2 =	sld [smem:$0x3FFC];
	_ =	sdelay $0x3  }
0x94: {  	_ =	strace s2  }
0x95: {  	s2 =	sld [smem:$0x3FFD];
	_ =	sdelay $0x3  }
0x96: {  	_ =	strace s2  }
0x97: {  	_ =	strace $0x8FFFFFFF  }
0x98: {  	s18 =	sld [smem:$0x3FDB];
	_ =	sdelay $0x1  }
0x99: {  	s19 =	simm.s32 $_scs_section_size  }
0x9a: {  	s4 =	simm.s32 $_size__tile_overlayer_lowered;
	s5 =	simm.s32 $_tile_overlayer_lowered  }
0x9b: {  	s22 =	simm.s32 $0x1BFF;
	s21 =	sshll.u32 s5, $0x1;
	s2 =	sadd.s32 s19, s18  }
0x9c: {  	s6 =	simm.s32 $0x0;
	s20 =	sshll.u32 s4, $0x1;
	s4 =	sadd.s32 s21, s2  }
0x9d: {  	[timem:s6], [sflag:s22] =	dma.local [hbm:s4], s20  }
0x9e: {  	_ =	swait.ge [sflag:s22], s20  }
0x9f: {  	s3 =	ssub.s32 $0x0, s20;
	[sflag:s22] =	ssyncset.done $0x0  }
0xa0: {  	[sflag:s22] =	ssyncadd.s32 s3;
	_ =	sdelay $0x1  }
0xa1: {  	s23 =	simm.s32 $0x1B8B  }
0xa2: {  	_ =	swait.ge [sflag:s23], $0x1  }
0xa3: {  	[sflag:s23] =	ssyncset.done $0x0  }
0xa4: {  	s25 =	simm.s32 $0x1B8E;
	s24 =	sld [smem:$0x3FFE];
	[sflag:s23] =	ssyncadd.s32 $0xFFFFFFFF  }
0xa5: {  	s26 =	simm.s32 $execute0_lowered;
	[smem:$0x3FD2] =	sst s25  }
0xa6: {  	s4 =	sshll.u32 s26, $0x1;
	_ =	strace $0x8000004F;
	[dreg:$0x1] =	wrdreg $0xFFFFFFFF  }
0xa7: {  	s28 =	simm.s32 $_size_execute0_lowered;
	s2 =	sadd.s32 s2, s4;
	[dreg:$0x0] =	wrdreg $0x0  }
0xa8: {  	s4 =	sshll.u32 s28, $0x1;
	[dreg:$0x2] =	wrdreg s2  }
0xa9: {  	[dreg:$0x3] =	wrdreg s4  }
0xaa: {  	[dreg:$0x4] =	wrdreg $0xC0  }
0xab: {  	_ =	task [dreg:s6], $0x5FFFF  }
0xac: {  	[dreg:$0x1] =	wrdreg $0xFFFFFFFF  }
0xad: {  	[dreg:$0x0] =	wrdreg $0x60  }
0xae: {  	[dreg:$0x2] =	wrdreg s24  }
0xaf: {  	[dreg:$0x3] =	wrdreg $0x98000  }
0xb0: {  	[dreg:$0x4] =	wrdreg $0x9  }
0xb1: {  	_ =	task.clear_ibuf [dreg:s6], $0x5FFFF;
	_ =	strace $0x9000004F  }
0xb2: {  	s29 =	simm.s32 $0x9;
	_ =	strace $0x80000051  }
0xb3: {  	_ =	swait.ge [sflag:s29], $0x1  }
0xb4: {  	[sflag:s29] =	ssyncadd.s32 $0xFFFFFFFF  }
0xb5: {  	_ =	strace $0x90000051  }
0xb6: {  	_ =	sfence  }
0xb7: {  	s30 =	sld [smem:$0x0];
	_ =	sdelay $0x2  }
0xb8: {  	s31 =	sshll.u32 s1, $0xD;
	s1 =	sshrl.u32 s1, $0x2  }
0xb9: {  	s3 =	sand.u32 $0x4000, s31;
	s1 =	sadd.s32 s1, s30  }
0xba: {  	s0 =	sor.u32 s3, s0;
	s1 =	sshll.u32 s1, $0x11  }
0xbb: {  	s0 =	sor.u32 s1, s0  }
0xbc: {  	s0 =	sadd.s32 $0x8F2B, s0  }
0xbd: {  	[sflag:s0] =	ssyncadd.remote.s32 $0x1  }
0xbe: {  	_ =	sfence.sel $0xFFFF  }
0xbf: {  	[dreg:$0x0] =	wrdreg $0xFFFFFFFF;
	(pc) =	sbr.abs _section_cstart, $3  }
0xc0: {  	[dreg:$0x1] =	wrdreg $0xFFFFFFFF  }
0xc1: {  	_ =	task.clear_ibuf [dreg:s6], $0x2FFFF;
	_ =	strace $0x9FFFFFFF  }
0xc2: {  	(tm) =	ssettm $0x7FFFFFFF  }
0xc3: {  	_ =	shalt  }
tec
execute0_lowered:
.L_overlay_start_1:
0x0: {  	(tag) =	ssettag $0x1  }
0x1: {  	s0 =	srdreg.scid;
	s1 =	rddreg [dreg:$0x0]  }
0x2: {  	s2 =	rddreg [dreg:$0x1];
	s3 =	stileid.u32;
	s5 =	simm.s32 $0x0  }
0x3: {  	s20 =	simm.s32 $0x2;
	s22 =	simm.s32 $0x80;
	s23 =	simm.s32 $0x5800  }
0x4: {  	s24 =	simm.s32 $0x1;
	s25 =	simm.s32 $0x0;
	s0 =	sand.u32 $0x1, s0  }
0x5: {  	[smem:$0x7FF] =	sst s5;
	s7 =	smul.u32 $0x50000, s3;
	s5 =	sadd.s32 $0x37C00, s1  }
0x6: {  	s14 =	smul.u32 $0x14000, s3;
	s31 =	sshll.u32 s3, $0x6;
	s4 =	sshll.u32 s0, $0x4  }
0x7: {  	_ =	strace $0x80000050;
	s6 =	ssub.s32 $0x2, s0;
	s0 =	smul.u32 $0x140000, s0  }
0x8: {  	s4 =	sor.u32 s3, s4;
	s8 =	sshrl.u32 s6, $0x1;
	s30 =	sshrl.u32 s7, $0x2  }
0x9: {  	s15 =	sadd.s32 $0x4000, s14;
	s7 =	sor.u32 $0x1C02, s31;
	s16 =	sadd.s32 $0x8000, s14  }
0xa: {  	s17 =	sadd.s32 $0xC000, s14;
	s18 =	sadd.s32 $0x10000, s14;
	s29 =	smul.u32 $0x580, s4  }
0xb: {  	s4 =	sadd.s32 $0xFC00, s1;
	s19 =	ssub.s32 s6, s8;
	s6 =	sadd.s32 s30, s2  }
0xc: {  	s8 =	sadd.s32 s15, s2;
	s9 =	sadd.s32 s16, s2;
	s10 =	sadd.s32 s17, s2  }
0xd: {  	s11 =	sadd.s32 s18, s2;
	s14 =	sadd.s32 s14, s0;
	s15 =	sadd.s32 s0, s15  }
0xe: {  	s16 =	sadd.s32 s0, s16;
	s17 =	sadd.s32 s0, s17;
	s0 =	sadd.s32 s0, s18  }
0xf: {  	s14 =	sshrl.u32 s14, $0x3;
	s15 =	sshrl.u32 s15, $0x3;
	s16 =	sshrl.u32 s16, $0x3  }
0x10: {  	s17 =	sshrl.u32 s17, $0x3;
	s0 =	sshrl.u32 s0, $0x3;
	s13 =	sadd.s32 s29, s1  }
0x11: {  	s19 =	smax.u32 s19, $0x1;
	s1 =	sadd.s32 $0x6BC00, s1;
	s12 =	sadd.s32 $0x60C00, s13  }
0x12: {  	s13 =	sadd.s32 $0x4C00, s13;
	s14 =	sadd.s32 s1, s14;
	s15 =	sadd.s32 s1, s15  }
0x13: {  	s16 =	sadd.s32 s1, s16;
	s17 =	sadd.s32 s1, s17;
	s18 =	sadd.s32 s1, s0  }
.LBB2_1:
0x14: {  	s26 =	sshrl.u32 s6, $0x3  }
0x15: {  	[spmem:s26], [sflag:s7] =	dma.local [hbm:s5], $0x800  }
0x16: {  	_ =	swait.ge [sflag:s20], $0x800  }
0x17: {  	[sflag:s20] =	ssyncset.done $0x0  }
0x18: {  	s28 =	sshrl.u32 s8, $0x3;
	[sflag:s20] =	ssyncadd.s32 $0xFFFFF800  }
0x19: {  	[spmem:s28], [sflag:s7] =	dma.local [hbm:s5], $0x800  }
0x1a: {  	_ =	swait.ge [sflag:s20], $0x800  }
0x1b: {  	[sflag:s20] =	ssyncset.done $0x0  }
0x1c: {  	s29 =	sshrl.u32 s9, $0x3;
	[sflag:s20] =	ssyncadd.s32 $0xFFFFF800  }
0x1d: {  	[spmem:s29], [sflag:s7] =	dma.local [hbm:s5], $0x800  }
0x1e: {  	_ =	swait.ge [sflag:s20], $0x800  }
0x1f: {  	[sflag:s20] =	ssyncset.done $0x0  }
0x20: {  	s30 =	sshrl.u32 s10, $0x3;
	[sflag:s20] =	ssyncadd.s32 $0xFFFFF800  }
0x21: {  	[spmem:s30], [sflag:s7] =	dma.local [hbm:s5], $0x800  }
0x22: {  	_ =	swait.ge [sflag:s20], $0x800  }
0x23: {  	[sflag:s20] =	ssyncset.done $0x0  }
0x24: {  	s31 =	sshrl.u32 s11, $0x3;
	[sflag:s20] =	ssyncadd.s32 $0xFFFFF800  }
0x25: {  	[spmem:s31], [sflag:s7] =	dma.local [hbm:s5], $0x800  }
0x26: {  	_ =	swait.ge [sflag:s20], $0x800  }
0x27: {  	[sflag:s20] =	ssyncset.done $0x0  }
0x28: {  	s0 =	simm.s32 $0x0;
	[sflag:s20] =	ssyncadd.s32 $0xFFFFF800  }
0x29: {  	[tilespmem:s0], [sflag:$0x2] =	stream.linear.gather [hbm4b:s12+s0], $0x2900, $0x38;
	[tilespmem:$0x1D800] =	vst v63  }
0x2a: {  	_ =	swait.ge [sflag:s20], $0x2900  }
0x2b: {  	[sflag:s20] =	ssyncset.done $0x0  }
0x2c: {  	s1 =	simm.s32 $0x2C00;
	[sflag:s20] =	ssyncadd.s32 $0xFFFFD700  }
0x2d: {  	[tilespmem:s1], [sflag:$0x2] =	stream.linear.gather [hbm4b:s13+s0], $0x2900, $0x38;
	[tilespmem:$0x1D800] =	vst v63  }
0x2e: {  	_ =	swait.ge [sflag:s20], $0x2900  }
0x2f: {  	[sflag:s20] =	ssyncset.done $0x0  }
0x30: {  	[sflag:s20] =	ssyncadd.s32 $0xFFFFD700  }
0x31: {  	s3 =	simm.s32 $0x0;
	[bflag:$0x0] =	sbarrier.arrive $0xFFFF  }
0x32: {  	[tilespmem:s23], [sflag:$0x1] =	stream.indirect.gather [hbm4b:s4+s22], $0x80, s3, s22, $0xb8;
	[tilespmem:$0x1D800] =	vst v63  }
0x33: {  	_ =	swait.ge [sflag:s24], $0x4000  }
0x34: {  	[sflag:s24] =	ssyncset.done $0x0  }
0x35: {  	s21 =	simm.s32 $0x2C00;
	[sflag:s24] =	ssyncadd.s32 $0xFFFFC000  }
0x36: {  	[spmem:s2] =	stream.indirect.scatter.add.f32 [tilespmem:s23], [sflag:$0x2], $0x80, s21, s22, $0xb8;
	[tilespmem:$0x1D800] =	vst v63  }
0x37: {  	_ =	swait.ge [sflag:s20], $0x4000  }
0x38: {  	s0 =	simm.s32 $0x200;
	s1 =	simm.s32 $0x400;
	[sflag:s20] =	ssyncset.done $0x0  }
.LBB2_2:
0x39: {  	s21 =	sshra.s32 s0, $0x2  }
0x3a: {  	[sflag:s20] =	ssyncadd.s32 $0xFFFFC000;
	s0 =	smov.u32 s1;
	s3 =	sadd.s32 $0x200, s1  }
0x3b: {  	[tilespmem:s23], [sflag:$0x1] =	stream.indirect.gather [hbm4b:s4+s22], $0x80, s21, s22, $0xb8;
	[tilespmem:$0x1D800] =	vst v63  }
0x3c: {  	p0 =	sne.s32 s1, $0xA200;
	_ =	swait.ge [sflag:s24], $0x4000  }
.Ltmp0:
0x3d: {  	[sflag:s24] =	ssyncset.done $0x0;
	(pc) =	sbr.rel @p0 .LBB2_2-.Ltmp0, $4  }
0x3e: {  	s1 =	sadd.s32 $0x2C00, s21;
	[sflag:s24] =	ssyncadd.s32 $0xFFFFC000  }
0x3f: {  	[spmem:s2] =	stream.indirect.scatter.add.f32 [tilespmem:s23], [sflag:$0x2], $0x80, s1, s22, $0xb8;
	[tilespmem:$0x1D800] =	vst v63  }
0x40: {  	_ =	swait.ge [sflag:s20], $0x4000  }
0x41: {  	s1 =	smov.u32 s3;
	[sflag:s20] =	ssyncset.done $0x0  }
0x42: {  	s0 =	sshra.s32 s0, $0x2;
	[sflag:s20] =	ssyncadd.s32 $0xFFFFC000  }
0x43: {  	[tilespmem:s23], [sflag:$0x1] =	stream.indirect.gather [hbm4b:s4+s22], $0x80, s0, s22, $0xb8;
	[tilespmem:$0x1D800] =	vst v63  }
0x44: {  	_ =	swait.ge [sflag:s24], $0x4000  }
0x45: {  	[sflag:s24] =	ssyncset.done $0x0  }
0x46: {  	s0 =	sadd.s32 $0x2C00, s0;
	[sflag:s24] =	ssyncadd.s32 $0xFFFFC000  }
0x47: {  	[spmem:s2] =	stream.indirect.scatter.add.f32 [tilespmem:s23], [sflag:$0x2], $0x80, s0, s22, $0xb8;
	[tilespmem:$0x1D800] =	vst v63  }
0x48: {  	_ =	swait.ge [sflag:s20], $0x4000  }
0x49: {  	[sflag:s20] =	ssyncset.done $0x0  }
0x4a: {  	[sflag:s20] =	ssyncadd.s32 $0xFFFFC000  }
0x4b: {  	[bflag:$0x0] =	sbarrier.arrive $0xFFFF  }
0x4c: {  	[hbm:s14], [sflag:s7] =	dma.local [spmem:s26], $0x800  }
0x4d: {  	_ =	swait.ge [sflag:s20], $0x800  }
0x4e: {  	[sflag:s20] =	ssyncset.done $0x0  }
0x4f: {  	[sflag:s20] =	ssyncadd.s32 $0xFFFFF800  }
0x50: {  	[hbm:s15], [sflag:s7] =	dma.local [spmem:s28], $0x800  }
0x51: {  	_ =	swait.ge [sflag:s20], $0x800  }
0x52: {  	[sflag:s20] =	ssyncset.done $0x0  }
0x53: {  	[sflag:s20] =	ssyncadd.s32 $0xFFFFF800  }
0x54: {  	[hbm:s16], [sflag:s7] =	dma.local [spmem:s29], $0x800  }
0x55: {  	_ =	swait.ge [sflag:s20], $0x800  }
0x56: {  	[sflag:s20] =	ssyncset.done $0x0  }
0x57: {  	[sflag:s20] =	ssyncadd.s32 $0xFFFFF800  }
0x58: {  	[hbm:s17], [sflag:s7] =	dma.local [spmem:s30], $0x800  }
0x59: {  	s25 =	sadd.s32 $0x1, s25;
	_ =	swait.ge [sflag:s20], $0x800  }
0x5a: {  	p0 =	sne.s32 s25, s19;
	[sflag:s20] =	ssyncset.done $0x0  }
.Ltmp1:
0x5b: {  	[sflag:s20] =	ssyncadd.s32 $0xFFFFF800;
	(pc) =	sbr.rel @p0 .LBB2_1-.Ltmp1, $4  }
0x5c: {  	[hbm:s18], [sflag:s7] =	dma.local [spmem:s31], $0x800  }
0x5d: {  	_ =	swait.ge [sflag:s20], $0x800  }
0x5e: {  	[sflag:s20] =	ssyncset.done $0x0  }
0x5f: {  	[sflag:s20] =	ssyncadd.s32 $0xFFFFF800  }
0x60: {  	_ =	sfence.sel $0x180000  }
0x61: {  	[bflag:$0x0] =	sbarrier.arrive $0xFFFF  }
0x62: {  	_ =	strace $0x90000050  }
0x63: {  	s0 =	stileid.u32;
	[bflag:$0x2] =	sbarrier.arrive $0xFFFF  }
0x64: {  	p0 =	sne.s32 s0, $0x0;
	s0 =	rddreg [dreg:$0x2]  }
0x65: {  	s0 =	sadd.s32 @!p0 $0x100000, s0  }
0x66: {  	[sflag:s0] =	ssyncadd.tile.s32 @!p0 $0x1;
	_ =	shalt  }
.Lfunc_end2:
_tile_overlayer_lowered:
.L_overlay_start_2:
0x67: {  	(tag) =	ssettag $0x2  }
0x68: {  	s0 =	rddreg [dreg:$0x0];
	s2 =	stileid.u32  }
0x69: {  	s1 =	rddreg [dreg:$0x1];
	p0 =	sne.s32 s2, $0x0  }
0x6a: {  	s3 =	rddreg [dreg:$0x2];
	[bflag:$0x3] =	sbarrier.arrive $0xFFFF;
	s2 =	simm.s32 @!p0 $0x1C02  }
0x6b: {  	[timem:s3], [sflag:s2] =	dma.local @!p0 [hbm:s0], s1  }
0x6c: {  	s0 =	simm.s32 @!p0 $0x2  }
0x6d: {  	_ =	swait.ge @!p0 [sflag:s0], s1  }
0x6e: {  	s1 =	ssub.s32 @!p0 $0x0, s1;
	[sflag:s0] =	ssyncset.done @!p0 $0x0  }
0x6f: {  	[sflag:s0] =	ssyncadd.s32 @!p0 s1  }
0x70: {  	[bflag:$0x3] =	sbarrier.arrive $0xFFFF  }
0x71: {  	_ =	shalt  }

// kernel: sg_prop.17.cloned.1.call-start
scs
__scs_entry_jumppad:
0x0: {  	(pc) =	sbr.rel $0x88, $3  }
0x1: {  	(tag) =	ssettag $0x0;
	lr =	simm.s32 $0x1  }
0x2: {  	[smem:$0x3F93] =	sst lr;
	_ =	strace $0xD0000000  }
0x3: {  	_ = 	snop  }
0x4: {  	_ = 	snop  }
0x5: {  	_ = 	snop  }
0x6: {  	_ = 	snop  }
0x7: {  	_ = 	snop  }
__scs_overlays_trampoline_lowered:
0x8: {  	[smem:$0x3FA2] =	sst s0  }
0x9: {  	[smem:$0x3FA3] =	sst s1  }
0xa: {  	[smem:$0x3FA4] =	sst s2  }
0xb: {  	[smem:$0x3FA5] =	sst s3  }
0xc: {  	[smem:$0x3FA6] =	sst s4  }
0xd: {  	[smem:$0x3FA7] =	sst s5  }
0xe: {  	[smem:$0x3FA8] =	sst s6  }
0xf: {  	[smem:$0x3FA9] =	sst s7  }
0x10: {  	[smem:$0x3FAA] =	sst s8  }
0x11: {  	[smem:$0x3FAB] =	sst s9;
	s0 =	simm.s32 @!p0 $0x0  }
0x12: {  	s1 =	sld [smem:$0x3F91];
	s0 =	simm.s32 @p0 $0x1  }
0x13: {  	[smem:$0x3FAC] =	sst s0;
	s0 =	simm.s32 @!p1 $0x0  }
0x14: {  	s2 =	sld [smem:$0x3F90];
	s0 =	simm.s32 @p1 $0x1  }
0x15: {  	[smem:$0x3FAD] =	sst s0;
	s0 =	simm.s32 @!p2 $0x0  }
0x16: {  	s3 =	sld [smem:$0x3FDB];
	s0 =	simm.s32 @p2 $0x1  }
0x17: {  	s4 =	simm.s32 $0x1BF5;
	[smem:$0x3FAF] =	sst s0  }
0x18: {  	s0 =	sld [smem:$0x3F92];
	_ =	swait.ge [sflag:s4], $0x0  }
0x19: {  	s7 =	sld [smem:$0x3F93]  }
0x1a: {  	s8 =	sadd.s32 $0xFFFFE003, lr  }
0x1b: {  	s9 =	sadd.s32 $0xFFFFFEF7, lr;
	s5 =	simm.s32 $0xFFFFFFFF;
	p2 =	slt.u32 s8, $0xFFFFF086  }
0x1c: {  	p1 =	slt.u32 s9, $0xF7A;
	s5 =	simm.s32 @!p2 $0x0  }
0x1d: {  	s5 =	simm.s32 @p1 $0x1;
	p0 =	seq.s32 s7, s2  }
0x1e: {  	s7 =	smul.u32 @!p0 $0xF7A, s2;
	p2 =	seq.s32 @!p0 s5, $0x0  }
0x1f: {  	s9 =	smul.u32 $0xF7A, s1;
	s8 =	simm.s32 @!p0 $0x1BF5;
	p2 =	por !p2, p0  }
0x20: {  	[sflag:s8] =	ssyncset.s32 @!p0 $0xFFFFF086;
	s6 =	sadd.s32 @!p0 s3, s7;
	s7 =	simm.s32 @!p0 $0x108  }
0x21: {  	s3 =	sadd.s32 s3, s9;
	s6 =	sadd.s32 @!p0 $0x88, s6;
	s7 =	simm.s32 @p2 $0x1082  }
0x22: {  	[simem:s7], [sflag:s8] =	dma.local @!p0 [hbm:s6], $0xF7A  }
0x23: {  	s9 =	sor.u32 $0xD0000000, s2;
	s6 =	simm.s32 $0x108;
	_ =	swait.ge @!p0 [sflag:s8], $0x0  }
0x24: {  	s3 =	sadd.s32 $0x88, s3;
	s6 =	simm.s32 @!p1 $0x1082;
	[sflag:s4] =	ssyncset.s32 $0xFFFFF086  }
0x25: {  	[simem:s6], [sflag:s4] =	dma.local [hbm:s3], $0xF7A  }
0x26: {  	[smem:$0x3F93] =	sst s1;
	(tag) =	ssettag s2;
	_ =	strace s9  }
0x27: {  	s1 =	sld [smem:$0x3FA3]  }
0x28: {  	s2 =	sld [smem:$0x3FA4]  }
0x29: {  	s4 =	sld [smem:$0x3FA6]  }
0x2a: {  	p0 =	seq.s32 s5, $0x0;
	s5 =	sld [smem:$0x3FA7]  }
0x2b: {  	s6 =	sld [smem:$0x3FA8]  }
0x2c: {  	s7 =	sld [smem:$0x3FA9]  }
0x2d: {  	s3 =	simm.s32 $0x108;
	s8 =	sld [smem:$0x3FAA]  }
0x2e: {  	s3 =	simm.s32 @!p0 $0x1082;
	s9 =	sld [smem:$0x3FAB]  }
0x2f: {  	lr =	sadd.s32 s0, s3;
	s0 =	sld [smem:$0x3FA2]  }
0x30: {  	s3 =	sld [smem:$0x3FA5]  }
0x31: {  	[smem:$0x3FAE] =	sst s10  }
0x32: {  	s10 =	sld [smem:$0x3FAC];
	_ =	sdelay $0x3  }
0x33: {  	p0 =	seq.s32 s10, $0x1;
	s10 =	sld [smem:$0x3FAE];
	_ =	sdelay $0x3  }
0x34: {  	[smem:$0x3FAE] =	sst s10  }
0x35: {  	s10 =	sld [smem:$0x3FAD];
	_ =	sdelay $0x3  }
0x36: {  	p1 =	seq.s32 s10, $0x1;
	s10 =	sld [smem:$0x3FAE];
	_ =	sdelay $0x3  }
0x37: {  	[smem:$0x3FAE] =	sst s10  }
0x38: {  	s10 =	sld [smem:$0x3FAF]  }
0x39: {  	_ = 	snop;
	(pc) =	sbr.ind lr, $3  }
0x3a: {  	_ = 	snop  }
0x3b: {  	_ = 	snop  }
0x3c: {  	p2 =	seq.s32 s10, $0x1;
	s10 =	sld [smem:$0x3FAE]  }
0x3d: {  	_ =	shalt  }
0x3e: {  	_ =	shalt  }
0x3f: {  	_ =	shalt  }
0x40: {  	_ =	shalt  }
0x41: {  	_ =	shalt  }
0x42: {  	_ =	shalt  }
0x43: {  	_ =	shalt  }
0x44: {  	_ =	shalt  }
0x45: {  	_ =	shalt  }
0x46: {  	_ =	shalt  }
0x47: {  	_ =	shalt  }
0x48: {  	_ =	shalt  }
0x49: {  	_ =	shalt  }
0x4a: {  	_ =	shalt  }
0x4b: {  	_ =	shalt  }
0x4c: {  	_ =	shalt  }
0x4d: {  	_ =	shalt  }
0x4e: {  	_ =	shalt  }
0x4f: {  	_ =	shalt  }
0x50: {  	_ =	shalt  }
0x51: {  	_ =	shalt  }
0x52: {  	_ =	shalt  }
0x53: {  	_ =	shalt  }
0x54: {  	_ =	shalt  }
0x55: {  	_ =	shalt  }
0x56: {  	_ =	shalt  }
0x57: {  	_ =	shalt  }
0x58: {  	_ =	shalt  }
0x59: {  	_ =	shalt  }
0x5a: {  	_ =	shalt  }
0x5b: {  	_ =	shalt  }
0x5c: {  	_ =	shalt  }
0x5d: {  	_ =	shalt  }
0x5e: {  	_ =	shalt  }
0x5f: {  	_ =	shalt  }
0x60: {  	_ =	shalt  }
0x61: {  	_ =	shalt  }
0x62: {  	_ =	shalt  }
0x63: {  	_ =	shalt  }
0x64: {  	_ =	shalt  }
0x65: {  	_ =	shalt  }
0x66: {  	_ =	shalt  }
0x67: {  	_ =	shalt  }
0x68: {  	_ =	shalt  }
0x69: {  	_ =	shalt  }
0x6a: {  	_ =	shalt  }
0x6b: {  	_ =	shalt  }
0x6c: {  	_ =	shalt  }
0x6d: {  	_ =	shalt  }
0x6e: {  	_ =	shalt  }
0x6f: {  	_ =	shalt  }
0x70: {  	_ =	shalt  }
0x71: {  	_ =	shalt  }
0x72: {  	_ =	shalt  }
0x73: {  	_ =	shalt  }
0x74: {  	_ =	shalt  }
0x75: {  	_ =	shalt  }
0x76: {  	_ =	shalt  }
0x77: {  	_ =	shalt  }
0x78: {  	_ =	shalt  }
0x79: {  	_ =	shalt  }
0x7a: {  	_ =	shalt  }
0x7b: {  	_ =	shalt  }
0x7c: {  	_ =	shalt  }
0x7d: {  	_ =	shalt  }
0x7e: {  	_ =	shalt  }
0x7f: {  	_ =	shalt  }
0x80: {  	_ =	shalt  }
0x81: {  	_ =	shalt  }
0x82: {  	_ =	shalt  }
0x83: {  	_ =	shalt  }
0x84: {  	_ =	shalt  }
0x85: {  	_ =	shalt  }
0x86: {  	_ =	shalt  }
0x87: {  	_ =	shalt  }
.Lfunc_end0:
.L_simem_size_0:
called_computation.4_lowered:
.L_overlay_start_0:
0x88: {  	s2 =	sld [smem:$0x3FD9]  }
0x89: {  	s3 =	sld [smem:$0x3FFE];
	_ =	sdelay $0x1  }
0x8a: {  	s1 =	srdreg.scid  }
0x8b: {  	s0 =	sand.u32 $0x1, s1  }
0x8c: {  	s16 =	sshll.u32 s0, $0xA;
	s2 =	sadd.s32 s3, s2  }
0x8d: {  	s2 =	sadd.s32 s2, s16  }
0x8e: {  	[smem:$0x3FBA] =	sst s2  }
0x8f: {  	_ = 	snop  }
0x90: {  	(tm) =	ssettm $0x1  }
0x91: {  	s17 =	sld [smem:$0x3FFB];
	_ =	sdelay $0x3  }
0x92: {  	_ =	strace s17  }
0x93: {  	s2 =	sld [smem:$0x3FFC];
	_ =	sdelay $0x3  }
0x94: {  	_ =	strace s2  }
0x95: {  	s2 =	sld [smem:$0x3FFD];
	_ =	sdelay $0x3  }
0x96: {  	_ =	strace s2  }
0x97: {  	_ =	strace $0x8FFFFFFF  }
0x98: {  	s18 =	sld [smem:$0x3FDB];
	_ =	sdelay $0x1  }
0x99: {  	s19 =	simm.s32 $_scs_section_size  }
0x9a: {  	s4 =	simm.s32 $_size__tile_overlayer_lowered;
	s5 =	simm.s32 $_tile_overlayer_lowered  }
0x9b: {  	s22 =	simm.s32 $0x1BFF;
	s21 =	sshll.u32 s5, $0x1;
	s2 =	sadd.s32 s19, s18  }
0x9c: {  	s6 =	simm.s32 $0x0;
	s20 =	sshll.u32 s4, $0x1;
	s4 =	sadd.s32 s21, s2  }
0x9d: {  	[timem:s6], [sflag:s22] =	dma.local [hbm:s4], s20  }
0x9e: {  	_ =	swait.ge [sflag:s22], s20  }
0x9f: {  	s3 =	ssub.s32 $0x0, s20;
	[sflag:s22] =	ssyncset.done $0x0  }
0xa0: {  	[sflag:s22] =	ssyncadd.s32 s3;
	_ =	sdelay $0x1  }
0xa1: {  	s23 =	simm.s32 $0x1B8B  }
0xa2: {  	_ =	swait.ge [sflag:s23], $0x1  }
0xa3: {  	[sflag:s23] =	ssyncset.done $0x0  }
0xa4: {  	s25 =	simm.s32 $0x1B8E;
	s24 =	sld [smem:$0x3FFE];
	[sflag:s23] =	ssyncadd.s32 $0xFFFFFFFF  }
0xa5: {  	s26 =	simm.s32 $execute0_lowered;
	[smem:$0x3FD2] =	sst s25  }
0xa6: {  	s4 =	sshll.u32 s26, $0x1;
	_ =	strace $0x80000052;
	[dreg:$0x1] =	wrdreg $0xFFFFFFFF  }
0xa7: {  	s28 =	simm.s32 $_size_execute0_lowered;
	s2 =	sadd.s32 s2, s4;
	[dreg:$0x0] =	wrdreg $0x0  }
0xa8: {  	s4 =	sshll.u32 s28, $0x1;
	[dreg:$0x2] =	wrdreg s2  }
0xa9: {  	[dreg:$0x3] =	wrdreg s4  }
0xaa: {  	[dreg:$0x4] =	wrdreg $0xC0  }
0xab: {  	_ =	task [dreg:s6], $0x5FFFF  }
0xac: {  	[dreg:$0x1] =	wrdreg $0xFFFFFFFF  }
0xad: {  	[dreg:$0x0] =	wrdreg $0x60  }
0xae: {  	[dreg:$0x2] =	wrdreg s24  }
0xaf: {  	[dreg:$0x3] =	wrdreg $0x98000  }
0xb0: {  	[dreg:$0x4] =	wrdreg $0x9  }
0xb1: {  	_ =	task.clear_ibuf [dreg:s6], $0x5FFFF;
	_ =	strace $0x90000052  }
0xb2: {  	s29 =	simm.s32 $0x9;
	_ =	strace $0x80000054  }
0xb3: {  	_ =	swait.ge [sflag:s29], $0x1  }
0xb4: {  	[sflag:s29] =	ssyncadd.s32 $0xFFFFFFFF  }
0xb5: {  	_ =	strace $0x90000054  }
0xb6: {  	_ =	sfence  }
0xb7: {  	s30 =	sld [smem:$0x0];
	_ =	sdelay $0x2  }
0xb8: {  	s31 =	sshll.u32 s1, $0xD;
	s1 =	sshrl.u32 s1, $0x2  }
0xb9: {  	s3 =	sand.u32 $0x4000, s31;
	s1 =	sadd.s32 s1, s30  }
0xba: {  	s0 =	sor.u32 s3, s0;
	s1 =	sshll.u32 s1, $0x11  }
0xbb: {  	s0 =	sor.u32 s1, s0  }
0xbc: {  	s0 =	sadd.s32 $0x8F2B, s0  }
0xbd: {  	[sflag:s0] =	ssyncadd.remote.s32 $0x1  }
0xbe: {  	_ =	sfence.sel $0xFFFF  }
0xbf: {  	[dreg:$0x0] =	wrdreg $0xFFFFFFFF;
	(pc) =	sbr.abs _section_cstart, $3  }
0xc0: {  	[dreg:$0x1] =	wrdreg $0xFFFFFFFF  }
0xc1: {  	_ =	task.clear_ibuf [dreg:s6], $0x2FFFF;
	_ =	strace $0x9FFFFFFF  }
0xc2: {  	(tm) =	ssettm $0x7FFFFFFF  }
0xc3: {  	_ =	shalt  }
tec
execute0_lowered:
.L_overlay_start_1:
0x0: {  	(tag) =	ssettag $0x1  }
0x1: {  	s0 =	srdreg.scid;
	s1 =	rddreg [dreg:$0x0]  }
0x2: {  	s2 =	rddreg [dreg:$0x1];
	s3 =	stileid.u32;
	s5 =	simm.s32 $0x0  }
0x3: {  	s20 =	simm.s32 $0x2;
	s22 =	simm.s32 $0x80;
	s23 =	simm.s32 $0x5800  }
0x4: {  	s24 =	simm.s32 $0x1;
	s25 =	simm.s32 $0x0;
	s0 =	sand.u32 $0x1, s0  }
0x5: {  	[smem:$0x7FF] =	sst s5;
	s7 =	smul.u32 $0x50000, s3;
	s5 =	sadd.s32 $0x37C00, s1  }
0x6: {  	s14 =	smul.u32 $0x14000, s3;
	s31 =	sshll.u32 s3, $0x6;
	s4 =	sshll.u32 s0, $0x4  }
0x7: {  	_ =	strace $0x80000053;
	s6 =	ssub.s32 $0x2, s0;
	s0 =	smul.u32 $0x140000, s0  }
0x8: {  	s4 =	sor.u32 s3, s4;
	s8 =	sshrl.u32 s6, $0x1;
	s30 =	sshrl.u32 s7, $0x2  }
0x9: {  	s15 =	sadd.s32 $0x4000, s14;
	s7 =	sor.u32 $0x1C02, s31;
	s16 =	sadd.s32 $0x8000, s14  }
0xa: {  	s17 =	sadd.s32 $0xC000, s14;
	s18 =	sadd.s32 $0x10000, s14;
	s29 =	smul.u32 $0x580, s4  }
0xb: {  	s4 =	sadd.s32 $0xFC00, s1;
	s19 =	ssub.s32 s6, s8;
	s6 =	sadd.s32 s30, s2  }
0xc: {  	s8 =	sadd.s32 s15, s2;
	s9 =	sadd.s32 s16, s2;
	s10 =	sadd.s32 s17, s2  }
0xd: {  	s11 =	sadd.s32 s18, s2;
	s14 =	sadd.s32 s14, s0;
	s15 =	sadd.s32 s0, s15  }
0xe: {  	s16 =	sadd.s32 s0, s16;
	s17 =	sadd.s32 s0, s17;
	s0 =	sadd.s32 s0, s18  }
0xf: {  	s14 =	sshrl.u32 s14, $0x3;
	s15 =	sshrl.u32 s15, $0x3;
	s16 =	sshrl.u32 s16, $0x3  }
0x10: {  	s17 =	sshrl.u32 s17, $0x3;
	s0 =	sshrl.u32 s0, $0x3;
	s13 =	sadd.s32 s29, s1  }
0x11: {  	s19 =	smax.u32 s19, $0x1;
	s1 =	sadd.s32 $0x6BC00, s1;
	s12 =	sadd.s32 $0x60C00, s13  }
0x12: {  	s13 =	sadd.s32 $0x4C00, s13;
	s14 =	sadd.s32 s1, s14;
	s15 =	sadd.s32 s1, s15  }
0x13: {  	s16 =	sadd.s32 s1, s16;
	s17 =	sadd.s32 s1, s17;
	s18 =	sadd.s32 s1, s0  }
.LBB2_1:
0x14: {  	s26 =	sshrl.u32 s6, $0x3  }
0x15: {  	[spmem:s26], [sflag:s7] =	dma.local [hbm:s5], $0x800  }
0x16: {  	_ =	swait.ge [sflag:s20], $0x800  }
0x17: {  	[sflag:s20] =	ssyncset.done $0x0  }
0x18: {  	s28 =	sshrl.u32 s8, $0x3;
	[sflag:s20] =	ssyncadd.s32 $0xFFFFF800  }
0x19: {  	[spmem:s28], [sflag:s7] =	dma.local [hbm:s5], $0x800  }
0x1a: {  	_ =	swait.ge [sflag:s20], $0x800  }
0x1b: {  	[sflag:s20] =	ssyncset.done $0x0  }
0x1c: {  	s29 =	sshrl.u32 s9, $0x3;
	[sflag:s20] =	ssyncadd.s32 $0xFFFFF800  }
0x1d: {  	[spmem:s29], [sflag:s7] =	dma.local [hbm:s5], $0x800  }
0x1e: {  	_ =	swait.ge [sflag:s20], $0x800  }
0x1f: {  	[sflag:s20] =	ssyncset.done $0x0  }
0x20: {  	s30 =	sshrl.u32 s10, $0x3;
	[sflag:s20] =	ssyncadd.s32 $0xFFFFF800  }
0x21: {  	[spmem:s30], [sflag:s7] =	dma.local [hbm:s5], $0x800  }
0x22: {  	_ =	swait.ge [sflag:s20], $0x800  }
0x23: {  	[sflag:s20] =	ssyncset.done $0x0  }
0x24: {  	s31 =	sshrl.u32 s11, $0x3;
	[sflag:s20] =	ssyncadd.s32 $0xFFFFF800  }
0x25: {  	[spmem:s31], [sflag:s7] =	dma.local [hbm:s5], $0x800  }
0x26: {  	_ =	swait.ge [sflag:s20], $0x800  }
0x27: {  	[sflag:s20] =	ssyncset.done $0x0  }
0x28: {  	s0 =	simm.s32 $0x0;
	[sflag:s20] =	ssyncadd.s32 $0xFFFFF800  }
0x29: {  	[tilespmem:s0], [sflag:$0x2] =	stream.linear.gather [hbm4b:s12+s0], $0x2900, $0x38;
	[tilespmem:$0x1D800] =	vst v63  }
0x2a: {  	_ =	swait.ge [sflag:s20], $0x2900  }
0x2b: {  	[sflag:s20] =	ssyncset.done $0x0  }
0x2c: {  	s1 =	simm.s32 $0x2C00;
	[sflag:s20] =	ssyncadd.s32 $0xFFFFD700  }
0x2d: {  	[tilespmem:s1], [sflag:$0x2] =	stream.linear.gather [hbm4b:s13+s0], $0x2900, $0x38;
	[tilespmem:$0x1D800] =	vst v63  }
0x2e: {  	_ =	swait.ge [sflag:s20], $0x2900  }
0x2f: {  	[sflag:s20] =	ssyncset.done $0x0  }
0x30: {  	[sflag:s20] =	ssyncadd.s32 $0xFFFFD700  }
0x31: {  	s3 =	simm.s32 $0x0;
	[bflag:$0x0] =	sbarrier.arrive $0xFFFF  }
0x32: {  	[tilespmem:s23], [sflag:$0x1] =	stream.indirect.gather [hbm4b:s4+s22], $0x80, s3, s22, $0xb8;
	[tilespmem:$0x1D800] =	vst v63  }
0x33: {  	_ =	swait.ge [sflag:s24], $0x4000  }
0x34: {  	[sflag:s24] =	ssyncset.done $0x0  }
0x35: {  	s21 =	simm.s32 $0x2C00;
	[sflag:s24] =	ssyncadd.s32 $0xFFFFC000  }
0x36: {  	[spmem:s2] =	stream.indirect.scatter.add.f32 [tilespmem:s23], [sflag:$0x2], $0x80, s21, s22, $0xb8;
	[tilespmem:$0x1D800] =	vst v63  }
0x37: {  	_ =	swait.ge [sflag:s20], $0x4000  }
0x38: {  	s0 =	simm.s32 $0x200;
	s1 =	simm.s32 $0x400;
	[sflag:s20] =	ssyncset.done $0x0  }
.LBB2_2:
0x39: {  	s21 =	sshra.s32 s0, $0x2  }
0x3a: {  	[sflag:s20] =	ssyncadd.s32 $0xFFFFC000;
	s0 =	smov.u32 s1;
	s3 =	sadd.s32 $0x200, s1  }
0x3b: {  	[tilespmem:s23], [sflag:$0x1] =	stream.indirect.gather [hbm4b:s4+s22], $0x80, s21, s22, $0xb8;
	[tilespmem:$0x1D800] =	vst v63  }
0x3c: {  	p0 =	sne.s32 s1, $0xA200;
	_ =	swait.ge [sflag:s24], $0x4000  }
.Ltmp0:
0x3d: {  	[sflag:s24] =	ssyncset.done $0x0;
	(pc) =	sbr.rel @p0 .LBB2_2-.Ltmp0, $4  }
0x3e: {  	s1 =	sadd.s32 $0x2C00, s21;
	[sflag:s24] =	ssyncadd.s32 $0xFFFFC000  }
0x3f: {  	[spmem:s2] =	stream.indirect.scatter.add.f32 [tilespmem:s23], [sflag:$0x2], $0x80, s1, s22, $0xb8;
	[tilespmem:$0x1D800] =	vst v63  }
0x40: {  	_ =	swait.ge [sflag:s20], $0x4000  }
0x41: {  	s1 =	smov.u32 s3;
	[sflag:s20] =	ssyncset.done $0x0  }
0x42: {  	s0 =	sshra.s32 s0, $0x2;
	[sflag:s20] =	ssyncadd.s32 $0xFFFFC000  }
0x43: {  	[tilespmem:s23], [sflag:$0x1] =	stream.indirect.gather [hbm4b:s4+s22], $0x80, s0, s22, $0xb8;
	[tilespmem:$0x1D800] =	vst v63  }
0x44: {  	_ =	swait.ge [sflag:s24], $0x4000  }
0x45: {  	[sflag:s24] =	ssyncset.done $0x0  }
0x46: {  	s0 =	sadd.s32 $0x2C00, s0;
	[sflag:s24] =	ssyncadd.s32 $0xFFFFC000  }
0x47: {  	[spmem:s2] =	stream.indirect.scatter.add.f32 [tilespmem:s23], [sflag:$0x2], $0x80, s0, s22, $0xb8;
	[tilespmem:$0x1D800] =	vst v63  }
0x48: {  	_ =	swait.ge [sflag:s20], $0x4000  }
0x49: {  	[sflag:s20] =	ssyncset.done $0x0  }
0x4a: {  	[sflag:s20] =	ssyncadd.s32 $0xFFFFC000  }
0x4b: {  	[bflag:$0x0] =	sbarrier.arrive $0xFFFF  }
0x4c: {  	[hbm:s14], [sflag:s7] =	dma.local [spmem:s26], $0x800  }
0x4d: {  	_ =	swait.ge [sflag:s20], $0x800  }
0x4e: {  	[sflag:s20] =	ssyncset.done $0x0  }
0x4f: {  	[sflag:s20] =	ssyncadd.s32 $0xFFFFF800  }
0x50: {  	[hbm:s15], [sflag:s7] =	dma.local [spmem:s28], $0x800  }
0x51: {  	_ =	swait.ge [sflag:s20], $0x800  }
0x52: {  	[sflag:s20] =	ssyncset.done $0x0  }
0x53: {  	[sflag:s20] =	ssyncadd.s32 $0xFFFFF800  }
0x54: {  	[hbm:s16], [sflag:s7] =	dma.local [spmem:s29], $0x800  }
0x55: {  	_ =	swait.ge [sflag:s20], $0x800  }
0x56: {  	[sflag:s20] =	ssyncset.done $0x0  }
0x57: {  	[sflag:s20] =	ssyncadd.s32 $0xFFFFF800  }
0x58: {  	[hbm:s17], [sflag:s7] =	dma.local [spmem:s30], $0x800  }
0x59: {  	s25 =	sadd.s32 $0x1, s25;
	_ =	swait.ge [sflag:s20], $0x800  }
0x5a: {  	p0 =	sne.s32 s25, s19;
	[sflag:s20] =	ssyncset.done $0x0  }
.Ltmp1:
0x5b: {  	[sflag:s20] =	ssyncadd.s32 $0xFFFFF800;
	(pc) =	sbr.rel @p0 .LBB2_1-.Ltmp1, $4  }
0x5c: {  	[hbm:s18], [sflag:s7] =	dma.local [spmem:s31], $0x800  }
0x5d: {  	_ =	swait.ge [sflag:s20], $0x800  }
0x5e: {  	[sflag:s20] =	ssyncset.done $0x0  }
0x5f: {  	[sflag:s20] =	ssyncadd.s32 $0xFFFFF800  }
0x60: {  	_ =	sfence.sel $0x180000  }
0x61: {  	[bflag:$0x0] =	sbarrier.arrive $0xFFFF  }
0x62: {  	_ =	strace $0x90000053  }
0x63: {  	s0 =	stileid.u32;
	[bflag:$0x2] =	sbarrier.arrive $0xFFFF  }
0x64: {  	p0 =	sne.s32 s0, $0x0;
	s0 =	rddreg [dreg:$0x2]  }
0x65: {  	s0 =	sadd.s32 @!p0 $0x100000, s0  }
0x66: {  	[sflag:s0] =	ssyncadd.tile.s32 @!p0 $0x1;
	_ =	shalt  }
.Lfunc_end2:
_tile_overlayer_lowered:
.L_overlay_start_2:
0x67: {  	(tag) =	ssettag $0x2  }
0x68: {  	s0 =	rddreg [dreg:$0x0];
	s2 =	stileid.u32  }
0x69: {  	s1 =	rddreg [dreg:$0x1];
	p0 =	sne.s32 s2, $0x0  }
0x6a: {  	s3 =	rddreg [dreg:$0x2];
	[bflag:$0x3] =	sbarrier.arrive $0xFFFF;
	s2 =	simm.s32 @!p0 $0x1C02  }
0x6b: {  	[timem:s3], [sflag:s2] =	dma.local @!p0 [hbm:s0], s1  }
0x6c: {  	s0 =	simm.s32 @!p0 $0x2  }
0x6d: {  	_ =	swait.ge @!p0 [sflag:s0], s1  }
0x6e: {  	s1 =	ssub.s32 @!p0 $0x0, s1;
	[sflag:s0] =	ssyncset.done @!p0 $0x0  }
0x6f: {  	[sflag:s0] =	ssyncadd.s32 @!p0 s1  }
0x70: {  	[bflag:$0x3] =	sbarrier.arrive $0xFFFF  }
0x71: {  	_ =	shalt  }

// kernel: sg_prop.20.cloned.1.call-start
scs
__scs_entry_jumppad:
0x0: {  	(pc) =	sbr.rel $0x88, $3  }
0x1: {  	(tag) =	ssettag $0x0;
	lr =	simm.s32 $0x1  }
0x2: {  	[smem:$0x3F93] =	sst lr;
	_ =	strace $0xD0000000  }
0x3: {  	_ = 	snop  }
0x4: {  	_ = 	snop  }
0x5: {  	_ = 	snop  }
0x6: {  	_ = 	snop  }
0x7: {  	_ = 	snop  }
__scs_overlays_trampoline_lowered:
0x8: {  	[smem:$0x3FA2] =	sst s0  }
0x9: {  	[smem:$0x3FA3] =	sst s1  }
0xa: {  	[smem:$0x3FA4] =	sst s2  }
0xb: {  	[smem:$0x3FA5] =	sst s3  }
0xc: {  	[smem:$0x3FA6] =	sst s4  }
0xd: {  	[smem:$0x3FA7] =	sst s5  }
0xe: {  	[smem:$0x3FA8] =	sst s6  }
0xf: {  	[smem:$0x3FA9] =	sst s7  }
0x10: {  	[smem:$0x3FAA] =	sst s8  }
0x11: {  	[smem:$0x3FAB] =	sst s9;
	s0 =	simm.s32 @!p0 $0x0  }
0x12: {  	s1 =	sld [smem:$0x3F91];
	s0 =	simm.s32 @p0 $0x1  }
0x13: {  	[smem:$0x3FAC] =	sst s0;
	s0 =	simm.s32 @!p1 $0x0  }
0x14: {  	s2 =	sld [smem:$0x3F90];
	s0 =	simm.s32 @p1 $0x1  }
0x15: {  	[smem:$0x3FAD] =	sst s0;
	s0 =	simm.s32 @!p2 $0x0  }
0x16: {  	s3 =	sld [smem:$0x3FDB];
	s0 =	simm.s32 @p2 $0x1  }
0x17: {  	s4 =	simm.s32 $0x1BF5;
	[smem:$0x3FAF] =	sst s0  }
0x18: {  	s0 =	sld [smem:$0x3F92];
	_ =	swait.ge [sflag:s4], $0x0  }
0x19: {  	s7 =	sld [smem:$0x3F93]  }
0x1a: {  	s8 =	sadd.s32 $0xFFFFE003, lr  }
0x1b: {  	s9 =	sadd.s32 $0xFFFFFEF7, lr;
	s5 =	simm.s32 $0xFFFFFFFF;
	p2 =	slt.u32 s8, $0xFFFFF086  }
0x1c: {  	p1 =	slt.u32 s9, $0xF7A;
	s5 =	simm.s32 @!p2 $0x0  }
0x1d: {  	s5 =	simm.s32 @p1 $0x1;
	p0 =	seq.s32 s7, s2  }
0x1e: {  	s7 =	smul.u32 @!p0 $0xF7A, s2;
	p2 =	seq.s32 @!p0 s5, $0x0  }
0x1f: {  	s9 =	smul.u32 $0xF7A, s1;
	s8 =	simm.s32 @!p0 $0x1BF5;
	p2 =	por !p2, p0  }
0x20: {  	[sflag:s8] =	ssyncset.s32 @!p0 $0xFFFFF086;
	s6 =	sadd.s32 @!p0 s3, s7;
	s7 =	simm.s32 @!p0 $0x108  }
0x21: {  	s3 =	sadd.s32 s3, s9;
	s6 =	sadd.s32 @!p0 $0x88, s6;
	s7 =	simm.s32 @p2 $0x1082  }
0x22: {  	[simem:s7], [sflag:s8] =	dma.local @!p0 [hbm:s6], $0xF7A  }
0x23: {  	s9 =	sor.u32 $0xD0000000, s2;
	s6 =	simm.s32 $0x108;
	_ =	swait.ge @!p0 [sflag:s8], $0x0  }
0x24: {  	s3 =	sadd.s32 $0x88, s3;
	s6 =	simm.s32 @!p1 $0x1082;
	[sflag:s4] =	ssyncset.s32 $0xFFFFF086  }
0x25: {  	[simem:s6], [sflag:s4] =	dma.local [hbm:s3], $0xF7A  }
0x26: {  	[smem:$0x3F93] =	sst s1;
	(tag) =	ssettag s2;
	_ =	strace s9  }
0x27: {  	s1 =	sld [smem:$0x3FA3]  }
0x28: {  	s2 =	sld [smem:$0x3FA4]  }
0x29: {  	s4 =	sld [smem:$0x3FA6]  }
0x2a: {  	p0 =	seq.s32 s5, $0x0;
	s5 =	sld [smem:$0x3FA7]  }
0x2b: {  	s6 =	sld [smem:$0x3FA8]  }
0x2c: {  	s7 =	sld [smem:$0x3FA9]  }
0x2d: {  	s3 =	simm.s32 $0x108;
	s8 =	sld [smem:$0x3FAA]  }
0x2e: {  	s3 =	simm.s32 @!p0 $0x1082;
	s9 =	sld [smem:$0x3FAB]  }
0x2f: {  	lr =	sadd.s32 s0, s3;
	s0 =	sld [smem:$0x3FA2]  }
0x30: {  	s3 =	sld [smem:$0x3FA5]  }
0x31: {  	[smem:$0x3FAE] =	sst s10  }
0x32: {  	s10 =	sld [smem:$0x3FAC];
	_ =	sdelay $0x3  }
0x33: {  	p0 =	seq.s32 s10, $0x1;
	s10 =	sld [smem:$0x3FAE];
	_ =	sdelay $0x3  }
0x34: {  	[smem:$0x3FAE] =	sst s10  }
0x35: {  	s10 =	sld [smem:$0x3FAD];
	_ =	sdelay $0x3  }
0x36: {  	p1 =	seq.s32 s10, $0x1;
	s10 =	sld [smem:$0x3FAE];
	_ =	sdelay $0x3  }
0x37: {  	[smem:$0x3FAE] =	sst s10  }
0x38: {  	s10 =	sld [smem:$0x3FAF]  }
0x39: {  	_ = 	snop;
	(pc) =	sbr.ind lr, $3  }
0x3a: {  	_ = 	snop  }
0x3b: {  	_ = 	snop  }
0x3c: {  	p2 =	seq.s32 s10, $0x1;
	s10 =	sld [smem:$0x3FAE]  }
0x3d: {  	_ =	shalt  }
0x3e: {  	_ =	shalt  }
0x3f: {  	_ =	shalt  }
0x40: {  	_ =	shalt  }
0x41: {  	_ =	shalt  }
0x42: {  	_ =	shalt  }
0x43: {  	_ =	shalt  }
0x44: {  	_ =	shalt  }
0x45: {  	_ =	shalt  }
0x46: {  	_ =	shalt  }
0x47: {  	_ =	shalt  }
0x48: {  	_ =	shalt  }
0x49: {  	_ =	shalt  }
0x4a: {  	_ =	shalt  }
0x4b: {  	_ =	shalt  }
0x4c: {  	_ =	shalt  }
0x4d: {  	_ =	shalt  }
0x4e: {  	_ =	shalt  }
0x4f: {  	_ =	shalt  }
0x50: {  	_ =	shalt  }
0x51: {  	_ =	shalt  }
0x52: {  	_ =	shalt  }
0x53: {  	_ =	shalt  }
0x54: {  	_ =	shalt  }
0x55: {  	_ =	shalt  }
0x56: {  	_ =	shalt  }
0x57: {  	_ =	shalt  }
0x58: {  	_ =	shalt  }
0x59: {  	_ =	shalt  }
0x5a: {  	_ =	shalt  }
0x5b: {  	_ =	shalt  }
0x5c: {  	_ =	shalt  }
0x5d: {  	_ =	shalt  }
0x5e: {  	_ =	shalt  }
0x5f: {  	_ =	shalt  }
0x60: {  	_ =	shalt  }
0x61: {  	_ =	shalt  }
0x62: {  	_ =	shalt  }
0x63: {  	_ =	shalt  }
0x64: {  	_ =	shalt  }
0x65: {  	_ =	shalt  }
0x66: {  	_ =	shalt  }
0x67: {  	_ =	shalt  }
0x68: {  	_ =	shalt  }
0x69: {  	_ =	shalt  }
0x6a: {  	_ =	shalt  }
0x6b: {  	_ =	shalt  }
0x6c: {  	_ =	shalt  }
0x6d: {  	_ =	shalt  }
0x6e: {  	_ =	shalt  }
0x6f: {  	_ =	shalt  }
0x70: {  	_ =	shalt  }
0x71: {  	_ =	shalt  }
0x72: {  	_ =	shalt  }
0x73: {  	_ =	shalt  }
0x74: {  	_ =	shalt  }
0x75: {  	_ =	shalt  }
0x76: {  	_ =	shalt  }
0x77: {  	_ =	shalt  }
0x78: {  	_ =	shalt  }
0x79: {  	_ =	shalt  }
0x7a: {  	_ =	shalt  }
0x7b: {  	_ =	shalt  }
0x7c: {  	_ =	shalt  }
0x7d: {  	_ =	shalt  }
0x7e: {  	_ =	shalt  }
0x7f: {  	_ =	shalt  }
0x80: {  	_ =	shalt  }
0x81: {  	_ =	shalt  }
0x82: {  	_ =	shalt  }
0x83: {  	_ =	shalt  }
0x84: {  	_ =	shalt  }
0x85: {  	_ =	shalt  }
0x86: {  	_ =	shalt  }
0x87: {  	_ =	shalt  }
.Lfunc_end0:
.L_simem_size_0:
called_computation.5_lowered:
.L_overlay_start_0:
0x88: {  	s2 =	sld [smem:$0x3FD9]  }
0x89: {  	s3 =	sld [smem:$0x3FFE];
	_ =	sdelay $0x1  }
0x8a: {  	s1 =	srdreg.scid  }
0x8b: {  	s0 =	sand.u32 $0x1, s1  }
0x8c: {  	s16 =	sshll.u32 s0, $0xA;
	s2 =	sadd.s32 s3, s2  }
0x8d: {  	s2 =	sadd.s32 s2, s16  }
0x8e: {  	[smem:$0x3FBA] =	sst s2  }
0x8f: {  	_ = 	snop  }
0x90: {  	(tm) =	ssettm $0x1  }
0x91: {  	s17 =	sld [smem:$0x3FFB];
	_ =	sdelay $0x3  }
0x92: {  	_ =	strace s17  }
0x93: {  	s2 =	sld [smem:$0x3FFC];
	_ =	sdelay $0x3  }
0x94: {  	_ =	strace s2  }
0x95: {  	s2 =	sld [smem:$0x3FFD];
	_ =	sdelay $0x3  }
0x96: {  	_ =	strace s2  }
0x97: {  	_ =	strace $0x8FFFFFFF  }
0x98: {  	s18 =	sld [smem:$0x3FDB];
	_ =	sdelay $0x1  }
0x99: {  	s19 =	simm.s32 $_scs_section_size  }
0x9a: {  	s4 =	simm.s32 $_size__tile_overlayer_lowered;
	s5 =	simm.s32 $_tile_overlayer_lowered  }
0x9b: {  	s22 =	simm.s32 $0x1BFF;
	s21 =	sshll.u32 s5, $0x1;
	s2 =	sadd.s32 s19, s18  }
0x9c: {  	s6 =	simm.s32 $0x0;
	s20 =	sshll.u32 s4, $0x1;
	s4 =	sadd.s32 s21, s2  }
0x9d: {  	[timem:s6], [sflag:s22] =	dma.local [hbm:s4], s20  }
0x9e: {  	_ =	swait.ge [sflag:s22], s20  }
0x9f: {  	s3 =	ssub.s32 $0x0, s20;
	[sflag:s22] =	ssyncset.done $0x0  }
0xa0: {  	[sflag:s22] =	ssyncadd.s32 s3;
	_ =	sdelay $0x1  }
0xa1: {  	s23 =	simm.s32 $0x1B8B  }
0xa2: {  	_ =	swait.ge [sflag:s23], $0x1  }
0xa3: {  	[sflag:s23] =	ssyncset.done $0x0  }
0xa4: {  	s25 =	simm.s32 $0x1B8E;
	s24 =	sld [smem:$0x3FFE];
	[sflag:s23] =	ssyncadd.s32 $0xFFFFFFFF  }
0xa5: {  	s26 =	simm.s32 $execute0_lowered;
	[smem:$0x3FD2] =	sst s25  }
0xa6: {  	s4 =	sshll.u32 s26, $0x1;
	_ =	strace $0x80000055;
	[dreg:$0x1] =	wrdreg $0xFFFFFFFF  }
0xa7: {  	s28 =	simm.s32 $_size_execute0_lowered;
	s2 =	sadd.s32 s2, s4;
	[dreg:$0x0] =	wrdreg $0x0  }
0xa8: {  	s4 =	sshll.u32 s28, $0x1;
	[dreg:$0x2] =	wrdreg s2  }
0xa9: {  	[dreg:$0x3] =	wrdreg s4  }
0xaa: {  	[dreg:$0x4] =	wrdreg $0xC0  }
0xab: {  	_ =	task [dreg:s6], $0x5FFFF  }
0xac: {  	[dreg:$0x1] =	wrdreg $0xFFFFFFFF  }
0xad: {  	[dreg:$0x0] =	wrdreg $0x60  }
0xae: {  	[dreg:$0x2] =	wrdreg s24  }
0xaf: {  	[dreg:$0x3] =	wrdreg $0x98000  }
0xb0: {  	[dreg:$0x4] =	wrdreg $0x9  }
0xb1: {  	_ =	task.clear_ibuf [dreg:s6], $0x5FFFF;
	_ =	strace $0x90000055  }
0xb2: {  	s29 =	simm.s32 $0x9;
	_ =	strace $0x80000057  }
0xb3: {  	_ =	swait.ge [sflag:s29], $0x1  }
0xb4: {  	[sflag:s29] =	ssyncadd.s32 $0xFFFFFFFF  }
0xb5: {  	_ =	strace $0x90000057  }
0xb6: {  	_ =	sfence  }
0xb7: {  	s30 =	sld [smem:$0x0];
	_ =	sdelay $0x2  }
0xb8: {  	s31 =	sshll.u32 s1, $0xD;
	s1 =	sshrl.u32 s1, $0x2  }
0xb9: {  	s3 =	sand.u32 $0x4000, s31;
	s1 =	sadd.s32 s1, s30  }
0xba: {  	s0 =	sor.u32 s3, s0;
	s1 =	sshll.u32 s1, $0x11  }
0xbb: {  	s0 =	sor.u32 s1, s0  }
0xbc: {  	s0 =	sadd.s32 $0x8F2B, s0  }
0xbd: {  	[sflag:s0] =	ssyncadd.remote.s32 $0x1  }
0xbe: {  	_ =	sfence.sel $0xFFFF  }
0xbf: {  	[dreg:$0x0] =	wrdreg $0xFFFFFFFF;
	(pc) =	sbr.abs _section_cstart, $3  }
0xc0: {  	[dreg:$0x1] =	wrdreg $0xFFFFFFFF  }
0xc1: {  	_ =	task.clear_ibuf [dreg:s6], $0x2FFFF;
	_ =	strace $0x9FFFFFFF  }
0xc2: {  	(tm) =	ssettm $0x7FFFFFFF  }
0xc3: {  	_ =	shalt  }
tec
execute0_lowered:
.L_overlay_start_1:
0x0: {  	(tag) =	ssettag $0x1  }
0x1: {  	s0 =	srdreg.scid;
	s1 =	rddreg [dreg:$0x0]  }
0x2: {  	s2 =	rddreg [dreg:$0x1];
	s3 =	stileid.u32;
	s5 =	simm.s32 $0x0  }
0x3: {  	s20 =	simm.s32 $0x2;
	s22 =	simm.s32 $0x80;
	s23 =	simm.s32 $0x5800  }
0x4: {  	s24 =	simm.s32 $0x1;
	s25 =	simm.s32 $0x0;
	s0 =	sand.u32 $0x1, s0  }
0x5: {  	[smem:$0x7FF] =	sst s5;
	s7 =	smul.u32 $0x50000, s3;
	s5 =	sadd.s32 $0x37C00, s1  }
0x6: {  	s14 =	smul.u32 $0x14000, s3;
	s31 =	sshll.u32 s3, $0x6;
	s4 =	sshll.u32 s0, $0x4  }
0x7: {  	_ =	strace $0x80000056;
	s6 =	ssub.s32 $0x2, s0;
	s0 =	smul.u32 $0x140000, s0  }
0x8: {  	s4 =	sor.u32 s3, s4;
	s8 =	sshrl.u32 s6, $0x1;
	s30 =	sshrl.u32 s7, $0x2  }
0x9: {  	s15 =	sadd.s32 $0x4000, s14;
	s7 =	sor.u32 $0x1C02, s31;
	s16 =	sadd.s32 $0x8000, s14  }
0xa: {  	s17 =	sadd.s32 $0xC000, s14;
	s18 =	sadd.s32 $0x10000, s14;
	s29 =	smul.u32 $0x580, s4  }
0xb: {  	s4 =	sadd.s32 $0xFC00, s1;
	s19 =	ssub.s32 s6, s8;
	s6 =	sadd.s32 s30, s2  }
0xc: {  	s8 =	sadd.s32 s15, s2;
	s9 =	sadd.s32 s16, s2;
	s10 =	sadd.s32 s17, s2  }
0xd: {  	s11 =	sadd.s32 s18, s2;
	s14 =	sadd.s32 s14, s0;
	s15 =	sadd.s32 s0, s15  }
0xe: {  	s16 =	sadd.s32 s0, s16;
	s17 =	sadd.s32 s0, s17;
	s0 =	sadd.s32 s0, s18  }
0xf: {  	s14 =	sshrl.u32 s14, $0x3;
	s15 =	sshrl.u32 s15, $0x3;
	s16 =	sshrl.u32 s16, $0x3  }
0x10: {  	s17 =	sshrl.u32 s17, $0x3;
	s0 =	sshrl.u32 s0, $0x3;
	s13 =	sadd.s32 s29, s1  }
0x11: {  	s19 =	smax.u32 s19, $0x1;
	s1 =	sadd.s32 $0x6BC00, s1;
	s12 =	sadd.s32 $0x60C00, s13  }
0x12: {  	s13 =	sadd.s32 $0x4C00, s13;
	s14 =	sadd.s32 s1, s14;
	s15 =	sadd.s32 s1, s15  }
0x13: {  	s16 =	sadd.s32 s1, s16;
	s17 =	sadd.s32 s1, s17;
	s18 =	sadd.s32 s1, s0  }
.LBB2_1:
0x14: {  	s26 =	sshrl.u32 s6, $0x3  }
0x15: {  	[spmem:s26], [sflag:s7] =	dma.local [hbm:s5], $0x800  }
0x16: {  	_ =	swait.ge [sflag:s20], $0x800  }
0x17: {  	[sflag:s20] =	ssyncset.done $0x0  }
0x18: {  	s28 =	sshrl.u32 s8, $0x3;
	[sflag:s20] =	ssyncadd.s32 $0xFFFFF800  }
0x19: {  	[spmem:s28], [sflag:s7] =	dma.local [hbm:s5], $0x800  }
0x1a: {  	_ =	swait.ge [sflag:s20], $0x800  }
0x1b: {  	[sflag:s20] =	ssyncset.done $0x0  }
0x1c: {  	s29 =	sshrl.u32 s9, $0x3;
	[sflag:s20] =	ssyncadd.s32 $0xFFFFF800  }
0x1d: {  	[spmem:s29], [sflag:s7] =	dma.local [hbm:s5], $0x800  }
0x1e: {  	_ =	swait.ge [sflag:s20], $0x800  }
0x1f: {  	[sflag:s20] =	ssyncset.done $0x0  }
0x20: {  	s30 =	sshrl.u32 s10, $0x3;
	[sflag:s20] =	ssyncadd.s32 $0xFFFFF800  }
0x21: {  	[spmem:s30], [sflag:s7] =	dma.local [hbm:s5], $0x800  }
0x22: {  	_ =	swait.ge [sflag:s20], $0x800  }
0x23: {  	[sflag:s20] =	ssyncset.done $0x0  }
0x24: {  	s31 =	sshrl.u32 s11, $0x3;
	[sflag:s20] =	ssyncadd.s32 $0xFFFFF800  }
0x25: {  	[spmem:s31], [sflag:s7] =	dma.local [hbm:s5], $0x800  }
0x26: {  	_ =	swait.ge [sflag:s20], $0x800  }
0x27: {  	[sflag:s20] =	ssyncset.done $0x0  }
0x28: {  	s0 =	simm.s32 $0x0;
	[sflag:s20] =	ssyncadd.s32 $0xFFFFF800  }
0x29: {  	[tilespmem:s0], [sflag:$0x2] =	stream.linear.gather [hbm4b:s12+s0], $0x2900, $0x38;
	[tilespmem:$0x1D800] =	vst v63  }
0x2a: {  	_ =	swait.ge [sflag:s20], $0x2900  }
0x2b: {  	[sflag:s20] =	ssyncset.done $0x0  }
0x2c: {  	s1 =	simm.s32 $0x2C00;
	[sflag:s20] =	ssyncadd.s32 $0xFFFFD700  }
0x2d: {  	[tilespmem:s1], [sflag:$0x2] =	stream.linear.gather [hbm4b:s13+s0], $0x2900, $0x38;
	[tilespmem:$0x1D800] =	vst v63  }
0x2e: {  	_ =	swait.ge [sflag:s20], $0x2900  }
0x2f: {  	[sflag:s20] =	ssyncset.done $0x0  }
0x30: {  	[sflag:s20] =	ssyncadd.s32 $0xFFFFD700  }
0x31: {  	s3 =	simm.s32 $0x0;
	[bflag:$0x0] =	sbarrier.arrive $0xFFFF  }
0x32: {  	[tilespmem:s23], [sflag:$0x1] =	stream.indirect.gather [hbm4b:s4+s22], $0x80, s3, s22, $0xb8;
	[tilespmem:$0x1D800] =	vst v63  }
0x33: {  	_ =	swait.ge [sflag:s24], $0x4000  }
0x34: {  	[sflag:s24] =	ssyncset.done $0x0  }
0x35: {  	s21 =	simm.s32 $0x2C00;
	[sflag:s24] =	ssyncadd.s32 $0xFFFFC000  }
0x36: {  	[spmem:s2] =	stream.indirect.scatter.add.f32 [tilespmem:s23], [sflag:$0x2], $0x80, s21, s22, $0xb8;
	[tilespmem:$0x1D800] =	vst v63  }
0x37: {  	_ =	swait.ge [sflag:s20], $0x4000  }
0x38: {  	s0 =	simm.s32 $0x200;
	s1 =	simm.s32 $0x400;
	[sflag:s20] =	ssyncset.done $0x0  }
.LBB2_2:
0x39: {  	s21 =	sshra.s32 s0, $0x2  }
0x3a: {  	[sflag:s20] =	ssyncadd.s32 $0xFFFFC000;
	s0 =	smov.u32 s1;
	s3 =	sadd.s32 $0x200, s1  }
0x3b: {  	[tilespmem:s23], [sflag:$0x1] =	stream.indirect.gather [hbm4b:s4+s22], $0x80, s21, s22, $0xb8;
	[tilespmem:$0x1D800] =	vst v63  }
0x3c: {  	p0 =	sne.s32 s1, $0xA200;
	_ =	swait.ge [sflag:s24], $0x4000  }
.Ltmp0:
0x3d: {  	[sflag:s24] =	ssyncset.done $0x0;
	(pc) =	sbr.rel @p0 .LBB2_2-.Ltmp0, $4  }
0x3e: {  	s1 =	sadd.s32 $0x2C00, s21;
	[sflag:s24] =	ssyncadd.s32 $0xFFFFC000  }
0x3f: {  	[spmem:s2] =	stream.indirect.scatter.add.f32 [tilespmem:s23], [sflag:$0x2], $0x80, s1, s22, $0xb8;
	[tilespmem:$0x1D800] =	vst v63  }
0x40: {  	_ =	swait.ge [sflag:s20], $0x4000  }
0x41: {  	s1 =	smov.u32 s3;
	[sflag:s20] =	ssyncset.done $0x0  }
0x42: {  	s0 =	sshra.s32 s0, $0x2;
	[sflag:s20] =	ssyncadd.s32 $0xFFFFC000  }
0x43: {  	[tilespmem:s23], [sflag:$0x1] =	stream.indirect.gather [hbm4b:s4+s22], $0x80, s0, s22, $0xb8;
	[tilespmem:$0x1D800] =	vst v63  }
0x44: {  	_ =	swait.ge [sflag:s24], $0x4000  }
0x45: {  	[sflag:s24] =	ssyncset.done $0x0  }
0x46: {  	s0 =	sadd.s32 $0x2C00, s0;
	[sflag:s24] =	ssyncadd.s32 $0xFFFFC000  }
0x47: {  	[spmem:s2] =	stream.indirect.scatter.add.f32 [tilespmem:s23], [sflag:$0x2], $0x80, s0, s22, $0xb8;
	[tilespmem:$0x1D800] =	vst v63  }
0x48: {  	_ =	swait.ge [sflag:s20], $0x4000  }
0x49: {  	[sflag:s20] =	ssyncset.done $0x0  }
0x4a: {  	[sflag:s20] =	ssyncadd.s32 $0xFFFFC000  }
0x4b: {  	[bflag:$0x0] =	sbarrier.arrive $0xFFFF  }
0x4c: {  	[hbm:s14], [sflag:s7] =	dma.local [spmem:s26], $0x800  }
0x4d: {  	_ =	swait.ge [sflag:s20], $0x800  }
0x4e: {  	[sflag:s20] =	ssyncset.done $0x0  }
0x4f: {  	[sflag:s20] =	ssyncadd.s32 $0xFFFFF800  }
0x50: {  	[hbm:s15], [sflag:s7] =	dma.local [spmem:s28], $0x800  }
0x51: {  	_ =	swait.ge [sflag:s20], $0x800  }
0x52: {  	[sflag:s20] =	ssyncset.done $0x0  }
0x53: {  	[sflag:s20] =	ssyncadd.s32 $0xFFFFF800  }
0x54: {  	[hbm:s16], [sflag:s7] =	dma.local [spmem:s29], $0x800  }
0x55: {  	_ =	swait.ge [sflag:s20], $0x800  }
0x56: {  	[sflag:s20] =	ssyncset.done $0x0  }
0x57: {  	[sflag:s20] =	ssyncadd.s32 $0xFFFFF800  }
0x58: {  	[hbm:s17], [sflag:s7] =	dma.local [spmem:s30], $0x800  }
0x59: {  	s25 =	sadd.s32 $0x1, s25;
	_ =	swait.ge [sflag:s20], $0x800  }
0x5a: {  	p0 =	sne.s32 s25, s19;
	[sflag:s20] =	ssyncset.done $0x0  }
.Ltmp1:
0x5b: {  	[sflag:s20] =	ssyncadd.s32 $0xFFFFF800;
	(pc) =	sbr.rel @p0 .LBB2_1-.Ltmp1, $4  }
0x5c: {  	[hbm:s18], [sflag:s7] =	dma.local [spmem:s31], $0x800  }
0x5d: {  	_ =	swait.ge [sflag:s20], $0x800  }
0x5e: {  	[sflag:s20] =	ssyncset.done $0x0  }
0x5f: {  	[sflag:s20] =	ssyncadd.s32 $0xFFFFF800  }
0x60: {  	_ =	sfence.sel $0x180000  }
0x61: {  	[bflag:$0x0] =	sbarrier.arrive $0xFFFF  }
0x62: {  	_ =	strace $0x90000056  }
0x63: {  	s0 =	stileid.u32;
	[bflag:$0x2] =	sbarrier.arrive $0xFFFF  }
0x64: {  	p0 =	sne.s32 s0, $0x0;
	s0 =	rddreg [dreg:$0x2]  }
0x65: {  	s0 =	sadd.s32 @!p0 $0x100000, s0  }
0x66: {  	[sflag:s0] =	ssyncadd.tile.s32 @!p0 $0x1;
	_ =	shalt  }
.Lfunc_end2:
_tile_overlayer_lowered:
.L_overlay_start_2:
0x67: {  	(tag) =	ssettag $0x2  }
0x68: {  	s0 =	rddreg [dreg:$0x0];
	s2 =	stileid.u32  }
0x69: {  	s1 =	rddreg [dreg:$0x1];
	p0 =	sne.s32 s2, $0x0  }
0x6a: {  	s3 =	rddreg [dreg:$0x2];
	[bflag:$0x3] =	sbarrier.arrive $0xFFFF;
	s2 =	simm.s32 @!p0 $0x1C02  }
0x6b: {  	[timem:s3], [sflag:s2] =	dma.local @!p0 [hbm:s0], s1  }
0x6c: {  	s0 =	simm.s32 @!p0 $0x2  }
0x6d: {  	_ =	swait.ge @!p0 [sflag:s0], s1  }
0x6e: {  	s1 =	ssub.s32 @!p0 $0x0, s1;
	[sflag:s0] =	ssyncset.done @!p0 $0x0  }
0x6f: {  	[sflag:s0] =	ssyncadd.s32 @!p0 s1  }
0x70: {  	[bflag:$0x3] =	sbarrier.arrive $0xFFFF  }
0x71: {  	_ =	shalt  }

// kernel: sg_prop.23.cloned.1.call-start
scs
__scs_entry_jumppad:
0x0: {  	(pc) =	sbr.rel $0x88, $3  }
0x1: {  	(tag) =	ssettag $0x0;
	lr =	simm.s32 $0x1  }
0x2: {  	[smem:$0x3F93] =	sst lr;
	_ =	strace $0xD0000000  }
0x3: {  	_ = 	snop  }
0x4: {  	_ = 	snop  }
0x5: {  	_ = 	snop  }
0x6: {  	_ = 	snop  }
0x7: {  	_ = 	snop  }
__scs_overlays_trampoline_lowered:
0x8: {  	[smem:$0x3FA2] =	sst s0  }
0x9: {  	[smem:$0x3FA3] =	sst s1  }
0xa: {  	[smem:$0x3FA4] =	sst s2  }
0xb: {  	[smem:$0x3FA5] =	sst s3  }
0xc: {  	[smem:$0x3FA6] =	sst s4  }
0xd: {  	[smem:$0x3FA7] =	sst s5  }
0xe: {  	[smem:$0x3FA8] =	sst s6  }
0xf: {  	[smem:$0x3FA9] =	sst s7  }
0x10: {  	[smem:$0x3FAA] =	sst s8  }
0x11: {  	[smem:$0x3FAB] =	sst s9;
	s0 =	simm.s32 @!p0 $0x0  }
0x12: {  	s1 =	sld [smem:$0x3F91];
	s0 =	simm.s32 @p0 $0x1  }
0x13: {  	[smem:$0x3FAC] =	sst s0;
	s0 =	simm.s32 @!p1 $0x0  }
0x14: {  	s2 =	sld [smem:$0x3F90];
	s0 =	simm.s32 @p1 $0x1  }
0x15: {  	[smem:$0x3FAD] =	sst s0;
	s0 =	simm.s32 @!p2 $0x0  }
0x16: {  	s3 =	sld [smem:$0x3FDB];
	s0 =	simm.s32 @p2 $0x1  }
0x17: {  	s4 =	simm.s32 $0x1BF5;
	[smem:$0x3FAF] =	sst s0  }
0x18: {  	s0 =	sld [smem:$0x3F92];
	_ =	swait.ge [sflag:s4], $0x0  }
0x19: {  	s7 =	sld [smem:$0x3F93]  }
0x1a: {  	s8 =	sadd.s32 $0xFFFFE003, lr  }
0x1b: {  	s9 =	sadd.s32 $0xFFFFFEF7, lr;
	s5 =	simm.s32 $0xFFFFFFFF;
	p2 =	slt.u32 s8, $0xFFFFF086  }
0x1c: {  	p1 =	slt.u32 s9, $0xF7A;
	s5 =	simm.s32 @!p2 $0x0  }
0x1d: {  	s5 =	simm.s32 @p1 $0x1;
	p0 =	seq.s32 s7, s2  }
0x1e: {  	s7 =	smul.u32 @!p0 $0xF7A, s2;
	p2 =	seq.s32 @!p0 s5, $0x0  }
0x1f: {  	s9 =	smul.u32 $0xF7A, s1;
	s8 =	simm.s32 @!p0 $0x1BF5;
	p2 =	por !p2, p0  }
0x20: {  	[sflag:s8] =	ssyncset.s32 @!p0 $0xFFFFF086;
	s6 =	sadd.s32 @!p0 s3, s7;
	s7 =	simm.s32 @!p0 $0x108  }
0x21: {  	s3 =	sadd.s32 s3, s9;
	s6 =	sadd.s32 @!p0 $0x88, s6;
	s7 =	simm.s32 @p2 $0x1082  }
0x22: {  	[simem:s7], [sflag:s8] =	dma.local @!p0 [hbm:s6], $0xF7A  }
0x23: {  	s9 =	sor.u32 $0xD0000000, s2;
	s6 =	simm.s32 $0x108;
	_ =	swait.ge @!p0 [sflag:s8], $0x0  }
0x24: {  	s3 =	sadd.s32 $0x88, s3;
	s6 =	simm.s32 @!p1 $0x1082;
	[sflag:s4] =	ssyncset.s32 $0xFFFFF086  }
0x25: {  	[simem:s6], [sflag:s4] =	dma.local [hbm:s3], $0xF7A  }
0x26: {  	[smem:$0x3F93] =	sst s1;
	(tag) =	ssettag s2;
	_ =	strace s9  }
0x27: {  	s1 =	sld [smem:$0x3FA3]  }
0x28: {  	s2 =	sld [smem:$0x3FA4]  }
0x29: {  	s4 =	sld [smem:$0x3FA6]  }
0x2a: {  	p0 =	seq.s32 s5, $0x0;
	s5 =	sld [smem:$0x3FA7]  }
0x2b: {  	s6 =	sld [smem:$0x3FA8]  }
0x2c: {  	s7 =	sld [smem:$0x3FA9]  }
0x2d: {  	s3 =	simm.s32 $0x108;
	s8 =	sld [smem:$0x3FAA]  }
0x2e: {  	s3 =	simm.s32 @!p0 $0x1082;
	s9 =	sld [smem:$0x3FAB]  }
0x2f: {  	lr =	sadd.s32 s0, s3;
	s0 =	sld [smem:$0x3FA2]  }
0x30: {  	s3 =	sld [smem:$0x3FA5]  }
0x31: {  	[smem:$0x3FAE] =	sst s10  }
0x32: {  	s10 =	sld [smem:$0x3FAC];
	_ =	sdelay $0x3  }
0x33: {  	p0 =	seq.s32 s10, $0x1;
	s10 =	sld [smem:$0x3FAE];
	_ =	sdelay $0x3  }
0x34: {  	[smem:$0x3FAE] =	sst s10  }
0x35: {  	s10 =	sld [smem:$0x3FAD];
	_ =	sdelay $0x3  }
0x36: {  	p1 =	seq.s32 s10, $0x1;
	s10 =	sld [smem:$0x3FAE];
	_ =	sdelay $0x3  }
0x37: {  	[smem:$0x3FAE] =	sst s10  }
0x38: {  	s10 =	sld [smem:$0x3FAF]  }
0x39: {  	_ = 	snop;
	(pc) =	sbr.ind lr, $3  }
0x3a: {  	_ = 	snop  }
0x3b: {  	_ = 	snop  }
0x3c: {  	p2 =	seq.s32 s10, $0x1;
	s10 =	sld [smem:$0x3FAE]  }
0x3d: {  	_ =	shalt  }
0x3e: {  	_ =	shalt  }
0x3f: {  	_ =	shalt  }
0x40: {  	_ =	shalt  }
0x41: {  	_ =	shalt  }
0x42: {  	_ =	shalt  }
0x43: {  	_ =	shalt  }
0x44: {  	_ =	shalt  }
0x45: {  	_ =	shalt  }
0x46: {  	_ =	shalt  }
0x47: {  	_ =	shalt  }
0x48: {  	_ =	shalt  }
0x49: {  	_ =	shalt  }
0x4a: {  	_ =	shalt  }
0x4b: {  	_ =	shalt  }
0x4c: {  	_ =	shalt  }
0x4d: {  	_ =	shalt  }
0x4e: {  	_ =	shalt  }
0x4f: {  	_ =	shalt  }
0x50: {  	_ =	shalt  }
0x51: {  	_ =	shalt  }
0x52: {  	_ =	shalt  }
0x53: {  	_ =	shalt  }
0x54: {  	_ =	shalt  }
0x55: {  	_ =	shalt  }
0x56: {  	_ =	shalt  }
0x57: {  	_ =	shalt  }
0x58: {  	_ =	shalt  }
0x59: {  	_ =	shalt  }
0x5a: {  	_ =	shalt  }
0x5b: {  	_ =	shalt  }
0x5c: {  	_ =	shalt  }
0x5d: {  	_ =	shalt  }
0x5e: {  	_ =	shalt  }
0x5f: {  	_ =	shalt  }
0x60: {  	_ =	shalt  }
0x61: {  	_ =	shalt  }
0x62: {  	_ =	shalt  }
0x63: {  	_ =	shalt  }
0x64: {  	_ =	shalt  }
0x65: {  	_ =	shalt  }
0x66: {  	_ =	shalt  }
0x67: {  	_ =	shalt  }
0x68: {  	_ =	shalt  }
0x69: {  	_ =	shalt  }
0x6a: {  	_ =	shalt  }
0x6b: {  	_ =	shalt  }
0x6c: {  	_ =	shalt  }
0x6d: {  	_ =	shalt  }
0x6e: {  	_ =	shalt  }
0x6f: {  	_ =	shalt  }
0x70: {  	_ =	shalt  }
0x71: {  	_ =	shalt  }
0x72: {  	_ =	shalt  }
0x73: {  	_ =	shalt  }
0x74: {  	_ =	shalt  }
0x75: {  	_ =	shalt  }
0x76: {  	_ =	shalt  }
0x77: {  	_ =	shalt  }
0x78: {  	_ =	shalt  }
0x79: {  	_ =	shalt  }
0x7a: {  	_ =	shalt  }
0x7b: {  	_ =	shalt  }
0x7c: {  	_ =	shalt  }
0x7d: {  	_ =	shalt  }
0x7e: {  	_ =	shalt  }
0x7f: {  	_ =	shalt  }
0x80: {  	_ =	shalt  }
0x81: {  	_ =	shalt  }
0x82: {  	_ =	shalt  }
0x83: {  	_ =	shalt  }
0x84: {  	_ =	shalt  }
0x85: {  	_ =	shalt  }
0x86: {  	_ =	shalt  }
0x87: {  	_ =	shalt  }
.Lfunc_end0:
.L_simem_size_0:
called_computation.6_lowered:
.L_overlay_start_0:
0x88: {  	s2 =	sld [smem:$0x3FD9]  }
0x89: {  	s3 =	sld [smem:$0x3FFE];
	_ =	sdelay $0x1  }
0x8a: {  	s1 =	srdreg.scid  }
0x8b: {  	s0 =	sand.u32 $0x1, s1  }
0x8c: {  	s16 =	sshll.u32 s0, $0xA;
	s2 =	sadd.s32 s3, s2  }
0x8d: {  	s2 =	sadd.s32 s2, s16  }
0x8e: {  	[smem:$0x3FBA] =	sst s2  }
0x8f: {  	_ = 	snop  }
0x90: {  	(tm) =	ssettm $0x1  }
0x91: {  	s17 =	sld [smem:$0x3FFB];
	_ =	sdelay $0x3  }
0x92: {  	_ =	strace s17  }
0x93: {  	s2 =	sld [smem:$0x3FFC];
	_ =	sdelay $0x3  }
0x94: {  	_ =	strace s2  }
0x95: {  	s2 =	sld [smem:$0x3FFD];
	_ =	sdelay $0x3  }
0x96: {  	_ =	strace s2  }
0x97: {  	_ =	strace $0x8FFFFFFF  }
0x98: {  	s18 =	sld [smem:$0x3FDB];
	_ =	sdelay $0x1  }
0x99: {  	s19 =	simm.s32 $_scs_section_size  }
0x9a: {  	s4 =	simm.s32 $_size__tile_overlayer_lowered;
	s5 =	simm.s32 $_tile_overlayer_lowered  }
0x9b: {  	s22 =	simm.s32 $0x1BFF;
	s21 =	sshll.u32 s5, $0x1;
	s2 =	sadd.s32 s19, s18  }
0x9c: {  	s6 =	simm.s32 $0x0;
	s20 =	sshll.u32 s4, $0x1;
	s4 =	sadd.s32 s21, s2  }
0x9d: {  	[timem:s6], [sflag:s22] =	dma.local [hbm:s4], s20  }
0x9e: {  	_ =	swait.ge [sflag:s22], s20  }
0x9f: {  	s3 =	ssub.s32 $0x0, s20;
	[sflag:s22] =	ssyncset.done $0x0  }
0xa0: {  	[sflag:s22] =	ssyncadd.s32 s3;
	_ =	sdelay $0x1  }
0xa1: {  	s23 =	simm.s32 $0x1B8B  }
0xa2: {  	_ =	swait.ge [sflag:s23], $0x1  }
0xa3: {  	[sflag:s23] =	ssyncset.done $0x0  }
0xa4: {  	s25 =	simm.s32 $0x1B8E;
	s24 =	sld [smem:$0x3FFE];
	[sflag:s23] =	ssyncadd.s32 $0xFFFFFFFF  }
0xa5: {  	s26 =	simm.s32 $execute0_lowered;
	[smem:$0x3FD2] =	sst s25  }
0xa6: {  	s4 =	sshll.u32 s26, $0x1;
	_ =	strace $0x80000058;
	[dreg:$0x1] =	wrdreg $0xFFFFFFFF  }
0xa7: {  	s28 =	simm.s32 $_size_execute0_lowered;
	s2 =	sadd.s32 s2, s4;
	[dreg:$0x0] =	wrdreg $0x0  }
0xa8: {  	s4 =	sshll.u32 s28, $0x1;
	[dreg:$0x2] =	wrdreg s2  }
0xa9: {  	[dreg:$0x3] =	wrdreg s4  }
0xaa: {  	[dreg:$0x4] =	wrdreg $0xC0  }
0xab: {  	_ =	task [dreg:s6], $0x5FFFF  }
0xac: {  	[dreg:$0x1] =	wrdreg $0xFFFFFFFF  }
0xad: {  	[dreg:$0x0] =	wrdreg $0x60  }
0xae: {  	[dreg:$0x2] =	wrdreg s24  }
0xaf: {  	[dreg:$0x3] =	wrdreg $0x98000  }
0xb0: {  	[dreg:$0x4] =	wrdreg $0x9  }
0xb1: {  	_ =	task.clear_ibuf [dreg:s6], $0x5FFFF;
	_ =	strace $0x90000058  }
0xb2: {  	s29 =	simm.s32 $0x9;
	_ =	strace $0x8000005A  }
0xb3: {  	_ =	swait.ge [sflag:s29], $0x1  }
0xb4: {  	[sflag:s29] =	ssyncadd.s32 $0xFFFFFFFF  }
0xb5: {  	_ =	strace $0x9000005A  }
0xb6: {  	_ =	sfence  }
0xb7: {  	s30 =	sld [smem:$0x0];
	_ =	sdelay $0x2  }
0xb8: {  	s31 =	sshll.u32 s1, $0xD;
	s1 =	sshrl.u32 s1, $0x2  }
0xb9: {  	s3 =	sand.u32 $0x4000, s31;
	s1 =	sadd.s32 s1, s30  }
0xba: {  	s0 =	sor.u32 s3, s0;
	s1 =	sshll.u32 s1, $0x11  }
0xbb: {  	s0 =	sor.u32 s1, s0  }
0xbc: {  	s0 =	sadd.s32 $0x8F2B, s0  }
0xbd: {  	[sflag:s0] =	ssyncadd.remote.s32 $0x1  }
0xbe: {  	_ =	sfence.sel $0xFFFF  }
0xbf: {  	[dreg:$0x0] =	wrdreg $0xFFFFFFFF;
	(pc) =	sbr.abs _section_cstart, $3  }
0xc0: {  	[dreg:$0x1] =	wrdreg $0xFFFFFFFF  }
0xc1: {  	_ =	task.clear_ibuf [dreg:s6], $0x2FFFF;
	_ =	strace $0x9FFFFFFF  }
0xc2: {  	(tm) =	ssettm $0x7FFFFFFF  }
0xc3: {  	_ =	shalt  }
tec
execute0_lowered:
.L_overlay_start_1:
0x0: {  	(tag) =	ssettag $0x1  }
0x1: {  	s0 =	srdreg.scid;
	s1 =	rddreg [dreg:$0x0]  }
0x2: {  	s2 =	rddreg [dreg:$0x1];
	s3 =	stileid.u32;
	s5 =	simm.s32 $0x0  }
0x3: {  	s20 =	simm.s32 $0x2;
	s22 =	simm.s32 $0x80;
	s23 =	simm.s32 $0x5800  }
0x4: {  	s24 =	simm.s32 $0x1;
	s25 =	simm.s32 $0x0;
	s0 =	sand.u32 $0x1, s0  }
0x5: {  	[smem:$0x7FF] =	sst s5;
	s7 =	smul.u32 $0x50000, s3;
	s5 =	sadd.s32 $0x37C00, s1  }
0x6: {  	s14 =	smul.u32 $0x14000, s3;
	s31 =	sshll.u32 s3, $0x6;
	s4 =	sshll.u32 s0, $0x4  }
0x7: {  	_ =	strace $0x80000059;
	s6 =	ssub.s32 $0x2, s0;
	s0 =	smul.u32 $0x140000, s0  }
0x8: {  	s4 =	sor.u32 s3, s4;
	s8 =	sshrl.u32 s6, $0x1;
	s30 =	sshrl.u32 s7, $0x2  }
0x9: {  	s15 =	sadd.s32 $0x4000, s14;
	s7 =	sor.u32 $0x1C02, s31;
	s16 =	sadd.s32 $0x8000, s14  }
0xa: {  	s17 =	sadd.s32 $0xC000, s14;
	s18 =	sadd.s32 $0x10000, s14;
	s29 =	smul.u32 $0x580, s4  }
0xb: {  	s4 =	sadd.s32 $0xFC00, s1;
	s19 =	ssub.s32 s6, s8;
	s6 =	sadd.s32 s30, s2  }
0xc: {  	s8 =	sadd.s32 s15, s2;
	s9 =	sadd.s32 s16, s2;
	s10 =	sadd.s32 s17, s2  }
0xd: {  	s11 =	sadd.s32 s18, s2;
	s14 =	sadd.s32 s14, s0;
	s15 =	sadd.s32 s0, s15  }
0xe: {  	s16 =	sadd.s32 s0, s16;
	s17 =	sadd.s32 s0, s17;
	s0 =	sadd.s32 s0, s18  }
0xf: {  	s14 =	sshrl.u32 s14, $0x3;
	s15 =	sshrl.u32 s15, $0x3;
	s16 =	sshrl.u32 s16, $0x3  }
0x10: {  	s17 =	sshrl.u32 s17, $0x3;
	s0 =	sshrl.u32 s0, $0x3;
	s13 =	sadd.s32 s29, s1  }
0x11: {  	s19 =	smax.u32 s19, $0x1;
	s1 =	sadd.s32 $0x6BC00, s1;
	s12 =	sadd.s32 $0x60C00, s13  }
0x12: {  	s13 =	sadd.s32 $0x4C00, s13;
	s14 =	sadd.s32 s1, s14;
	s15 =	sadd.s32 s1, s15  }
0x13: {  	s16 =	sadd.s32 s1, s16;
	s17 =	sadd.s32 s1, s17;
	s18 =	sadd.s32 s1, s0  }
.LBB2_1:
0x14: {  	s26 =	sshrl.u32 s6, $0x3  }
0x15: {  	[spmem:s26], [sflag:s7] =	dma.local [hbm:s5], $0x800  }
0x16: {  	_ =	swait.ge [sflag:s20], $0x800  }
0x17: {  	[sflag:s20] =	ssyncset.done $0x0  }
0x18: {  	s28 =	sshrl.u32 s8, $0x3;
	[sflag:s20] =	ssyncadd.s32 $0xFFFFF800  }
0x19: {  	[spmem:s28], [sflag:s7] =	dma.local [hbm:s5], $0x800  }
0x1a: {  	_ =	swait.ge [sflag:s20], $0x800  }
0x1b: {  	[sflag:s20] =	ssyncset.done $0x0  }
0x1c: {  	s29 =	sshrl.u32 s9, $0x3;
	[sflag:s20] =	ssyncadd.s32 $0xFFFFF800  }
0x1d: {  	[spmem:s29], [sflag:s7] =	dma.local [hbm:s5], $0x800  }
0x1e: {  	_ =	swait.ge [sflag:s20], $0x800  }
0x1f: {  	[sflag:s20] =	ssyncset.done $0x0  }
0x20: {  	s30 =	sshrl.u32 s10, $0x3;
	[sflag:s20] =	ssyncadd.s32 $0xFFFFF800  }
0x21: {  	[spmem:s30], [sflag:s7] =	dma.local [hbm:s5], $0x800  }
0x22: {  	_ =	swait.ge [sflag:s20], $0x800  }
0x23: {  	[sflag:s20] =	ssyncset.done $0x0  }
0x24: {  	s31 =	sshrl.u32 s11, $0x3;
	[sflag:s20] =	ssyncadd.s32 $0xFFFFF800  }
0x25: {  	[spmem:s31], [sflag:s7] =	dma.local [hbm:s5], $0x800  }
0x26: {  	_ =	swait.ge [sflag:s20], $0x800  }
0x27: {  	[sflag:s20] =	ssyncset.done $0x0  }
0x28: {  	s0 =	simm.s32 $0x0;
	[sflag:s20] =	ssyncadd.s32 $0xFFFFF800  }
0x29: {  	[tilespmem:s0], [sflag:$0x2] =	stream.linear.gather [hbm4b:s12+s0], $0x2900, $0x38;
	[tilespmem:$0x1D800] =	vst v63  }
0x2a: {  	_ =	swait.ge [sflag:s20], $0x2900  }
0x2b: {  	[sflag:s20] =	ssyncset.done $0x0  }
0x2c: {  	s1 =	simm.s32 $0x2C00;
	[sflag:s20] =	ssyncadd.s32 $0xFFFFD700  }
0x2d: {  	[tilespmem:s1], [sflag:$0x2] =	stream.linear.gather [hbm4b:s13+s0], $0x2900, $0x38;
	[tilespmem:$0x1D800] =	vst v63  }
0x2e: {  	_ =	swait.ge [sflag:s20], $0x2900  }
0x2f: {  	[sflag:s20] =	ssyncset.done $0x0  }
0x30: {  	[sflag:s20] =	ssyncadd.s32 $0xFFFFD700  }
0x31: {  	s3 =	simm.s32 $0x0;
	[bflag:$0x0] =	sbarrier.arrive $0xFFFF  }
0x32: {  	[tilespmem:s23], [sflag:$0x1] =	stream.indirect.gather [hbm4b:s4+s22], $0x80, s3, s22, $0xb8;
	[tilespmem:$0x1D800] =	vst v63  }
0x33: {  	_ =	swait.ge [sflag:s24], $0x4000  }
0x34: {  	[sflag:s24] =	ssyncset.done $0x0  }
0x35: {  	s21 =	simm.s32 $0x2C00;
	[sflag:s24] =	ssyncadd.s32 $0xFFFFC000  }
0x36: {  	[spmem:s2] =	stream.indirect.scatter.add.f32 [tilespmem:s23], [sflag:$0x2], $0x80, s21, s22, $0xb8;
	[tilespmem:$0x1D800] =	vst v63  }
0x37: {  	_ =	swait.ge [sflag:s20], $0x4000  }
0x38: {  	s0 =	simm.s32 $0x200;
	s1 =	simm.s32 $0x400;
	[sflag:s20] =	ssyncset.done $0x0  }
.LBB2_2:
0x39: {  	s21 =	sshra.s32 s0, $0x2  }
0x3a: {  	[sflag:s20] =	ssyncadd.s32 $0xFFFFC000;
	s0 =	smov.u32 s1;
	s3 =	sadd.s32 $0x200, s1  }
0x3b: {  	[tilespmem:s23], [sflag:$0x1] =	stream.indirect.gather [hbm4b:s4+s22], $0x80, s21, s22, $0xb8;
	[tilespmem:$0x1D800] =	vst v63  }
0x3c: {  	p0 =	sne.s32 s1, $0xA200;
	_ =	swait.ge [sflag:s24], $0x4000  }
.Ltmp0:
0x3d: {  	[sflag:s24] =	ssyncset.done $0x0;
	(pc) =	sbr.rel @p0 .LBB2_2-.Ltmp0, $4  }
0x3e: {  	s1 =	sadd.s32 $0x2C00, s21;
	[sflag:s24] =	ssyncadd.s32 $0xFFFFC000  }
0x3f: {  	[spmem:s2] =	stream.indirect.scatter.add.f32 [tilespmem:s23], [sflag:$0x2], $0x80, s1, s22, $0xb8;
	[tilespmem:$0x1D800] =	vst v63  }
0x40: {  	_ =	swait.ge [sflag:s20], $0x4000  }
0x41: {  	s1 =	smov.u32 s3;
	[sflag:s20] =	ssyncset.done $0x0  }
0x42: {  	s0 =	sshra.s32 s0, $0x2;
	[sflag:s20] =	ssyncadd.s32 $0xFFFFC000  }
0x43: {  	[tilespmem:s23], [sflag:$0x1] =	stream.indirect.gather [hbm4b:s4+s22], $0x80, s0, s22, $0xb8;
	[tilespmem:$0x1D800] =	vst v63  }
0x44: {  	_ =	swait.ge [sflag:s24], $0x4000  }
0x45: {  	[sflag:s24] =	ssyncset.done $0x0  }
0x46: {  	s0 =	sadd.s32 $0x2C00, s0;
	[sflag:s24] =	ssyncadd.s32 $0xFFFFC000  }
0x47: {  	[spmem:s2] =	stream.indirect.scatter.add.f32 [tilespmem:s23], [sflag:$0x2], $0x80, s0, s22, $0xb8;
	[tilespmem:$0x1D800] =	vst v63  }
0x48: {  	_ =	swait.ge [sflag:s20], $0x4000  }
0x49: {  	[sflag:s20] =	ssyncset.done $0x0  }
0x4a: {  	[sflag:s20] =	ssyncadd.s32 $0xFFFFC000  }
0x4b: {  	[bflag:$0x0] =	sbarrier.arrive $0xFFFF  }
0x4c: {  	[hbm:s14], [sflag:s7] =	dma.local [spmem:s26], $0x800  }
0x4d: {  	_ =	swait.ge [sflag:s20], $0x800  }
0x4e: {  	[sflag:s20] =	ssyncset.done $0x0  }
0x4f: {  	[sflag:s20] =	ssyncadd.s32 $0xFFFFF800  }
0x50: {  	[hbm:s15], [sflag:s7] =	dma.local [spmem:s28], $0x800  }
0x51: {  	_ =	swait.ge [sflag:s20], $0x800  }
0x52: {  	[sflag:s20] =	ssyncset.done $0x0  }
0x53: {  	[sflag:s20] =	ssyncadd.s32 $0xFFFFF800  }
0x54: {  	[hbm:s16], [sflag:s7] =	dma.local [spmem:s29], $0x800  }
0x55: {  	_ =	swait.ge [sflag:s20], $0x800  }
0x56: {  	[sflag:s20] =	ssyncset.done $0x0  }
0x57: {  	[sflag:s20] =	ssyncadd.s32 $0xFFFFF800  }
0x58: {  	[hbm:s17], [sflag:s7] =	dma.local [spmem:s30], $0x800  }
0x59: {  	s25 =	sadd.s32 $0x1, s25;
	_ =	swait.ge [sflag:s20], $0x800  }
0x5a: {  	p0 =	sne.s32 s25, s19;
	[sflag:s20] =	ssyncset.done $0x0  }
.Ltmp1:
0x5b: {  	[sflag:s20] =	ssyncadd.s32 $0xFFFFF800;
	(pc) =	sbr.rel @p0 .LBB2_1-.Ltmp1, $4  }
0x5c: {  	[hbm:s18], [sflag:s7] =	dma.local [spmem:s31], $0x800  }
0x5d: {  	_ =	swait.ge [sflag:s20], $0x800  }
0x5e: {  	[sflag:s20] =	ssyncset.done $0x0  }
0x5f: {  	[sflag:s20] =	ssyncadd.s32 $0xFFFFF800  }
0x60: {  	_ =	sfence.sel $0x180000  }
0x61: {  	[bflag:$0x0] =	sbarrier.arrive $0xFFFF  }
0x62: {  	_ =	strace $0x90000059  }
0x63: {  	s0 =	stileid.u32;
	[bflag:$0x2] =	sbarrier.arrive $0xFFFF  }
0x64: {  	p0 =	sne.s32 s0, $0x0;
	s0 =	rddreg [dreg:$0x2]  }
0x65: {  	s0 =	sadd.s32 @!p0 $0x100000, s0  }
0x66: {  	[sflag:s0] =	ssyncadd.tile.s32 @!p0 $0x1;
	_ =	shalt  }
.Lfunc_end2:
_tile_overlayer_lowered:
.L_overlay_start_2:
0x67: {  	(tag) =	ssettag $0x2  }
0x68: {  	s0 =	rddreg [dreg:$0x0];
	s2 =	stileid.u32  }
0x69: {  	s1 =	rddreg [dreg:$0x1];
	p0 =	sne.s32 s2, $0x0  }
0x6a: {  	s3 =	rddreg [dreg:$0x2];
	[bflag:$0x3] =	sbarrier.arrive $0xFFFF;
	s2 =	simm.s32 @!p0 $0x1C02  }
0x6b: {  	[timem:s3], [sflag:s2] =	dma.local @!p0 [hbm:s0], s1  }
0x6c: {  	s0 =	simm.s32 @!p0 $0x2  }
0x6d: {  	_ =	swait.ge @!p0 [sflag:s0], s1  }
0x6e: {  	s1 =	ssub.s32 @!p0 $0x0, s1;
	[sflag:s0] =	ssyncset.done @!p0 $0x0  }
0x6f: {  	[sflag:s0] =	ssyncadd.s32 @!p0 s1  }
0x70: {  	[bflag:$0x3] =	sbarrier.arrive $0xFFFF  }
0x71: {  	_ =	shalt  }

// kernel: sg_prop.8.cloned.1.call-start
scs
__scs_entry_jumppad:
0x0: {  	(pc) =	sbr.rel $0x88, $3  }
0x1: {  	(tag) =	ssettag $0x0;
	lr =	simm.s32 $0x1  }
0x2: {  	[smem:$0x3F93] =	sst lr;
	_ =	strace $0xD0000000  }
0x3: {  	_ = 	snop  }
0x4: {  	_ = 	snop  }
0x5: {  	_ = 	snop  }
0x6: {  	_ = 	snop  }
0x7: {  	_ = 	snop  }
__scs_overlays_trampoline_lowered:
0x8: {  	[smem:$0x3FA2] =	sst s0  }
0x9: {  	[smem:$0x3FA3] =	sst s1  }
0xa: {  	[smem:$0x3FA4] =	sst s2  }
0xb: {  	[smem:$0x3FA5] =	sst s3  }
0xc: {  	[smem:$0x3FA6] =	sst s4  }
0xd: {  	[smem:$0x3FA7] =	sst s5  }
0xe: {  	[smem:$0x3FA8] =	sst s6  }
0xf: {  	[smem:$0x3FA9] =	sst s7  }
0x10: {  	[smem:$0x3FAA] =	sst s8  }
0x11: {  	[smem:$0x3FAB] =	sst s9;
	s0 =	simm.s32 @!p0 $0x0  }
0x12: {  	s1 =	sld [smem:$0x3F91];
	s0 =	simm.s32 @p0 $0x1  }
0x13: {  	[smem:$0x3FAC] =	sst s0;
	s0 =	simm.s32 @!p1 $0x0  }
0x14: {  	s2 =	sld [smem:$0x3F90];
	s0 =	simm.s32 @p1 $0x1  }
0x15: {  	[smem:$0x3FAD] =	sst s0;
	s0 =	simm.s32 @!p2 $0x0  }
0x16: {  	s3 =	sld [smem:$0x3FDB];
	s0 =	simm.s32 @p2 $0x1  }
0x17: {  	s4 =	simm.s32 $0x1BF5;
	[smem:$0x3FAF] =	sst s0  }
0x18: {  	s0 =	sld [smem:$0x3F92];
	_ =	swait.ge [sflag:s4], $0x0  }
0x19: {  	s7 =	sld [smem:$0x3F93]  }
0x1a: {  	s8 =	sadd.s32 $0xFFFFE003, lr  }
0x1b: {  	s9 =	sadd.s32 $0xFFFFFEF7, lr;
	s5 =	simm.s32 $0xFFFFFFFF;
	p2 =	slt.u32 s8, $0xFFFFF086  }
0x1c: {  	p1 =	slt.u32 s9, $0xF7A;
	s5 =	simm.s32 @!p2 $0x0  }
0x1d: {  	s5 =	simm.s32 @p1 $0x1;
	p0 =	seq.s32 s7, s2  }
0x1e: {  	s7 =	smul.u32 @!p0 $0xF7A, s2;
	p2 =	seq.s32 @!p0 s5, $0x0  }
0x1f: {  	s9 =	smul.u32 $0xF7A, s1;
	s8 =	simm.s32 @!p0 $0x1BF5;
	p2 =	por !p2, p0  }
0x20: {  	[sflag:s8] =	ssyncset.s32 @!p0 $0xFFFFF086;
	s6 =	sadd.s32 @!p0 s3, s7;
	s7 =	simm.s32 @!p0 $0x108  }
0x21: {  	s3 =	sadd.s32 s3, s9;
	s6 =	sadd.s32 @!p0 $0x88, s6;
	s7 =	simm.s32 @p2 $0x1082  }
0x22: {  	[simem:s7], [sflag:s8] =	dma.local @!p0 [hbm:s6], $0xF7A  }
0x23: {  	s9 =	sor.u32 $0xD0000000, s2;
	s6 =	simm.s32 $0x108;
	_ =	swait.ge @!p0 [sflag:s8], $0x0  }
0x24: {  	s3 =	sadd.s32 $0x88, s3;
	s6 =	simm.s32 @!p1 $0x1082;
	[sflag:s4] =	ssyncset.s32 $0xFFFFF086  }
0x25: {  	[simem:s6], [sflag:s4] =	dma.local [hbm:s3], $0xF7A  }
0x26: {  	[smem:$0x3F93] =	sst s1;
	(tag) =	ssettag s2;
	_ =	strace s9  }
0x27: {  	s1 =	sld [smem:$0x3FA3]  }
0x28: {  	s2 =	sld [smem:$0x3FA4]  }
0x29: {  	s4 =	sld [smem:$0x3FA6]  }
0x2a: {  	p0 =	seq.s32 s5, $0x0;
	s5 =	sld [smem:$0x3FA7]  }
0x2b: {  	s6 =	sld [smem:$0x3FA8]  }
0x2c: {  	s7 =	sld [smem:$0x3FA9]  }
0x2d: {  	s3 =	simm.s32 $0x108;
	s8 =	sld [smem:$0x3FAA]  }
0x2e: {  	s3 =	simm.s32 @!p0 $0x1082;
	s9 =	sld [smem:$0x3FAB]  }
0x2f: {  	lr =	sadd.s32 s0, s3;
	s0 =	sld [smem:$0x3FA2]  }
0x30: {  	s3 =	sld [smem:$0x3FA5]  }
0x31: {  	[smem:$0x3FAE] =	sst s10  }
0x32: {  	s10 =	sld [smem:$0x3FAC];
	_ =	sdelay $0x3  }
0x33: {  	p0 =	seq.s32 s10, $0x1;
	s10 =	sld [smem:$0x3FAE];
	_ =	sdelay $0x3  }
0x34: {  	[smem:$0x3FAE] =	sst s10  }
0x35: {  	s10 =	sld [smem:$0x3FAD];
	_ =	sdelay $0x3  }
0x36: {  	p1 =	seq.s32 s10, $0x1;
	s10 =	sld [smem:$0x3FAE];
	_ =	sdelay $0x3  }
0x37: {  	[smem:$0x3FAE] =	sst s10  }
0x38: {  	s10 =	sld [smem:$0x3FAF]  }
0x39: {  	_ = 	snop;
	(pc) =	sbr.ind lr, $3  }
0x3a: {  	_ = 	snop  }
0x3b: {  	_ = 	snop  }
0x3c: {  	p2 =	seq.s32 s10, $0x1;
	s10 =	sld [smem:$0x3FAE]  }
0x3d: {  	_ =	shalt  }
0x3e: {  	_ =	shalt  }
0x3f: {  	_ =	shalt  }
0x40: {  	_ =	shalt  }
0x41: {  	_ =	shalt  }
0x42: {  	_ =	shalt  }
0x43: {  	_ =	shalt  }
0x44: {  	_ =	shalt  }
0x45: {  	_ =	shalt  }
0x46: {  	_ =	shalt  }
0x47: {  	_ =	shalt  }
0x48: {  	_ =	shalt  }
0x49: {  	_ =	shalt  }
0x4a: {  	_ =	shalt  }
0x4b: {  	_ =	shalt  }
0x4c: {  	_ =	shalt  }
0x4d: {  	_ =	shalt  }
0x4e: {  	_ =	shalt  }
0x4f: {  	_ =	shalt  }
0x50: {  	_ =	shalt  }
0x51: {  	_ =	shalt  }
0x52: {  	_ =	shalt  }
0x53: {  	_ =	shalt  }
0x54: {  	_ =	shalt  }
0x55: {  	_ =	shalt  }
0x56: {  	_ =	shalt  }
0x57: {  	_ =	shalt  }
0x58: {  	_ =	shalt  }
0x59: {  	_ =	shalt  }
0x5a: {  	_ =	shalt  }
0x5b: {  	_ =	shalt  }
0x5c: {  	_ =	shalt  }
0x5d: {  	_ =	shalt  }
0x5e: {  	_ =	shalt  }
0x5f: {  	_ =	shalt  }
0x60: {  	_ =	shalt  }
0x61: {  	_ =	shalt  }
0x62: {  	_ =	shalt  }
0x63: {  	_ =	shalt  }
0x64: {  	_ =	shalt  }
0x65: {  	_ =	shalt  }
0x66: {  	_ =	shalt  }
0x67: {  	_ =	shalt  }
0x68: {  	_ =	shalt  }
0x69: {  	_ =	shalt  }
0x6a: {  	_ =	shalt  }
0x6b: {  	_ =	shalt  }
0x6c: {  	_ =	shalt  }
0x6d: {  	_ =	shalt  }
0x6e: {  	_ =	shalt  }
0x6f: {  	_ =	shalt  }
0x70: {  	_ =	shalt  }
0x71: {  	_ =	shalt  }
0x72: {  	_ =	shalt  }
0x73: {  	_ =	shalt  }
0x74: {  	_ =	shalt  }
0x75: {  	_ =	shalt  }
0x76: {  	_ =	shalt  }
0x77: {  	_ =	shalt  }
0x78: {  	_ =	shalt  }
0x79: {  	_ =	shalt  }
0x7a: {  	_ =	shalt  }
0x7b: {  	_ =	shalt  }
0x7c: {  	_ =	shalt  }
0x7d: {  	_ =	shalt  }
0x7e: {  	_ =	shalt  }
0x7f: {  	_ =	shalt  }
0x80: {  	_ =	shalt  }
0x81: {  	_ =	shalt  }
0x82: {  	_ =	shalt  }
0x83: {  	_ =	shalt  }
0x84: {  	_ =	shalt  }
0x85: {  	_ =	shalt  }
0x86: {  	_ =	shalt  }
0x87: {  	_ =	shalt  }
.Lfunc_end0:
.L_simem_size_0:
called_computation.1_lowered:
.L_overlay_start_0:
0x88: {  	s2 =	sld [smem:$0x3FD9]  }
0x89: {  	s3 =	sld [smem:$0x3FFE];
	_ =	sdelay $0x1  }
0x8a: {  	s1 =	srdreg.scid  }
0x8b: {  	s0 =	sand.u32 $0x1, s1  }
0x8c: {  	s16 =	sshll.u32 s0, $0xA;
	s2 =	sadd.s32 s3, s2  }
0x8d: {  	s2 =	sadd.s32 s2, s16  }
0x8e: {  	[smem:$0x3FBA] =	sst s2  }
0x8f: {  	_ = 	snop  }
0x90: {  	(tm) =	ssettm $0x1  }
0x91: {  	s17 =	sld [smem:$0x3FFB];
	_ =	sdelay $0x3  }
0x92: {  	_ =	strace s17  }
0x93: {  	s2 =	sld [smem:$0x3FFC];
	_ =	sdelay $0x3  }
0x94: {  	_ =	strace s2  }
0x95: {  	s2 =	sld [smem:$0x3FFD];
	_ =	sdelay $0x3  }
0x96: {  	_ =	strace s2  }
0x97: {  	_ =	strace $0x8FFFFFFF  }
0x98: {  	s18 =	sld [smem:$0x3FDB];
	_ =	sdelay $0x1  }
0x99: {  	s19 =	simm.s32 $_scs_section_size  }
0x9a: {  	s4 =	simm.s32 $_size__tile_overlayer_lowered;
	s5 =	simm.s32 $_tile_overlayer_lowered  }
0x9b: {  	s22 =	simm.s32 $0x1BFF;
	s21 =	sshll.u32 s5, $0x1;
	s2 =	sadd.s32 s19, s18  }
0x9c: {  	s6 =	simm.s32 $0x0;
	s20 =	sshll.u32 s4, $0x1;
	s4 =	sadd.s32 s21, s2  }
0x9d: {  	[timem:s6], [sflag:s22] =	dma.local [hbm:s4], s20  }
0x9e: {  	_ =	swait.ge [sflag:s22], s20  }
0x9f: {  	s3 =	ssub.s32 $0x0, s20;
	[sflag:s22] =	ssyncset.done $0x0  }
0xa0: {  	[sflag:s22] =	ssyncadd.s32 s3;
	_ =	sdelay $0x1  }
0xa1: {  	s23 =	simm.s32 $0x1B8B  }
0xa2: {  	_ =	swait.ge [sflag:s23], $0x1  }
0xa3: {  	[sflag:s23] =	ssyncset.done $0x0  }
0xa4: {  	s25 =	simm.s32 $0x1B8E;
	s24 =	sld [smem:$0x3FFE];
	[sflag:s23] =	ssyncadd.s32 $0xFFFFFFFF  }
0xa5: {  	s26 =	simm.s32 $execute0_lowered;
	[smem:$0x3FD2] =	sst s25  }
0xa6: {  	s4 =	sshll.u32 s26, $0x1;
	_ =	strace $0x80000049;
	[dreg:$0x1] =	wrdreg $0xFFFFFFFF  }
0xa7: {  	s28 =	simm.s32 $_size_execute0_lowered;
	s2 =	sadd.s32 s2, s4;
	[dreg:$0x0] =	wrdreg $0x0  }
0xa8: {  	s4 =	sshll.u32 s28, $0x1;
	[dreg:$0x2] =	wrdreg s2  }
0xa9: {  	[dreg:$0x3] =	wrdreg s4  }
0xaa: {  	[dreg:$0x4] =	wrdreg $0xC0  }
0xab: {  	_ =	task [dreg:s6], $0x5FFFF  }
0xac: {  	[dreg:$0x1] =	wrdreg $0xFFFFFFFF  }
0xad: {  	[dreg:$0x0] =	wrdreg $0x60  }
0xae: {  	[dreg:$0x2] =	wrdreg s24  }
0xaf: {  	[dreg:$0x3] =	wrdreg $0x98000  }
0xb0: {  	[dreg:$0x4] =	wrdreg $0x9  }
0xb1: {  	_ =	task.clear_ibuf [dreg:s6], $0x5FFFF;
	_ =	strace $0x90000049  }
0xb2: {  	s29 =	simm.s32 $0x9;
	_ =	strace $0x8000004B  }
0xb3: {  	_ =	swait.ge [sflag:s29], $0x1  }
0xb4: {  	[sflag:s29] =	ssyncadd.s32 $0xFFFFFFFF  }
0xb5: {  	_ =	strace $0x9000004B  }
0xb6: {  	_ =	sfence  }
0xb7: {  	s30 =	sld [smem:$0x0];
	_ =	sdelay $0x2  }
0xb8: {  	s31 =	sshll.u32 s1, $0xD;
	s1 =	sshrl.u32 s1, $0x2  }
0xb9: {  	s3 =	sand.u32 $0x4000, s31;
	s1 =	sadd.s32 s1, s30  }
0xba: {  	s0 =	sor.u32 s3, s0;
	s1 =	sshll.u32 s1, $0x11  }
0xbb: {  	s0 =	sor.u32 s1, s0  }
0xbc: {  	s0 =	sadd.s32 $0x8F2B, s0  }
0xbd: {  	[sflag:s0] =	ssyncadd.remote.s32 $0x1  }
0xbe: {  	_ =	sfence.sel $0xFFFF  }
0xbf: {  	[dreg:$0x0] =	wrdreg $0xFFFFFFFF;
	(pc) =	sbr.abs _section_cstart, $3  }
0xc0: {  	[dreg:$0x1] =	wrdreg $0xFFFFFFFF  }
0xc1: {  	_ =	task.clear_ibuf [dreg:s6], $0x2FFFF;
	_ =	strace $0x9FFFFFFF  }
0xc2: {  	(tm) =	ssettm $0x7FFFFFFF  }
0xc3: {  	_ =	shalt  }
tec
execute0_lowered:
.L_overlay_start_1:
0x0: {  	(tag) =	ssettag $0x1  }
0x1: {  	s0 =	srdreg.scid;
	s1 =	rddreg [dreg:$0x0]  }
0x2: {  	s2 =	rddreg [dreg:$0x1];
	s3 =	stileid.u32;
	s5 =	simm.s32 $0x0  }
0x3: {  	s20 =	simm.s32 $0x2;
	s22 =	simm.s32 $0x80;
	s23 =	simm.s32 $0x5800  }
0x4: {  	s24 =	simm.s32 $0x1;
	s25 =	simm.s32 $0x0;
	s0 =	sand.u32 $0x1, s0  }
0x5: {  	[smem:$0x7FF] =	sst s5;
	s7 =	smul.u32 $0x50000, s3;
	s5 =	sadd.s32 $0x37C00, s1  }
0x6: {  	s14 =	smul.u32 $0x14000, s3;
	s31 =	sshll.u32 s3, $0x6;
	s4 =	sshll.u32 s0, $0x4  }
0x7: {  	_ =	strace $0x8000004A;
	s6 =	ssub.s32 $0x2, s0;
	s0 =	smul.u32 $0x140000, s0  }
0x8: {  	s4 =	sor.u32 s3, s4;
	s8 =	sshrl.u32 s6, $0x1;
	s30 =	sshrl.u32 s7, $0x2  }
0x9: {  	s15 =	sadd.s32 $0x4000, s14;
	s7 =	sor.u32 $0x1C02, s31;
	s16 =	sadd.s32 $0x8000, s14  }
0xa: {  	s17 =	sadd.s32 $0xC000, s14;
	s18 =	sadd.s32 $0x10000, s14;
	s29 =	smul.u32 $0x580, s4  }
0xb: {  	s4 =	sadd.s32 $0xFC00, s1;
	s19 =	ssub.s32 s6, s8;
	s6 =	sadd.s32 s30, s2  }
0xc: {  	s8 =	sadd.s32 s15, s2;
	s9 =	sadd.s32 s16, s2;
	s10 =	sadd.s32 s17, s2  }
0xd: {  	s11 =	sadd.s32 s18, s2;
	s14 =	sadd.s32 s14, s0;
	s15 =	sadd.s32 s0, s15  }
0xe: {  	s16 =	sadd.s32 s0, s16;
	s17 =	sadd.s32 s0, s17;
	s0 =	sadd.s32 s0, s18  }
0xf: {  	s14 =	sshrl.u32 s14, $0x3;
	s15 =	sshrl.u32 s15, $0x3;
	s16 =	sshrl.u32 s16, $0x3  }
0x10: {  	s17 =	sshrl.u32 s17, $0x3;
	s0 =	sshrl.u32 s0, $0x3;
	s13 =	sadd.s32 s29, s1  }
0x11: {  	s19 =	smax.u32 s19, $0x1;
	s1 =	sadd.s32 $0x6BC00, s1;
	s12 =	sadd.s32 $0x60C00, s13  }
0x12: {  	s13 =	sadd.s32 $0x4C00, s13;
	s14 =	sadd.s32 s1, s14;
	s15 =	sadd.s32 s1, s15  }
0x13: {  	s16 =	sadd.s32 s1, s16;
	s17 =	sadd.s32 s1, s17;
	s18 =	sadd.s32 s1, s0  }
.LBB2_1:
0x14: {  	s26 =	sshrl.u32 s6, $0x3  }
0x15: {  	[spmem:s26], [sflag:s7] =	dma.local [hbm:s5], $0x800  }
0x16: {  	_ =	swait.ge [sflag:s20], $0x800  }
0x17: {  	[sflag:s20] =	ssyncset.done $0x0  }
0x18: {  	s28 =	sshrl.u32 s8, $0x3;
	[sflag:s20] =	ssyncadd.s32 $0xFFFFF800  }
0x19: {  	[spmem:s28], [sflag:s7] =	dma.local [hbm:s5], $0x800  }
0x1a: {  	_ =	swait.ge [sflag:s20], $0x800  }
0x1b: {  	[sflag:s20] =	ssyncset.done $0x0  }
0x1c: {  	s29 =	sshrl.u32 s9, $0x3;
	[sflag:s20] =	ssyncadd.s32 $0xFFFFF800  }
0x1d: {  	[spmem:s29], [sflag:s7] =	dma.local [hbm:s5], $0x800  }
0x1e: {  	_ =	swait.ge [sflag:s20], $0x800  }
0x1f: {  	[sflag:s20] =	ssyncset.done $0x0  }
0x20: {  	s30 =	sshrl.u32 s10, $0x3;
	[sflag:s20] =	ssyncadd.s32 $0xFFFFF800  }
0x21: {  	[spmem:s30], [sflag:s7] =	dma.local [hbm:s5], $0x800  }
0x22: {  	_ =	swait.ge [sflag:s20], $0x800  }
0x23: {  	[sflag:s20] =	ssyncset.done $0x0  }
0x24: {  	s31 =	sshrl.u32 s11, $0x3;
	[sflag:s20] =	ssyncadd.s32 $0xFFFFF800  }
0x25: {  	[spmem:s31], [sflag:s7] =	dma.local [hbm:s5], $0x800  }
0x26: {  	_ =	swait.ge [sflag:s20], $0x800  }
0x27: {  	[sflag:s20] =	ssyncset.done $0x0  }
0x28: {  	s0 =	simm.s32 $0x0;
	[sflag:s20] =	ssyncadd.s32 $0xFFFFF800  }
0x29: {  	[tilespmem:s0], [sflag:$0x2] =	stream.linear.gather [hbm4b:s12+s0], $0x2900, $0x38;
	[tilespmem:$0x1D800] =	vst v63  }
0x2a: {  	_ =	swait.ge [sflag:s20], $0x2900  }
0x2b: {  	[sflag:s20] =	ssyncset.done $0x0  }
0x2c: {  	s1 =	simm.s32 $0x2C00;
	[sflag:s20] =	ssyncadd.s32 $0xFFFFD700  }
0x2d: {  	[tilespmem:s1], [sflag:$0x2] =	stream.linear.gather [hbm4b:s13+s0], $0x2900, $0x38;
	[tilespmem:$0x1D800] =	vst v63  }
0x2e: {  	_ =	swait.ge [sflag:s20], $0x2900  }
0x2f: {  	[sflag:s20] =	ssyncset.done $0x0  }
0x30: {  	[sflag:s20] =	ssyncadd.s32 $0xFFFFD700  }
0x31: {  	s3 =	simm.s32 $0x0;
	[bflag:$0x0] =	sbarrier.arrive $0xFFFF  }
0x32: {  	[tilespmem:s23], [sflag:$0x1] =	stream.indirect.gather [hbm4b:s4+s22], $0x80, s3, s22, $0xb8;
	[tilespmem:$0x1D800] =	vst v63  }
0x33: {  	_ =	swait.ge [sflag:s24], $0x4000  }
0x34: {  	[sflag:s24] =	ssyncset.done $0x0  }
0x35: {  	s21 =	simm.s32 $0x2C00;
	[sflag:s24] =	ssyncadd.s32 $0xFFFFC000  }
0x36: {  	[spmem:s2] =	stream.indirect.scatter.add.f32 [tilespmem:s23], [sflag:$0x2], $0x80, s21, s22, $0xb8;
	[tilespmem:$0x1D800] =	vst v63  }
0x37: {  	_ =	swait.ge [sflag:s20], $0x4000  }
0x38: {  	s0 =	simm.s32 $0x200;
	s1 =	simm.s32 $0x400;
	[sflag:s20] =	ssyncset.done $0x0  }
.LBB2_2:
0x39: {  	s21 =	sshra.s32 s0, $0x2  }
0x3a: {  	[sflag:s20] =	ssyncadd.s32 $0xFFFFC000;
	s0 =	smov.u32 s1;
	s3 =	sadd.s32 $0x200, s1  }
0x3b: {  	[tilespmem:s23], [sflag:$0x1] =	stream.indirect.gather [hbm4b:s4+s22], $0x80, s21, s22, $0xb8;
	[tilespmem:$0x1D800] =	vst v63  }
0x3c: {  	p0 =	sne.s32 s1, $0xA200;
	_ =	swait.ge [sflag:s24], $0x4000  }
.Ltmp0:
0x3d: {  	[sflag:s24] =	ssyncset.done $0x0;
	(pc) =	sbr.rel @p0 .LBB2_2-.Ltmp0, $4  }
0x3e: {  	s1 =	sadd.s32 $0x2C00, s21;
	[sflag:s24] =	ssyncadd.s32 $0xFFFFC000  }
0x3f: {  	[spmem:s2] =	stream.indirect.scatter.add.f32 [tilespmem:s23], [sflag:$0x2], $0x80, s1, s22, $0xb8;
	[tilespmem:$0x1D800] =	vst v63  }
0x40: {  	_ =	swait.ge [sflag:s20], $0x4000  }
0x41: {  	s1 =	smov.u32 s3;
	[sflag:s20] =	ssyncset.done $0x0  }
0x42: {  	s0 =	sshra.s32 s0, $0x2;
	[sflag:s20] =	ssyncadd.s32 $0xFFFFC000  }
0x43: {  	[tilespmem:s23], [sflag:$0x1] =	stream.indirect.gather [hbm4b:s4+s22], $0x80, s0, s22, $0xb8;
	[tilespmem:$0x1D800] =	vst v63  }
0x44: {  	_ =	swait.ge [sflag:s24], $0x4000  }
0x45: {  	[sflag:s24] =	ssyncset.done $0x0  }
0x46: {  	s0 =	sadd.s32 $0x2C00, s0;
	[sflag:s24] =	ssyncadd.s32 $0xFFFFC000  }
0x47: {  	[spmem:s2] =	stream.indirect.scatter.add.f32 [tilespmem:s23], [sflag:$0x2], $0x80, s0, s22, $0xb8;
	[tilespmem:$0x1D800] =	vst v63  }
0x48: {  	_ =	swait.ge [sflag:s20], $0x4000  }
0x49: {  	[sflag:s20] =	ssyncset.done $0x0  }
0x4a: {  	[sflag:s20] =	ssyncadd.s32 $0xFFFFC000  }
0x4b: {  	[bflag:$0x0] =	sbarrier.arrive $0xFFFF  }
0x4c: {  	[hbm:s14], [sflag:s7] =	dma.local [spmem:s26], $0x800  }
0x4d: {  	_ =	swait.ge [sflag:s20], $0x800  }
0x4e: {  	[sflag:s20] =	ssyncset.done $0x0  }
0x4f: {  	[sflag:s20] =	ssyncadd.s32 $0xFFFFF800  }
0x50: {  	[hbm:s15], [sflag:s7] =	dma.local [spmem:s28], $0x800  }
0x51: {  	_ =	swait.ge [sflag:s20], $0x800  }
0x52: {  	[sflag:s20] =	ssyncset.done $0x0  }
0x53: {  	[sflag:s20] =	ssyncadd.s32 $0xFFFFF800  }
0x54: {  	[hbm:s16], [sflag:s7] =	dma.local [spmem:s29], $0x800  }
0x55: {  	_ =	swait.ge [sflag:s20], $0x800  }
0x56: {  	[sflag:s20] =	ssyncset.done $0x0  }
0x57: {  	[sflag:s20] =	ssyncadd.s32 $0xFFFFF800  }
0x58: {  	[hbm:s17], [sflag:s7] =	dma.local [spmem:s30], $0x800  }
0x59: {  	s25 =	sadd.s32 $0x1, s25;
	_ =	swait.ge [sflag:s20], $0x800  }
0x5a: {  	p0 =	sne.s32 s25, s19;
	[sflag:s20] =	ssyncset.done $0x0  }
.Ltmp1:
0x5b: {  	[sflag:s20] =	ssyncadd.s32 $0xFFFFF800;
	(pc) =	sbr.rel @p0 .LBB2_1-.Ltmp1, $4  }
0x5c: {  	[hbm:s18], [sflag:s7] =	dma.local [spmem:s31], $0x800  }
0x5d: {  	_ =	swait.ge [sflag:s20], $0x800  }
0x5e: {  	[sflag:s20] =	ssyncset.done $0x0  }
0x5f: {  	[sflag:s20] =	ssyncadd.s32 $0xFFFFF800  }
0x60: {  	_ =	sfence.sel $0x180000  }
0x61: {  	[bflag:$0x0] =	sbarrier.arrive $0xFFFF  }
0x62: {  	_ =	strace $0x9000004A  }
0x63: {  	s0 =	stileid.u32;
	[bflag:$0x2] =	sbarrier.arrive $0xFFFF  }
0x64: {  	p0 =	sne.s32 s0, $0x0;
	s0 =	rddreg [dreg:$0x2]  }
0x65: {  	s0 =	sadd.s32 @!p0 $0x100000, s0  }
0x66: {  	[sflag:s0] =	ssyncadd.tile.s32 @!p0 $0x1;
	_ =	shalt  }
.Lfunc_end2:
_tile_overlayer_lowered:
.L_overlay_start_2:
0x67: {  	(tag) =	ssettag $0x2  }
0x68: {  	s0 =	rddreg [dreg:$0x0];
	s2 =	stileid.u32  }
0x69: {  	s1 =	rddreg [dreg:$0x1];
	p0 =	sne.s32 s2, $0x0  }
0x6a: {  	s3 =	rddreg [dreg:$0x2];
	[bflag:$0x3] =	sbarrier.arrive $0xFFFF;
	s2 =	simm.s32 @!p0 $0x1C02  }
0x6b: {  	[timem:s3], [sflag:s2] =	dma.local @!p0 [hbm:s0], s1  }
0x6c: {  	s0 =	simm.s32 @!p0 $0x2  }
0x6d: {  	_ =	swait.ge @!p0 [sflag:s0], s1  }
0x6e: {  	s1 =	ssub.s32 @!p0 $0x0, s1;
	[sflag:s0] =	ssyncset.done @!p0 $0x0  }
0x6f: {  	[sflag:s0] =	ssyncadd.s32 @!p0 s1  }
0x70: {  	[bflag:$0x3] =	sbarrier.arrive $0xFFFF  }
0x71: {  	_ =	shalt  }

</sc_bundles>
